<compile_context>
chip_gen: v7x
topology: tpu7x:2x2x1
jax: 0.10.2.dev20260603
libtpu: 0.0.44.dev20260713+nightly
codegen_flags: <defaults>
</compile_context>

<pallas_src>
import functools

import jax
import jax.numpy as jnp
from jax import lax
from jax.experimental import pallas as pl
from jax.experimental.pallas import tpu as pltpu
from jax.experimental.pallas import tpu_sc as plsc

_N = 10000
_E = 320000
_G = 64
_NSC = 2
_NSUB = 16
_NW = _NSC * _NSUB
_EPW = _E // _NW
_WIN = 80
_NWIN = _EPW // _WIN
_RPS = 632
_RPS_LAST = _N - 15 * _RPS
_BN = 400
_NB = _N // _BN
_F32 = jnp.float32


def _mesh():
    return plsc.VectorSubcoreMesh(core_axis_name="c", subcore_axis_name="s")


@functools.lru_cache(maxsize=None)
def _agg_kernel(nchunks):
    out_type = tuple(
        jax.ShapeDtypeStruct((2 * _N, 128), _F32) for _ in range(nchunks))
    scratch = (
        pltpu.VMEM_SHARED((_N, 128), _F32),
        pltpu.VMEM((_EPW,), jnp.int32),
        pltpu.VMEM((_NWIN, _WIN), jnp.int32),
        pltpu.VMEM((_WIN, 128), _F32),
        pltpu.VMEM((_WIN, 128), _F32),
        pltpu.SemaphoreType.DMA,
        pltpu.SemaphoreType.DMA,
        pltpu.SemaphoreType.DMA,
        pltpu.SemaphoreType.DMA,
    )

    def body(*refs):
        y_refs = refs[:nchunks]
        src_hbm, dst_hbm, zeros_hbm = refs[nchunks:nchunks + 3]
        p_refs = refs[nchunks + 3:2 * nchunks + 3]
        acc, sidx, didx, rows0, rows1, sg0, sg1, ss0, ss1 = \
            refs[2 * nchunks + 3:]
        cid = lax.axis_index("c")
        sid = lax.axis_index("s")
        w = cid * _NSUB + sid

        def on_own_rows(fn):
            @pl.when(sid < _NSUB - 1)
            def _():
                fn(pl.multiple_of(sid * _RPS, 8), _RPS)

            @pl.when(sid == _NSUB - 1)
            def _():
                fn((_NSUB - 1) * _RPS, _RPS_LAST)

        pltpu.sync_copy(
            src_hbm.at[pl.ds(pl.multiple_of(w * _EPW, 8), _EPW)], sidx)
        pltpu.sync_copy(dst_hbm.at[w], didx)

        def swin(i):
            return sidx.at[pl.ds(pl.multiple_of(i * _WIN, 8), _WIN)]

        for c in range(nchunks):
            y = y_refs[c]

            def process(i, rows, sg, ss, issue_next=True, y=y):
                pltpu.make_async_copy(y.at[swin(i)], rows, sg).wait()
                pltpu.async_copy(rows, acc.at[didx.at[i]], ss, add=True)
                pltpu.make_async_copy(rows, acc.at[didx.at[i]], ss).wait()
                if issue_next:
                    @pl.when(i + 2 < _NWIN)
                    def _():
                        pltpu.async_copy(y.at[swin(i + 2)], rows, sg)

            on_own_rows(lambda r0, nr: pltpu.sync_copy(
                zeros_hbm.at[pl.ds(r0, nr)], acc.at[pl.ds(r0, nr)]))
            plsc.subcore_barrier()
            pltpu.async_copy(y.at[swin(0)], rows0, sg0)
            pltpu.async_copy(y.at[swin(1)], rows1, sg1)

            def win_pair(k, carry):
                process(2 * k, rows0, sg0, ss0)
                process(2 * k + 1, rows1, sg1, ss1)
                return carry

            lax.fori_loop(0, _NWIN // 2, win_pair, 0)
            process(_NWIN - 1, rows0, sg0, ss0, issue_next=False)
            plsc.subcore_barrier()
            p_ref = p_refs[c]
            on_own_rows(lambda r0, nr, p_ref=p_ref: pltpu.sync_copy(
                acc.at[pl.ds(r0, nr)],
                p_ref.at[pl.ds(pl.multiple_of(cid * _N + r0, 8), nr)]))

    return pl.kernel(body, out_type=out_type, mesh=_mesh(),
                     scratch_types=scratch)


@functools.lru_cache(maxsize=None)
def _deg_kernel():
    out_type = jax.ShapeDtypeStruct((2 * _N, 128), _F32)
    scratch = (
        pltpu.VMEM_SHARED((_N, 128), _F32),
        pltpu.VMEM((_NWIN, _WIN), jnp.int32),
        pltpu.VMEM((_WIN, 128), _F32),
        pltpu.SemaphoreType.DMA,
    )

    def body(dst_hbm, zeros_hbm, ones_hbm, out_ref, accd, didx, ones, sem):
        cid = lax.axis_index("c")
        sid = lax.axis_index("s")
        w = cid * _NSUB + sid
        pltpu.sync_copy(dst_hbm.at[w], didx)
        pltpu.sync_copy(ones_hbm, ones)

        def on_own_rows(fn):
            @pl.when(sid < _NSUB - 1)
            def _():
                fn(pl.multiple_of(sid * _RPS, 8), _RPS)

            @pl.when(sid == _NSUB - 1)
            def _():
                fn((_NSUB - 1) * _RPS, _RPS_LAST)

        on_own_rows(lambda r0, nr: pltpu.sync_copy(
            zeros_hbm.at[pl.ds(r0, nr)], accd.at[pl.ds(r0, nr)]))
        plsc.subcore_barrier()

        def scat(i, carry):
            pltpu.async_copy(ones, accd.at[didx.at[i]], sem, add=True)
            pltpu.make_async_copy(ones, accd.at[didx.at[i]], sem).wait()
            return carry

        lax.fori_loop(0, _NWIN, scat, 0)
        plsc.subcore_barrier()
        on_own_rows(lambda r0, nr: pltpu.sync_copy(
            accd.at[pl.ds(r0, nr)],
            out_ref.at[pl.ds(pl.multiple_of(cid * _N + r0, 8), nr)]))

    return pl.kernel(body, out_type=out_type, mesh=_mesh(),
                     scratch_types=scratch)


def _rd(a):
    return a.astype(jnp.bfloat16).astype(_F32)


def _prep_call(x, deg2):

    def body(x_ref, d0, d1, dinv_ref, y_ref):
        deg = 1.0 + d0[:, :1] + d1[:, :1]
        dv = lax.rsqrt(deg)
        dinv_ref[...] = dv
        y_ref[...] = _rd(x_ref[...]) * dv

    return pl.pallas_call(
        body,
        grid=(_NB,),
        in_specs=[
            pl.BlockSpec((_BN, 128), lambda i: (i, 0)),
            pl.BlockSpec((_BN, 128), lambda i: (i, 0)),
            pl.BlockSpec((_BN, 128), lambda i: (i + _NB, 0)),
        ],
        out_specs=[
            pl.BlockSpec((_BN, 1), lambda i: (i, 0)),
            pl.BlockSpec((_BN, 128), lambda i: (i, 0)),
        ],
        out_shape=[
            jax.ShapeDtypeStruct((_N, 1), _F32),
            jax.ShapeDtypeStruct((_N, 128), _F32),
        ],
    )(x, deg2, deg2)


@functools.lru_cache(maxsize=None)
def _layer_call(cin, cout, last):
    di = cin * 128
    do = cout * 128

    def body(*refs):
        dinv_ref = refs[0]
        y_refs = refs[1:1 + cin]
        p_refs = refs[1 + cin:1 + 3 * cin]
        w_ref = refs[1 + 3 * cin]
        b_ref = refs[2 + 3 * cin]
        outs = refs[3 + 3 * cin:]
        dv = dinv_ref[...]
        acc = None
        for c in range(cin):
            z = dv * (p_refs[2 * c][...] + p_refs[2 * c + 1][...]
                      + y_refs[c][...])
            part = jnp.dot(z, w_ref[c * 128:(c + 1) * 128, :],
                           precision=lax.Precision.HIGHEST,
                           preferred_element_type=_F32)
            acc = part if acc is None else acc + part
        h = jnp.maximum(acc + b_ref[...], 0.0)
        hv = h if last else _rd(h) * dv
        for c in range(cout):
            outs[c][...] = hv[:, c * 128:(c + 1) * 128]

    in_specs = [pl.BlockSpec((_BN, 1), lambda i: (i, 0))]
    in_specs += [pl.BlockSpec((_BN, 128), lambda i: (i, 0))
                 for _ in range(cin)]
    for _ in range(cin):
        in_specs.append(pl.BlockSpec((_BN, 128), lambda i: (i, 0)))
        in_specs.append(pl.BlockSpec((_BN, 128), lambda i: (i + _NB, 0)))
    in_specs.append(pl.BlockSpec((di, do), lambda i: (0, 0)))
    in_specs.append(pl.BlockSpec((1, do), lambda i: (0, 0)))
    out_specs = [pl.BlockSpec((_BN, 128), lambda i: (i, 0))
                 for _ in range(cout)]
    out_shape = [jax.ShapeDtypeStruct((_N, 128), _F32)
                 for _ in range(cout)]
    return pl.pallas_call(body, grid=(_NB,), in_specs=in_specs,
                          out_specs=out_specs, out_shape=out_shape)


def _pool_call(h_chunks, batch_row, Wc, bc2):
    nch = len(h_chunks)

    def body(*refs):
        h_refs = refs[:nch]
        b_ref, wc_ref, bc_ref, out_ref, ssum, scnt = refs[nch:]
        i = pl.program_id(0)

        @pl.when(i == 0)
        def _():
            ssum[...] = jnp.zeros((_G, 8 * 128), _F32)
            scnt[...] = jnp.zeros((_G, 1), _F32)

        h_blk = jnp.concatenate([hr[...] for hr in h_refs], axis=1)
        gids = lax.broadcasted_iota(jnp.int32, (_BN, _G), 1)
        mask = (b_ref[...] == gids).astype(_F32)
        dn = (((0,), (0,)), ((), ()))
        ssum[...] += lax.dot_general(mask, h_blk, dn,
                                     precision=lax.Precision.HIGHEST,
                                     preferred_element_type=_F32)
        scnt[...] += lax.dot_general(mask, jnp.ones((_BN, 1), _F32), dn,
                                     precision=lax.Precision.HIGHEST,
                                     preferred_element_type=_F32)

        @pl.when(i == _NB - 1)
        def _():
            m = ssum[...] / jnp.maximum(scnt[...], 1.0)
            wcs = _rd(wc_ref[:1024, :]) + _rd(wc_ref[1024:, :])
            out_ref[...] = jnp.dot(_rd(m), wcs,
                                   precision=lax.Precision.HIGHEST,
                                   preferred_element_type=_F32) + bc_ref[...]

    return pl.pallas_call(
        body,
        grid=(_NB,),
        in_specs=[pl.BlockSpec((_BN, 128), lambda i: (i, 0))
                  for _ in range(nch)]
        + [
            pl.BlockSpec((_BN, 1), lambda i: (i, 0)),
            pl.BlockSpec((2048, 1), lambda i: (0, 0)),
            pl.BlockSpec((1, 1), lambda i: (0, 0)),
        ],
        out_specs=pl.BlockSpec((_G, 1), lambda i: (0, 0)),
        out_shape=jax.ShapeDtypeStruct((_G, 1), _F32),
        scratch_shapes=[pltpu.VMEM((_G, 8 * 128), _F32),
                        pltpu.VMEM((_G, 1), _F32)],
    )(*h_chunks, batch_row, Wc, bc2)


def kernel(x, edge_index, batch, W1, b1, W2, b2, W3, b3, W4, b4, Wc, bc):
    src = edge_index[0].astype(jnp.int32)
    dst = edge_index[1].astype(jnp.int32).reshape(_NW, _NWIN, _WIN)
    zeros128 = jnp.zeros((_N, 128), _F32)
    ones80 = jnp.ones((_WIN, 128), _F32)

    deg2 = _deg_kernel()(dst, zeros128, ones80)
    dinv, y0 = _prep_call(x, deg2)

    ys = [y0]
    h4 = None
    layers = ((W1, b1, 1, 1), (W2, b2, 1, 2), (W3, b3, 2, 4), (W4, b4, 4, 8))
    for li, (W, b, cin, cout) in enumerate(layers):
        ps = _agg_kernel(cin)(*ys, src, dst, zeros128)
        if not isinstance(ps, (tuple, list)):
            ps = (ps,)
        last = li == 3
        args = [dinv] + list(ys)
        for c in range(cin):
            args += [ps[c], ps[c]]
        args += [_rd(W), b.reshape(1, -1)]
        outs = _layer_call(cin, cout, last)(*args)
        if last:
            h4 = list(outs)
        else:
            ys = list(outs)

    return _pool_call(h4,
                      batch.astype(jnp.int32).reshape(_N, 1),
                      Wc,
                      bc.reshape(1, 1))

# --- scband reference (transcript-rebuilt; emitter-appended) ---
"""Pipeline reference for scband-antiviral-gnn-tox-10668698763516 (READ-ONLY COPY).

The authoritative reference and input builder live on the scoring server;
editing this copy changes nothing except your own understanding.
"""

import jax, jax.numpy as jnp
import numpy as np

N = 10000
E = 320000
D = 128
H = 128
G = 64


def setup_inputs(seed: int = 0) -> dict:
    key = jax.random.key(seed)
    ks = jax.random.split(key, 16)
    x = jax.random.normal(ks[0], (N, D), dtype=jnp.float32)
    edge_index = jax.random.randint(ks[1], (2, E), 0, N, dtype=jnp.int64)
    batch = jnp.sort(jax.random.randint(ks[2], (N,), 0, G, dtype=jnp.int64))
    s = 0.05
    W1 = jax.random.normal(ks[3], (D, H), dtype=jnp.float32) * s
    b1 = jnp.zeros((H,), dtype=jnp.float32)
    W2 = jax.random.normal(ks[4], (H, H * 2), dtype=jnp.float32) * s
    b2 = jnp.zeros((H * 2,), dtype=jnp.float32)
    W3 = jax.random.normal(ks[5], (H * 2, H * 4), dtype=jnp.float32) * s
    b3 = jnp.zeros((H * 4,), dtype=jnp.float32)
    W4 = jax.random.normal(ks[6], (H * 4, H * 8), dtype=jnp.float32) * s
    b4 = jnp.zeros((H * 8,), dtype=jnp.float32)
    Wc = jax.random.normal(ks[7], (H * 8 * 2, 1), dtype=jnp.float32) * s
    bc = jnp.zeros((1,), dtype=jnp.float32)
    return {"x": x, "edge_index": edge_index, "batch": batch,
            "W1": W1, "b1": b1, "W2": W2, "b2": b2,
            "W3": W3, "b3": b3, "W4": W4, "b4": b4,
            "Wc": Wc, "bc": bc}


def gcn_conv(x, src, dst, W, b):
    # GCNConv: add self-loops, symmetric normalization D^-1/2 (A+I) D^-1/2 X W + b
    n = x.shape[0]
    self_idx = jnp.arange(n)
    s = jnp.concatenate([src, self_idx])
    d = jnp.concatenate([dst, self_idx])
    deg = jax.ops.segment_sum(jnp.ones_like(d, dtype=x.dtype), d, num_segments=n)
    dinv = jax.lax.rsqrt(deg)  # deg >= 1 due to self-loops
    xw = x @ W
    norm = dinv[s] * dinv[d]
    msg = xw[s] * norm[:, None]
    out = jax.ops.segment_sum(msg, d, num_segments=n)
    return out + b


def reference(x, edge_index, batch, W1, b1, W2, b2, W3, b3, W4, b4, Wc, bc):
    src = edge_index[0]
    dst = edge_index[1]
    h = jax.nn.relu(gcn_conv(x, src, dst, W1, b1))
    h = jax.nn.relu(gcn_conv(h, src, dst, W2, b2))
    h = jax.nn.relu(gcn_conv(h, src, dst, W3, b3))
    h = jax.nn.relu(gcn_conv(h, src, dst, W4, b4))
    # global_mean_pool per graph (original code uses mean pool for both branches)
    sums = jax.ops.segment_sum(h, batch, num_segments=G)
    counts = jax.ops.segment_sum(jnp.ones((h.shape[0],), dtype=h.dtype), batch, num_segments=G)
    mean_pool = sums / jnp.maximum(counts, 1.0)[:, None]
    max_pool = mean_pool  # faithful: original calls global_mean_pool twice
    pooled = jnp.concatenate([mean_pool, max_pool], axis=1)
    return pooled @ Wc + bc

if __name__ == "__main__":
    import jax
    _d = setup_inputs()
    print(jax.jit(kernel)(*tuple(_d.values())))

</pallas_src>

<mosaic_0001>
#map = affine_map<(d0, d1) -> (0, 0, 0)>
#map1 = affine_map<(d0, d1) -> (0, 0)>
module attributes {stable_mosaic.version = 14 : i64} {
  func.func @body(%arg0: i32, %arg1: i32, %arg2: memref<32x125x80xi32, #tpu.memory_space<hbm>>, %arg3: memref<10000x128xf32, #tpu.memory_space<hbm>>, %arg4: memref<80x128xf32, #tpu.memory_space<hbm>>, %arg5: memref<20000x128xf32, #tpu.memory_space<hbm>>, %arg6: memref<10000x128xf32, #tpu.memory_space<vmem_shared>>, %arg7: memref<125x80xi32, #tpu.memory_space<vmem>>, %arg8: memref<80x128xf32, #tpu.memory_space<vmem>>, %arg9: memref<!tpu.dma_semaphore, #tpu.memory_space<semaphore_mem>>) attributes {dimension_semantics = [#tpu.dimension_semantics<core_parallel>, #tpu.dimension_semantics<subcore_parallel>], iteration_bounds = array<i64: 2, 16>, scalar_prefetch = 0 : i64, scratch_operands = 4 : i64, tpu.core_type = #tpu.core_type<sc_vector_subcore>, window_params = [{transform_indices = #map}, {transform_indices = #map1}, {transform_indices = #map1}, {transform_indices = #map1}]} {
    %mul3A = arith.constant 16 : i32
    %mul3A_0 = arith.muli %arg0, %mul3A : i32
    %add3A = arith.addi %mul3A_0, %arg1 : i32
    "tpu.region"() ({
      %run_scoped3A = tpu.sem_alloc : memref<!tpu.dma_semaphore, #tpu.memory_space<semaphore_mem>>
      %dma_start3A = arith.constant 0 : i32
      %dma_start3A_23 = arith.constant 0 : i32
      %dma_start3A_24 = tpu.memref_slice %arg2[%add3A, %dma_start3A, %dma_start3A_23] : memref<32x125x80xi32, #tpu.memory_space<hbm>> -> memref<1x125x80xi32, #tpu.memory_space<hbm>>
      %dma_start3A_25 = tpu.memref_squeeze %dma_start3A_24 : memref<1x125x80xi32, #tpu.memory_space<hbm>> -> memref<125x80xi32, #tpu.memory_space<hbm>>
      %dma_start3A_26 = arith.constant 0 : i32
      %dma_start3A_27 = arith.constant 0 : i32
      %dma_start3A_28 = tpu.memref_slice %arg2[%add3A, %dma_start3A_26, %dma_start3A_27] : memref<32x125x80xi32, #tpu.memory_space<hbm>> -> memref<1x125x80xi32, #tpu.memory_space<hbm>>
      %dma_start3A_29 = tpu.memref_squeeze %dma_start3A_28 : memref<1x125x80xi32, #tpu.memory_space<hbm>> -> memref<125x80xi32, #tpu.memory_space<hbm>>
      tpu.enqueue_dma source(%dma_start3A_29 : memref<125x80xi32, #tpu.memory_space<hbm>>) target(%arg7 : memref<125x80xi32, #tpu.memory_space<vmem>>) target_semaphore(%run_scoped3A : memref<!tpu.dma_semaphore, #tpu.memory_space<semaphore_mem>>)
      %dma_wait3A = arith.constant 0 : i32
      %dma_wait3A_30 = arith.constant 0 : i32
      %dma_wait3A_31 = tpu.memref_slice %arg2[%add3A, %dma_wait3A, %dma_wait3A_30] : memref<32x125x80xi32, #tpu.memory_space<hbm>> -> memref<1x125x80xi32, #tpu.memory_space<hbm>>
      %dma_wait3A_32 = tpu.memref_squeeze %dma_wait3A_31 : memref<1x125x80xi32, #tpu.memory_space<hbm>> -> memref<125x80xi32, #tpu.memory_space<hbm>>
      %dma_wait3A_33 = arith.constant 0 : i32
      %dma_wait3A_34 = arith.constant 0 : i32
      %dma_wait3A_35 = tpu.memref_slice %arg2[%add3A, %dma_wait3A_33, %dma_wait3A_34] : memref<32x125x80xi32, #tpu.memory_space<hbm>> -> memref<1x125x80xi32, #tpu.memory_space<hbm>>
      %dma_wait3A_36 = tpu.memref_squeeze %dma_wait3A_35 : memref<1x125x80xi32, #tpu.memory_space<hbm>> -> memref<125x80xi32, #tpu.memory_space<hbm>>
      tpu.wait_dma2 semaphore(%run_scoped3A : memref<!tpu.dma_semaphore, #tpu.memory_space<semaphore_mem>>) src(%dma_wait3A_36 : memref<125x80xi32, #tpu.memory_space<hbm>>) dst(%arg7 : memref<125x80xi32, #tpu.memory_space<vmem>>)
      tpu.yield
    }) : () -> ()
    "tpu.region"() ({
      %run_scoped3A = tpu.sem_alloc : memref<!tpu.dma_semaphore, #tpu.memory_space<semaphore_mem>>
      tpu.enqueue_dma source(%arg4 : memref<80x128xf32, #tpu.memory_space<hbm>>) target(%arg8 : memref<80x128xf32, #tpu.memory_space<vmem>>) target_semaphore(%run_scoped3A : memref<!tpu.dma_semaphore, #tpu.memory_space<semaphore_mem>>)
      tpu.wait_dma2 semaphore(%run_scoped3A : memref<!tpu.dma_semaphore, #tpu.memory_space<semaphore_mem>>) src(%arg4 : memref<80x128xf32, #tpu.memory_space<hbm>>) dst(%arg8 : memref<80x128xf32, #tpu.memory_space<vmem>>)
      tpu.yield
    }) : () -> ()
    %lt3A = arith.constant 15 : i32
    %lt3A_1 = arith.cmpi slt, %arg1, %lt3A : i32
    %convert_element_type3A = arith.extui %lt3A_1 : i1 to i32
    %cond3A = arith.constant 0 : i32
    %cond3A_2 = arith.cmpi ne, %convert_element_type3A, %cond3A : i32
    scf.if %cond3A_2 {
      %mul3A_23 = arith.constant 632 : i32
      %mul3A_24 = arith.muli %arg1, %mul3A_23 : i32
      %multiple_of3A = tpu.assume_multiple %mul3A_24, 8 : i32
      "tpu.region"() ({
        %run_scoped3A = tpu.sem_alloc : memref<!tpu.dma_semaphore, #tpu.memory_space<semaphore_mem>>
        %dma_start3A = arith.constant 0 : i32
        %dma_start3A_25 = tpu.memref_slice %arg6[%multiple_of3A, %dma_start3A] : memref<10000x128xf32, #tpu.memory_space<vmem_shared>> -> memref<632x128xf32, #tpu.memory_space<vmem_shared>>
        %dma_start3A_26 = arith.constant 0 : i32
        %dma_start3A_27 = tpu.memref_slice %arg3[%multiple_of3A, %dma_start3A_26] : memref<10000x128xf32, #tpu.memory_space<hbm>> -> memref<632x128xf32, #tpu.memory_space<hbm>>
        tpu.enqueue_dma source(%dma_start3A_27 : memref<632x128xf32, #tpu.memory_space<hbm>>) target(%dma_start3A_25 : memref<632x128xf32, #tpu.memory_space<vmem_shared>>) target_semaphore(%run_scoped3A : memref<!tpu.dma_semaphore, #tpu.memory_space<semaphore_mem>>)
        %dma_wait3A = arith.constant 0 : i32
        %dma_wait3A_28 = tpu.memref_slice %arg6[%multiple_of3A, %dma_wait3A] : memref<10000x128xf32, #tpu.memory_space<vmem_shared>> -> memref<632x128xf32, #tpu.memory_space<vmem_shared>>
        %dma_wait3A_29 = arith.constant 0 : i32
        %dma_wait3A_30 = tpu.memref_slice %arg3[%multiple_of3A, %dma_wait3A_29] : memref<10000x128xf32, #tpu.memory_space<hbm>> -> memref<632x128xf32, #tpu.memory_space<hbm>>
        tpu.wait_dma2 semaphore(%run_scoped3A : memref<!tpu.dma_semaphore, #tpu.memory_space<semaphore_mem>>) src(%dma_wait3A_30 : memref<632x128xf32, #tpu.memory_space<hbm>>) dst(%dma_wait3A_28 : memref<632x128xf32, #tpu.memory_space<vmem_shared>>)
        tpu.yield
      }) : () -> ()
    } else {
    }
    %eq3A = arith.constant 15 : i32
    %eq3A_3 = arith.cmpi eq, %arg1, %eq3A : i32
    %convert_element_type3A_4 = arith.extui %eq3A_3 : i1 to i32
    %cond3A_5 = arith.constant 0 : i32
    %cond3A_6 = arith.cmpi ne, %convert_element_type3A_4, %cond3A_5 : i32
    scf.if %cond3A_6 {
      "tpu.region"() ({
        %run_scoped3A = tpu.sem_alloc : memref<!tpu.dma_semaphore, #tpu.memory_space<semaphore_mem>>
        %dma_start3A = arith.constant 9480 : i32
        %dma_start3A_23 = arith.constant 0 : i32
        %dma_start3A_24 = tpu.memref_slice %arg6[%dma_start3A, %dma_start3A_23] : memref<10000x128xf32, #tpu.memory_space<vmem_shared>> -> memref<520x128xf32, #tpu.memory_space<vmem_shared>>
        %dma_start3A_25 = arith.constant 9480 : i32
        %dma_start3A_26 = arith.constant 0 : i32
        %dma_start3A_27 = tpu.memref_slice %arg3[%dma_start3A_25, %dma_start3A_26] : memref<10000x128xf32, #tpu.memory_space<hbm>> -> memref<520x128xf32, #tpu.memory_space<hbm>>
        tpu.enqueue_dma source(%dma_start3A_27 : memref<520x128xf32, #tpu.memory_space<hbm>>) target(%dma_start3A_24 : memref<520x128xf32, #tpu.memory_space<vmem_shared>>) target_semaphore(%run_scoped3A : memref<!tpu.dma_semaphore, #tpu.memory_space<semaphore_mem>>)
        %dma_wait3A = arith.constant 9480 : i32
        %dma_wait3A_28 = arith.constant 0 : i32
        %dma_wait3A_29 = tpu.memref_slice %arg6[%dma_wait3A, %dma_wait3A_28] : memref<10000x128xf32, #tpu.memory_space<vmem_shared>> -> memref<520x128xf32, #tpu.memory_space<vmem_shared>>
        %dma_wait3A_30 = arith.constant 9480 : i32
        %dma_wait3A_31 = arith.constant 0 : i32
        %dma_wait3A_32 = tpu.memref_slice %arg3[%dma_wait3A_30, %dma_wait3A_31] : memref<10000x128xf32, #tpu.memory_space<hbm>> -> memref<520x128xf32, #tpu.memory_space<hbm>>
        tpu.wait_dma2 semaphore(%run_scoped3A : memref<!tpu.dma_semaphore, #tpu.memory_space<semaphore_mem>>) src(%dma_wait3A_32 : memref<520x128xf32, #tpu.memory_space<hbm>>) dst(%dma_wait3A_29 : memref<520x128xf32, #tpu.memory_space<vmem_shared>>)
        tpu.yield
      }) : () -> ()
    } else {
    }
    %barrier3A = arith.constant 0 : index
    tpu.barrier barrier_id(%barrier3A)
    %scan3A = arith.constant 0 : i32
    %scan3A_7 = arith.constant 0 : i32
    %scan3A_8 = arith.constant 125 : i32
    %scan3A_9 = arith.addi %scan3A_7, %scan3A_8 : i32
    %scan3A_10 = arith.constant 1 : i32
    scf.for %scan3A_23 = %scan3A_7 to %scan3A_9 step %scan3A_10  : i32 {
      %dma_start3A = arith.constant 0 : i32
      %dma_start3A_24 = tpu.memref_slice %arg7[%scan3A_23, %dma_start3A] : memref<125x80xi32, #tpu.memory_space<vmem>> -> memref<1x80xi32, #tpu.memory_space<vmem>>
      %dma_start3A_25 = tpu.memref_squeeze %dma_start3A_24 : memref<1x80xi32, #tpu.memory_space<vmem>> -> memref<80xi32, #tpu.memory_space<vmem>>
      %dma_start3A_26 = arith.constant 0 : i32
      %dma_start3A_27 = arith.constant 0 : i32
      %dma_start3A_28 = tpu.memref_slice %arg6[%dma_start3A_26, %dma_start3A_27] : memref<10000x128xf32, #tpu.memory_space<vmem_shared>> -> memref<10000x128xf32, #tpu.memory_space<vmem_shared>>
      tpu.enqueue_indirect_dma source(%arg8 : memref<80x128xf32, #tpu.memory_space<vmem>>) target(%dma_start3A_28 : memref<10000x128xf32, #tpu.memory_space<vmem_shared>>) offsets(%dma_start3A_25 : memref<80xi32, #tpu.memory_space<vmem>>) semaphore(%arg9 : memref<!tpu.dma_semaphore, #tpu.memory_space<semaphore_mem>>) {add = true}
      %dma_wait3A = arith.constant 0 : i32
      %dma_wait3A_29 = tpu.memref_slice %arg7[%scan3A_23, %dma_wait3A] : memref<125x80xi32, #tpu.memory_space<vmem>> -> memref<1x80xi32, #tpu.memory_space<vmem>>
      %dma_wait3A_30 = tpu.memref_squeeze %dma_wait3A_29 : memref<1x80xi32, #tpu.memory_space<vmem>> -> memref<80xi32, #tpu.memory_space<vmem>>
      %dma_wait3A_31 = arith.constant 0 : i32
      %dma_wait3A_32 = arith.constant 0 : i32
      %dma_wait3A_33 = tpu.memref_slice %arg6[%dma_wait3A_31, %dma_wait3A_32] : memref<10000x128xf32, #tpu.memory_space<vmem_shared>> -> memref<10000x128xf32, #tpu.memory_space<vmem_shared>>
      tpu.wait_indirect_dma semaphore(%arg9 : memref<!tpu.dma_semaphore, #tpu.memory_space<semaphore_mem>>) src(%arg8 : memref<80x128xf32, #tpu.memory_space<vmem>>) dst(%dma_wait3A_33 : memref<10000x128xf32, #tpu.memory_space<vmem_shared>>)
    }
    %scan3A_11 = arith.constant 125 : i32
    %barrier3A_12 = arith.constant 0 : index
    tpu.barrier barrier_id(%barrier3A_12)
    %lt3A_13 = arith.constant 15 : i32
    %lt3A_14 = arith.cmpi slt, %arg1, %lt3A_13 : i32
    %convert_element_type3A_15 = arith.extui %lt3A_14 : i1 to i32
    %cond3A_16 = arith.constant 0 : i32
    %cond3A_17 = arith.cmpi ne, %convert_element_type3A_15, %cond3A_16 : i32
    scf.if %cond3A_17 {
      %mul3A_23 = arith.constant 632 : i32
      %mul3A_24 = arith.muli %arg1, %mul3A_23 : i32
      %multiple_of3A = tpu.assume_multiple %mul3A_24, 8 : i32
      %mul3A_25 = arith.constant 10000 : i32
      %mul3A_26 = arith.muli %arg0, %mul3A_25 : i32
      %add3A_27 = arith.addi %mul3A_26, %multiple_of3A : i32
      %multiple_of3A_28 = tpu.assume_multiple %add3A_27, 8 : i32
      "tpu.region"() ({
        %run_scoped3A = tpu.sem_alloc : memref<!tpu.dma_semaphore, #tpu.memory_space<semaphore_mem>>
        %dma_start3A = arith.constant 0 : i32
        %dma_start3A_29 = tpu.memref_slice %arg5[%multiple_of3A_28, %dma_start3A] : memref<20000x128xf32, #tpu.memory_space<hbm>> -> memref<632x128xf32, #tpu.memory_space<hbm>>
        %dma_start3A_30 = arith.constant 0 : i32
        %dma_start3A_31 = tpu.memref_slice %arg6[%multiple_of3A, %dma_start3A_30] : memref<10000x128xf32, #tpu.memory_space<vmem_shared>> -> memref<632x128xf32, #tpu.memory_space<vmem_shared>>
        tpu.enqueue_dma source(%dma_start3A_31 : memref<632x128xf32, #tpu.memory_space<vmem_shared>>) target(%dma_start3A_29 : memref<632x128xf32, #tpu.memory_space<hbm>>) target_semaphore(%run_scoped3A : memref<!tpu.dma_semaphore, #tpu.memory_space<semaphore_mem>>)
        %dma_wait3A = arith.constant 0 : i32
        %dma_wait3A_32 = tpu.memref_slice %arg5[%multiple_of3A_28, %dma_wait3A] : memref<20000x128xf32, #tpu.memory_space<hbm>> -> memref<632x128xf32, #tpu.memory_space<hbm>>
        %dma_wait3A_33 = arith.constant 0 : i32
        %dma_wait3A_34 = tpu.memref_slice %arg6[%multiple_of3A, %dma_wait3A_33] : memref<10000x128xf32, #tpu.memory_space<vmem_shared>> -> memref<632x128xf32, #tpu.memory_space<vmem_shared>>
        tpu.wait_dma2 semaphore(%run_scoped3A : memref<!tpu.dma_semaphore, #tpu.memory_space<semaphore_mem>>) src(%dma_wait3A_34 : memref<632x128xf32, #tpu.memory_space<vmem_shared>>) dst(%dma_wait3A_32 : memref<632x128xf32, #tpu.memory_space<hbm>>)
        tpu.yield
      }) : () -> ()
    } else {
    }
    %eq3A_18 = arith.constant 15 : i32
    %eq3A_19 = arith.cmpi eq, %arg1, %eq3A_18 : i32
    %convert_element_type3A_20 = arith.extui %eq3A_19 : i1 to i32
    %cond3A_21 = arith.constant 0 : i32
    %cond3A_22 = arith.cmpi ne, %convert_element_type3A_20, %cond3A_21 : i32
    scf.if %cond3A_22 {
      %mul3A_23 = arith.constant 10000 : i32
      %mul3A_24 = arith.muli %arg0, %mul3A_23 : i32
      %add3A_25 = arith.constant 9480 : i32
      %add3A_26 = arith.addi %mul3A_24, %add3A_25 : i32
      %multiple_of3A = tpu.assume_multiple %add3A_26, 8 : i32
      "tpu.region"() ({
        %run_scoped3A = tpu.sem_alloc : memref<!tpu.dma_semaphore, #tpu.memory_space<semaphore_mem>>
        %dma_start3A = arith.constant 0 : i32
        %dma_start3A_27 = tpu.memref_slice %arg5[%multiple_of3A, %dma_start3A] : memref<20000x128xf32, #tpu.memory_space<hbm>> -> memref<520x128xf32, #tpu.memory_space<hbm>>
        %dma_start3A_28 = arith.constant 9480 : i32
        %dma_start3A_29 = arith.constant 0 : i32
        %dma_start3A_30 = tpu.memref_slice %arg6[%dma_start3A_28, %dma_start3A_29] : memref<10000x128xf32, #tpu.memory_space<vmem_shared>> -> memref<520x128xf32, #tpu.memory_space<vmem_shared>>
        tpu.enqueue_dma source(%dma_start3A_30 : memref<520x128xf32, #tpu.memory_space<vmem_shared>>) target(%dma_start3A_27 : memref<520x128xf32, #tpu.memory_space<hbm>>) target_semaphore(%run_scoped3A : memref<!tpu.dma_semaphore, #tpu.memory_space<semaphore_mem>>)
        %dma_wait3A = arith.constant 0 : i32
        %dma_wait3A_31 = tpu.memref_slice %arg5[%multiple_of3A, %dma_wait3A] : memref<20000x128xf32, #tpu.memory_space<hbm>> -> memref<520x128xf32, #tpu.memory_space<hbm>>
        %dma_wait3A_32 = arith.constant 9480 : i32
        %dma_wait3A_33 = arith.constant 0 : i32
        %dma_wait3A_34 = tpu.memref_slice %arg6[%dma_wait3A_32, %dma_wait3A_33] : memref<10000x128xf32, #tpu.memory_space<vmem_shared>> -> memref<520x128xf32, #tpu.memory_space<vmem_shared>>
        tpu.wait_dma2 semaphore(%run_scoped3A : memref<!tpu.dma_semaphore, #tpu.memory_space<semaphore_mem>>) src(%dma_wait3A_34 : memref<520x128xf32, #tpu.memory_space<vmem_shared>>) dst(%dma_wait3A_31 : memref<520x128xf32, #tpu.memory_space<hbm>>)
        tpu.yield
      }) : () -> ()
    } else {
    }
    return
  }
}

#map = affine_map<(d0, d1) -> (0, 0)>
#map1 = affine_map<(d0, d1) -> (0)>
#map2 = affine_map<(d0, d1) -> (0, 0, 0)>
module attributes {stable_mosaic.version = 14 : i64} {
  func.func @body(%arg0: i32, %arg1: i32, %arg2: memref<10000x128xf32, #tpu.memory_space<hbm>>, %arg3: memref<320000xi32, #tpu.memory_space<hbm>>, %arg4: memref<32x125x80xi32, #tpu.memory_space<hbm>>, %arg5: memref<10000x128xf32, #tpu.memory_space<hbm>>, %arg6: memref<20000x128xf32, #tpu.memory_space<hbm>>, %arg7: memref<10000x128xf32, #tpu.memory_space<vmem_shared>>, %arg8: memref<10000xi32, #tpu.memory_space<vmem>>, %arg9: memref<125x80xi32, #tpu.memory_space<vmem>>, %arg10: memref<80x128xf32, #tpu.memory_space<vmem>>, %arg11: memref<80x128xf32, #tpu.memory_space<vmem>>, %arg12: memref<!tpu.dma_semaphore, #tpu.memory_space<semaphore_mem>>, %arg13: memref<!tpu.dma_semaphore, #tpu.memory_space<semaphore_mem>>, %arg14: memref<!tpu.dma_semaphore, #tpu.memory_space<semaphore_mem>>, %arg15: memref<!tpu.dma_semaphore, #tpu.memory_space<semaphore_mem>>) attributes {dimension_semantics = [#tpu.dimension_semantics<core_parallel>, #tpu.dimension_semantics<subcore_parallel>], iteration_bounds = array<i64: 2, 16>, scalar_prefetch = 0 : i64, scratch_operands = 9 : i64, tpu.core_type = #tpu.core_type<sc_vector_subcore>, window_params = [{transform_indices = #map}, {transform_indices = #map1}, {transform_indices = #map2}, {transform_indices = #map}, {transform_indices = #map}]} {
    %mul3A = arith.constant 16 : i32
    %mul3A_0 = arith.muli %arg0, %mul3A : i32
    %add3A = arith.addi %mul3A_0, %arg1 : i32
    %mul3A_1 = arith.constant 10000 : i32
    %mul3A_2 = arith.muli %add3A, %mul3A_1 : i32
    %multiple_of3A = tpu.assume_multiple %mul3A_2, 8 : i32
    "tpu.region"() ({
      %run_scoped3A = tpu.sem_alloc : memref<!tpu.dma_semaphore, #tpu.memory_space<semaphore_mem>>
      %dma_start3A_55 = tpu.memref_slice %arg3[%multiple_of3A] : memref<320000xi32, #tpu.memory_space<hbm>> -> memref<10000xi32, #tpu.memory_space<hbm>>
      %dma_start3A_56 = tpu.memref_slice %arg3[%multiple_of3A] : memref<320000xi32, #tpu.memory_space<hbm>> -> memref<10000xi32, #tpu.memory_space<hbm>>
      tpu.enqueue_dma source(%dma_start3A_56 : memref<10000xi32, #tpu.memory_space<hbm>>) target(%arg8 : memref<10000xi32, #tpu.memory_space<vmem>>) target_semaphore(%run_scoped3A : memref<!tpu.dma_semaphore, #tpu.memory_space<semaphore_mem>>)
      %dma_wait3A_57 = tpu.memref_slice %arg3[%multiple_of3A] : memref<320000xi32, #tpu.memory_space<hbm>> -> memref<10000xi32, #tpu.memory_space<hbm>>
      %dma_wait3A_58 = tpu.memref_slice %arg3[%multiple_of3A] : memref<320000xi32, #tpu.memory_space<hbm>> -> memref<10000xi32, #tpu.memory_space<hbm>>
      tpu.wait_dma2 semaphore(%run_scoped3A : memref<!tpu.dma_semaphore, #tpu.memory_space<semaphore_mem>>) src(%dma_wait3A_58 : memref<10000xi32, #tpu.memory_space<hbm>>) dst(%arg8 : memref<10000xi32, #tpu.memory_space<vmem>>)
      tpu.yield
    }) : () -> ()
    "tpu.region"() ({
      %run_scoped3A = tpu.sem_alloc : memref<!tpu.dma_semaphore, #tpu.memory_space<semaphore_mem>>
      %dma_start3A_55 = arith.constant 0 : i32
      %dma_start3A_56 = arith.constant 0 : i32
      %dma_start3A_57 = tpu.memref_slice %arg4[%add3A, %dma_start3A_55, %dma_start3A_56] : memref<32x125x80xi32, #tpu.memory_space<hbm>> -> memref<1x125x80xi32, #tpu.memory_space<hbm>>
      %dma_start3A_58 = tpu.memref_squeeze %dma_start3A_57 : memref<1x125x80xi32, #tpu.memory_space<hbm>> -> memref<125x80xi32, #tpu.memory_space<hbm>>
      %dma_start3A_59 = arith.constant 0 : i32
      %dma_start3A_60 = arith.constant 0 : i32
      %dma_start3A_61 = tpu.memref_slice %arg4[%add3A, %dma_start3A_59, %dma_start3A_60] : memref<32x125x80xi32, #tpu.memory_space<hbm>> -> memref<1x125x80xi32, #tpu.memory_space<hbm>>
      %dma_start3A_62 = tpu.memref_squeeze %dma_start3A_61 : memref<1x125x80xi32, #tpu.memory_space<hbm>> -> memref<125x80xi32, #tpu.memory_space<hbm>>
      tpu.enqueue_dma source(%dma_start3A_62 : memref<125x80xi32, #tpu.memory_space<hbm>>) target(%arg9 : memref<125x80xi32, #tpu.memory_space<vmem>>) target_semaphore(%run_scoped3A : memref<!tpu.dma_semaphore, #tpu.memory_space<semaphore_mem>>)
      %dma_wait3A_63 = arith.constant 0 : i32
      %dma_wait3A_64 = arith.constant 0 : i32
      %dma_wait3A_65 = tpu.memref_slice %arg4[%add3A, %dma_wait3A_63, %dma_wait3A_64] : memref<32x125x80xi32, #tpu.memory_space<hbm>> -> memref<1x125x80xi32, #tpu.memory_space<hbm>>
      %dma_wait3A_66 = tpu.memref_squeeze %dma_wait3A_65 : memref<1x125x80xi32, #tpu.memory_space<hbm>> -> memref<125x80xi32, #tpu.memory_space<hbm>>
      %dma_wait3A_67 = arith.constant 0 : i32
      %dma_wait3A_68 = arith.constant 0 : i32
      %dma_wait3A_69 = tpu.memref_slice %arg4[%add3A, %dma_wait3A_67, %dma_wait3A_68] : memref<32x125x80xi32, #tpu.memory_space<hbm>> -> memref<1x125x80xi32, #tpu.memory_space<hbm>>
      %dma_wait3A_70 = tpu.memref_squeeze %dma_wait3A_69 : memref<1x125x80xi32, #tpu.memory_space<hbm>> -> memref<125x80xi32, #tpu.memory_space<hbm>>
      tpu.wait_dma2 semaphore(%run_scoped3A : memref<!tpu.dma_semaphore, #tpu.memory_space<semaphore_mem>>) src(%dma_wait3A_70 : memref<125x80xi32, #tpu.memory_space<hbm>>) dst(%arg9 : memref<125x80xi32, #tpu.memory_space<vmem>>)
      tpu.yield
    }) : () -> ()
    %lt3A = arith.constant 15 : i32
    %lt3A_3 = arith.cmpi slt, %arg1, %lt3A : i32
    %convert_element_type3A = arith.extui %lt3A_3 : i1 to i32
    %cond3A = arith.constant 0 : i32
    %cond3A_4 = arith.cmpi ne, %convert_element_type3A, %cond3A : i32
    scf.if %cond3A_4 {
      %mul3A_55 = arith.constant 632 : i32
      %mul3A_56 = arith.muli %arg1, %mul3A_55 : i32
      %multiple_of3A_57 = tpu.assume_multiple %mul3A_56, 8 : i32
      "tpu.region"() ({
        %run_scoped3A = tpu.sem_alloc : memref<!tpu.dma_semaphore, #tpu.memory_space<semaphore_mem>>
        %dma_start3A_58 = arith.constant 0 : i32
        %dma_start3A_59 = tpu.memref_slice %arg7[%multiple_of3A_57, %dma_start3A_58] : memref<10000x128xf32, #tpu.memory_space<vmem_shared>> -> memref<632x128xf32, #tpu.memory_space<vmem_shared>>
        %dma_start3A_60 = arith.constant 0 : i32
        %dma_start3A_61 = tpu.memref_slice %arg5[%multiple_of3A_57, %dma_start3A_60] : memref<10000x128xf32, #tpu.memory_space<hbm>> -> memref<632x128xf32, #tpu.memory_space<hbm>>
        tpu.enqueue_dma source(%dma_start3A_61 : memref<632x128xf32, #tpu.memory_space<hbm>>) target(%dma_start3A_59 : memref<632x128xf32, #tpu.memory_space<vmem_shared>>) target_semaphore(%run_scoped3A : memref<!tpu.dma_semaphore, #tpu.memory_space<semaphore_mem>>)
        %dma_wait3A_62 = arith.constant 0 : i32
        %dma_wait3A_63 = tpu.memref_slice %arg7[%multiple_of3A_57, %dma_wait3A_62] : memref<10000x128xf32, #tpu.memory_space<vmem_shared>> -> memref<632x128xf32, #tpu.memory_space<vmem_shared>>
        %dma_wait3A_64 = arith.constant 0 : i32
        %dma_wait3A_65 = tpu.memref_slice %arg5[%multiple_of3A_57, %dma_wait3A_64] : memref<10000x128xf32, #tpu.memory_space<hbm>> -> memref<632x128xf32, #tpu.memory_space<hbm>>
        tpu.wait_dma2 semaphore(%run_scoped3A : memref<!tpu.dma_semaphore, #tpu.memory_space<semaphore_mem>>) src(%dma_wait3A_65 : memref<632x128xf32, #tpu.memory_space<hbm>>) dst(%dma_wait3A_63 : memref<632x128xf32, #tpu.memory_space<vmem_shared>>)
        tpu.yield
      }) : () -> ()
    } else {
    }
    %eq3A = arith.constant 15 : i32
    %eq3A_5 = arith.cmpi eq, %arg1, %eq3A : i32
    %convert_element_type3A_6 = arith.extui %eq3A_5 : i1 to i32
    %cond3A_7 = arith.constant 0 : i32
    %cond3A_8 = arith.cmpi ne, %convert_element_type3A_6, %cond3A_7 : i32
    scf.if %cond3A_8 {
      "tpu.region"() ({
        %run_scoped3A = tpu.sem_alloc : memref<!tpu.dma_semaphore, #tpu.memory_space<semaphore_mem>>
        %dma_start3A_55 = arith.constant 9480 : i32
        %dma_start3A_56 = arith.constant 0 : i32
        %dma_start3A_57 = tpu.memref_slice %arg7[%dma_start3A_55, %dma_start3A_56] : memref<10000x128xf32, #tpu.memory_space<vmem_shared>> -> memref<520x128xf32, #tpu.memory_space<vmem_shared>>
        %dma_start3A_58 = arith.constant 9480 : i32
        %dma_start3A_59 = arith.constant 0 : i32
        %dma_start3A_60 = tpu.memref_slice %arg5[%dma_start3A_58, %dma_start3A_59] : memref<10000x128xf32, #tpu.memory_space<hbm>> -> memref<520x128xf32, #tpu.memory_space<hbm>>
        tpu.enqueue_dma source(%dma_start3A_60 : memref<520x128xf32, #tpu.memory_space<hbm>>) target(%dma_start3A_57 : memref<520x128xf32, #tpu.memory_space<vmem_shared>>) target_semaphore(%run_scoped3A : memref<!tpu.dma_semaphore, #tpu.memory_space<semaphore_mem>>)
        %dma_wait3A_61 = arith.constant 9480 : i32
        %dma_wait3A_62 = arith.constant 0 : i32
        %dma_wait3A_63 = tpu.memref_slice %arg7[%dma_wait3A_61, %dma_wait3A_62] : memref<10000x128xf32, #tpu.memory_space<vmem_shared>> -> memref<520x128xf32, #tpu.memory_space<vmem_shared>>
        %dma_wait3A_64 = arith.constant 9480 : i32
        %dma_wait3A_65 = arith.constant 0 : i32
        %dma_wait3A_66 = tpu.memref_slice %arg5[%dma_wait3A_64, %dma_wait3A_65] : memref<10000x128xf32, #tpu.memory_space<hbm>> -> memref<520x128xf32, #tpu.memory_space<hbm>>
        tpu.wait_dma2 semaphore(%run_scoped3A : memref<!tpu.dma_semaphore, #tpu.memory_space<semaphore_mem>>) src(%dma_wait3A_66 : memref<520x128xf32, #tpu.memory_space<hbm>>) dst(%dma_wait3A_63 : memref<520x128xf32, #tpu.memory_space<vmem_shared>>)
        tpu.yield
      }) : () -> ()
    } else {
    }
    %barrier3A = arith.constant 0 : index
    tpu.barrier barrier_id(%barrier3A)
    %multiple_of3A_9 = arith.constant 0 : i32
    %multiple_of3A_10 = tpu.assume_multiple %multiple_of3A_9, 8 : i32
    %dma_start3A = tpu.memref_slice %arg8[%multiple_of3A_10] : memref<10000xi32, #tpu.memory_space<vmem>> -> memref<80xi32, #tpu.memory_space<vmem>>
    %dma_start3A_11 = arith.constant 0 : i32
    %dma_start3A_12 = arith.constant 0 : i32
    %dma_start3A_13 = tpu.memref_slice %arg2[%dma_start3A_11, %dma_start3A_12] : memref<10000x128xf32, #tpu.memory_space<hbm>> -> memref<10000x128xf32, #tpu.memory_space<hbm>>
    tpu.enqueue_indirect_dma source(%dma_start3A_13 : memref<10000x128xf32, #tpu.memory_space<hbm>>) target(%arg10 : memref<80x128xf32, #tpu.memory_space<vmem>>) offsets(%dma_start3A : memref<80xi32, #tpu.memory_space<vmem>>) semaphore(%arg12 : memref<!tpu.dma_semaphore, #tpu.memory_space<semaphore_mem>>)
    %multiple_of3A_14 = arith.constant 80 : i32
    %multiple_of3A_15 = tpu.assume_multiple %multiple_of3A_14, 8 : i32
    %dma_start3A_16 = tpu.memref_slice %arg8[%multiple_of3A_15] : memref<10000xi32, #tpu.memory_space<vmem>> -> memref<80xi32, #tpu.memory_space<vmem>>
    %dma_start3A_17 = arith.constant 0 : i32
    %dma_start3A_18 = arith.constant 0 : i32
    %dma_start3A_19 = tpu.memref_slice %arg2[%dma_start3A_17, %dma_start3A_18] : memref<10000x128xf32, #tpu.memory_space<hbm>> -> memref<10000x128xf32, #tpu.memory_space<hbm>>
    tpu.enqueue_indirect_dma source(%dma_start3A_19 : memref<10000x128xf32, #tpu.memory_space<hbm>>) target(%arg11 : memref<80x128xf32, #tpu.memory_space<vmem>>) offsets(%dma_start3A_16 : memref<80xi32, #tpu.memory_space<vmem>>) semaphore(%arg13 : memref<!tpu.dma_semaphore, #tpu.memory_space<semaphore_mem>>)
    %scan3A = arith.constant 0 : i32
    %scan3A_20 = arith.constant 0 : i32
    %scan3A_21 = arith.constant 62 : i32
    %scan3A_22 = arith.addi %scan3A_20, %scan3A_21 : i32
    %scan3A_23 = arith.constant 1 : i32
    scf.for %scan3A_55 = %scan3A_20 to %scan3A_22 step %scan3A_23  : i32 {
      %mul3A_56 = arith.constant 2 : i32
      %mul3A_57 = arith.muli %mul3A_56, %scan3A_55 : i32
      %mul3A_58 = arith.constant 80 : i32
      %mul3A_59 = arith.muli %mul3A_57, %mul3A_58 : i32
      %multiple_of3A_60 = tpu.assume_multiple %mul3A_59, 8 : i32
      %dma_wait3A_61 = tpu.memref_slice %arg8[%multiple_of3A_60] : memref<10000xi32, #tpu.memory_space<vmem>> -> memref<80xi32, #tpu.memory_space<vmem>>
      %dma_wait3A_62 = arith.constant 0 : i32
      %dma_wait3A_63 = arith.constant 0 : i32
      %dma_wait3A_64 = tpu.memref_slice %arg2[%dma_wait3A_62, %dma_wait3A_63] : memref<10000x128xf32, #tpu.memory_space<hbm>> -> memref<10000x128xf32, #tpu.memory_space<hbm>>
      tpu.wait_indirect_dma semaphore(%arg12 : memref<!tpu.dma_semaphore, #tpu.memory_space<semaphore_mem>>) src(%dma_wait3A_64 : memref<10000x128xf32, #tpu.memory_space<hbm>>) dst(%arg10 : memref<80x128xf32, #tpu.memory_space<vmem>>)
      %dma_start3A_65 = arith.constant 0 : i32
      %dma_start3A_66 = tpu.memref_slice %arg9[%mul3A_57, %dma_start3A_65] : memref<125x80xi32, #tpu.memory_space<vmem>> -> memref<1x80xi32, #tpu.memory_space<vmem>>
      %dma_start3A_67 = tpu.memref_squeeze %dma_start3A_66 : memref<1x80xi32, #tpu.memory_space<vmem>> -> memref<80xi32, #tpu.memory_space<vmem>>
      %dma_start3A_68 = arith.constant 0 : i32
      %dma_start3A_69 = arith.constant 0 : i32
      %dma_start3A_70 = tpu.memref_slice %arg7[%dma_start3A_68, %dma_start3A_69] : memref<10000x128xf32, #tpu.memory_space<vmem_shared>> -> memref<10000x128xf32, #tpu.memory_space<vmem_shared>>
      tpu.enqueue_indirect_dma source(%arg10 : memref<80x128xf32, #tpu.memory_space<vmem>>) target(%dma_start3A_70 : memref<10000x128xf32, #tpu.memory_space<vmem_shared>>) offsets(%dma_start3A_67 : memref<80xi32, #tpu.memory_space<vmem>>) semaphore(%arg14 : memref<!tpu.dma_semaphore, #tpu.memory_space<semaphore_mem>>) {add = true}
      %dma_wait3A_71 = arith.constant 0 : i32
      %dma_wait3A_72 = tpu.memref_slice %arg9[%mul3A_57, %dma_wait3A_71] : memref<125x80xi32, #tpu.memory_space<vmem>> -> memref<1x80xi32, #tpu.memory_space<vmem>>
      %dma_wait3A_73 = tpu.memref_squeeze %dma_wait3A_72 : memref<1x80xi32, #tpu.memory_space<vmem>> -> memref<80xi32, #tpu.memory_space<vmem>>
      %dma_wait3A_74 = arith.constant 0 : i32
      %dma_wait3A_75 = arith.constant 0 : i32
      %dma_wait3A_76 = tpu.memref_slice %arg7[%dma_wait3A_74, %dma_wait3A_75] : memref<10000x128xf32, #tpu.memory_space<vmem_shared>> -> memref<10000x128xf32, #tpu.memory_space<vmem_shared>>
      tpu.wait_indirect_dma semaphore(%arg14 : memref<!tpu.dma_semaphore, #tpu.memory_space<semaphore_mem>>) src(%arg10 : memref<80x128xf32, #tpu.memory_space<vmem>>) dst(%dma_wait3A_76 : memref<10000x128xf32, #tpu.memory_space<vmem_shared>>)
      %add3A_77 = arith.constant 2 : i32
      %add3A_78 = arith.addi %mul3A_57, %add3A_77 : i32
      %lt3A_79 = arith.constant 125 : i32
      %lt3A_80 = arith.cmpi slt, %add3A_78, %lt3A_79 : i32
      %convert_element_type3A_81 = arith.extui %lt3A_80 : i1 to i32
      %cond3A_82 = arith.constant 0 : i32
      %cond3A_83 = arith.cmpi ne, %convert_element_type3A_81, %cond3A_82 : i32
      scf.if %cond3A_83 {
        %add3A_114 = arith.constant 2 : i32
        %add3A_115 = arith.addi %mul3A_57, %add3A_114 : i32
        %mul3A_116 = arith.constant 80 : i32
        %mul3A_117 = arith.muli %add3A_115, %mul3A_116 : i32
        %multiple_of3A_118 = tpu.assume_multiple %mul3A_117, 8 : i32
        %dma_start3A_119 = tpu.memref_slice %arg8[%multiple_of3A_118] : memref<10000xi32, #tpu.memory_space<vmem>> -> memref<80xi32, #tpu.memory_space<vmem>>
        %dma_start3A_120 = arith.constant 0 : i32
        %dma_start3A_121 = arith.constant 0 : i32
        %dma_start3A_122 = tpu.memref_slice %arg2[%dma_start3A_120, %dma_start3A_121] : memref<10000x128xf32, #tpu.memory_space<hbm>> -> memref<10000x128xf32, #tpu.memory_space<hbm>>
        tpu.enqueue_indirect_dma source(%dma_start3A_122 : memref<10000x128xf32, #tpu.memory_space<hbm>>) target(%arg10 : memref<80x128xf32, #tpu.memory_space<vmem>>) offsets(%dma_start3A_119 : memref<80xi32, #tpu.memory_space<vmem>>) semaphore(%arg12 : memref<!tpu.dma_semaphore, #tpu.memory_space<semaphore_mem>>)
      } else {
      }
      %mul3A_84 = arith.constant 2 : i32
      %mul3A_85 = arith.muli %mul3A_84, %scan3A_55 : i32
      %add3A_86 = arith.constant 1 : i32
      %add3A_87 = arith.addi %mul3A_85, %add3A_86 : i32
      %mul3A_88 = arith.constant 80 : i32
      %mul3A_89 = arith.muli %add3A_87, %mul3A_88 : i32
      %multiple_of3A_90 = tpu.assume_multiple %mul3A_89, 8 : i32
      %dma_wait3A_91 = tpu.memref_slice %arg8[%multiple_of3A_90] : memref<10000xi32, #tpu.memory_space<vmem>> -> memref<80xi32, #tpu.memory_space<vmem>>
      %dma_wait3A_92 = arith.constant 0 : i32
      %dma_wait3A_93 = arith.constant 0 : i32
      %dma_wait3A_94 = tpu.memref_slice %arg2[%dma_wait3A_92, %dma_wait3A_93] : memref<10000x128xf32, #tpu.memory_space<hbm>> -> memref<10000x128xf32, #tpu.memory_space<hbm>>
      tpu.wait_indirect_dma semaphore(%arg13 : memref<!tpu.dma_semaphore, #tpu.memory_space<semaphore_mem>>) src(%dma_wait3A_94 : memref<10000x128xf32, #tpu.memory_space<hbm>>) dst(%arg11 : memref<80x128xf32, #tpu.memory_space<vmem>>)
      %dma_start3A_95 = arith.constant 0 : i32
      %dma_start3A_96 = tpu.memref_slice %arg9[%add3A_87, %dma_start3A_95] : memref<125x80xi32, #tpu.memory_space<vmem>> -> memref<1x80xi32, #tpu.memory_space<vmem>>
      %dma_start3A_97 = tpu.memref_squeeze %dma_start3A_96 : memref<1x80xi32, #tpu.memory_space<vmem>> -> memref<80xi32, #tpu.memory_space<vmem>>
      %dma_start3A_98 = arith.constant 0 : i32
      %dma_start3A_99 = arith.constant 0 : i32
      %dma_start3A_100 = tpu.memref_slice %arg7[%dma_start3A_98, %dma_start3A_99] : memref<10000x128xf32, #tpu.memory_space<vmem_shared>> -> memref<10000x128xf32, #tpu.memory_space<vmem_shared>>
      tpu.enqueue_indirect_dma source(%arg11 : memref<80x128xf32, #tpu.memory_space<vmem>>) target(%dma_start3A_100 : memref<10000x128xf32, #tpu.memory_space<vmem_shared>>) offsets(%dma_start3A_97 : memref<80xi32, #tpu.memory_space<vmem>>) semaphore(%arg15 : memref<!tpu.dma_semaphore, #tpu.memory_space<semaphore_mem>>) {add = true}
      %dma_wait3A_101 = arith.constant 0 : i32
      %dma_wait3A_102 = tpu.memref_slice %arg9[%add3A_87, %dma_wait3A_101] : memref<125x80xi32, #tpu.memory_space<vmem>> -> memref<1x80xi32, #tpu.memory_space<vmem>>
      %dma_wait3A_103 = tpu.memref_squeeze %dma_wait3A_102 : memref<1x80xi32, #tpu.memory_space<vmem>> -> memref<80xi32, #tpu.memory_space<vmem>>
      %dma_wait3A_104 = arith.constant 0 : i32
      %dma_wait3A_105 = arith.constant 0 : i32
      %dma_wait3A_106 = tpu.memref_slice %arg7[%dma_wait3A_104, %dma_wait3A_105] : memref<10000x128xf32, #tpu.memory_space<vmem_shared>> -> memref<10000x128xf32, #tpu.memory_space<vmem_shared>>
      tpu.wait_indirect_dma semaphore(%arg15 : memref<!tpu.dma_semaphore, #tpu.memory_space<semaphore_mem>>) src(%arg11 : memref<80x128xf32, #tpu.memory_space<vmem>>) dst(%dma_wait3A_106 : memref<10000x128xf32, #tpu.memory_space<vmem_shared>>)
      %add3A_107 = arith.constant 2 : i32
      %add3A_108 = arith.addi %add3A_87, %add3A_107 : i32
      %lt3A_109 = arith.constant 125 : i32
      %lt3A_110 = arith.cmpi slt, %add3A_108, %lt3A_109 : i32
      %convert_element_type3A_111 = arith.extui %lt3A_110 : i1 to i32
      %cond3A_112 = arith.constant 0 : i32
      %cond3A_113 = arith.cmpi ne, %convert_element_type3A_111, %cond3A_112 : i32
      scf.if %cond3A_113 {
        %add3A_114 = arith.constant 2 : i32
        %add3A_115 = arith.addi %add3A_87, %add3A_114 : i32
        %mul3A_116 = arith.constant 80 : i32
        %mul3A_117 = arith.muli %add3A_115, %mul3A_116 : i32
        %multiple_of3A_118 = tpu.assume_multiple %mul3A_117, 8 : i32
        %dma_start3A_119 = tpu.memref_slice %arg8[%multiple_of3A_118] : memref<10000xi32, #tpu.memory_space<vmem>> -> memref<80xi32, #tpu.memory_space<vmem>>
        %dma_start3A_120 = arith.constant 0 : i32
        %dma_start3A_121 = arith.constant 0 : i32
        %dma_start3A_122 = tpu.memref_slice %arg2[%dma_start3A_120, %dma_start3A_121] : memref<10000x128xf32, #tpu.memory_space<hbm>> -> memref<10000x128xf32, #tpu.memory_space<hbm>>
        tpu.enqueue_indirect_dma source(%dma_start3A_122 : memref<10000x128xf32, #tpu.memory_space<hbm>>) target(%arg11 : memref<80x128xf32, #tpu.memory_space<vmem>>) offsets(%dma_start3A_119 : memref<80xi32, #tpu.memory_space<vmem>>) semaphore(%arg13 : memref<!tpu.dma_semaphore, #tpu.memory_space<semaphore_mem>>)
      } else {
      }
    }
    %scan3A_24 = arith.constant 62 : i32
    %multiple_of3A_25 = arith.constant 9920 : i32
    %multiple_of3A_26 = tpu.assume_multiple %multiple_of3A_25, 8 : i32
    %dma_wait3A = tpu.memref_slice %arg8[%multiple_of3A_26] : memref<10000xi32, #tpu.memory_space<vmem>> -> memref<80xi32, #tpu.memory_space<vmem>>
    %dma_wait3A_27 = arith.constant 0 : i32
    %dma_wait3A_28 = arith.constant 0 : i32
    %dma_wait3A_29 = tpu.memref_slice %arg2[%dma_wait3A_27, %dma_wait3A_28] : memref<10000x128xf32, #tpu.memory_space<hbm>> -> memref<10000x128xf32, #tpu.memory_space<hbm>>
    tpu.wait_indirect_dma semaphore(%arg12 : memref<!tpu.dma_semaphore, #tpu.memory_space<semaphore_mem>>) src(%dma_wait3A_29 : memref<10000x128xf32, #tpu.memory_space<hbm>>) dst(%arg10 : memref<80x128xf32, #tpu.memory_space<vmem>>)
    %dma_start3A_30 = arith.constant 124 : i32
    %dma_start3A_31 = arith.constant 0 : i32
    %dma_start3A_32 = tpu.memref_slice %arg9[%dma_start3A_30, %dma_start3A_31] : memref<125x80xi32, #tpu.memory_space<vmem>> -> memref<1x80xi32, #tpu.memory_space<vmem>>
    %dma_start3A_33 = tpu.memref_squeeze %dma_start3A_32 : memref<1x80xi32, #tpu.memory_space<vmem>> -> memref<80xi32, #tpu.memory_space<vmem>>
    %dma_start3A_34 = arith.constant 0 : i32
    %dma_start3A_35 = arith.constant 0 : i32
    %dma_start3A_36 = tpu.memref_slice %arg7[%dma_start3A_34, %dma_start3A_35] : memref<10000x128xf32, #tpu.memory_space<vmem_shared>> -> memref<10000x128xf32, #tpu.memory_space<vmem_shared>>
    tpu.enqueue_indirect_dma source(%arg10 : memref<80x128xf32, #tpu.memory_space<vmem>>) target(%dma_start3A_36 : memref<10000x128xf32, #tpu.memory_space<vmem_shared>>) offsets(%dma_start3A_33 : memref<80xi32, #tpu.memory_space<vmem>>) semaphore(%arg14 : memref<!tpu.dma_semaphore, #tpu.memory_space<semaphore_mem>>) {add = true}
    %dma_wait3A_37 = arith.constant 124 : i32
    %dma_wait3A_38 = arith.constant 0 : i32
    %dma_wait3A_39 = tpu.memref_slice %arg9[%dma_wait3A_37, %dma_wait3A_38] : memref<125x80xi32, #tpu.memory_space<vmem>> -> memref<1x80xi32, #tpu.memory_space<vmem>>
    %dma_wait3A_40 = tpu.memref_squeeze %dma_wait3A_39 : memref<1x80xi32, #tpu.memory_space<vmem>> -> memref<80xi32, #tpu.memory_space<vmem>>
    %dma_wait3A_41 = arith.constant 0 : i32
    %dma_wait3A_42 = arith.constant 0 : i32
    %dma_wait3A_43 = tpu.memref_slice %arg7[%dma_wait3A_41, %dma_wait3A_42] : memref<10000x128xf32, #tpu.memory_space<vmem_shared>> -> memref<10000x128xf32, #tpu.memory_space<vmem_shared>>
    tpu.wait_indirect_dma semaphore(%arg14 : memref<!tpu.dma_semaphore, #tpu.memory_space<semaphore_mem>>) src(%arg10 : memref<80x128xf32, #tpu.memory_space<vmem>>) dst(%dma_wait3A_43 : memref<10000x128xf32, #tpu.memory_space<vmem_shared>>)
    %barrier3A_44 = arith.constant 0 : index
    tpu.barrier barrier_id(%barrier3A_44)
    %lt3A_45 = arith.constant 15 : i32
    %lt3A_46 = arith.cmpi slt, %arg1, %lt3A_45 : i32
    %convert_element_type3A_47 = arith.extui %lt3A_46 : i1 to i32
    %cond3A_48 = arith.constant 0 : i32
    %cond3A_49 = arith.cmpi ne, %convert_element_type3A_47, %cond3A_48 : i32
    scf.if %cond3A_49 {
      %mul3A_55 = arith.constant 632 : i32
      %mul3A_56 = arith.muli %arg1, %mul3A_55 : i32
      %multiple_of3A_57 = tpu.assume_multiple %mul3A_56, 8 : i32
      %mul3A_58 = arith.constant 10000 : i32
      %mul3A_59 = arith.muli %arg0, %mul3A_58 : i32
      %add3A_60 = arith.addi %mul3A_59, %multiple_of3A_57 : i32
      %multiple_of3A_61 = tpu.assume_multiple %add3A_60, 8 : i32
      "tpu.region"() ({
        %run_scoped3A = tpu.sem_alloc : memref<!tpu.dma_semaphore, #tpu.memory_space<semaphore_mem>>
        %dma_start3A_62 = arith.constant 0 : i32
        %dma_start3A_63 = tpu.memref_slice %arg6[%multiple_of3A_61, %dma_start3A_62] : memref<20000x128xf32, #tpu.memory_space<hbm>> -> memref<632x128xf32, #tpu.memory_space<hbm>>
        %dma_start3A_64 = arith.constant 0 : i32
        %dma_start3A_65 = tpu.memref_slice %arg7[%multiple_of3A_57, %dma_start3A_64] : memref<10000x128xf32, #tpu.memory_space<vmem_shared>> -> memref<632x128xf32, #tpu.memory_space<vmem_shared>>
        tpu.enqueue_dma source(%dma_start3A_65 : memref<632x128xf32, #tpu.memory_space<vmem_shared>>) target(%dma_start3A_63 : memref<632x128xf32, #tpu.memory_space<hbm>>) target_semaphore(%run_scoped3A : memref<!tpu.dma_semaphore, #tpu.memory_space<semaphore_mem>>)
        %dma_wait3A_66 = arith.constant 0 : i32
        %dma_wait3A_67 = tpu.memref_slice %arg6[%multiple_of3A_61, %dma_wait3A_66] : memref<20000x128xf32, #tpu.memory_space<hbm>> -> memref<632x128xf32, #tpu.memory_space<hbm>>
        %dma_wait3A_68 = arith.constant 0 : i32
        %dma_wait3A_69 = tpu.memref_slice %arg7[%multiple_of3A_57, %dma_wait3A_68] : memref<10000x128xf32, #tpu.memory_space<vmem_shared>> -> memref<632x128xf32, #tpu.memory_space<vmem_shared>>
        tpu.wait_dma2 semaphore(%run_scoped3A : memref<!tpu.dma_semaphore, #tpu.memory_space<semaphore_mem>>) src(%dma_wait3A_69 : memref<632x128xf32, #tpu.memory_space<vmem_shared>>) dst(%dma_wait3A_67 : memref<632x128xf32, #tpu.memory_space<hbm>>)
        tpu.yield
      }) : () -> ()
    } else {
    }
    %eq3A_50 = arith.constant 15 : i32
    %eq3A_51 = arith.cmpi eq, %arg1, %eq3A_50 : i32
    %convert_element_type3A_52 = arith.extui %eq3A_51 : i1 to i32
    %cond3A_53 = arith.constant 0 : i32
    %cond3A_54 = arith.cmpi ne, %convert_element_type3A_52, %cond3A_53 : i32
    scf.if %cond3A_54 {
      %mul3A_55 = arith.constant 10000 : i32
      %mul3A_56 = arith.muli %arg0, %mul3A_55 : i32
      %add3A_57 = arith.constant 9480 : i32
      %add3A_58 = arith.addi %mul3A_56, %add3A_57 : i32
      %multiple_of3A_59 = tpu.assume_multiple %add3A_58, 8 : i32
      "tpu.region"() ({
        %run_scoped3A = tpu.sem_alloc : memref<!tpu.dma_semaphore, #tpu.memory_space<semaphore_mem>>
        %dma_start3A_60 = arith.constant 0 : i32
        %dma_start3A_61 = tpu.memref_slice %arg6[%multiple_of3A_59, %dma_start3A_60] : memref<20000x128xf32, #tpu.memory_space<hbm>> -> memref<520x128xf32, #tpu.memory_space<hbm>>
        %dma_start3A_62 = arith.constant 9480 : i32
        %dma_start3A_63 = arith.constant 0 : i32
        %dma_start3A_64 = tpu.memref_slice %arg7[%dma_start3A_62, %dma_start3A_63] : memref<10000x128xf32, #tpu.memory_space<vmem_shared>> -> memref<520x128xf32, #tpu.memory_space<vmem_shared>>
        tpu.enqueue_dma source(%dma_start3A_64 : memref<520x128xf32, #tpu.memory_space<vmem_shared>>) target(%dma_start3A_61 : memref<520x128xf32, #tpu.memory_space<hbm>>) target_semaphore(%run_scoped3A : memref<!tpu.dma_semaphore, #tpu.memory_space<semaphore_mem>>)
        %dma_wait3A_65 = arith.constant 0 : i32
        %dma_wait3A_66 = tpu.memref_slice %arg6[%multiple_of3A_59, %dma_wait3A_65] : memref<20000x128xf32, #tpu.memory_space<hbm>> -> memref<520x128xf32, #tpu.memory_space<hbm>>
        %dma_wait3A_67 = arith.constant 9480 : i32
        %dma_wait3A_68 = arith.constant 0 : i32
        %dma_wait3A_69 = tpu.memref_slice %arg7[%dma_wait3A_67, %dma_wait3A_68] : memref<10000x128xf32, #tpu.memory_space<vmem_shared>> -> memref<520x128xf32, #tpu.memory_space<vmem_shared>>
        tpu.wait_dma2 semaphore(%run_scoped3A : memref<!tpu.dma_semaphore, #tpu.memory_space<semaphore_mem>>) src(%dma_wait3A_69 : memref<520x128xf32, #tpu.memory_space<vmem_shared>>) dst(%dma_wait3A_66 : memref<520x128xf32, #tpu.memory_space<hbm>>)
        tpu.yield
      }) : () -> ()
    } else {
    }
    return
  }
}

#map = affine_map<(d0, d1) -> (0, 0)>
#map1 = affine_map<(d0, d1) -> (0)>
#map2 = affine_map<(d0, d1) -> (0, 0, 0)>
module attributes {stable_mosaic.version = 14 : i64} {
  func.func @body(%arg0: i32, %arg1: i32, %arg2: memref<10000x128xf32, #tpu.memory_space<hbm>>, %arg3: memref<320000xi32, #tpu.memory_space<hbm>>, %arg4: memref<32x125x80xi32, #tpu.memory_space<hbm>>, %arg5: memref<10000x128xf32, #tpu.memory_space<hbm>>, %arg6: memref<20000x128xf32, #tpu.memory_space<hbm>>, %arg7: memref<10000x128xf32, #tpu.memory_space<vmem_shared>>, %arg8: memref<10000xi32, #tpu.memory_space<vmem>>, %arg9: memref<125x80xi32, #tpu.memory_space<vmem>>, %arg10: memref<80x128xf32, #tpu.memory_space<vmem>>, %arg11: memref<80x128xf32, #tpu.memory_space<vmem>>, %arg12: memref<!tpu.dma_semaphore, #tpu.memory_space<semaphore_mem>>, %arg13: memref<!tpu.dma_semaphore, #tpu.memory_space<semaphore_mem>>, %arg14: memref<!tpu.dma_semaphore, #tpu.memory_space<semaphore_mem>>, %arg15: memref<!tpu.dma_semaphore, #tpu.memory_space<semaphore_mem>>) attributes {dimension_semantics = [#tpu.dimension_semantics<core_parallel>, #tpu.dimension_semantics<subcore_parallel>], iteration_bounds = array<i64: 2, 16>, scalar_prefetch = 0 : i64, scratch_operands = 9 : i64, tpu.core_type = #tpu.core_type<sc_vector_subcore>, window_params = [{transform_indices = #map}, {transform_indices = #map1}, {transform_indices = #map2}, {transform_indices = #map}, {transform_indices = #map}]} {
    %mul3A = arith.constant 16 : i32
    %mul3A_0 = arith.muli %arg0, %mul3A : i32
    %add3A = arith.addi %mul3A_0, %arg1 : i32
    %mul3A_1 = arith.constant 10000 : i32
    %mul3A_2 = arith.muli %add3A, %mul3A_1 : i32
    %multiple_of3A = tpu.assume_multiple %mul3A_2, 8 : i32
    "tpu.region"() ({
      %run_scoped3A = tpu.sem_alloc : memref<!tpu.dma_semaphore, #tpu.memory_space<semaphore_mem>>
      %dma_start3A_55 = tpu.memref_slice %arg3[%multiple_of3A] : memref<320000xi32, #tpu.memory_space<hbm>> -> memref<10000xi32, #tpu.memory_space<hbm>>
      %dma_start3A_56 = tpu.memref_slice %arg3[%multiple_of3A] : memref<320000xi32, #tpu.memory_space<hbm>> -> memref<10000xi32, #tpu.memory_space<hbm>>
      tpu.enqueue_dma source(%dma_start3A_56 : memref<10000xi32, #tpu.memory_space<hbm>>) target(%arg8 : memref<10000xi32, #tpu.memory_space<vmem>>) target_semaphore(%run_scoped3A : memref<!tpu.dma_semaphore, #tpu.memory_space<semaphore_mem>>)
      %dma_wait3A_57 = tpu.memref_slice %arg3[%multiple_of3A] : memref<320000xi32, #tpu.memory_space<hbm>> -> memref<10000xi32, #tpu.memory_space<hbm>>
      %dma_wait3A_58 = tpu.memref_slice %arg3[%multiple_of3A] : memref<320000xi32, #tpu.memory_space<hbm>> -> memref<10000xi32, #tpu.memory_space<hbm>>
      tpu.wait_dma2 semaphore(%run_scoped3A : memref<!tpu.dma_semaphore, #tpu.memory_space<semaphore_mem>>) src(%dma_wait3A_58 : memref<10000xi32, #tpu.memory_space<hbm>>) dst(%arg8 : memref<10000xi32, #tpu.memory_space<vmem>>)
      tpu.yield
    }) : () -> ()
    "tpu.region"() ({
      %run_scoped3A = tpu.sem_alloc : memref<!tpu.dma_semaphore, #tpu.memory_space<semaphore_mem>>
      %dma_start3A_55 = arith.constant 0 : i32
      %dma_start3A_56 = arith.constant 0 : i32
      %dma_start3A_57 = tpu.memref_slice %arg4[%add3A, %dma_start3A_55, %dma_start3A_56] : memref<32x125x80xi32, #tpu.memory_space<hbm>> -> memref<1x125x80xi32, #tpu.memory_space<hbm>>
      %dma_start3A_58 = tpu.memref_squeeze %dma_start3A_57 : memref<1x125x80xi32, #tpu.memory_space<hbm>> -> memref<125x80xi32, #tpu.memory_space<hbm>>
      %dma_start3A_59 = arith.constant 0 : i32
      %dma_start3A_60 = arith.constant 0 : i32
      %dma_start3A_61 = tpu.memref_slice %arg4[%add3A, %dma_start3A_59, %dma_start3A_60] : memref<32x125x80xi32, #tpu.memory_space<hbm>> -> memref<1x125x80xi32, #tpu.memory_space<hbm>>
      %dma_start3A_62 = tpu.memref_squeeze %dma_start3A_61 : memref<1x125x80xi32, #tpu.memory_space<hbm>> -> memref<125x80xi32, #tpu.memory_space<hbm>>
      tpu.enqueue_dma source(%dma_start3A_62 : memref<125x80xi32, #tpu.memory_space<hbm>>) target(%arg9 : memref<125x80xi32, #tpu.memory_space<vmem>>) target_semaphore(%run_scoped3A : memref<!tpu.dma_semaphore, #tpu.memory_space<semaphore_mem>>)
      %dma_wait3A_63 = arith.constant 0 : i32
      %dma_wait3A_64 = arith.constant 0 : i32
      %dma_wait3A_65 = tpu.memref_slice %arg4[%add3A, %dma_wait3A_63, %dma_wait3A_64] : memref<32x125x80xi32, #tpu.memory_space<hbm>> -> memref<1x125x80xi32, #tpu.memory_space<hbm>>
      %dma_wait3A_66 = tpu.memref_squeeze %dma_wait3A_65 : memref<1x125x80xi32, #tpu.memory_space<hbm>> -> memref<125x80xi32, #tpu.memory_space<hbm>>
      %dma_wait3A_67 = arith.constant 0 : i32
      %dma_wait3A_68 = arith.constant 0 : i32
      %dma_wait3A_69 = tpu.memref_slice %arg4[%add3A, %dma_wait3A_67, %dma_wait3A_68] : memref<32x125x80xi32, #tpu.memory_space<hbm>> -> memref<1x125x80xi32, #tpu.memory_space<hbm>>
      %dma_wait3A_70 = tpu.memref_squeeze %dma_wait3A_69 : memref<1x125x80xi32, #tpu.memory_space<hbm>> -> memref<125x80xi32, #tpu.memory_space<hbm>>
      tpu.wait_dma2 semaphore(%run_scoped3A : memref<!tpu.dma_semaphore, #tpu.memory_space<semaphore_mem>>) src(%dma_wait3A_70 : memref<125x80xi32, #tpu.memory_space<hbm>>) dst(%arg9 : memref<125x80xi32, #tpu.memory_space<vmem>>)
      tpu.yield
    }) : () -> ()
    %lt3A = arith.constant 15 : i32
    %lt3A_3 = arith.cmpi slt, %arg1, %lt3A : i32
    %convert_element_type3A = arith.extui %lt3A_3 : i1 to i32
    %cond3A = arith.constant 0 : i32
    %cond3A_4 = arith.cmpi ne, %convert_element_type3A, %cond3A : i32
    scf.if %cond3A_4 {
      %mul3A_55 = arith.constant 632 : i32
      %mul3A_56 = arith.muli %arg1, %mul3A_55 : i32
      %multiple_of3A_57 = tpu.assume_multiple %mul3A_56, 8 : i32
      "tpu.region"() ({
        %run_scoped3A = tpu.sem_alloc : memref<!tpu.dma_semaphore, #tpu.memory_space<semaphore_mem>>
        %dma_start3A_58 = arith.constant 0 : i32
        %dma_start3A_59 = tpu.memref_slice %arg7[%multiple_of3A_57, %dma_start3A_58] : memref<10000x128xf32, #tpu.memory_space<vmem_shared>> -> memref<632x128xf32, #tpu.memory_space<vmem_shared>>
        %dma_start3A_60 = arith.constant 0 : i32
        %dma_start3A_61 = tpu.memref_slice %arg5[%multiple_of3A_57, %dma_start3A_60] : memref<10000x128xf32, #tpu.memory_space<hbm>> -> memref<632x128xf32, #tpu.memory_space<hbm>>
        tpu.enqueue_dma source(%dma_start3A_61 : memref<632x128xf32, #tpu.memory_space<hbm>>) target(%dma_start3A_59 : memref<632x128xf32, #tpu.memory_space<vmem_shared>>) target_semaphore(%run_scoped3A : memref<!tpu.dma_semaphore, #tpu.memory_space<semaphore_mem>>)
        %dma_wait3A_62 = arith.constant 0 : i32
        %dma_wait3A_63 = tpu.memref_slice %arg7[%multiple_of3A_57, %dma_wait3A_62] : memref<10000x128xf32, #tpu.memory_space<vmem_shared>> -> memref<632x128xf32, #tpu.memory_space<vmem_shared>>
        %dma_wait3A_64 = arith.constant 0 : i32
        %dma_wait3A_65 = tpu.memref_slice %arg5[%multiple_of3A_57, %dma_wait3A_64] : memref<10000x128xf32, #tpu.memory_space<hbm>> -> memref<632x128xf32, #tpu.memory_space<hbm>>
        tpu.wait_dma2 semaphore(%run_scoped3A : memref<!tpu.dma_semaphore, #tpu.memory_space<semaphore_mem>>) src(%dma_wait3A_65 : memref<632x128xf32, #tpu.memory_space<hbm>>) dst(%dma_wait3A_63 : memref<632x128xf32, #tpu.memory_space<vmem_shared>>)
        tpu.yield
      }) : () -> ()
    } else {
    }
    %eq3A = arith.constant 15 : i32
    %eq3A_5 = arith.cmpi eq, %arg1, %eq3A : i32
    %convert_element_type3A_6 = arith.extui %eq3A_5 : i1 to i32
    %cond3A_7 = arith.constant 0 : i32
    %cond3A_8 = arith.cmpi ne, %convert_element_type3A_6, %cond3A_7 : i32
    scf.if %cond3A_8 {
      "tpu.region"() ({
        %run_scoped3A = tpu.sem_alloc : memref<!tpu.dma_semaphore, #tpu.memory_space<semaphore_mem>>
        %dma_start3A_55 = arith.constant 9480 : i32
        %dma_start3A_56 = arith.constant 0 : i32
        %dma_start3A_57 = tpu.memref_slice %arg7[%dma_start3A_55, %dma_start3A_56] : memref<10000x128xf32, #tpu.memory_space<vmem_shared>> -> memref<520x128xf32, #tpu.memory_space<vmem_shared>>
        %dma_start3A_58 = arith.constant 9480 : i32
        %dma_start3A_59 = arith.constant 0 : i32
        %dma_start3A_60 = tpu.memref_slice %arg5[%dma_start3A_58, %dma_start3A_59] : memref<10000x128xf32, #tpu.memory_space<hbm>> -> memref<520x128xf32, #tpu.memory_space<hbm>>
        tpu.enqueue_dma source(%dma_start3A_60 : memref<520x128xf32, #tpu.memory_space<hbm>>) target(%dma_start3A_57 : memref<520x128xf32, #tpu.memory_space<vmem_shared>>) target_semaphore(%run_scoped3A : memref<!tpu.dma_semaphore, #tpu.memory_space<semaphore_mem>>)
        %dma_wait3A_61 = arith.constant 9480 : i32
        %dma_wait3A_62 = arith.constant 0 : i32
        %dma_wait3A_63 = tpu.memref_slice %arg7[%dma_wait3A_61, %dma_wait3A_62] : memref<10000x128xf32, #tpu.memory_space<vmem_shared>> -> memref<520x128xf32, #tpu.memory_space<vmem_shared>>
        %dma_wait3A_64 = arith.constant 9480 : i32
        %dma_wait3A_65 = arith.constant 0 : i32
        %dma_wait3A_66 = tpu.memref_slice %arg5[%dma_wait3A_64, %dma_wait3A_65] : memref<10000x128xf32, #tpu.memory_space<hbm>> -> memref<520x128xf32, #tpu.memory_space<hbm>>
        tpu.wait_dma2 semaphore(%run_scoped3A : memref<!tpu.dma_semaphore, #tpu.memory_space<semaphore_mem>>) src(%dma_wait3A_66 : memref<520x128xf32, #tpu.memory_space<hbm>>) dst(%dma_wait3A_63 : memref<520x128xf32, #tpu.memory_space<vmem_shared>>)
        tpu.yield
      }) : () -> ()
    } else {
    }
    %barrier3A = arith.constant 0 : index
    tpu.barrier barrier_id(%barrier3A)
    %multiple_of3A_9 = arith.constant 0 : i32
    %multiple_of3A_10 = tpu.assume_multiple %multiple_of3A_9, 8 : i32
    %dma_start3A = tpu.memref_slice %arg8[%multiple_of3A_10] : memref<10000xi32, #tpu.memory_space<vmem>> -> memref<80xi32, #tpu.memory_space<vmem>>
    %dma_start3A_11 = arith.constant 0 : i32
    %dma_start3A_12 = arith.constant 0 : i32
    %dma_start3A_13 = tpu.memref_slice %arg2[%dma_start3A_11, %dma_start3A_12] : memref<10000x128xf32, #tpu.memory_space<hbm>> -> memref<10000x128xf32, #tpu.memory_space<hbm>>
    tpu.enqueue_indirect_dma source(%dma_start3A_13 : memref<10000x128xf32, #tpu.memory_space<hbm>>) target(%arg10 : memref<80x128xf32, #tpu.memory_space<vmem>>) offsets(%dma_start3A : memref<80xi32, #tpu.memory_space<vmem>>) semaphore(%arg12 : memref<!tpu.dma_semaphore, #tpu.memory_space<semaphore_mem>>)
    %multiple_of3A_14 = arith.constant 80 : i32
    %multiple_of3A_15 = tpu.assume_multiple %multiple_of3A_14, 8 : i32
    %dma_start3A_16 = tpu.memref_slice %arg8[%multiple_of3A_15] : memref<10000xi32, #tpu.memory_space<vmem>> -> memref<80xi32, #tpu.memory_space<vmem>>
    %dma_start3A_17 = arith.constant 0 : i32
    %dma_start3A_18 = arith.constant 0 : i32
    %dma_start3A_19 = tpu.memref_slice %arg2[%dma_start3A_17, %dma_start3A_18] : memref<10000x128xf32, #tpu.memory_space<hbm>> -> memref<10000x128xf32, #tpu.memory_space<hbm>>
    tpu.enqueue_indirect_dma source(%dma_start3A_19 : memref<10000x128xf32, #tpu.memory_space<hbm>>) target(%arg11 : memref<80x128xf32, #tpu.memory_space<vmem>>) offsets(%dma_start3A_16 : memref<80xi32, #tpu.memory_space<vmem>>) semaphore(%arg13 : memref<!tpu.dma_semaphore, #tpu.memory_space<semaphore_mem>>)
    %scan3A = arith.constant 0 : i32
    %scan3A_20 = arith.constant 0 : i32
    %scan3A_21 = arith.constant 62 : i32
    %scan3A_22 = arith.addi %scan3A_20, %scan3A_21 : i32
    %scan3A_23 = arith.constant 1 : i32
    scf.for %scan3A_55 = %scan3A_20 to %scan3A_22 step %scan3A_23  : i32 {
      %mul3A_56 = arith.constant 2 : i32
      %mul3A_57 = arith.muli %mul3A_56, %scan3A_55 : i32
      %mul3A_58 = arith.constant 80 : i32
      %mul3A_59 = arith.muli %mul3A_57, %mul3A_58 : i32
      %multiple_of3A_60 = tpu.assume_multiple %mul3A_59, 8 : i32
      %dma_wait3A_61 = tpu.memref_slice %arg8[%multiple_of3A_60] : memref<10000xi32, #tpu.memory_space<vmem>> -> memref<80xi32, #tpu.memory_space<vmem>>
      %dma_wait3A_62 = arith.constant 0 : i32
      %dma_wait3A_63 = arith.constant 0 : i32
      %dma_wait3A_64 = tpu.memref_slice %arg2[%dma_wait3A_62, %dma_wait3A_63] : memref<10000x128xf32, #tpu.memory_space<hbm>> -> memref<10000x128xf32, #tpu.memory_space<hbm>>
      tpu.wait_indirect_dma semaphore(%arg12 : memref<!tpu.dma_semaphore, #tpu.memory_space<semaphore_mem>>) src(%dma_wait3A_64 : memref<10000x128xf32, #tpu.memory_space<hbm>>) dst(%arg10 : memref<80x128xf32, #tpu.memory_space<vmem>>)
      %dma_start3A_65 = arith.constant 0 : i32
      %dma_start3A_66 = tpu.memref_slice %arg9[%mul3A_57, %dma_start3A_65] : memref<125x80xi32, #tpu.memory_space<vmem>> -> memref<1x80xi32, #tpu.memory_space<vmem>>
      %dma_start3A_67 = tpu.memref_squeeze %dma_start3A_66 : memref<1x80xi32, #tpu.memory_space<vmem>> -> memref<80xi32, #tpu.memory_space<vmem>>
      %dma_start3A_68 = arith.constant 0 : i32
      %dma_start3A_69 = arith.constant 0 : i32
      %dma_start3A_70 = tpu.memref_slice %arg7[%dma_start3A_68, %dma_start3A_69] : memref<10000x128xf32, #tpu.memory_space<vmem_shared>> -> memref<10000x128xf32, #tpu.memory_space<vmem_shared>>
      tpu.enqueue_indirect_dma source(%arg10 : memref<80x128xf32, #tpu.memory_space<vmem>>) target(%dma_start3A_70 : memref<10000x128xf32, #tpu.memory_space<vmem_shared>>) offsets(%dma_start3A_67 : memref<80xi32, #tpu.memory_space<vmem>>) semaphore(%arg14 : memref<!tpu.dma_semaphore, #tpu.memory_space<semaphore_mem>>) {add = true}
      %dma_wait3A_71 = arith.constant 0 : i32
      %dma_wait3A_72 = tpu.memref_slice %arg9[%mul3A_57, %dma_wait3A_71] : memref<125x80xi32, #tpu.memory_space<vmem>> -> memref<1x80xi32, #tpu.memory_space<vmem>>
      %dma_wait3A_73 = tpu.memref_squeeze %dma_wait3A_72 : memref<1x80xi32, #tpu.memory_space<vmem>> -> memref<80xi32, #tpu.memory_space<vmem>>
      %dma_wait3A_74 = arith.constant 0 : i32
      %dma_wait3A_75 = arith.constant 0 : i32
      %dma_wait3A_76 = tpu.memref_slice %arg7[%dma_wait3A_74, %dma_wait3A_75] : memref<10000x128xf32, #tpu.memory_space<vmem_shared>> -> memref<10000x128xf32, #tpu.memory_space<vmem_shared>>
      tpu.wait_indirect_dma semaphore(%arg14 : memref<!tpu.dma_semaphore, #tpu.memory_space<semaphore_mem>>) src(%arg10 : memref<80x128xf32, #tpu.memory_space<vmem>>) dst(%dma_wait3A_76 : memref<10000x128xf32, #tpu.memory_space<vmem_shared>>)
      %add3A_77 = arith.constant 2 : i32
      %add3A_78 = arith.addi %mul3A_57, %add3A_77 : i32
      %lt3A_79 = arith.constant 125 : i32
      %lt3A_80 = arith.cmpi slt, %add3A_78, %lt3A_79 : i32
      %convert_element_type3A_81 = arith.extui %lt3A_80 : i1 to i32
      %cond3A_82 = arith.constant 0 : i32
      %cond3A_83 = arith.cmpi ne, %convert_element_type3A_81, %cond3A_82 : i32
      scf.if %cond3A_83 {
        %add3A_114 = arith.constant 2 : i32
        %add3A_115 = arith.addi %mul3A_57, %add3A_114 : i32
        %mul3A_116 = arith.constant 80 : i32
        %mul3A_117 = arith.muli %add3A_115, %mul3A_116 : i32
        %multiple_of3A_118 = tpu.assume_multiple %mul3A_117, 8 : i32
        %dma_start3A_119 = tpu.memref_slice %arg8[%multiple_of3A_118] : memref<10000xi32, #tpu.memory_space<vmem>> -> memref<80xi32, #tpu.memory_space<vmem>>
        %dma_start3A_120 = arith.constant 0 : i32
        %dma_start3A_121 = arith.constant 0 : i32
        %dma_start3A_122 = tpu.memref_slice %arg2[%dma_start3A_120, %dma_start3A_121] : memref<10000x128xf32, #tpu.memory_space<hbm>> -> memref<10000x128xf32, #tpu.memory_space<hbm>>
        tpu.enqueue_indirect_dma source(%dma_start3A_122 : memref<10000x128xf32, #tpu.memory_space<hbm>>) target(%arg10 : memref<80x128xf32, #tpu.memory_space<vmem>>) offsets(%dma_start3A_119 : memref<80xi32, #tpu.memory_space<vmem>>) semaphore(%arg12 : memref<!tpu.dma_semaphore, #tpu.memory_space<semaphore_mem>>)
      } else {
      }
      %mul3A_84 = arith.constant 2 : i32
      %mul3A_85 = arith.muli %mul3A_84, %scan3A_55 : i32
      %add3A_86 = arith.constant 1 : i32
      %add3A_87 = arith.addi %mul3A_85, %add3A_86 : i32
      %mul3A_88 = arith.constant 80 : i32
      %mul3A_89 = arith.muli %add3A_87, %mul3A_88 : i32
      %multiple_of3A_90 = tpu.assume_multiple %mul3A_89, 8 : i32
      %dma_wait3A_91 = tpu.memref_slice %arg8[%multiple_of3A_90] : memref<10000xi32, #tpu.memory_space<vmem>> -> memref<80xi32, #tpu.memory_space<vmem>>
      %dma_wait3A_92 = arith.constant 0 : i32
      %dma_wait3A_93 = arith.constant 0 : i32
      %dma_wait3A_94 = tpu.memref_slice %arg2[%dma_wait3A_92, %dma_wait3A_93] : memref<10000x128xf32, #tpu.memory_space<hbm>> -> memref<10000x128xf32, #tpu.memory_space<hbm>>
      tpu.wait_indirect_dma semaphore(%arg13 : memref<!tpu.dma_semaphore, #tpu.memory_space<semaphore_mem>>) src(%dma_wait3A_94 : memref<10000x128xf32, #tpu.memory_space<hbm>>) dst(%arg11 : memref<80x128xf32, #tpu.memory_space<vmem>>)
      %dma_start3A_95 = arith.constant 0 : i32
      %dma_start3A_96 = tpu.memref_slice %arg9[%add3A_87, %dma_start3A_95] : memref<125x80xi32, #tpu.memory_space<vmem>> -> memref<1x80xi32, #tpu.memory_space<vmem>>
      %dma_start3A_97 = tpu.memref_squeeze %dma_start3A_96 : memref<1x80xi32, #tpu.memory_space<vmem>> -> memref<80xi32, #tpu.memory_space<vmem>>
      %dma_start3A_98 = arith.constant 0 : i32
      %dma_start3A_99 = arith.constant 0 : i32
      %dma_start3A_100 = tpu.memref_slice %arg7[%dma_start3A_98, %dma_start3A_99] : memref<10000x128xf32, #tpu.memory_space<vmem_shared>> -> memref<10000x128xf32, #tpu.memory_space<vmem_shared>>
      tpu.enqueue_indirect_dma source(%arg11 : memref<80x128xf32, #tpu.memory_space<vmem>>) target(%dma_start3A_100 : memref<10000x128xf32, #tpu.memory_space<vmem_shared>>) offsets(%dma_start3A_97 : memref<80xi32, #tpu.memory_space<vmem>>) semaphore(%arg15 : memref<!tpu.dma_semaphore, #tpu.memory_space<semaphore_mem>>) {add = true}
      %dma_wait3A_101 = arith.constant 0 : i32
      %dma_wait3A_102 = tpu.memref_slice %arg9[%add3A_87, %dma_wait3A_101] : memref<125x80xi32, #tpu.memory_space<vmem>> -> memref<1x80xi32, #tpu.memory_space<vmem>>
      %dma_wait3A_103 = tpu.memref_squeeze %dma_wait3A_102 : memref<1x80xi32, #tpu.memory_space<vmem>> -> memref<80xi32, #tpu.memory_space<vmem>>
      %dma_wait3A_104 = arith.constant 0 : i32
      %dma_wait3A_105 = arith.constant 0 : i32
      %dma_wait3A_106 = tpu.memref_slice %arg7[%dma_wait3A_104, %dma_wait3A_105] : memref<10000x128xf32, #tpu.memory_space<vmem_shared>> -> memref<10000x128xf32, #tpu.memory_space<vmem_shared>>
      tpu.wait_indirect_dma semaphore(%arg15 : memref<!tpu.dma_semaphore, #tpu.memory_space<semaphore_mem>>) src(%arg11 : memref<80x128xf32, #tpu.memory_space<vmem>>) dst(%dma_wait3A_106 : memref<10000x128xf32, #tpu.memory_space<vmem_shared>>)
      %add3A_107 = arith.constant 2 : i32
      %add3A_108 = arith.addi %add3A_87, %add3A_107 : i32
      %lt3A_109 = arith.constant 125 : i32
      %lt3A_110 = arith.cmpi slt, %add3A_108, %lt3A_109 : i32
      %convert_element_type3A_111 = arith.extui %lt3A_110 : i1 to i32
      %cond3A_112 = arith.constant 0 : i32
      %cond3A_113 = arith.cmpi ne, %convert_element_type3A_111, %cond3A_112 : i32
      scf.if %cond3A_113 {
        %add3A_114 = arith.constant 2 : i32
        %add3A_115 = arith.addi %add3A_87, %add3A_114 : i32
        %mul3A_116 = arith.constant 80 : i32
        %mul3A_117 = arith.muli %add3A_115, %mul3A_116 : i32
        %multiple_of3A_118 = tpu.assume_multiple %mul3A_117, 8 : i32
        %dma_start3A_119 = tpu.memref_slice %arg8[%multiple_of3A_118] : memref<10000xi32, #tpu.memory_space<vmem>> -> memref<80xi32, #tpu.memory_space<vmem>>
        %dma_start3A_120 = arith.constant 0 : i32
        %dma_start3A_121 = arith.constant 0 : i32
        %dma_start3A_122 = tpu.memref_slice %arg2[%dma_start3A_120, %dma_start3A_121] : memref<10000x128xf32, #tpu.memory_space<hbm>> -> memref<10000x128xf32, #tpu.memory_space<hbm>>
        tpu.enqueue_indirect_dma source(%dma_start3A_122 : memref<10000x128xf32, #tpu.memory_space<hbm>>) target(%arg11 : memref<80x128xf32, #tpu.memory_space<vmem>>) offsets(%dma_start3A_119 : memref<80xi32, #tpu.memory_space<vmem>>) semaphore(%arg13 : memref<!tpu.dma_semaphore, #tpu.memory_space<semaphore_mem>>)
      } else {
      }
    }
    %scan3A_24 = arith.constant 62 : i32
    %multiple_of3A_25 = arith.constant 9920 : i32
    %multiple_of3A_26 = tpu.assume_multiple %multiple_of3A_25, 8 : i32
    %dma_wait3A = tpu.memref_slice %arg8[%multiple_of3A_26] : memref<10000xi32, #tpu.memory_space<vmem>> -> memref<80xi32, #tpu.memory_space<vmem>>
    %dma_wait3A_27 = arith.constant 0 : i32
    %dma_wait3A_28 = arith.constant 0 : i32
    %dma_wait3A_29 = tpu.memref_slice %arg2[%dma_wait3A_27, %dma_wait3A_28] : memref<10000x128xf32, #tpu.memory_space<hbm>> -> memref<10000x128xf32, #tpu.memory_space<hbm>>
    tpu.wait_indirect_dma semaphore(%arg12 : memref<!tpu.dma_semaphore, #tpu.memory_space<semaphore_mem>>) src(%dma_wait3A_29 : memref<10000x128xf32, #tpu.memory_space<hbm>>) dst(%arg10 : memref<80x128xf32, #tpu.memory_space<vmem>>)
    %dma_start3A_30 = arith.constant 124 : i32
    %dma_start3A_31 = arith.constant 0 : i32
    %dma_start3A_32 = tpu.memref_slice %arg9[%dma_start3A_30, %dma_start3A_31] : memref<125x80xi32, #tpu.memory_space<vmem>> -> memref<1x80xi32, #tpu.memory_space<vmem>>
    %dma_start3A_33 = tpu.memref_squeeze %dma_start3A_32 : memref<1x80xi32, #tpu.memory_space<vmem>> -> memref<80xi32, #tpu.memory_space<vmem>>
    %dma_start3A_34 = arith.constant 0 : i32
    %dma_start3A_35 = arith.constant 0 : i32
    %dma_start3A_36 = tpu.memref_slice %arg7[%dma_start3A_34, %dma_start3A_35] : memref<10000x128xf32, #tpu.memory_space<vmem_shared>> -> memref<10000x128xf32, #tpu.memory_space<vmem_shared>>
    tpu.enqueue_indirect_dma source(%arg10 : memref<80x128xf32, #tpu.memory_space<vmem>>) target(%dma_start3A_36 : memref<10000x128xf32, #tpu.memory_space<vmem_shared>>) offsets(%dma_start3A_33 : memref<80xi32, #tpu.memory_space<vmem>>) semaphore(%arg14 : memref<!tpu.dma_semaphore, #tpu.memory_space<semaphore_mem>>) {add = true}
    %dma_wait3A_37 = arith.constant 124 : i32
    %dma_wait3A_38 = arith.constant 0 : i32
    %dma_wait3A_39 = tpu.memref_slice %arg9[%dma_wait3A_37, %dma_wait3A_38] : memref<125x80xi32, #tpu.memory_space<vmem>> -> memref<1x80xi32, #tpu.memory_space<vmem>>
    %dma_wait3A_40 = tpu.memref_squeeze %dma_wait3A_39 : memref<1x80xi32, #tpu.memory_space<vmem>> -> memref<80xi32, #tpu.memory_space<vmem>>
    %dma_wait3A_41 = arith.constant 0 : i32
    %dma_wait3A_42 = arith.constant 0 : i32
    %dma_wait3A_43 = tpu.memref_slice %arg7[%dma_wait3A_41, %dma_wait3A_42] : memref<10000x128xf32, #tpu.memory_space<vmem_shared>> -> memref<10000x128xf32, #tpu.memory_space<vmem_shared>>
    tpu.wait_indirect_dma semaphore(%arg14 : memref<!tpu.dma_semaphore, #tpu.memory_space<semaphore_mem>>) src(%arg10 : memref<80x128xf32, #tpu.memory_space<vmem>>) dst(%dma_wait3A_43 : memref<10000x128xf32, #tpu.memory_space<vmem_shared>>)
    %barrier3A_44 = arith.constant 0 : index
    tpu.barrier barrier_id(%barrier3A_44)
    %lt3A_45 = arith.constant 15 : i32
    %lt3A_46 = arith.cmpi slt, %arg1, %lt3A_45 : i32
    %convert_element_type3A_47 = arith.extui %lt3A_46 : i1 to i32
    %cond3A_48 = arith.constant 0 : i32
    %cond3A_49 = arith.cmpi ne, %convert_element_type3A_47, %cond3A_48 : i32
    scf.if %cond3A_49 {
      %mul3A_55 = arith.constant 632 : i32
      %mul3A_56 = arith.muli %arg1, %mul3A_55 : i32
      %multiple_of3A_57 = tpu.assume_multiple %mul3A_56, 8 : i32
      %mul3A_58 = arith.constant 10000 : i32
      %mul3A_59 = arith.muli %arg0, %mul3A_58 : i32
      %add3A_60 = arith.addi %mul3A_59, %multiple_of3A_57 : i32
      %multiple_of3A_61 = tpu.assume_multiple %add3A_60, 8 : i32
      "tpu.region"() ({
        %run_scoped3A = tpu.sem_alloc : memref<!tpu.dma_semaphore, #tpu.memory_space<semaphore_mem>>
        %dma_start3A_62 = arith.constant 0 : i32
        %dma_start3A_63 = tpu.memref_slice %arg6[%multiple_of3A_61, %dma_start3A_62] : memref<20000x128xf32, #tpu.memory_space<hbm>> -> memref<632x128xf32, #tpu.memory_space<hbm>>
        %dma_start3A_64 = arith.constant 0 : i32
        %dma_start3A_65 = tpu.memref_slice %arg7[%multiple_of3A_57, %dma_start3A_64] : memref<10000x128xf32, #tpu.memory_space<vmem_shared>> -> memref<632x128xf32, #tpu.memory_space<vmem_shared>>
        tpu.enqueue_dma source(%dma_start3A_65 : memref<632x128xf32, #tpu.memory_space<vmem_shared>>) target(%dma_start3A_63 : memref<632x128xf32, #tpu.memory_space<hbm>>) target_semaphore(%run_scoped3A : memref<!tpu.dma_semaphore, #tpu.memory_space<semaphore_mem>>)
        %dma_wait3A_66 = arith.constant 0 : i32
        %dma_wait3A_67 = tpu.memref_slice %arg6[%multiple_of3A_61, %dma_wait3A_66] : memref<20000x128xf32, #tpu.memory_space<hbm>> -> memref<632x128xf32, #tpu.memory_space<hbm>>
        %dma_wait3A_68 = arith.constant 0 : i32
        %dma_wait3A_69 = tpu.memref_slice %arg7[%multiple_of3A_57, %dma_wait3A_68] : memref<10000x128xf32, #tpu.memory_space<vmem_shared>> -> memref<632x128xf32, #tpu.memory_space<vmem_shared>>
        tpu.wait_dma2 semaphore(%run_scoped3A : memref<!tpu.dma_semaphore, #tpu.memory_space<semaphore_mem>>) src(%dma_wait3A_69 : memref<632x128xf32, #tpu.memory_space<vmem_shared>>) dst(%dma_wait3A_67 : memref<632x128xf32, #tpu.memory_space<hbm>>)
        tpu.yield
      }) : () -> ()
    } else {
    }
    %eq3A_50 = arith.constant 15 : i32
    %eq3A_51 = arith.cmpi eq, %arg1, %eq3A_50 : i32
    %convert_element_type3A_52 = arith.extui %eq3A_51 : i1 to i32
    %cond3A_53 = arith.constant 0 : i32
    %cond3A_54 = arith.cmpi ne, %convert_element_type3A_52, %cond3A_53 : i32
    scf.if %cond3A_54 {
      %mul3A_55 = arith.constant 10000 : i32
      %mul3A_56 = arith.muli %arg0, %mul3A_55 : i32
      %add3A_57 = arith.constant 9480 : i32
      %add3A_58 = arith.addi %mul3A_56, %add3A_57 : i32
      %multiple_of3A_59 = tpu.assume_multiple %add3A_58, 8 : i32
      "tpu.region"() ({
        %run_scoped3A = tpu.sem_alloc : memref<!tpu.dma_semaphore, #tpu.memory_space<semaphore_mem>>
        %dma_start3A_60 = arith.constant 0 : i32
        %dma_start3A_61 = tpu.memref_slice %arg6[%multiple_of3A_59, %dma_start3A_60] : memref<20000x128xf32, #tpu.memory_space<hbm>> -> memref<520x128xf32, #tpu.memory_space<hbm>>
        %dma_start3A_62 = arith.constant 9480 : i32
        %dma_start3A_63 = arith.constant 0 : i32
        %dma_start3A_64 = tpu.memref_slice %arg7[%dma_start3A_62, %dma_start3A_63] : memref<10000x128xf32, #tpu.memory_space<vmem_shared>> -> memref<520x128xf32, #tpu.memory_space<vmem_shared>>
        tpu.enqueue_dma source(%dma_start3A_64 : memref<520x128xf32, #tpu.memory_space<vmem_shared>>) target(%dma_start3A_61 : memref<520x128xf32, #tpu.memory_space<hbm>>) target_semaphore(%run_scoped3A : memref<!tpu.dma_semaphore, #tpu.memory_space<semaphore_mem>>)
        %dma_wait3A_65 = arith.constant 0 : i32
        %dma_wait3A_66 = tpu.memref_slice %arg6[%multiple_of3A_59, %dma_wait3A_65] : memref<20000x128xf32, #tpu.memory_space<hbm>> -> memref<520x128xf32, #tpu.memory_space<hbm>>
        %dma_wait3A_67 = arith.constant 9480 : i32
        %dma_wait3A_68 = arith.constant 0 : i32
        %dma_wait3A_69 = tpu.memref_slice %arg7[%dma_wait3A_67, %dma_wait3A_68] : memref<10000x128xf32, #tpu.memory_space<vmem_shared>> -> memref<520x128xf32, #tpu.memory_space<vmem_shared>>
        tpu.wait_dma2 semaphore(%run_scoped3A : memref<!tpu.dma_semaphore, #tpu.memory_space<semaphore_mem>>) src(%dma_wait3A_69 : memref<520x128xf32, #tpu.memory_space<vmem_shared>>) dst(%dma_wait3A_66 : memref<520x128xf32, #tpu.memory_space<hbm>>)
        tpu.yield
      }) : () -> ()
    } else {
    }
    return
  }
}

#map = affine_map<(d0, d1) -> (0, 0)>
#map1 = affine_map<(d0, d1) -> (0)>
#map2 = affine_map<(d0, d1) -> (0, 0, 0)>
module attributes {stable_mosaic.version = 14 : i64} {
  func.func @body(%arg0: i32, %arg1: i32, %arg2: memref<10000x128xf32, #tpu.memory_space<hbm>>, %arg3: memref<10000x128xf32, #tpu.memory_space<hbm>>, %arg4: memref<320000xi32, #tpu.memory_space<hbm>>, %arg5: memref<32x125x80xi32, #tpu.memory_space<hbm>>, %arg6: memref<10000x128xf32, #tpu.memory_space<hbm>>, %arg7: memref<20000x128xf32, #tpu.memory_space<hbm>>, %arg8: memref<20000x128xf32, #tpu.memory_space<hbm>>, %arg9: memref<10000x128xf32, #tpu.memory_space<vmem_shared>>, %arg10: memref<10000xi32, #tpu.memory_space<vmem>>, %arg11: memref<125x80xi32, #tpu.memory_space<vmem>>, %arg12: memref<80x128xf32, #tpu.memory_space<vmem>>, %arg13: memref<80x128xf32, #tpu.memory_space<vmem>>, %arg14: memref<!tpu.dma_semaphore, #tpu.memory_space<semaphore_mem>>, %arg15: memref<!tpu.dma_semaphore, #tpu.memory_space<semaphore_mem>>, %arg16: memref<!tpu.dma_semaphore, #tpu.memory_space<semaphore_mem>>, %arg17: memref<!tpu.dma_semaphore, #tpu.memory_space<semaphore_mem>>) attributes {dimension_semantics = [#tpu.dimension_semantics<core_parallel>, #tpu.dimension_semantics<subcore_parallel>], iteration_bounds = array<i64: 2, 16>, scalar_prefetch = 0 : i64, scratch_operands = 9 : i64, tpu.core_type = #tpu.core_type<sc_vector_subcore>, window_params = [{transform_indices = #map}, {transform_indices = #map}, {transform_indices = #map1}, {transform_indices = #map2}, {transform_indices = #map}, {transform_indices = #map}, {transform_indices = #map}]} {
    %mul3A = arith.constant 16 : i32
    %mul3A_0 = arith.muli %arg0, %mul3A : i32
    %add3A = arith.addi %mul3A_0, %arg1 : i32
    %mul3A_1 = arith.constant 10000 : i32
    %mul3A_2 = arith.muli %add3A, %mul3A_1 : i32
    %multiple_of3A = tpu.assume_multiple %mul3A_2, 8 : i32
    "tpu.region"() ({
      %run_scoped3A = tpu.sem_alloc : memref<!tpu.dma_semaphore, #tpu.memory_space<semaphore_mem>>
      %dma_start3A_115 = tpu.memref_slice %arg4[%multiple_of3A] : memref<320000xi32, #tpu.memory_space<hbm>> -> memref<10000xi32, #tpu.memory_space<hbm>>
      %dma_start3A_116 = tpu.memref_slice %arg4[%multiple_of3A] : memref<320000xi32, #tpu.memory_space<hbm>> -> memref<10000xi32, #tpu.memory_space<hbm>>
      tpu.enqueue_dma source(%dma_start3A_116 : memref<10000xi32, #tpu.memory_space<hbm>>) target(%arg10 : memref<10000xi32, #tpu.memory_space<vmem>>) target_semaphore(%run_scoped3A : memref<!tpu.dma_semaphore, #tpu.memory_space<semaphore_mem>>)
      %dma_wait3A_117 = tpu.memref_slice %arg4[%multiple_of3A] : memref<320000xi32, #tpu.memory_space<hbm>> -> memref<10000xi32, #tpu.memory_space<hbm>>
      %dma_wait3A_118 = tpu.memref_slice %arg4[%multiple_of3A] : memref<320000xi32, #tpu.memory_space<hbm>> -> memref<10000xi32, #tpu.memory_space<hbm>>
      tpu.wait_dma2 semaphore(%run_scoped3A : memref<!tpu.dma_semaphore, #tpu.memory_space<semaphore_mem>>) src(%dma_wait3A_118 : memref<10000xi32, #tpu.memory_space<hbm>>) dst(%arg10 : memref<10000xi32, #tpu.memory_space<vmem>>)
      tpu.yield
    }) : () -> ()
    "tpu.region"() ({
      %run_scoped3A = tpu.sem_alloc : memref<!tpu.dma_semaphore, #tpu.memory_space<semaphore_mem>>
      %dma_start3A_115 = arith.constant 0 : i32
      %dma_start3A_116 = arith.constant 0 : i32
      %dma_start3A_117 = tpu.memref_slice %arg5[%add3A, %dma_start3A_115, %dma_start3A_116] : memref<32x125x80xi32, #tpu.memory_space<hbm>> -> memref<1x125x80xi32, #tpu.memory_space<hbm>>
      %dma_start3A_118 = tpu.memref_squeeze %dma_start3A_117 : memref<1x125x80xi32, #tpu.memory_space<hbm>> -> memref<125x80xi32, #tpu.memory_space<hbm>>
      %dma_start3A_119 = arith.constant 0 : i32
      %dma_start3A_120 = arith.constant 0 : i32
      %dma_start3A_121 = tpu.memref_slice %arg5[%add3A, %dma_start3A_119, %dma_start3A_120] : memref<32x125x80xi32, #tpu.memory_space<hbm>> -> memref<1x125x80xi32, #tpu.memory_space<hbm>>
      %dma_start3A_122 = tpu.memref_squeeze %dma_start3A_121 : memref<1x125x80xi32, #tpu.memory_space<hbm>> -> memref<125x80xi32, #tpu.memory_space<hbm>>
      tpu.enqueue_dma source(%dma_start3A_122 : memref<125x80xi32, #tpu.memory_space<hbm>>) target(%arg11 : memref<125x80xi32, #tpu.memory_space<vmem>>) target_semaphore(%run_scoped3A : memref<!tpu.dma_semaphore, #tpu.memory_space<semaphore_mem>>)
      %dma_wait3A_123 = arith.constant 0 : i32
      %dma_wait3A_124 = arith.constant 0 : i32
      %dma_wait3A_125 = tpu.memref_slice %arg5[%add3A, %dma_wait3A_123, %dma_wait3A_124] : memref<32x125x80xi32, #tpu.memory_space<hbm>> -> memref<1x125x80xi32, #tpu.memory_space<hbm>>
      %dma_wait3A_126 = tpu.memref_squeeze %dma_wait3A_125 : memref<1x125x80xi32, #tpu.memory_space<hbm>> -> memref<125x80xi32, #tpu.memory_space<hbm>>
      %dma_wait3A_127 = arith.constant 0 : i32
      %dma_wait3A_128 = arith.constant 0 : i32
      %dma_wait3A_129 = tpu.memref_slice %arg5[%add3A, %dma_wait3A_127, %dma_wait3A_128] : memref<32x125x80xi32, #tpu.memory_space<hbm>> -> memref<1x125x80xi32, #tpu.memory_space<hbm>>
      %dma_wait3A_130 = tpu.memref_squeeze %dma_wait3A_129 : memref<1x125x80xi32, #tpu.memory_space<hbm>> -> memref<125x80xi32, #tpu.memory_space<hbm>>
      tpu.wait_dma2 semaphore(%run_scoped3A : memref<!tpu.dma_semaphore, #tpu.memory_space<semaphore_mem>>) src(%dma_wait3A_130 : memref<125x80xi32, #tpu.memory_space<hbm>>) dst(%arg11 : memref<125x80xi32, #tpu.memory_space<vmem>>)
      tpu.yield
    }) : () -> ()
    %lt3A = arith.constant 15 : i32
    %lt3A_3 = arith.cmpi slt, %arg1, %lt3A : i32
    %convert_element_type3A = arith.extui %lt3A_3 : i1 to i32
    %cond3A = arith.constant 0 : i32
    %cond3A_4 = arith.cmpi ne, %convert_element_type3A, %cond3A : i32
    scf.if %cond3A_4 {
      %mul3A_115 = arith.constant 632 : i32
      %mul3A_116 = arith.muli %arg1, %mul3A_115 : i32
      %multiple_of3A_117 = tpu.assume_multiple %mul3A_116, 8 : i32
      "tpu.region"() ({
        %run_scoped3A = tpu.sem_alloc : memref<!tpu.dma_semaphore, #tpu.memory_space<semaphore_mem>>
        %dma_start3A_118 = arith.constant 0 : i32
        %dma_start3A_119 = tpu.memref_slice %arg9[%multiple_of3A_117, %dma_start3A_118] : memref<10000x128xf32, #tpu.memory_space<vmem_shared>> -> memref<632x128xf32, #tpu.memory_space<vmem_shared>>
        %dma_start3A_120 = arith.constant 0 : i32
        %dma_start3A_121 = tpu.memref_slice %arg6[%multiple_of3A_117, %dma_start3A_120] : memref<10000x128xf32, #tpu.memory_space<hbm>> -> memref<632x128xf32, #tpu.memory_space<hbm>>
        tpu.enqueue_dma source(%dma_start3A_121 : memref<632x128xf32, #tpu.memory_space<hbm>>) target(%dma_start3A_119 : memref<632x128xf32, #tpu.memory_space<vmem_shared>>) target_semaphore(%run_scoped3A : memref<!tpu.dma_semaphore, #tpu.memory_space<semaphore_mem>>)
        %dma_wait3A_122 = arith.constant 0 : i32
        %dma_wait3A_123 = tpu.memref_slice %arg9[%multiple_of3A_117, %dma_wait3A_122] : memref<10000x128xf32, #tpu.memory_space<vmem_shared>> -> memref<632x128xf32, #tpu.memory_space<vmem_shared>>
        %dma_wait3A_124 = arith.constant 0 : i32
        %dma_wait3A_125 = tpu.memref_slice %arg6[%multiple_of3A_117, %dma_wait3A_124] : memref<10000x128xf32, #tpu.memory_space<hbm>> -> memref<632x128xf32, #tpu.memory_space<hbm>>
        tpu.wait_dma2 semaphore(%run_scoped3A : memref<!tpu.dma_semaphore, #tpu.memory_space<semaphore_mem>>) src(%dma_wait3A_125 : memref<632x128xf32, #tpu.memory_space<hbm>>) dst(%dma_wait3A_123 : memref<632x128xf32, #tpu.memory_space<vmem_shared>>)
        tpu.yield
      }) : () -> ()
    } else {
    }
    %eq3A = arith.constant 15 : i32
    %eq3A_5 = arith.cmpi eq, %arg1, %eq3A : i32
    %convert_element_type3A_6 = arith.extui %eq3A_5 : i1 to i32
    %cond3A_7 = arith.constant 0 : i32
    %cond3A_8 = arith.cmpi ne, %convert_element_type3A_6, %cond3A_7 : i32
    scf.if %cond3A_8 {
      "tpu.region"() ({
        %run_scoped3A = tpu.sem_alloc : memref<!tpu.dma_semaphore, #tpu.memory_space<semaphore_mem>>
        %dma_start3A_115 = arith.constant 9480 : i32
        %dma_start3A_116 = arith.constant 0 : i32
        %dma_start3A_117 = tpu.memref_slice %arg9[%dma_start3A_115, %dma_start3A_116] : memref<10000x128xf32, #tpu.memory_space<vmem_shared>> -> memref<520x128xf32, #tpu.memory_space<vmem_shared>>
        %dma_start3A_118 = arith.constant 9480 : i32
        %dma_start3A_119 = arith.constant 0 : i32
        %dma_start3A_120 = tpu.memref_slice %arg6[%dma_start3A_118, %dma_start3A_119] : memref<10000x128xf32, #tpu.memory_space<hbm>> -> memref<520x128xf32, #tpu.memory_space<hbm>>
        tpu.enqueue_dma source(%dma_start3A_120 : memref<520x128xf32, #tpu.memory_space<hbm>>) target(%dma_start3A_117 : memref<520x128xf32, #tpu.memory_space<vmem_shared>>) target_semaphore(%run_scoped3A : memref<!tpu.dma_semaphore, #tpu.memory_space<semaphore_mem>>)
        %dma_wait3A_121 = arith.constant 9480 : i32
        %dma_wait3A_122 = arith.constant 0 : i32
        %dma_wait3A_123 = tpu.memref_slice %arg9[%dma_wait3A_121, %dma_wait3A_122] : memref<10000x128xf32, #tpu.memory_space<vmem_shared>> -> memref<520x128xf32, #tpu.memory_space<vmem_shared>>
        %dma_wait3A_124 = arith.constant 9480 : i32
        %dma_wait3A_125 = arith.constant 0 : i32
        %dma_wait3A_126 = tpu.memref_slice %arg6[%dma_wait3A_124, %dma_wait3A_125] : memref<10000x128xf32, #tpu.memory_space<hbm>> -> memref<520x128xf32, #tpu.memory_space<hbm>>
        tpu.wait_dma2 semaphore(%run_scoped3A : memref<!tpu.dma_semaphore, #tpu.memory_space<semaphore_mem>>) src(%dma_wait3A_126 : memref<520x128xf32, #tpu.memory_space<hbm>>) dst(%dma_wait3A_123 : memref<520x128xf32, #tpu.memory_space<vmem_shared>>)
        tpu.yield
      }) : () -> ()
    } else {
    }
    %barrier3A = arith.constant 0 : index
    tpu.barrier barrier_id(%barrier3A)
    %multiple_of3A_9 = arith.constant 0 : i32
    %multiple_of3A_10 = tpu.assume_multiple %multiple_of3A_9, 8 : i32
    %dma_start3A = tpu.memref_slice %arg10[%multiple_of3A_10] : memref<10000xi32, #tpu.memory_space<vmem>> -> memref<80xi32, #tpu.memory_space<vmem>>
    %dma_start3A_11 = arith.constant 0 : i32
    %dma_start3A_12 = arith.constant 0 : i32
    %dma_start3A_13 = tpu.memref_slice %arg2[%dma_start3A_11, %dma_start3A_12] : memref<10000x128xf32, #tpu.memory_space<hbm>> -> memref<10000x128xf32, #tpu.memory_space<hbm>>
    tpu.enqueue_indirect_dma source(%dma_start3A_13 : memref<10000x128xf32, #tpu.memory_space<hbm>>) target(%arg12 : memref<80x128xf32, #tpu.memory_space<vmem>>) offsets(%dma_start3A : memref<80xi32, #tpu.memory_space<vmem>>) semaphore(%arg14 : memref<!tpu.dma_semaphore, #tpu.memory_space<semaphore_mem>>)
    %multiple_of3A_14 = arith.constant 80 : i32
    %multiple_of3A_15 = tpu.assume_multiple %multiple_of3A_14, 8 : i32
    %dma_start3A_16 = tpu.memref_slice %arg10[%multiple_of3A_15] : memref<10000xi32, #tpu.memory_space<vmem>> -> memref<80xi32, #tpu.memory_space<vmem>>
    %dma_start3A_17 = arith.constant 0 : i32
    %dma_start3A_18 = arith.constant 0 : i32
    %dma_start3A_19 = tpu.memref_slice %arg2[%dma_start3A_17, %dma_start3A_18] : memref<10000x128xf32, #tpu.memory_space<hbm>> -> memref<10000x128xf32, #tpu.memory_space<hbm>>
    tpu.enqueue_indirect_dma source(%dma_start3A_19 : memref<10000x128xf32, #tpu.memory_space<hbm>>) target(%arg13 : memref<80x128xf32, #tpu.memory_space<vmem>>) offsets(%dma_start3A_16 : memref<80xi32, #tpu.memory_space<vmem>>) semaphore(%arg15 : memref<!tpu.dma_semaphore, #tpu.memory_space<semaphore_mem>>)
    %scan3A = arith.constant 0 : i32
    %scan3A_20 = arith.constant 0 : i32
    %scan3A_21 = arith.constant 62 : i32
    %scan3A_22 = arith.addi %scan3A_20, %scan3A_21 : i32
    %scan3A_23 = arith.constant 1 : i32
    scf.for %scan3A_115 = %scan3A_20 to %scan3A_22 step %scan3A_23  : i32 {
      %mul3A_116 = arith.constant 2 : i32
      %mul3A_117 = arith.muli %mul3A_116, %scan3A_115 : i32
      %mul3A_118 = arith.constant 80 : i32
      %mul3A_119 = arith.muli %mul3A_117, %mul3A_118 : i32
      %multiple_of3A_120 = tpu.assume_multiple %mul3A_119, 8 : i32
      %dma_wait3A_121 = tpu.memref_slice %arg10[%multiple_of3A_120] : memref<10000xi32, #tpu.memory_space<vmem>> -> memref<80xi32, #tpu.memory_space<vmem>>
      %dma_wait3A_122 = arith.constant 0 : i32
      %dma_wait3A_123 = arith.constant 0 : i32
      %dma_wait3A_124 = tpu.memref_slice %arg2[%dma_wait3A_122, %dma_wait3A_123] : memref<10000x128xf32, #tpu.memory_space<hbm>> -> memref<10000x128xf32, #tpu.memory_space<hbm>>
      tpu.wait_indirect_dma semaphore(%arg14 : memref<!tpu.dma_semaphore, #tpu.memory_space<semaphore_mem>>) src(%dma_wait3A_124 : memref<10000x128xf32, #tpu.memory_space<hbm>>) dst(%arg12 : memref<80x128xf32, #tpu.memory_space<vmem>>)
      %dma_start3A_125 = arith.constant 0 : i32
      %dma_start3A_126 = tpu.memref_slice %arg11[%mul3A_117, %dma_start3A_125] : memref<125x80xi32, #tpu.memory_space<vmem>> -> memref<1x80xi32, #tpu.memory_space<vmem>>
      %dma_start3A_127 = tpu.memref_squeeze %dma_start3A_126 : memref<1x80xi32, #tpu.memory_space<vmem>> -> memref<80xi32, #tpu.memory_space<vmem>>
      %dma_start3A_128 = arith.constant 0 : i32
      %dma_start3A_129 = arith.constant 0 : i32
      %dma_start3A_130 = tpu.memref_slice %arg9[%dma_start3A_128, %dma_start3A_129] : memref<10000x128xf32, #tpu.memory_space<vmem_shared>> -> memref<10000x128xf32, #tpu.memory_space<vmem_shared>>
      tpu.enqueue_indirect_dma source(%arg12 : memref<80x128xf32, #tpu.memory_space<vmem>>) target(%dma_start3A_130 : memref<10000x128xf32, #tpu.memory_space<vmem_shared>>) offsets(%dma_start3A_127 : memref<80xi32, #tpu.memory_space<vmem>>) semaphore(%arg16 : memref<!tpu.dma_semaphore, #tpu.memory_space<semaphore_mem>>) {add = true}
      %dma_wait3A_131 = arith.constant 0 : i32
      %dma_wait3A_132 = tpu.memref_slice %arg11[%mul3A_117, %dma_wait3A_131] : memref<125x80xi32, #tpu.memory_space<vmem>> -> memref<1x80xi32, #tpu.memory_space<vmem>>
      %dma_wait3A_133 = tpu.memref_squeeze %dma_wait3A_132 : memref<1x80xi32, #tpu.memory_space<vmem>> -> memref<80xi32, #tpu.memory_space<vmem>>
      %dma_wait3A_134 = arith.constant 0 : i32
      %dma_wait3A_135 = arith.constant 0 : i32
      %dma_wait3A_136 = tpu.memref_slice %arg9[%dma_wait3A_134, %dma_wait3A_135] : memref<10000x128xf32, #tpu.memory_space<vmem_shared>> -> memref<10000x128xf32, #tpu.memory_space<vmem_shared>>
      tpu.wait_indirect_dma semaphore(%arg16 : memref<!tpu.dma_semaphore, #tpu.memory_space<semaphore_mem>>) src(%arg12 : memref<80x128xf32, #tpu.memory_space<vmem>>) dst(%dma_wait3A_136 : memref<10000x128xf32, #tpu.memory_space<vmem_shared>>)
      %add3A_137 = arith.constant 2 : i32
      %add3A_138 = arith.addi %mul3A_117, %add3A_137 : i32
      %lt3A_139 = arith.constant 125 : i32
      %lt3A_140 = arith.cmpi slt, %add3A_138, %lt3A_139 : i32
      %convert_element_type3A_141 = arith.extui %lt3A_140 : i1 to i32
      %cond3A_142 = arith.constant 0 : i32
      %cond3A_143 = arith.cmpi ne, %convert_element_type3A_141, %cond3A_142 : i32
      scf.if %cond3A_143 {
        %add3A_174 = arith.constant 2 : i32
        %add3A_175 = arith.addi %mul3A_117, %add3A_174 : i32
        %mul3A_176 = arith.constant 80 : i32
        %mul3A_177 = arith.muli %add3A_175, %mul3A_176 : i32
        %multiple_of3A_178 = tpu.assume_multiple %mul3A_177, 8 : i32
        %dma_start3A_179 = tpu.memref_slice %arg10[%multiple_of3A_178] : memref<10000xi32, #tpu.memory_space<vmem>> -> memref<80xi32, #tpu.memory_space<vmem>>
        %dma_start3A_180 = arith.constant 0 : i32
        %dma_start3A_181 = arith.constant 0 : i32
        %dma_start3A_182 = tpu.memref_slice %arg2[%dma_start3A_180, %dma_start3A_181] : memref<10000x128xf32, #tpu.memory_space<hbm>> -> memref<10000x128xf32, #tpu.memory_space<hbm>>
        tpu.enqueue_indirect_dma source(%dma_start3A_182 : memref<10000x128xf32, #tpu.memory_space<hbm>>) target(%arg12 : memref<80x128xf32, #tpu.memory_space<vmem>>) offsets(%dma_start3A_179 : memref<80xi32, #tpu.memory_space<vmem>>) semaphore(%arg14 : memref<!tpu.dma_semaphore, #tpu.memory_space<semaphore_mem>>)
      } else {
      }
      %mul3A_144 = arith.constant 2 : i32
      %mul3A_145 = arith.muli %mul3A_144, %scan3A_115 : i32
      %add3A_146 = arith.constant 1 : i32
      %add3A_147 = arith.addi %mul3A_145, %add3A_146 : i32
      %mul3A_148 = arith.constant 80 : i32
      %mul3A_149 = arith.muli %add3A_147, %mul3A_148 : i32
      %multiple_of3A_150 = tpu.assume_multiple %mul3A_149, 8 : i32
      %dma_wait3A_151 = tpu.memref_slice %arg10[%multiple_of3A_150] : memref<10000xi32, #tpu.memory_space<vmem>> -> memref<80xi32, #tpu.memory_space<vmem>>
      %dma_wait3A_152 = arith.constant 0 : i32
      %dma_wait3A_153 = arith.constant 0 : i32
      %dma_wait3A_154 = tpu.memref_slice %arg2[%dma_wait3A_152, %dma_wait3A_153] : memref<10000x128xf32, #tpu.memory_space<hbm>> -> memref<10000x128xf32, #tpu.memory_space<hbm>>
      tpu.wait_indirect_dma semaphore(%arg15 : memref<!tpu.dma_semaphore, #tpu.memory_space<semaphore_mem>>) src(%dma_wait3A_154 : memref<10000x128xf32, #tpu.memory_space<hbm>>) dst(%arg13 : memref<80x128xf32, #tpu.memory_space<vmem>>)
      %dma_start3A_155 = arith.constant 0 : i32
      %dma_start3A_156 = tpu.memref_slice %arg11[%add3A_147, %dma_start3A_155] : memref<125x80xi32, #tpu.memory_space<vmem>> -> memref<1x80xi32, #tpu.memory_space<vmem>>
      %dma_start3A_157 = tpu.memref_squeeze %dma_start3A_156 : memref<1x80xi32, #tpu.memory_space<vmem>> -> memref<80xi32, #tpu.memory_space<vmem>>
      %dma_start3A_158 = arith.constant 0 : i32
      %dma_start3A_159 = arith.constant 0 : i32
      %dma_start3A_160 = tpu.memref_slice %arg9[%dma_start3A_158, %dma_start3A_159] : memref<10000x128xf32, #tpu.memory_space<vmem_shared>> -> memref<10000x128xf32, #tpu.memory_space<vmem_shared>>
      tpu.enqueue_indirect_dma source(%arg13 : memref<80x128xf32, #tpu.memory_space<vmem>>) target(%dma_start3A_160 : memref<10000x128xf32, #tpu.memory_space<vmem_shared>>) offsets(%dma_start3A_157 : memref<80xi32, #tpu.memory_space<vmem>>) semaphore(%arg17 : memref<!tpu.dma_semaphore, #tpu.memory_space<semaphore_mem>>) {add = true}
      %dma_wait3A_161 = arith.constant 0 : i32
      %dma_wait3A_162 = tpu.memref_slice %arg11[%add3A_147, %dma_wait3A_161] : memref<125x80xi32, #tpu.memory_space<vmem>> -> memref<1x80xi32, #tpu.memory_space<vmem>>
      %dma_wait3A_163 = tpu.memref_squeeze %dma_wait3A_162 : memref<1x80xi32, #tpu.memory_space<vmem>> -> memref<80xi32, #tpu.memory_space<vmem>>
      %dma_wait3A_164 = arith.constant 0 : i32
      %dma_wait3A_165 = arith.constant 0 : i32
      %dma_wait3A_166 = tpu.memref_slice %arg9[%dma_wait3A_164, %dma_wait3A_165] : memref<10000x128xf32, #tpu.memory_space<vmem_shared>> -> memref<10000x128xf32, #tpu.memory_space<vmem_shared>>
      tpu.wait_indirect_dma semaphore(%arg17 : memref<!tpu.dma_semaphore, #tpu.memory_space<semaphore_mem>>) src(%arg13 : memref<80x128xf32, #tpu.memory_space<vmem>>) dst(%dma_wait3A_166 : memref<10000x128xf32, #tpu.memory_space<vmem_shared>>)
      %add3A_167 = arith.constant 2 : i32
      %add3A_168 = arith.addi %add3A_147, %add3A_167 : i32
      %lt3A_169 = arith.constant 125 : i32
      %lt3A_170 = arith.cmpi slt, %add3A_168, %lt3A_169 : i32
      %convert_element_type3A_171 = arith.extui %lt3A_170 : i1 to i32
      %cond3A_172 = arith.constant 0 : i32
      %cond3A_173 = arith.cmpi ne, %convert_element_type3A_171, %cond3A_172 : i32
      scf.if %cond3A_173 {
        %add3A_174 = arith.constant 2 : i32
        %add3A_175 = arith.addi %add3A_147, %add3A_174 : i32
        %mul3A_176 = arith.constant 80 : i32
        %mul3A_177 = arith.muli %add3A_175, %mul3A_176 : i32
        %multiple_of3A_178 = tpu.assume_multiple %mul3A_177, 8 : i32
        %dma_start3A_179 = tpu.memref_slice %arg10[%multiple_of3A_178] : memref<10000xi32, #tpu.memory_space<vmem>> -> memref<80xi32, #tpu.memory_space<vmem>>
        %dma_start3A_180 = arith.constant 0 : i32
        %dma_start3A_181 = arith.constant 0 : i32
        %dma_start3A_182 = tpu.memref_slice %arg2[%dma_start3A_180, %dma_start3A_181] : memref<10000x128xf32, #tpu.memory_space<hbm>> -> memref<10000x128xf32, #tpu.memory_space<hbm>>
        tpu.enqueue_indirect_dma source(%dma_start3A_182 : memref<10000x128xf32, #tpu.memory_space<hbm>>) target(%arg13 : memref<80x128xf32, #tpu.memory_space<vmem>>) offsets(%dma_start3A_179 : memref<80xi32, #tpu.memory_space<vmem>>) semaphore(%arg15 : memref<!tpu.dma_semaphore, #tpu.memory_space<semaphore_mem>>)
      } else {
      }
    }
    %scan3A_24 = arith.constant 62 : i32
    %multiple_of3A_25 = arith.constant 9920 : i32
    %multiple_of3A_26 = tpu.assume_multiple %multiple_of3A_25, 8 : i32
    %dma_wait3A = tpu.memref_slice %arg10[%multiple_of3A_26] : memref<10000xi32, #tpu.memory_space<vmem>> -> memref<80xi32, #tpu.memory_space<vmem>>
    %dma_wait3A_27 = arith.constant 0 : i32
    %dma_wait3A_28 = arith.constant 0 : i32
    %dma_wait3A_29 = tpu.memref_slice %arg2[%dma_wait3A_27, %dma_wait3A_28] : memref<10000x128xf32, #tpu.memory_space<hbm>> -> memref<10000x128xf32, #tpu.memory_space<hbm>>
    tpu.wait_indirect_dma semaphore(%arg14 : memref<!tpu.dma_semaphore, #tpu.memory_space<semaphore_mem>>) src(%dma_wait3A_29 : memref<10000x128xf32, #tpu.memory_space<hbm>>) dst(%arg12 : memref<80x128xf32, #tpu.memory_space<vmem>>)
    %dma_start3A_30 = arith.constant 124 : i32
    %dma_start3A_31 = arith.constant 0 : i32
    %dma_start3A_32 = tpu.memref_slice %arg11[%dma_start3A_30, %dma_start3A_31] : memref<125x80xi32, #tpu.memory_space<vmem>> -> memref<1x80xi32, #tpu.memory_space<vmem>>
    %dma_start3A_33 = tpu.memref_squeeze %dma_start3A_32 : memref<1x80xi32, #tpu.memory_space<vmem>> -> memref<80xi32, #tpu.memory_space<vmem>>
    %dma_start3A_34 = arith.constant 0 : i32
    %dma_start3A_35 = arith.constant 0 : i32
    %dma_start3A_36 = tpu.memref_slice %arg9[%dma_start3A_34, %dma_start3A_35] : memref<10000x128xf32, #tpu.memory_space<vmem_shared>> -> memref<10000x128xf32, #tpu.memory_space<vmem_shared>>
    tpu.enqueue_indirect_dma source(%arg12 : memref<80x128xf32, #tpu.memory_space<vmem>>) target(%dma_start3A_36 : memref<10000x128xf32, #tpu.memory_space<vmem_shared>>) offsets(%dma_start3A_33 : memref<80xi32, #tpu.memory_space<vmem>>) semaphore(%arg16 : memref<!tpu.dma_semaphore, #tpu.memory_space<semaphore_mem>>) {add = true}
    %dma_wait3A_37 = arith.constant 124 : i32
    %dma_wait3A_38 = arith.constant 0 : i32
    %dma_wait3A_39 = tpu.memref_slice %arg11[%dma_wait3A_37, %dma_wait3A_38] : memref<125x80xi32, #tpu.memory_space<vmem>> -> memref<1x80xi32, #tpu.memory_space<vmem>>
    %dma_wait3A_40 = tpu.memref_squeeze %dma_wait3A_39 : memref<1x80xi32, #tpu.memory_space<vmem>> -> memref<80xi32, #tpu.memory_space<vmem>>
    %dma_wait3A_41 = arith.constant 0 : i32
    %dma_wait3A_42 = arith.constant 0 : i32
    %dma_wait3A_43 = tpu.memref_slice %arg9[%dma_wait3A_41, %dma_wait3A_42] : memref<10000x128xf32, #tpu.memory_space<vmem_shared>> -> memref<10000x128xf32, #tpu.memory_space<vmem_shared>>
    tpu.wait_indirect_dma semaphore(%arg16 : memref<!tpu.dma_semaphore, #tpu.memory_space<semaphore_mem>>) src(%arg12 : memref<80x128xf32, #tpu.memory_space<vmem>>) dst(%dma_wait3A_43 : memref<10000x128xf32, #tpu.memory_space<vmem_shared>>)
    %barrier3A_44 = arith.constant 0 : index
    tpu.barrier barrier_id(%barrier3A_44)
    %lt3A_45 = arith.constant 15 : i32
    %lt3A_46 = arith.cmpi slt, %arg1, %lt3A_45 : i32
    %convert_element_type3A_47 = arith.extui %lt3A_46 : i1 to i32
    %cond3A_48 = arith.constant 0 : i32
    %cond3A_49 = arith.cmpi ne, %convert_element_type3A_47, %cond3A_48 : i32
    scf.if %cond3A_49 {
      %mul3A_115 = arith.constant 632 : i32
      %mul3A_116 = arith.muli %arg1, %mul3A_115 : i32
      %multiple_of3A_117 = tpu.assume_multiple %mul3A_116, 8 : i32
      %mul3A_118 = arith.constant 10000 : i32
      %mul3A_119 = arith.muli %arg0, %mul3A_118 : i32
      %add3A_120 = arith.addi %mul3A_119, %multiple_of3A_117 : i32
      %multiple_of3A_121 = tpu.assume_multiple %add3A_120, 8 : i32
      "tpu.region"() ({
        %run_scoped3A = tpu.sem_alloc : memref<!tpu.dma_semaphore, #tpu.memory_space<semaphore_mem>>
        %dma_start3A_122 = arith.constant 0 : i32
        %dma_start3A_123 = tpu.memref_slice %arg7[%multiple_of3A_121, %dma_start3A_122] : memref<20000x128xf32, #tpu.memory_space<hbm>> -> memref<632x128xf32, #tpu.memory_space<hbm>>
        %dma_start3A_124 = arith.constant 0 : i32
        %dma_start3A_125 = tpu.memref_slice %arg9[%multiple_of3A_117, %dma_start3A_124] : memref<10000x128xf32, #tpu.memory_space<vmem_shared>> -> memref<632x128xf32, #tpu.memory_space<vmem_shared>>
        tpu.enqueue_dma source(%dma_start3A_125 : memref<632x128xf32, #tpu.memory_space<vmem_shared>>) target(%dma_start3A_123 : memref<632x128xf32, #tpu.memory_space<hbm>>) target_semaphore(%run_scoped3A : memref<!tpu.dma_semaphore, #tpu.memory_space<semaphore_mem>>)
        %dma_wait3A_126 = arith.constant 0 : i32
        %dma_wait3A_127 = tpu.memref_slice %arg7[%multiple_of3A_121, %dma_wait3A_126] : memref<20000x128xf32, #tpu.memory_space<hbm>> -> memref<632x128xf32, #tpu.memory_space<hbm>>
        %dma_wait3A_128 = arith.constant 0 : i32
        %dma_wait3A_129 = tpu.memref_slice %arg9[%multiple_of3A_117, %dma_wait3A_128] : memref<10000x128xf32, #tpu.memory_space<vmem_shared>> -> memref<632x128xf32, #tpu.memory_space<vmem_shared>>
        tpu.wait_dma2 semaphore(%run_scoped3A : memref<!tpu.dma_semaphore, #tpu.memory_space<semaphore_mem>>) src(%dma_wait3A_129 : memref<632x128xf32, #tpu.memory_space<vmem_shared>>) dst(%dma_wait3A_127 : memref<632x128xf32, #tpu.memory_space<hbm>>)
        tpu.yield
      }) : () -> ()
    } else {
    }
    %eq3A_50 = arith.constant 15 : i32
    %eq3A_51 = arith.cmpi eq, %arg1, %eq3A_50 : i32
    %convert_element_type3A_52 = arith.extui %eq3A_51 : i1 to i32
    %cond3A_53 = arith.constant 0 : i32
    %cond3A_54 = arith.cmpi ne, %convert_element_type3A_52, %cond3A_53 : i32
    scf.if %cond3A_54 {
      %mul3A_115 = arith.constant 10000 : i32
      %mul3A_116 = arith.muli %arg0, %mul3A_115 : i32
      %add3A_117 = arith.constant 9480 : i32
      %add3A_118 = arith.addi %mul3A_116, %add3A_117 : i32
      %multiple_of3A_119 = tpu.assume_multiple %add3A_118, 8 : i32
      "tpu.region"() ({
        %run_scoped3A = tpu.sem_alloc : memref<!tpu.dma_semaphore, #tpu.memory_space<semaphore_mem>>
        %dma_start3A_120 = arith.constant 0 : i32
        %dma_start3A_121 = tpu.memref_slice %arg7[%multiple_of3A_119, %dma_start3A_120] : memref<20000x128xf32, #tpu.memory_space<hbm>> -> memref<520x128xf32, #tpu.memory_space<hbm>>
        %dma_start3A_122 = arith.constant 9480 : i32
        %dma_start3A_123 = arith.constant 0 : i32
        %dma_start3A_124 = tpu.memref_slice %arg9[%dma_start3A_122, %dma_start3A_123] : memref<10000x128xf32, #tpu.memory_space<vmem_shared>> -> memref<520x128xf32, #tpu.memory_space<vmem_shared>>
        tpu.enqueue_dma source(%dma_start3A_124 : memref<520x128xf32, #tpu.memory_space<vmem_shared>>) target(%dma_start3A_121 : memref<520x128xf32, #tpu.memory_space<hbm>>) target_semaphore(%run_scoped3A : memref<!tpu.dma_semaphore, #tpu.memory_space<semaphore_mem>>)
        %dma_wait3A_125 = arith.constant 0 : i32
        %dma_wait3A_126 = tpu.memref_slice %arg7[%multiple_of3A_119, %dma_wait3A_125] : memref<20000x128xf32, #tpu.memory_space<hbm>> -> memref<520x128xf32, #tpu.memory_space<hbm>>
        %dma_wait3A_127 = arith.constant 9480 : i32
        %dma_wait3A_128 = arith.constant 0 : i32
        %dma_wait3A_129 = tpu.memref_slice %arg9[%dma_wait3A_127, %dma_wait3A_128] : memref<10000x128xf32, #tpu.memory_space<vmem_shared>> -> memref<520x128xf32, #tpu.memory_space<vmem_shared>>
        tpu.wait_dma2 semaphore(%run_scoped3A : memref<!tpu.dma_semaphore, #tpu.memory_space<semaphore_mem>>) src(%dma_wait3A_129 : memref<520x128xf32, #tpu.memory_space<vmem_shared>>) dst(%dma_wait3A_126 : memref<520x128xf32, #tpu.memory_space<hbm>>)
        tpu.yield
      }) : () -> ()
    } else {
    }
    %lt3A_55 = arith.constant 15 : i32
    %lt3A_56 = arith.cmpi slt, %arg1, %lt3A_55 : i32
    %convert_element_type3A_57 = arith.extui %lt3A_56 : i1 to i32
    %cond3A_58 = arith.constant 0 : i32
    %cond3A_59 = arith.cmpi ne, %convert_element_type3A_57, %cond3A_58 : i32
    scf.if %cond3A_59 {
      %mul3A_115 = arith.constant 632 : i32
      %mul3A_116 = arith.muli %arg1, %mul3A_115 : i32
      %multiple_of3A_117 = tpu.assume_multiple %mul3A_116, 8 : i32
      "tpu.region"() ({
        %run_scoped3A = tpu.sem_alloc : memref<!tpu.dma_semaphore, #tpu.memory_space<semaphore_mem>>
        %dma_start3A_118 = arith.constant 0 : i32
        %dma_start3A_119 = tpu.memref_slice %arg9[%multiple_of3A_117, %dma_start3A_118] : memref<10000x128xf32, #tpu.memory_space<vmem_shared>> -> memref<632x128xf32, #tpu.memory_space<vmem_shared>>
        %dma_start3A_120 = arith.constant 0 : i32
        %dma_start3A_121 = tpu.memref_slice %arg6[%multiple_of3A_117, %dma_start3A_120] : memref<10000x128xf32, #tpu.memory_space<hbm>> -> memref<632x128xf32, #tpu.memory_space<hbm>>
        tpu.enqueue_dma source(%dma_start3A_121 : memref<632x128xf32, #tpu.memory_space<hbm>>) target(%dma_start3A_119 : memref<632x128xf32, #tpu.memory_space<vmem_shared>>) target_semaphore(%run_scoped3A : memref<!tpu.dma_semaphore, #tpu.memory_space<semaphore_mem>>)
        %dma_wait3A_122 = arith.constant 0 : i32
        %dma_wait3A_123 = tpu.memref_slice %arg9[%multiple_of3A_117, %dma_wait3A_122] : memref<10000x128xf32, #tpu.memory_space<vmem_shared>> -> memref<632x128xf32, #tpu.memory_space<vmem_shared>>
        %dma_wait3A_124 = arith.constant 0 : i32
        %dma_wait3A_125 = tpu.memref_slice %arg6[%multiple_of3A_117, %dma_wait3A_124] : memref<10000x128xf32, #tpu.memory_space<hbm>> -> memref<632x128xf32, #tpu.memory_space<hbm>>
        tpu.wait_dma2 semaphore(%run_scoped3A : memref<!tpu.dma_semaphore, #tpu.memory_space<semaphore_mem>>) src(%dma_wait3A_125 : memref<632x128xf32, #tpu.memory_space<hbm>>) dst(%dma_wait3A_123 : memref<632x128xf32, #tpu.memory_space<vmem_shared>>)
        tpu.yield
      }) : () -> ()
    } else {
    }
    %eq3A_60 = arith.constant 15 : i32
    %eq3A_61 = arith.cmpi eq, %arg1, %eq3A_60 : i32
    %convert_element_type3A_62 = arith.extui %eq3A_61 : i1 to i32
    %cond3A_63 = arith.constant 0 : i32
    %cond3A_64 = arith.cmpi ne, %convert_element_type3A_62, %cond3A_63 : i32
    scf.if %cond3A_64 {
      "tpu.region"() ({
        %run_scoped3A = tpu.sem_alloc : memref<!tpu.dma_semaphore, #tpu.memory_space<semaphore_mem>>
        %dma_start3A_115 = arith.constant 9480 : i32
        %dma_start3A_116 = arith.constant 0 : i32
        %dma_start3A_117 = tpu.memref_slice %arg9[%dma_start3A_115, %dma_start3A_116] : memref<10000x128xf32, #tpu.memory_space<vmem_shared>> -> memref<520x128xf32, #tpu.memory_space<vmem_shared>>
        %dma_start3A_118 = arith.constant 9480 : i32
        %dma_start3A_119 = arith.constant 0 : i32
        %dma_start3A_120 = tpu.memref_slice %arg6[%dma_start3A_118, %dma_start3A_119] : memref<10000x128xf32, #tpu.memory_space<hbm>> -> memref<520x128xf32, #tpu.memory_space<hbm>>
        tpu.enqueue_dma source(%dma_start3A_120 : memref<520x128xf32, #tpu.memory_space<hbm>>) target(%dma_start3A_117 : memref<520x128xf32, #tpu.memory_space<vmem_shared>>) target_semaphore(%run_scoped3A : memref<!tpu.dma_semaphore, #tpu.memory_space<semaphore_mem>>)
        %dma_wait3A_121 = arith.constant 9480 : i32
        %dma_wait3A_122 = arith.constant 0 : i32
        %dma_wait3A_123 = tpu.memref_slice %arg9[%dma_wait3A_121, %dma_wait3A_122] : memref<10000x128xf32, #tpu.memory_space<vmem_shared>> -> memref<520x128xf32, #tpu.memory_space<vmem_shared>>
        %dma_wait3A_124 = arith.constant 9480 : i32
        %dma_wait3A_125 = arith.constant 0 : i32
        %dma_wait3A_126 = tpu.memref_slice %arg6[%dma_wait3A_124, %dma_wait3A_125] : memref<10000x128xf32, #tpu.memory_space<hbm>> -> memref<520x128xf32, #tpu.memory_space<hbm>>
        tpu.wait_dma2 semaphore(%run_scoped3A : memref<!tpu.dma_semaphore, #tpu.memory_space<semaphore_mem>>) src(%dma_wait3A_126 : memref<520x128xf32, #tpu.memory_space<hbm>>) dst(%dma_wait3A_123 : memref<520x128xf32, #tpu.memory_space<vmem_shared>>)
        tpu.yield
      }) : () -> ()
    } else {
    }
    %barrier3A_65 = arith.constant 0 : index
    tpu.barrier barrier_id(%barrier3A_65)
    %multiple_of3A_66 = arith.constant 0 : i32
    %multiple_of3A_67 = tpu.assume_multiple %multiple_of3A_66, 8 : i32
    %dma_start3A_68 = tpu.memref_slice %arg10[%multiple_of3A_67] : memref<10000xi32, #tpu.memory_space<vmem>> -> memref<80xi32, #tpu.memory_space<vmem>>
    %dma_start3A_69 = arith.constant 0 : i32
    %dma_start3A_70 = arith.constant 0 : i32
    %dma_start3A_71 = tpu.memref_slice %arg3[%dma_start3A_69, %dma_start3A_70] : memref<10000x128xf32, #tpu.memory_space<hbm>> -> memref<10000x128xf32, #tpu.memory_space<hbm>>
    tpu.enqueue_indirect_dma source(%dma_start3A_71 : memref<10000x128xf32, #tpu.memory_space<hbm>>) target(%arg12 : memref<80x128xf32, #tpu.memory_space<vmem>>) offsets(%dma_start3A_68 : memref<80xi32, #tpu.memory_space<vmem>>) semaphore(%arg14 : memref<!tpu.dma_semaphore, #tpu.memory_space<semaphore_mem>>)
    %multiple_of3A_72 = arith.constant 80 : i32
    %multiple_of3A_73 = tpu.assume_multiple %multiple_of3A_72, 8 : i32
    %dma_start3A_74 = tpu.memref_slice %arg10[%multiple_of3A_73] : memref<10000xi32, #tpu.memory_space<vmem>> -> memref<80xi32, #tpu.memory_space<vmem>>
    %dma_start3A_75 = arith.constant 0 : i32
    %dma_start3A_76 = arith.constant 0 : i32
    %dma_start3A_77 = tpu.memref_slice %arg3[%dma_start3A_75, %dma_start3A_76] : memref<10000x128xf32, #tpu.memory_space<hbm>> -> memref<10000x128xf32, #tpu.memory_space<hbm>>
    tpu.enqueue_indirect_dma source(%dma_start3A_77 : memref<10000x128xf32, #tpu.memory_space<hbm>>) target(%arg13 : memref<80x128xf32, #tpu.memory_space<vmem>>) offsets(%dma_start3A_74 : memref<80xi32, #tpu.memory_space<vmem>>) semaphore(%arg15 : memref<!tpu.dma_semaphore, #tpu.memory_space<semaphore_mem>>)
    %scan3A_78 = arith.constant 0 : i32
    %scan3A_79 = arith.constant 0 : i32
    %scan3A_80 = arith.constant 62 : i32
    %scan3A_81 = arith.addi %scan3A_79, %scan3A_80 : i32
    %scan3A_82 = arith.constant 1 : i32
    scf.for %scan3A_115 = %scan3A_79 to %scan3A_81 step %scan3A_82  : i32 {
      %mul3A_116 = arith.constant 2 : i32
      %mul3A_117 = arith.muli %mul3A_116, %scan3A_115 : i32
      %mul3A_118 = arith.constant 80 : i32
      %mul3A_119 = arith.muli %mul3A_117, %mul3A_118 : i32
      %multiple_of3A_120 = tpu.assume_multiple %mul3A_119, 8 : i32
      %dma_wait3A_121 = tpu.memref_slice %arg10[%multiple_of3A_120] : memref<10000xi32, #tpu.memory_space<vmem>> -> memref<80xi32, #tpu.memory_space<vmem>>
      %dma_wait3A_122 = arith.constant 0 : i32
      %dma_wait3A_123 = arith.constant 0 : i32
      %dma_wait3A_124 = tpu.memref_slice %arg3[%dma_wait3A_122, %dma_wait3A_123] : memref<10000x128xf32, #tpu.memory_space<hbm>> -> memref<10000x128xf32, #tpu.memory_space<hbm>>
      tpu.wait_indirect_dma semaphore(%arg14 : memref<!tpu.dma_semaphore, #tpu.memory_space<semaphore_mem>>) src(%dma_wait3A_124 : memref<10000x128xf32, #tpu.memory_space<hbm>>) dst(%arg12 : memref<80x128xf32, #tpu.memory_space<vmem>>)
      %dma_start3A_125 = arith.constant 0 : i32
      %dma_start3A_126 = tpu.memref_slice %arg11[%mul3A_117, %dma_start3A_125] : memref<125x80xi32, #tpu.memory_space<vmem>> -> memref<1x80xi32, #tpu.memory_space<vmem>>
      %dma_start3A_127 = tpu.memref_squeeze %dma_start3A_126 : memref<1x80xi32, #tpu.memory_space<vmem>> -> memref<80xi32, #tpu.memory_space<vmem>>
      %dma_start3A_128 = arith.constant 0 : i32
      %dma_start3A_129 = arith.constant 0 : i32
      %dma_start3A_130 = tpu.memref_slice %arg9[%dma_start3A_128, %dma_start3A_129] : memref<10000x128xf32, #tpu.memory_space<vmem_shared>> -> memref<10000x128xf32, #tpu.memory_space<vmem_shared>>
      tpu.enqueue_indirect_dma source(%arg12 : memref<80x128xf32, #tpu.memory_space<vmem>>) target(%dma_start3A_130 : memref<10000x128xf32, #tpu.memory_space<vmem_shared>>) offsets(%dma_start3A_127 : memref<80xi32, #tpu.memory_space<vmem>>) semaphore(%arg16 : memref<!tpu.dma_semaphore, #tpu.memory_space<semaphore_mem>>) {add = true}
      %dma_wait3A_131 = arith.constant 0 : i32
      %dma_wait3A_132 = tpu.memref_slice %arg11[%mul3A_117, %dma_wait3A_131] : memref<125x80xi32, #tpu.memory_space<vmem>> -> memref<1x80xi32, #tpu.memory_space<vmem>>
      %dma_wait3A_133 = tpu.memref_squeeze %dma_wait3A_132 : memref<1x80xi32, #tpu.memory_space<vmem>> -> memref<80xi32, #tpu.memory_space<vmem>>
      %dma_wait3A_134 = arith.constant 0 : i32
      %dma_wait3A_135 = arith.constant 0 : i32
      %dma_wait3A_136 = tpu.memref_slice %arg9[%dma_wait3A_134, %dma_wait3A_135] : memref<10000x128xf32, #tpu.memory_space<vmem_shared>> -> memref<10000x128xf32, #tpu.memory_space<vmem_shared>>
      tpu.wait_indirect_dma semaphore(%arg16 : memref<!tpu.dma_semaphore, #tpu.memory_space<semaphore_mem>>) src(%arg12 : memref<80x128xf32, #tpu.memory_space<vmem>>) dst(%dma_wait3A_136 : memref<10000x128xf32, #tpu.memory_space<vmem_shared>>)
      %add3A_137 = arith.constant 2 : i32
      %add3A_138 = arith.addi %mul3A_117, %add3A_137 : i32
      %lt3A_139 = arith.constant 125 : i32
      %lt3A_140 = arith.cmpi slt, %add3A_138, %lt3A_139 : i32
      %convert_element_type3A_141 = arith.extui %lt3A_140 : i1 to i32
      %cond3A_142 = arith.constant 0 : i32
      %cond3A_143 = arith.cmpi ne, %convert_element_type3A_141, %cond3A_142 : i32
      scf.if %cond3A_143 {
        %add3A_174 = arith.constant 2 : i32
        %add3A_175 = arith.addi %mul3A_117, %add3A_174 : i32
        %mul3A_176 = arith.constant 80 : i32
        %mul3A_177 = arith.muli %add3A_175, %mul3A_176 : i32
        %multiple_of3A_178 = tpu.assume_multiple %mul3A_177, 8 : i32
        %dma_start3A_179 = tpu.memref_slice %arg10[%multiple_of3A_178] : memref<10000xi32, #tpu.memory_space<vmem>> -> memref<80xi32, #tpu.memory_space<vmem>>
        %dma_start3A_180 = arith.constant 0 : i32
        %dma_start3A_181 = arith.constant 0 : i32
        %dma_start3A_182 = tpu.memref_slice %arg3[%dma_start3A_180, %dma_start3A_181] : memref<10000x128xf32, #tpu.memory_space<hbm>> -> memref<10000x128xf32, #tpu.memory_space<hbm>>
        tpu.enqueue_indirect_dma source(%dma_start3A_182 : memref<10000x128xf32, #tpu.memory_space<hbm>>) target(%arg12 : memref<80x128xf32, #tpu.memory_space<vmem>>) offsets(%dma_start3A_179 : memref<80xi32, #tpu.memory_space<vmem>>) semaphore(%arg14 : memref<!tpu.dma_semaphore, #tpu.memory_space<semaphore_mem>>)
      } else {
      }
      %mul3A_144 = arith.constant 2 : i32
      %mul3A_145 = arith.muli %mul3A_144, %scan3A_115 : i32
      %add3A_146 = arith.constant 1 : i32
      %add3A_147 = arith.addi %mul3A_145, %add3A_146 : i32
      %mul3A_148 = arith.constant 80 : i32
      %mul3A_149 = arith.muli %add3A_147, %mul3A_148 : i32
      %multiple_of3A_150 = tpu.assume_multiple %mul3A_149, 8 : i32
      %dma_wait3A_151 = tpu.memref_slice %arg10[%multiple_of3A_150] : memref<10000xi32, #tpu.memory_space<vmem>> -> memref<80xi32, #tpu.memory_space<vmem>>
      %dma_wait3A_152 = arith.constant 0 : i32
      %dma_wait3A_153 = arith.constant 0 : i32
      %dma_wait3A_154 = tpu.memref_slice %arg3[%dma_wait3A_152, %dma_wait3A_153] : memref<10000x128xf32, #tpu.memory_space<hbm>> -> memref<10000x128xf32, #tpu.memory_space<hbm>>
      tpu.wait_indirect_dma semaphore(%arg15 : memref<!tpu.dma_semaphore, #tpu.memory_space<semaphore_mem>>) src(%dma_wait3A_154 : memref<10000x128xf32, #tpu.memory_space<hbm>>) dst(%arg13 : memref<80x128xf32, #tpu.memory_space<vmem>>)
      %dma_start3A_155 = arith.constant 0 : i32
      %dma_start3A_156 = tpu.memref_slice %arg11[%add3A_147, %dma_start3A_155] : memref<125x80xi32, #tpu.memory_space<vmem>> -> memref<1x80xi32, #tpu.memory_space<vmem>>
      %dma_start3A_157 = tpu.memref_squeeze %dma_start3A_156 : memref<1x80xi32, #tpu.memory_space<vmem>> -> memref<80xi32, #tpu.memory_space<vmem>>
      %dma_start3A_158 = arith.constant 0 : i32
      %dma_start3A_159 = arith.constant 0 : i32
      %dma_start3A_160 = tpu.memref_slice %arg9[%dma_start3A_158, %dma_start3A_159] : memref<10000x128xf32, #tpu.memory_space<vmem_shared>> -> memref<10000x128xf32, #tpu.memory_space<vmem_shared>>
      tpu.enqueue_indirect_dma source(%arg13 : memref<80x128xf32, #tpu.memory_space<vmem>>) target(%dma_start3A_160 : memref<10000x128xf32, #tpu.memory_space<vmem_shared>>) offsets(%dma_start3A_157 : memref<80xi32, #tpu.memory_space<vmem>>) semaphore(%arg17 : memref<!tpu.dma_semaphore, #tpu.memory_space<semaphore_mem>>) {add = true}
      %dma_wait3A_161 = arith.constant 0 : i32
      %dma_wait3A_162 = tpu.memref_slice %arg11[%add3A_147, %dma_wait3A_161] : memref<125x80xi32, #tpu.memory_space<vmem>> -> memref<1x80xi32, #tpu.memory_space<vmem>>
      %dma_wait3A_163 = tpu.memref_squeeze %dma_wait3A_162 : memref<1x80xi32, #tpu.memory_space<vmem>> -> memref<80xi32, #tpu.memory_space<vmem>>
      %dma_wait3A_164 = arith.constant 0 : i32
      %dma_wait3A_165 = arith.constant 0 : i32
      %dma_wait3A_166 = tpu.memref_slice %arg9[%dma_wait3A_164, %dma_wait3A_165] : memref<10000x128xf32, #tpu.memory_space<vmem_shared>> -> memref<10000x128xf32, #tpu.memory_space<vmem_shared>>
      tpu.wait_indirect_dma semaphore(%arg17 : memref<!tpu.dma_semaphore, #tpu.memory_space<semaphore_mem>>) src(%arg13 : memref<80x128xf32, #tpu.memory_space<vmem>>) dst(%dma_wait3A_166 : memref<10000x128xf32, #tpu.memory_space<vmem_shared>>)
      %add3A_167 = arith.constant 2 : i32
      %add3A_168 = arith.addi %add3A_147, %add3A_167 : i32
      %lt3A_169 = arith.constant 125 : i32
      %lt3A_170 = arith.cmpi slt, %add3A_168, %lt3A_169 : i32
      %convert_element_type3A_171 = arith.extui %lt3A_170 : i1 to i32
      %cond3A_172 = arith.constant 0 : i32
      %cond3A_173 = arith.cmpi ne, %convert_element_type3A_171, %cond3A_172 : i32
      scf.if %cond3A_173 {
        %add3A_174 = arith.constant 2 : i32
        %add3A_175 = arith.addi %add3A_147, %add3A_174 : i32
        %mul3A_176 = arith.constant 80 : i32
        %mul3A_177 = arith.muli %add3A_175, %mul3A_176 : i32
        %multiple_of3A_178 = tpu.assume_multiple %mul3A_177, 8 : i32
        %dma_start3A_179 = tpu.memref_slice %arg10[%multiple_of3A_178] : memref<10000xi32, #tpu.memory_space<vmem>> -> memref<80xi32, #tpu.memory_space<vmem>>
        %dma_start3A_180 = arith.constant 0 : i32
        %dma_start3A_181 = arith.constant 0 : i32
        %dma_start3A_182 = tpu.memref_slice %arg3[%dma_start3A_180, %dma_start3A_181] : memref<10000x128xf32, #tpu.memory_space<hbm>> -> memref<10000x128xf32, #tpu.memory_space<hbm>>
        tpu.enqueue_indirect_dma source(%dma_start3A_182 : memref<10000x128xf32, #tpu.memory_space<hbm>>) target(%arg13 : memref<80x128xf32, #tpu.memory_space<vmem>>) offsets(%dma_start3A_179 : memref<80xi32, #tpu.memory_space<vmem>>) semaphore(%arg15 : memref<!tpu.dma_semaphore, #tpu.memory_space<semaphore_mem>>)
      } else {
      }
    }
    %scan3A_83 = arith.constant 62 : i32
    %multiple_of3A_84 = arith.constant 9920 : i32
    %multiple_of3A_85 = tpu.assume_multiple %multiple_of3A_84, 8 : i32
    %dma_wait3A_86 = tpu.memref_slice %arg10[%multiple_of3A_85] : memref<10000xi32, #tpu.memory_space<vmem>> -> memref<80xi32, #tpu.memory_space<vmem>>
    %dma_wait3A_87 = arith.constant 0 : i32
    %dma_wait3A_88 = arith.constant 0 : i32
    %dma_wait3A_89 = tpu.memref_slice %arg3[%dma_wait3A_87, %dma_wait3A_88] : memref<10000x128xf32, #tpu.memory_space<hbm>> -> memref<10000x128xf32, #tpu.memory_space<hbm>>
    tpu.wait_indirect_dma semaphore(%arg14 : memref<!tpu.dma_semaphore, #tpu.memory_space<semaphore_mem>>) src(%dma_wait3A_89 : memref<10000x128xf32, #tpu.memory_space<hbm>>) dst(%arg12 : memref<80x128xf32, #tpu.memory_space<vmem>>)
    %dma_start3A_90 = arith.constant 124 : i32
    %dma_start3A_91 = arith.constant 0 : i32
    %dma_start3A_92 = tpu.memref_slice %arg11[%dma_start3A_90, %dma_start3A_91] : memref<125x80xi32, #tpu.memory_space<vmem>> -> memref<1x80xi32, #tpu.memory_space<vmem>>
    %dma_start3A_93 = tpu.memref_squeeze %dma_start3A_92 : memref<1x80xi32, #tpu.memory_space<vmem>> -> memref<80xi32, #tpu.memory_space<vmem>>
    %dma_start3A_94 = arith.constant 0 : i32
    %dma_start3A_95 = arith.constant 0 : i32
    %dma_start3A_96 = tpu.memref_slice %arg9[%dma_start3A_94, %dma_start3A_95] : memref<10000x128xf32, #tpu.memory_space<vmem_shared>> -> memref<10000x128xf32, #tpu.memory_space<vmem_shared>>
    tpu.enqueue_indirect_dma source(%arg12 : memref<80x128xf32, #tpu.memory_space<vmem>>) target(%dma_start3A_96 : memref<10000x128xf32, #tpu.memory_space<vmem_shared>>) offsets(%dma_start3A_93 : memref<80xi32, #tpu.memory_space<vmem>>) semaphore(%arg16 : memref<!tpu.dma_semaphore, #tpu.memory_space<semaphore_mem>>) {add = true}
    %dma_wait3A_97 = arith.constant 124 : i32
    %dma_wait3A_98 = arith.constant 0 : i32
    %dma_wait3A_99 = tpu.memref_slice %arg11[%dma_wait3A_97, %dma_wait3A_98] : memref<125x80xi32, #tpu.memory_space<vmem>> -> memref<1x80xi32, #tpu.memory_space<vmem>>
    %dma_wait3A_100 = tpu.memref_squeeze %dma_wait3A_99 : memref<1x80xi32, #tpu.memory_space<vmem>> -> memref<80xi32, #tpu.memory_space<vmem>>
    %dma_wait3A_101 = arith.constant 0 : i32
    %dma_wait3A_102 = arith.constant 0 : i32
    %dma_wait3A_103 = tpu.memref_slice %arg9[%dma_wait3A_101, %dma_wait3A_102] : memref<10000x128xf32, #tpu.memory_space<vmem_shared>> -> memref<10000x128xf32, #tpu.memory_space<vmem_shared>>
    tpu.wait_indirect_dma semaphore(%arg16 : memref<!tpu.dma_semaphore, #tpu.memory_space<semaphore_mem>>) src(%arg12 : memref<80x128xf32, #tpu.memory_space<vmem>>) dst(%dma_wait3A_103 : memref<10000x128xf32, #tpu.memory_space<vmem_shared>>)
    %barrier3A_104 = arith.constant 0 : index
    tpu.barrier barrier_id(%barrier3A_104)
    %lt3A_105 = arith.constant 15 : i32
    %lt3A_106 = arith.cmpi slt, %arg1, %lt3A_105 : i32
    %convert_element_type3A_107 = arith.extui %lt3A_106 : i1 to i32
    %cond3A_108 = arith.constant 0 : i32
    %cond3A_109 = arith.cmpi ne, %convert_element_type3A_107, %cond3A_108 : i32
    scf.if %cond3A_109 {
      %mul3A_115 = arith.constant 632 : i32
      %mul3A_116 = arith.muli %arg1, %mul3A_115 : i32
      %multiple_of3A_117 = tpu.assume_multiple %mul3A_116, 8 : i32
      %mul3A_118 = arith.constant 10000 : i32
      %mul3A_119 = arith.muli %arg0, %mul3A_118 : i32
      %add3A_120 = arith.addi %mul3A_119, %multiple_of3A_117 : i32
      %multiple_of3A_121 = tpu.assume_multiple %add3A_120, 8 : i32
      "tpu.region"() ({
        %run_scoped3A = tpu.sem_alloc : memref<!tpu.dma_semaphore, #tpu.memory_space<semaphore_mem>>
        %dma_start3A_122 = arith.constant 0 : i32
        %dma_start3A_123 = tpu.memref_slice %arg8[%multiple_of3A_121, %dma_start3A_122] : memref<20000x128xf32, #tpu.memory_space<hbm>> -> memref<632x128xf32, #tpu.memory_space<hbm>>
        %dma_start3A_124 = arith.constant 0 : i32
        %dma_start3A_125 = tpu.memref_slice %arg9[%multiple_of3A_117, %dma_start3A_124] : memref<10000x128xf32, #tpu.memory_space<vmem_shared>> -> memref<632x128xf32, #tpu.memory_space<vmem_shared>>
        tpu.enqueue_dma source(%dma_start3A_125 : memref<632x128xf32, #tpu.memory_space<vmem_shared>>) target(%dma_start3A_123 : memref<632x128xf32, #tpu.memory_space<hbm>>) target_semaphore(%run_scoped3A : memref<!tpu.dma_semaphore, #tpu.memory_space<semaphore_mem>>)
        %dma_wait3A_126 = arith.constant 0 : i32
        %dma_wait3A_127 = tpu.memref_slice %arg8[%multiple_of3A_121, %dma_wait3A_126] : memref<20000x128xf32, #tpu.memory_space<hbm>> -> memref<632x128xf32, #tpu.memory_space<hbm>>
        %dma_wait3A_128 = arith.constant 0 : i32
        %dma_wait3A_129 = tpu.memref_slice %arg9[%multiple_of3A_117, %dma_wait3A_128] : memref<10000x128xf32, #tpu.memory_space<vmem_shared>> -> memref<632x128xf32, #tpu.memory_space<vmem_shared>>
        tpu.wait_dma2 semaphore(%run_scoped3A : memref<!tpu.dma_semaphore, #tpu.memory_space<semaphore_mem>>) src(%dma_wait3A_129 : memref<632x128xf32, #tpu.memory_space<vmem_shared>>) dst(%dma_wait3A_127 : memref<632x128xf32, #tpu.memory_space<hbm>>)
        tpu.yield
      }) : () -> ()
    } else {
    }
    %eq3A_110 = arith.constant 15 : i32
    %eq3A_111 = arith.cmpi eq, %arg1, %eq3A_110 : i32
    %convert_element_type3A_112 = arith.extui %eq3A_111 : i1 to i32
    %cond3A_113 = arith.constant 0 : i32
    %cond3A_114 = arith.cmpi ne, %convert_element_type3A_112, %cond3A_113 : i32
    scf.if %cond3A_114 {
      %mul3A_115 = arith.constant 10000 : i32
      %mul3A_116 = arith.muli %arg0, %mul3A_115 : i32
      %add3A_117 = arith.constant 9480 : i32
      %add3A_118 = arith.addi %mul3A_116, %add3A_117 : i32
      %multiple_of3A_119 = tpu.assume_multiple %add3A_118, 8 : i32
      "tpu.region"() ({
        %run_scoped3A = tpu.sem_alloc : memref<!tpu.dma_semaphore, #tpu.memory_space<semaphore_mem>>
        %dma_start3A_120 = arith.constant 0 : i32
        %dma_start3A_121 = tpu.memref_slice %arg8[%multiple_of3A_119, %dma_start3A_120] : memref<20000x128xf32, #tpu.memory_space<hbm>> -> memref<520x128xf32, #tpu.memory_space<hbm>>
        %dma_start3A_122 = arith.constant 9480 : i32
        %dma_start3A_123 = arith.constant 0 : i32
        %dma_start3A_124 = tpu.memref_slice %arg9[%dma_start3A_122, %dma_start3A_123] : memref<10000x128xf32, #tpu.memory_space<vmem_shared>> -> memref<520x128xf32, #tpu.memory_space<vmem_shared>>
        tpu.enqueue_dma source(%dma_start3A_124 : memref<520x128xf32, #tpu.memory_space<vmem_shared>>) target(%dma_start3A_121 : memref<520x128xf32, #tpu.memory_space<hbm>>) target_semaphore(%run_scoped3A : memref<!tpu.dma_semaphore, #tpu.memory_space<semaphore_mem>>)
        %dma_wait3A_125 = arith.constant 0 : i32
        %dma_wait3A_126 = tpu.memref_slice %arg8[%multiple_of3A_119, %dma_wait3A_125] : memref<20000x128xf32, #tpu.memory_space<hbm>> -> memref<520x128xf32, #tpu.memory_space<hbm>>
        %dma_wait3A_127 = arith.constant 9480 : i32
        %dma_wait3A_128 = arith.constant 0 : i32
        %dma_wait3A_129 = tpu.memref_slice %arg9[%dma_wait3A_127, %dma_wait3A_128] : memref<10000x128xf32, #tpu.memory_space<vmem_shared>> -> memref<520x128xf32, #tpu.memory_space<vmem_shared>>
        tpu.wait_dma2 semaphore(%run_scoped3A : memref<!tpu.dma_semaphore, #tpu.memory_space<semaphore_mem>>) src(%dma_wait3A_129 : memref<520x128xf32, #tpu.memory_space<vmem_shared>>) dst(%dma_wait3A_126 : memref<520x128xf32, #tpu.memory_space<hbm>>)
        tpu.yield
      }) : () -> ()
    } else {
    }
    return
  }
}

#map = affine_map<(d0, d1) -> (0, 0)>
#map1 = affine_map<(d0, d1) -> (0)>
#map2 = affine_map<(d0, d1) -> (0, 0, 0)>
module attributes {stable_mosaic.version = 14 : i64} {
  func.func @body(%arg0: i32, %arg1: i32, %arg2: memref<10000x128xf32, #tpu.memory_space<hbm>>, %arg3: memref<10000x128xf32, #tpu.memory_space<hbm>>, %arg4: memref<10000x128xf32, #tpu.memory_space<hbm>>, %arg5: memref<10000x128xf32, #tpu.memory_space<hbm>>, %arg6: memref<320000xi32, #tpu.memory_space<hbm>>, %arg7: memref<32x125x80xi32, #tpu.memory_space<hbm>>, %arg8: memref<10000x128xf32, #tpu.memory_space<hbm>>, %arg9: memref<20000x128xf32, #tpu.memory_space<hbm>>, %arg10: memref<20000x128xf32, #tpu.memory_space<hbm>>, %arg11: memref<20000x128xf32, #tpu.memory_space<hbm>>, %arg12: memref<20000x128xf32, #tpu.memory_space<hbm>>, %arg13: memref<10000x128xf32, #tpu.memory_space<vmem_shared>>, %arg14: memref<10000xi32, #tpu.memory_space<vmem>>, %arg15: memref<125x80xi32, #tpu.memory_space<vmem>>, %arg16: memref<80x128xf32, #tpu.memory_space<vmem>>, %arg17: memref<80x128xf32, #tpu.memory_space<vmem>>, %arg18: memref<!tpu.dma_semaphore, #tpu.memory_space<semaphore_mem>>, %arg19: memref<!tpu.dma_semaphore, #tpu.memory_space<semaphore_mem>>, %arg20: memref<!tpu.dma_semaphore, #tpu.memory_space<semaphore_mem>>, %arg21: memref<!tpu.dma_semaphore, #tpu.memory_space<semaphore_mem>>) attributes {dimension_semantics = [#tpu.dimension_semantics<core_parallel>, #tpu.dimension_semantics<subcore_parallel>], iteration_bounds = array<i64: 2, 16>, scalar_prefetch = 0 : i64, scratch_operands = 9 : i64, tpu.core_type = #tpu.core_type<sc_vector_subcore>, window_params = [{transform_indices = #map}, {transform_indices = #map}, {transform_indices = #map}, {transform_indices = #map}, {transform_indices = #map1}, {transform_indices = #map2}, {transform_indices = #map}, {transform_indices = #map}, {transform_indices = #map}, {transform_indices = #map}, {transform_indices = #map}]} {
    %mul3A = arith.constant 16 : i32
    %mul3A_0 = arith.muli %arg0, %mul3A : i32
    %add3A = arith.addi %mul3A_0, %arg1 : i32
    %mul3A_1 = arith.constant 10000 : i32
    %mul3A_2 = arith.muli %add3A, %mul3A_1 : i32
    %multiple_of3A = tpu.assume_multiple %mul3A_2, 8 : i32
    "tpu.region"() ({
      %run_scoped3A = tpu.sem_alloc : memref<!tpu.dma_semaphore, #tpu.memory_space<semaphore_mem>>
      %dma_start3A_235 = tpu.memref_slice %arg6[%multiple_of3A] : memref<320000xi32, #tpu.memory_space<hbm>> -> memref<10000xi32, #tpu.memory_space<hbm>>
      %dma_start3A_236 = tpu.memref_slice %arg6[%multiple_of3A] : memref<320000xi32, #tpu.memory_space<hbm>> -> memref<10000xi32, #tpu.memory_space<hbm>>
      tpu.enqueue_dma source(%dma_start3A_236 : memref<10000xi32, #tpu.memory_space<hbm>>) target(%arg14 : memref<10000xi32, #tpu.memory_space<vmem>>) target_semaphore(%run_scoped3A : memref<!tpu.dma_semaphore, #tpu.memory_space<semaphore_mem>>)
      %dma_wait3A_237 = tpu.memref_slice %arg6[%multiple_of3A] : memref<320000xi32, #tpu.memory_space<hbm>> -> memref<10000xi32, #tpu.memory_space<hbm>>
      %dma_wait3A_238 = tpu.memref_slice %arg6[%multiple_of3A] : memref<320000xi32, #tpu.memory_space<hbm>> -> memref<10000xi32, #tpu.memory_space<hbm>>
      tpu.wait_dma2 semaphore(%run_scoped3A : memref<!tpu.dma_semaphore, #tpu.memory_space<semaphore_mem>>) src(%dma_wait3A_238 : memref<10000xi32, #tpu.memory_space<hbm>>) dst(%arg14 : memref<10000xi32, #tpu.memory_space<vmem>>)
      tpu.yield
    }) : () -> ()
    "tpu.region"() ({
      %run_scoped3A = tpu.sem_alloc : memref<!tpu.dma_semaphore, #tpu.memory_space<semaphore_mem>>
      %dma_start3A_235 = arith.constant 0 : i32
      %dma_start3A_236 = arith.constant 0 : i32
      %dma_start3A_237 = tpu.memref_slice %arg7[%add3A, %dma_start3A_235, %dma_start3A_236] : memref<32x125x80xi32, #tpu.memory_space<hbm>> -> memref<1x125x80xi32, #tpu.memory_space<hbm>>
      %dma_start3A_238 = tpu.memref_squeeze %dma_start3A_237 : memref<1x125x80xi32, #tpu.memory_space<hbm>> -> memref<125x80xi32, #tpu.memory_space<hbm>>
      %dma_start3A_239 = arith.constant 0 : i32
      %dma_start3A_240 = arith.constant 0 : i32
      %dma_start3A_241 = tpu.memref_slice %arg7[%add3A, %dma_start3A_239, %dma_start3A_240] : memref<32x125x80xi32, #tpu.memory_space<hbm>> -> memref<1x125x80xi32, #tpu.memory_space<hbm>>
      %dma_start3A_242 = tpu.memref_squeeze %dma_start3A_241 : memref<1x125x80xi32, #tpu.memory_space<hbm>> -> memref<125x80xi32, #tpu.memory_space<hbm>>
      tpu.enqueue_dma source(%dma_start3A_242 : memref<125x80xi32, #tpu.memory_space<hbm>>) target(%arg15 : memref<125x80xi32, #tpu.memory_space<vmem>>) target_semaphore(%run_scoped3A : memref<!tpu.dma_semaphore, #tpu.memory_space<semaphore_mem>>)
      %dma_wait3A_243 = arith.constant 0 : i32
      %dma_wait3A_244 = arith.constant 0 : i32
      %dma_wait3A_245 = tpu.memref_slice %arg7[%add3A, %dma_wait3A_243, %dma_wait3A_244] : memref<32x125x80xi32, #tpu.memory_space<hbm>> -> memref<1x125x80xi32, #tpu.memory_space<hbm>>
      %dma_wait3A_246 = tpu.memref_squeeze %dma_wait3A_245 : memref<1x125x80xi32, #tpu.memory_space<hbm>> -> memref<125x80xi32, #tpu.memory_space<hbm>>
      %dma_wait3A_247 = arith.constant 0 : i32
      %dma_wait3A_248 = arith.constant 0 : i32
      %dma_wait3A_249 = tpu.memref_slice %arg7[%add3A, %dma_wait3A_247, %dma_wait3A_248] : memref<32x125x80xi32, #tpu.memory_space<hbm>> -> memref<1x125x80xi32, #tpu.memory_space<hbm>>
      %dma_wait3A_250 = tpu.memref_squeeze %dma_wait3A_249 : memref<1x125x80xi32, #tpu.memory_space<hbm>> -> memref<125x80xi32, #tpu.memory_space<hbm>>
      tpu.wait_dma2 semaphore(%run_scoped3A : memref<!tpu.dma_semaphore, #tpu.memory_space<semaphore_mem>>) src(%dma_wait3A_250 : memref<125x80xi32, #tpu.memory_space<hbm>>) dst(%arg15 : memref<125x80xi32, #tpu.memory_space<vmem>>)
      tpu.yield
    }) : () -> ()
    %lt3A = arith.constant 15 : i32
    %lt3A_3 = arith.cmpi slt, %arg1, %lt3A : i32
    %convert_element_type3A = arith.extui %lt3A_3 : i1 to i32
    %cond3A = arith.constant 0 : i32
    %cond3A_4 = arith.cmpi ne, %convert_element_type3A, %cond3A : i32
    scf.if %cond3A_4 {
      %mul3A_235 = arith.constant 632 : i32
      %mul3A_236 = arith.muli %arg1, %mul3A_235 : i32
      %multiple_of3A_237 = tpu.assume_multiple %mul3A_236, 8 : i32
      "tpu.region"() ({
        %run_scoped3A = tpu.sem_alloc : memref<!tpu.dma_semaphore, #tpu.memory_space<semaphore_mem>>
        %dma_start3A_238 = arith.constant 0 : i32
        %dma_start3A_239 = tpu.memref_slice %arg13[%multiple_of3A_237, %dma_start3A_238] : memref<10000x128xf32, #tpu.memory_space<vmem_shared>> -> memref<632x128xf32, #tpu.memory_space<vmem_shared>>
        %dma_start3A_240 = arith.constant 0 : i32
        %dma_start3A_241 = tpu.memref_slice %arg8[%multiple_of3A_237, %dma_start3A_240] : memref<10000x128xf32, #tpu.memory_space<hbm>> -> memref<632x128xf32, #tpu.memory_space<hbm>>
        tpu.enqueue_dma source(%dma_start3A_241 : memref<632x128xf32, #tpu.memory_space<hbm>>) target(%dma_start3A_239 : memref<632x128xf32, #tpu.memory_space<vmem_shared>>) target_semaphore(%run_scoped3A : memref<!tpu.dma_semaphore, #tpu.memory_space<semaphore_mem>>)
        %dma_wait3A_242 = arith.constant 0 : i32
        %dma_wait3A_243 = tpu.memref_slice %arg13[%multiple_of3A_237, %dma_wait3A_242] : memref<10000x128xf32, #tpu.memory_space<vmem_shared>> -> memref<632x128xf32, #tpu.memory_space<vmem_shared>>
        %dma_wait3A_244 = arith.constant 0 : i32
        %dma_wait3A_245 = tpu.memref_slice %arg8[%multiple_of3A_237, %dma_wait3A_244] : memref<10000x128xf32, #tpu.memory_space<hbm>> -> memref<632x128xf32, #tpu.memory_space<hbm>>
        tpu.wait_dma2 semaphore(%run_scoped3A : memref<!tpu.dma_semaphore, #tpu.memory_space<semaphore_mem>>) src(%dma_wait3A_245 : memref<632x128xf32, #tpu.memory_space<hbm>>) dst(%dma_wait3A_243 : memref<632x128xf32, #tpu.memory_space<vmem_shared>>)
        tpu.yield
      }) : () -> ()
    } else {
    }
    %eq3A = arith.constant 15 : i32
    %eq3A_5 = arith.cmpi eq, %arg1, %eq3A : i32
    %convert_element_type3A_6 = arith.extui %eq3A_5 : i1 to i32
    %cond3A_7 = arith.constant 0 : i32
    %cond3A_8 = arith.cmpi ne, %convert_element_type3A_6, %cond3A_7 : i32
    scf.if %cond3A_8 {
      "tpu.region"() ({
        %run_scoped3A = tpu.sem_alloc : memref<!tpu.dma_semaphore, #tpu.memory_space<semaphore_mem>>
        %dma_start3A_235 = arith.constant 9480 : i32
        %dma_start3A_236 = arith.constant 0 : i32
        %dma_start3A_237 = tpu.memref_slice %arg13[%dma_start3A_235, %dma_start3A_236] : memref<10000x128xf32, #tpu.memory_space<vmem_shared>> -> memref<520x128xf32, #tpu.memory_space<vmem_shared>>
        %dma_start3A_238 = arith.constant 9480 : i32
        %dma_start3A_239 = arith.constant 0 : i32
        %dma_start3A_240 = tpu.memref_slice %arg8[%dma_start3A_238, %dma_start3A_239] : memref<10000x128xf32, #tpu.memory_space<hbm>> -> memref<520x128xf32, #tpu.memory_space<hbm>>
        tpu.enqueue_dma source(%dma_start3A_240 : memref<520x128xf32, #tpu.memory_space<hbm>>) target(%dma_start3A_237 : memref<520x128xf32, #tpu.memory_space<vmem_shared>>) target_semaphore(%run_scoped3A : memref<!tpu.dma_semaphore, #tpu.memory_space<semaphore_mem>>)
        %dma_wait3A_241 = arith.constant 9480 : i32
        %dma_wait3A_242 = arith.constant 0 : i32
        %dma_wait3A_243 = tpu.memref_slice %arg13[%dma_wait3A_241, %dma_wait3A_242] : memref<10000x128xf32, #tpu.memory_space<vmem_shared>> -> memref<520x128xf32, #tpu.memory_space<vmem_shared>>
        %dma_wait3A_244 = arith.constant 9480 : i32
        %dma_wait3A_245 = arith.constant 0 : i32
        %dma_wait3A_246 = tpu.memref_slice %arg8[%dma_wait3A_244, %dma_wait3A_245] : memref<10000x128xf32, #tpu.memory_space<hbm>> -> memref<520x128xf32, #tpu.memory_space<hbm>>
        tpu.wait_dma2 semaphore(%run_scoped3A : memref<!tpu.dma_semaphore, #tpu.memory_space<semaphore_mem>>) src(%dma_wait3A_246 : memref<520x128xf32, #tpu.memory_space<hbm>>) dst(%dma_wait3A_243 : memref<520x128xf32, #tpu.memory_space<vmem_shared>>)
        tpu.yield
      }) : () -> ()
    } else {
    }
    %barrier3A = arith.constant 0 : index
    tpu.barrier barrier_id(%barrier3A)
    %multiple_of3A_9 = arith.constant 0 : i32
    %multiple_of3A_10 = tpu.assume_multiple %multiple_of3A_9, 8 : i32
    %dma_start3A = tpu.memref_slice %arg14[%multiple_of3A_10] : memref<10000xi32, #tpu.memory_space<vmem>> -> memref<80xi32, #tpu.memory_space<vmem>>
    %dma_start3A_11 = arith.constant 0 : i32
    %dma_start3A_12 = arith.constant 0 : i32
    %dma_start3A_13 = tpu.memref_slice %arg2[%dma_start3A_11, %dma_start3A_12] : memref<10000x128xf32, #tpu.memory_space<hbm>> -> memref<10000x128xf32, #tpu.memory_space<hbm>>
    tpu.enqueue_indirect_dma source(%dma_start3A_13 : memref<10000x128xf32, #tpu.memory_space<hbm>>) target(%arg16 : memref<80x128xf32, #tpu.memory_space<vmem>>) offsets(%dma_start3A : memref<80xi32, #tpu.memory_space<vmem>>) semaphore(%arg18 : memref<!tpu.dma_semaphore, #tpu.memory_space<semaphore_mem>>)
    %multiple_of3A_14 = arith.constant 80 : i32
    %multiple_of3A_15 = tpu.assume_multiple %multiple_of3A_14, 8 : i32
    %dma_start3A_16 = tpu.memref_slice %arg14[%multiple_of3A_15] : memref<10000xi32, #tpu.memory_space<vmem>> -> memref<80xi32, #tpu.memory_space<vmem>>
    %dma_start3A_17 = arith.constant 0 : i32
    %dma_start3A_18 = arith.constant 0 : i32
    %dma_start3A_19 = tpu.memref_slice %arg2[%dma_start3A_17, %dma_start3A_18] : memref<10000x128xf32, #tpu.memory_space<hbm>> -> memref<10000x128xf32, #tpu.memory_space<hbm>>
    tpu.enqueue_indirect_dma source(%dma_start3A_19 : memref<10000x128xf32, #tpu.memory_space<hbm>>) target(%arg17 : memref<80x128xf32, #tpu.memory_space<vmem>>) offsets(%dma_start3A_16 : memref<80xi32, #tpu.memory_space<vmem>>) semaphore(%arg19 : memref<!tpu.dma_semaphore, #tpu.memory_space<semaphore_mem>>)
    %scan3A = arith.constant 0 : i32
    %scan3A_20 = arith.constant 0 : i32
    %scan3A_21 = arith.constant 62 : i32
    %scan3A_22 = arith.addi %scan3A_20, %scan3A_21 : i32
    %scan3A_23 = arith.constant 1 : i32
    scf.for %scan3A_235 = %scan3A_20 to %scan3A_22 step %scan3A_23  : i32 {
      %mul3A_236 = arith.constant 2 : i32
      %mul3A_237 = arith.muli %mul3A_236, %scan3A_235 : i32
      %mul3A_238 = arith.constant 80 : i32
      %mul3A_239 = arith.muli %mul3A_237, %mul3A_238 : i32
      %multiple_of3A_240 = tpu.assume_multiple %mul3A_239, 8 : i32
      %dma_wait3A_241 = tpu.memref_slice %arg14[%multiple_of3A_240] : memref<10000xi32, #tpu.memory_space<vmem>> -> memref<80xi32, #tpu.memory_space<vmem>>
      %dma_wait3A_242 = arith.constant 0 : i32
      %dma_wait3A_243 = arith.constant 0 : i32
      %dma_wait3A_244 = tpu.memref_slice %arg2[%dma_wait3A_242, %dma_wait3A_243] : memref<10000x128xf32, #tpu.memory_space<hbm>> -> memref<10000x128xf32, #tpu.memory_space<hbm>>
      tpu.wait_indirect_dma semaphore(%arg18 : memref<!tpu.dma_semaphore, #tpu.memory_space<semaphore_mem>>) src(%dma_wait3A_244 : memref<10000x128xf32, #tpu.memory_space<hbm>>) dst(%arg16 : memref<80x128xf32, #tpu.memory_space<vmem>>)
      %dma_start3A_245 = arith.constant 0 : i32
      %dma_start3A_246 = tpu.memref_slice %arg15[%mul3A_237, %dma_start3A_245] : memref<125x80xi32, #tpu.memory_space<vmem>> -> memref<1x80xi32, #tpu.memory_space<vmem>>
      %dma_start3A_247 = tpu.memref_squeeze %dma_start3A_246 : memref<1x80xi32, #tpu.memory_space<vmem>> -> memref<80xi32, #tpu.memory_space<vmem>>
      %dma_start3A_248 = arith.constant 0 : i32
      %dma_start3A_249 = arith.constant 0 : i32
      %dma_start3A_250 = tpu.memref_slice %arg13[%dma_start3A_248, %dma_start3A_249] : memref<10000x128xf32, #tpu.memory_space<vmem_shared>> -> memref<10000x128xf32, #tpu.memory_space<vmem_shared>>
      tpu.enqueue_indirect_dma source(%arg16 : memref<80x128xf32, #tpu.memory_space<vmem>>) target(%dma_start3A_250 : memref<10000x128xf32, #tpu.memory_space<vmem_shared>>) offsets(%dma_start3A_247 : memref<80xi32, #tpu.memory_space<vmem>>) semaphore(%arg20 : memref<!tpu.dma_semaphore, #tpu.memory_space<semaphore_mem>>) {add = true}
      %dma_wait3A_251 = arith.constant 0 : i32
      %dma_wait3A_252 = tpu.memref_slice %arg15[%mul3A_237, %dma_wait3A_251] : memref<125x80xi32, #tpu.memory_space<vmem>> -> memref<1x80xi32, #tpu.memory_space<vmem>>
      %dma_wait3A_253 = tpu.memref_squeeze %dma_wait3A_252 : memref<1x80xi32, #tpu.memory_space<vmem>> -> memref<80xi32, #tpu.memory_space<vmem>>
      %dma_wait3A_254 = arith.constant 0 : i32
      %dma_wait3A_255 = arith.constant 0 : i32
      %dma_wait3A_256 = tpu.memref_slice %arg13[%dma_wait3A_254, %dma_wait3A_255] : memref<10000x128xf32, #tpu.memory_space<vmem_shared>> -> memref<10000x128xf32, #tpu.memory_space<vmem_shared>>
      tpu.wait_indirect_dma semaphore(%arg20 : memref<!tpu.dma_semaphore, #tpu.memory_space<semaphore_mem>>) src(%arg16 : memref<80x128xf32, #tpu.memory_space<vmem>>) dst(%dma_wait3A_256 : memref<10000x128xf32, #tpu.memory_space<vmem_shared>>)
      %add3A_257 = arith.constant 2 : i32
      %add3A_258 = arith.addi %mul3A_237, %add3A_257 : i32
      %lt3A_259 = arith.constant 125 : i32
      %lt3A_260 = arith.cmpi slt, %add3A_258, %lt3A_259 : i32
      %convert_element_type3A_261 = arith.extui %lt3A_260 : i1 to i32
      %cond3A_262 = arith.constant 0 : i32
      %cond3A_263 = arith.cmpi ne, %convert_element_type3A_261, %cond3A_262 : i32
      scf.if %cond3A_263 {
        %add3A_294 = arith.constant 2 : i32
        %add3A_295 = arith.addi %mul3A_237, %add3A_294 : i32
        %mul3A_296 = arith.constant 80 : i32
        %mul3A_297 = arith.muli %add3A_295, %mul3A_296 : i32
        %multiple_of3A_298 = tpu.assume_multiple %mul3A_297, 8 : i32
        %dma_start3A_299 = tpu.memref_slice %arg14[%multiple_of3A_298] : memref<10000xi32, #tpu.memory_space<vmem>> -> memref<80xi32, #tpu.memory_space<vmem>>
        %dma_start3A_300 = arith.constant 0 : i32
        %dma_start3A_301 = arith.constant 0 : i32
        %dma_start3A_302 = tpu.memref_slice %arg2[%dma_start3A_300, %dma_start3A_301] : memref<10000x128xf32, #tpu.memory_space<hbm>> -> memref<10000x128xf32, #tpu.memory_space<hbm>>
        tpu.enqueue_indirect_dma source(%dma_start3A_302 : memref<10000x128xf32, #tpu.memory_space<hbm>>) target(%arg16 : memref<80x128xf32, #tpu.memory_space<vmem>>) offsets(%dma_start3A_299 : memref<80xi32, #tpu.memory_space<vmem>>) semaphore(%arg18 : memref<!tpu.dma_semaphore, #tpu.memory_space<semaphore_mem>>)
      } else {
      }
      %mul3A_264 = arith.constant 2 : i32
      %mul3A_265 = arith.muli %mul3A_264, %scan3A_235 : i32
      %add3A_266 = arith.constant 1 : i32
      %add3A_267 = arith.addi %mul3A_265, %add3A_266 : i32
      %mul3A_268 = arith.constant 80 : i32
      %mul3A_269 = arith.muli %add3A_267, %mul3A_268 : i32
      %multiple_of3A_270 = tpu.assume_multiple %mul3A_269, 8 : i32
      %dma_wait3A_271 = tpu.memref_slice %arg14[%multiple_of3A_270] : memref<10000xi32, #tpu.memory_space<vmem>> -> memref<80xi32, #tpu.memory_space<vmem>>
      %dma_wait3A_272 = arith.constant 0 : i32
      %dma_wait3A_273 = arith.constant 0 : i32
      %dma_wait3A_274 = tpu.memref_slice %arg2[%dma_wait3A_272, %dma_wait3A_273] : memref<10000x128xf32, #tpu.memory_space<hbm>> -> memref<10000x128xf32, #tpu.memory_space<hbm>>
      tpu.wait_indirect_dma semaphore(%arg19 : memref<!tpu.dma_semaphore, #tpu.memory_space<semaphore_mem>>) src(%dma_wait3A_274 : memref<10000x128xf32, #tpu.memory_space<hbm>>) dst(%arg17 : memref<80x128xf32, #tpu.memory_space<vmem>>)
      %dma_start3A_275 = arith.constant 0 : i32
      %dma_start3A_276 = tpu.memref_slice %arg15[%add3A_267, %dma_start3A_275] : memref<125x80xi32, #tpu.memory_space<vmem>> -> memref<1x80xi32, #tpu.memory_space<vmem>>
      %dma_start3A_277 = tpu.memref_squeeze %dma_start3A_276 : memref<1x80xi32, #tpu.memory_space<vmem>> -> memref<80xi32, #tpu.memory_space<vmem>>
      %dma_start3A_278 = arith.constant 0 : i32
      %dma_start3A_279 = arith.constant 0 : i32
      %dma_start3A_280 = tpu.memref_slice %arg13[%dma_start3A_278, %dma_start3A_279] : memref<10000x128xf32, #tpu.memory_space<vmem_shared>> -> memref<10000x128xf32, #tpu.memory_space<vmem_shared>>
      tpu.enqueue_indirect_dma source(%arg17 : memref<80x128xf32, #tpu.memory_space<vmem>>) target(%dma_start3A_280 : memref<10000x128xf32, #tpu.memory_space<vmem_shared>>) offsets(%dma_start3A_277 : memref<80xi32, #tpu.memory_space<vmem>>) semaphore(%arg21 : memref<!tpu.dma_semaphore, #tpu.memory_space<semaphore_mem>>) {add = true}
      %dma_wait3A_281 = arith.constant 0 : i32
      %dma_wait3A_282 = tpu.memref_slice %arg15[%add3A_267, %dma_wait3A_281] : memref<125x80xi32, #tpu.memory_space<vmem>> -> memref<1x80xi32, #tpu.memory_space<vmem>>
      %dma_wait3A_283 = tpu.memref_squeeze %dma_wait3A_282 : memref<1x80xi32, #tpu.memory_space<vmem>> -> memref<80xi32, #tpu.memory_space<vmem>>
      %dma_wait3A_284 = arith.constant 0 : i32
      %dma_wait3A_285 = arith.constant 0 : i32
      %dma_wait3A_286 = tpu.memref_slice %arg13[%dma_wait3A_284, %dma_wait3A_285] : memref<10000x128xf32, #tpu.memory_space<vmem_shared>> -> memref<10000x128xf32, #tpu.memory_space<vmem_shared>>
      tpu.wait_indirect_dma semaphore(%arg21 : memref<!tpu.dma_semaphore, #tpu.memory_space<semaphore_mem>>) src(%arg17 : memref<80x128xf32, #tpu.memory_space<vmem>>) dst(%dma_wait3A_286 : memref<10000x128xf32, #tpu.memory_space<vmem_shared>>)
      %add3A_287 = arith.constant 2 : i32
      %add3A_288 = arith.addi %add3A_267, %add3A_287 : i32
      %lt3A_289 = arith.constant 125 : i32
      %lt3A_290 = arith.cmpi slt, %add3A_288, %lt3A_289 : i32
      %convert_element_type3A_291 = arith.extui %lt3A_290 : i1 to i32
      %cond3A_292 = arith.constant 0 : i32
      %cond3A_293 = arith.cmpi ne, %convert_element_type3A_291, %cond3A_292 : i32
      scf.if %cond3A_293 {
        %add3A_294 = arith.constant 2 : i32
        %add3A_295 = arith.addi %add3A_267, %add3A_294 : i32
        %mul3A_296 = arith.constant 80 : i32
        %mul3A_297 = arith.muli %add3A_295, %mul3A_296 : i32
        %multiple_of3A_298 = tpu.assume_multiple %mul3A_297, 8 : i32
        %dma_start3A_299 = tpu.memref_slice %arg14[%multiple_of3A_298] : memref<10000xi32, #tpu.memory_space<vmem>> -> memref<80xi32, #tpu.memory_space<vmem>>
        %dma_start3A_300 = arith.constant 0 : i32
        %dma_start3A_301 = arith.constant 0 : i32
        %dma_start3A_302 = tpu.memref_slice %arg2[%dma_start3A_300, %dma_start3A_301] : memref<10000x128xf32, #tpu.memory_space<hbm>> -> memref<10000x128xf32, #tpu.memory_space<hbm>>
        tpu.enqueue_indirect_dma source(%dma_start3A_302 : memref<10000x128xf32, #tpu.memory_space<hbm>>) target(%arg17 : memref<80x128xf32, #tpu.memory_space<vmem>>) offsets(%dma_start3A_299 : memref<80xi32, #tpu.memory_space<vmem>>) semaphore(%arg19 : memref<!tpu.dma_semaphore, #tpu.memory_space<semaphore_mem>>)
      } else {
      }
    }
    %scan3A_24 = arith.constant 62 : i32
    %multiple_of3A_25 = arith.constant 9920 : i32
    %multiple_of3A_26 = tpu.assume_multiple %multiple_of3A_25, 8 : i32
    %dma_wait3A = tpu.memref_slice %arg14[%multiple_of3A_26] : memref<10000xi32, #tpu.memory_space<vmem>> -> memref<80xi32, #tpu.memory_space<vmem>>
    %dma_wait3A_27 = arith.constant 0 : i32
    %dma_wait3A_28 = arith.constant 0 : i32
    %dma_wait3A_29 = tpu.memref_slice %arg2[%dma_wait3A_27, %dma_wait3A_28] : memref<10000x128xf32, #tpu.memory_space<hbm>> -> memref<10000x128xf32, #tpu.memory_space<hbm>>
    tpu.wait_indirect_dma semaphore(%arg18 : memref<!tpu.dma_semaphore, #tpu.memory_space<semaphore_mem>>) src(%dma_wait3A_29 : memref<10000x128xf32, #tpu.memory_space<hbm>>) dst(%arg16 : memref<80x128xf32, #tpu.memory_space<vmem>>)
    %dma_start3A_30 = arith.constant 124 : i32
    %dma_start3A_31 = arith.constant 0 : i32
    %dma_start3A_32 = tpu.memref_slice %arg15[%dma_start3A_30, %dma_start3A_31] : memref<125x80xi32, #tpu.memory_space<vmem>> -> memref<1x80xi32, #tpu.memory_space<vmem>>
    %dma_start3A_33 = tpu.memref_squeeze %dma_start3A_32 : memref<1x80xi32, #tpu.memory_space<vmem>> -> memref<80xi32, #tpu.memory_space<vmem>>
    %dma_start3A_34 = arith.constant 0 : i32
    %dma_start3A_35 = arith.constant 0 : i32
    %dma_start3A_36 = tpu.memref_slice %arg13[%dma_start3A_34, %dma_start3A_35] : memref<10000x128xf32, #tpu.memory_space<vmem_shared>> -> memref<10000x128xf32, #tpu.memory_space<vmem_shared>>
    tpu.enqueue_indirect_dma source(%arg16 : memref<80x128xf32, #tpu.memory_space<vmem>>) target(%dma_start3A_36 : memref<10000x128xf32, #tpu.memory_space<vmem_shared>>) offsets(%dma_start3A_33 : memref<80xi32, #tpu.memory_space<vmem>>) semaphore(%arg20 : memref<!tpu.dma_semaphore, #tpu.memory_space<semaphore_mem>>) {add = true}
    %dma_wait3A_37 = arith.constant 124 : i32
    %dma_wait3A_38 = arith.constant 0 : i32
    %dma_wait3A_39 = tpu.memref_slice %arg15[%dma_wait3A_37, %dma_wait3A_38] : memref<125x80xi32, #tpu.memory_space<vmem>> -> memref<1x80xi32, #tpu.memory_space<vmem>>
    %dma_wait3A_40 = tpu.memref_squeeze %dma_wait3A_39 : memref<1x80xi32, #tpu.memory_space<vmem>> -> memref<80xi32, #tpu.memory_space<vmem>>
    %dma_wait3A_41 = arith.constant 0 : i32
    %dma_wait3A_42 = arith.constant 0 : i32
    %dma_wait3A_43 = tpu.memref_slice %arg13[%dma_wait3A_41, %dma_wait3A_42] : memref<10000x128xf32, #tpu.memory_space<vmem_shared>> -> memref<10000x128xf32, #tpu.memory_space<vmem_shared>>
    tpu.wait_indirect_dma semaphore(%arg20 : memref<!tpu.dma_semaphore, #tpu.memory_space<semaphore_mem>>) src(%arg16 : memref<80x128xf32, #tpu.memory_space<vmem>>) dst(%dma_wait3A_43 : memref<10000x128xf32, #tpu.memory_space<vmem_shared>>)
    %barrier3A_44 = arith.constant 0 : index
    tpu.barrier barrier_id(%barrier3A_44)
    %lt3A_45 = arith.constant 15 : i32
    %lt3A_46 = arith.cmpi slt, %arg1, %lt3A_45 : i32
    %convert_element_type3A_47 = arith.extui %lt3A_46 : i1 to i32
    %cond3A_48 = arith.constant 0 : i32
    %cond3A_49 = arith.cmpi ne, %convert_element_type3A_47, %cond3A_48 : i32
    scf.if %cond3A_49 {
      %mul3A_235 = arith.constant 632 : i32
      %mul3A_236 = arith.muli %arg1, %mul3A_235 : i32
      %multiple_of3A_237 = tpu.assume_multiple %mul3A_236, 8 : i32
      %mul3A_238 = arith.constant 10000 : i32
      %mul3A_239 = arith.muli %arg0, %mul3A_238 : i32
      %add3A_240 = arith.addi %mul3A_239, %multiple_of3A_237 : i32
      %multiple_of3A_241 = tpu.assume_multiple %add3A_240, 8 : i32
      "tpu.region"() ({
        %run_scoped3A = tpu.sem_alloc : memref<!tpu.dma_semaphore, #tpu.memory_space<semaphore_mem>>
        %dma_start3A_242 = arith.constant 0 : i32
        %dma_start3A_243 = tpu.memref_slice %arg9[%multiple_of3A_241, %dma_start3A_242] : memref<20000x128xf32, #tpu.memory_space<hbm>> -> memref<632x128xf32, #tpu.memory_space<hbm>>
        %dma_start3A_244 = arith.constant 0 : i32
        %dma_start3A_245 = tpu.memref_slice %arg13[%multiple_of3A_237, %dma_start3A_244] : memref<10000x128xf32, #tpu.memory_space<vmem_shared>> -> memref<632x128xf32, #tpu.memory_space<vmem_shared>>
        tpu.enqueue_dma source(%dma_start3A_245 : memref<632x128xf32, #tpu.memory_space<vmem_shared>>) target(%dma_start3A_243 : memref<632x128xf32, #tpu.memory_space<hbm>>) target_semaphore(%run_scoped3A : memref<!tpu.dma_semaphore, #tpu.memory_space<semaphore_mem>>)
        %dma_wait3A_246 = arith.constant 0 : i32
        %dma_wait3A_247 = tpu.memref_slice %arg9[%multiple_of3A_241, %dma_wait3A_246] : memref<20000x128xf32, #tpu.memory_space<hbm>> -> memref<632x128xf32, #tpu.memory_space<hbm>>
        %dma_wait3A_248 = arith.constant 0 : i32
        %dma_wait3A_249 = tpu.memref_slice %arg13[%multiple_of3A_237, %dma_wait3A_248] : memref<10000x128xf32, #tpu.memory_space<vmem_shared>> -> memref<632x128xf32, #tpu.memory_space<vmem_shared>>
        tpu.wait_dma2 semaphore(%run_scoped3A : memref<!tpu.dma_semaphore, #tpu.memory_space<semaphore_mem>>) src(%dma_wait3A_249 : memref<632x128xf32, #tpu.memory_space<vmem_shared>>) dst(%dma_wait3A_247 : memref<632x128xf32, #tpu.memory_space<hbm>>)
        tpu.yield
      }) : () -> ()
    } else {
    }
    %eq3A_50 = arith.constant 15 : i32
    %eq3A_51 = arith.cmpi eq, %arg1, %eq3A_50 : i32
    %convert_element_type3A_52 = arith.extui %eq3A_51 : i1 to i32
    %cond3A_53 = arith.constant 0 : i32
    %cond3A_54 = arith.cmpi ne, %convert_element_type3A_52, %cond3A_53 : i32
    scf.if %cond3A_54 {
      %mul3A_235 = arith.constant 10000 : i32
      %mul3A_236 = arith.muli %arg0, %mul3A_235 : i32
      %add3A_237 = arith.constant 9480 : i32
      %add3A_238 = arith.addi %mul3A_236, %add3A_237 : i32
      %multiple_of3A_239 = tpu.assume_multiple %add3A_238, 8 : i32
      "tpu.region"() ({
        %run_scoped3A = tpu.sem_alloc : memref<!tpu.dma_semaphore, #tpu.memory_space<semaphore_mem>>
        %dma_start3A_240 = arith.constant 0 : i32
        %dma_start3A_241 = tpu.memref_slice %arg9[%multiple_of3A_239, %dma_start3A_240] : memref<20000x128xf32, #tpu.memory_space<hbm>> -> memref<520x128xf32, #tpu.memory_space<hbm>>
        %dma_start3A_242 = arith.constant 9480 : i32
        %dma_start3A_243 = arith.constant 0 : i32
        %dma_start3A_244 = tpu.memref_slice %arg13[%dma_start3A_242, %dma_start3A_243] : memref<10000x128xf32, #tpu.memory_space<vmem_shared>> -> memref<520x128xf32, #tpu.memory_space<vmem_shared>>
        tpu.enqueue_dma source(%dma_start3A_244 : memref<520x128xf32, #tpu.memory_space<vmem_shared>>) target(%dma_start3A_241 : memref<520x128xf32, #tpu.memory_space<hbm>>) target_semaphore(%run_scoped3A : memref<!tpu.dma_semaphore, #tpu.memory_space<semaphore_mem>>)
        %dma_wait3A_245 = arith.constant 0 : i32
        %dma_wait3A_246 = tpu.memref_slice %arg9[%multiple_of3A_239, %dma_wait3A_245] : memref<20000x128xf32, #tpu.memory_space<hbm>> -> memref<520x128xf32, #tpu.memory_space<hbm>>
        %dma_wait3A_247 = arith.constant 9480 : i32
        %dma_wait3A_248 = arith.constant 0 : i32
        %dma_wait3A_249 = tpu.memref_slice %arg13[%dma_wait3A_247, %dma_wait3A_248] : memref<10000x128xf32, #tpu.memory_space<vmem_shared>> -> memref<520x128xf32, #tpu.memory_space<vmem_shared>>
        tpu.wait_dma2 semaphore(%run_scoped3A : memref<!tpu.dma_semaphore, #tpu.memory_space<semaphore_mem>>) src(%dma_wait3A_249 : memref<520x128xf32, #tpu.memory_space<vmem_shared>>) dst(%dma_wait3A_246 : memref<520x128xf32, #tpu.memory_space<hbm>>)
        tpu.yield
      }) : () -> ()
    } else {
    }
    %lt3A_55 = arith.constant 15 : i32
    %lt3A_56 = arith.cmpi slt, %arg1, %lt3A_55 : i32
    %convert_element_type3A_57 = arith.extui %lt3A_56 : i1 to i32
    %cond3A_58 = arith.constant 0 : i32
    %cond3A_59 = arith.cmpi ne, %convert_element_type3A_57, %cond3A_58 : i32
    scf.if %cond3A_59 {
      %mul3A_235 = arith.constant 632 : i32
      %mul3A_236 = arith.muli %arg1, %mul3A_235 : i32
      %multiple_of3A_237 = tpu.assume_multiple %mul3A_236, 8 : i32
      "tpu.region"() ({
        %run_scoped3A = tpu.sem_alloc : memref<!tpu.dma_semaphore, #tpu.memory_space<semaphore_mem>>
        %dma_start3A_238 = arith.constant 0 : i32
        %dma_start3A_239 = tpu.memref_slice %arg13[%multiple_of3A_237, %dma_start3A_238] : memref<10000x128xf32, #tpu.memory_space<vmem_shared>> -> memref<632x128xf32, #tpu.memory_space<vmem_shared>>
        %dma_start3A_240 = arith.constant 0 : i32
        %dma_start3A_241 = tpu.memref_slice %arg8[%multiple_of3A_237, %dma_start3A_240] : memref<10000x128xf32, #tpu.memory_space<hbm>> -> memref<632x128xf32, #tpu.memory_space<hbm>>
        tpu.enqueue_dma source(%dma_start3A_241 : memref<632x128xf32, #tpu.memory_space<hbm>>) target(%dma_start3A_239 : memref<632x128xf32, #tpu.memory_space<vmem_shared>>) target_semaphore(%run_scoped3A : memref<!tpu.dma_semaphore, #tpu.memory_space<semaphore_mem>>)
        %dma_wait3A_242 = arith.constant 0 : i32
        %dma_wait3A_243 = tpu.memref_slice %arg13[%multiple_of3A_237, %dma_wait3A_242] : memref<10000x128xf32, #tpu.memory_space<vmem_shared>> -> memref<632x128xf32, #tpu.memory_space<vmem_shared>>
        %dma_wait3A_244 = arith.constant 0 : i32
        %dma_wait3A_245 = tpu.memref_slice %arg8[%multiple_of3A_237, %dma_wait3A_244] : memref<10000x128xf32, #tpu.memory_space<hbm>> -> memref<632x128xf32, #tpu.memory_space<hbm>>
        tpu.wait_dma2 semaphore(%run_scoped3A : memref<!tpu.dma_semaphore, #tpu.memory_space<semaphore_mem>>) src(%dma_wait3A_245 : memref<632x128xf32, #tpu.memory_space<hbm>>) dst(%dma_wait3A_243 : memref<632x128xf32, #tpu.memory_space<vmem_shared>>)
        tpu.yield
      }) : () -> ()
    } else {
    }
    %eq3A_60 = arith.constant 15 : i32
    %eq3A_61 = arith.cmpi eq, %arg1, %eq3A_60 : i32
    %convert_element_type3A_62 = arith.extui %eq3A_61 : i1 to i32
    %cond3A_63 = arith.constant 0 : i32
    %cond3A_64 = arith.cmpi ne, %convert_element_type3A_62, %cond3A_63 : i32
    scf.if %cond3A_64 {
      "tpu.region"() ({
        %run_scoped3A = tpu.sem_alloc : memref<!tpu.dma_semaphore, #tpu.memory_space<semaphore_mem>>
        %dma_start3A_235 = arith.constant 9480 : i32
        %dma_start3A_236 = arith.constant 0 : i32
        %dma_start3A_237 = tpu.memref_slice %arg13[%dma_start3A_235, %dma_start3A_236] : memref<10000x128xf32, #tpu.memory_space<vmem_shared>> -> memref<520x128xf32, #tpu.memory_space<vmem_shared>>
        %dma_start3A_238 = arith.constant 9480 : i32
        %dma_start3A_239 = arith.constant 0 : i32
        %dma_start3A_240 = tpu.memref_slice %arg8[%dma_start3A_238, %dma_start3A_239] : memref<10000x128xf32, #tpu.memory_space<hbm>> -> memref<520x128xf32, #tpu.memory_space<hbm>>
        tpu.enqueue_dma source(%dma_start3A_240 : memref<520x128xf32, #tpu.memory_space<hbm>>) target(%dma_start3A_237 : memref<520x128xf32, #tpu.memory_space<vmem_shared>>) target_semaphore(%run_scoped3A : memref<!tpu.dma_semaphore, #tpu.memory_space<semaphore_mem>>)
        %dma_wait3A_241 = arith.constant 9480 : i32
        %dma_wait3A_242 = arith.constant 0 : i32
        %dma_wait3A_243 = tpu.memref_slice %arg13[%dma_wait3A_241, %dma_wait3A_242] : memref<10000x128xf32, #tpu.memory_space<vmem_shared>> -> memref<520x128xf32, #tpu.memory_space<vmem_shared>>
        %dma_wait3A_244 = arith.constant 9480 : i32
        %dma_wait3A_245 = arith.constant 0 : i32
        %dma_wait3A_246 = tpu.memref_slice %arg8[%dma_wait3A_244, %dma_wait3A_245] : memref<10000x128xf32, #tpu.memory_space<hbm>> -> memref<520x128xf32, #tpu.memory_space<hbm>>
        tpu.wait_dma2 semaphore(%run_scoped3A : memref<!tpu.dma_semaphore, #tpu.memory_space<semaphore_mem>>) src(%dma_wait3A_246 : memref<520x128xf32, #tpu.memory_space<hbm>>) dst(%dma_wait3A_243 : memref<520x128xf32, #tpu.memory_space<vmem_shared>>)
        tpu.yield
      }) : () -> ()
    } else {
    }
    %barrier3A_65 = arith.constant 0 : index
    tpu.barrier barrier_id(%barrier3A_65)
    %multiple_of3A_66 = arith.constant 0 : i32
    %multiple_of3A_67 = tpu.assume_multiple %multiple_of3A_66, 8 : i32
    %dma_start3A_68 = tpu.memref_slice %arg14[%multiple_of3A_67] : memref<10000xi32, #tpu.memory_space<vmem>> -> memref<80xi32, #tpu.memory_space<vmem>>
    %dma_start3A_69 = arith.constant 0 : i32
    %dma_start3A_70 = arith.constant 0 : i32
    %dma_start3A_71 = tpu.memref_slice %arg3[%dma_start3A_69, %dma_start3A_70] : memref<10000x128xf32, #tpu.memory_space<hbm>> -> memref<10000x128xf32, #tpu.memory_space<hbm>>
    tpu.enqueue_indirect_dma source(%dma_start3A_71 : memref<10000x128xf32, #tpu.memory_space<hbm>>) target(%arg16 : memref<80x128xf32, #tpu.memory_space<vmem>>) offsets(%dma_start3A_68 : memref<80xi32, #tpu.memory_space<vmem>>) semaphore(%arg18 : memref<!tpu.dma_semaphore, #tpu.memory_space<semaphore_mem>>)
    %multiple_of3A_72 = arith.constant 80 : i32
    %multiple_of3A_73 = tpu.assume_multiple %multiple_of3A_72, 8 : i32
    %dma_start3A_74 = tpu.memref_slice %arg14[%multiple_of3A_73] : memref<10000xi32, #tpu.memory_space<vmem>> -> memref<80xi32, #tpu.memory_space<vmem>>
    %dma_start3A_75 = arith.constant 0 : i32
    %dma_start3A_76 = arith.constant 0 : i32
    %dma_start3A_77 = tpu.memref_slice %arg3[%dma_start3A_75, %dma_start3A_76] : memref<10000x128xf32, #tpu.memory_space<hbm>> -> memref<10000x128xf32, #tpu.memory_space<hbm>>
    tpu.enqueue_indirect_dma source(%dma_start3A_77 : memref<10000x128xf32, #tpu.memory_space<hbm>>) target(%arg17 : memref<80x128xf32, #tpu.memory_space<vmem>>) offsets(%dma_start3A_74 : memref<80xi32, #tpu.memory_space<vmem>>) semaphore(%arg19 : memref<!tpu.dma_semaphore, #tpu.memory_space<semaphore_mem>>)
    %scan3A_78 = arith.constant 0 : i32
    %scan3A_79 = arith.constant 0 : i32
    %scan3A_80 = arith.constant 62 : i32
    %scan3A_81 = arith.addi %scan3A_79, %scan3A_80 : i32
    %scan3A_82 = arith.constant 1 : i32
    scf.for %scan3A_235 = %scan3A_79 to %scan3A_81 step %scan3A_82  : i32 {
      %mul3A_236 = arith.constant 2 : i32
      %mul3A_237 = arith.muli %mul3A_236, %scan3A_235 : i32
      %mul3A_238 = arith.constant 80 : i32
      %mul3A_239 = arith.muli %mul3A_237, %mul3A_238 : i32
      %multiple_of3A_240 = tpu.assume_multiple %mul3A_239, 8 : i32
      %dma_wait3A_241 = tpu.memref_slice %arg14[%multiple_of3A_240] : memref<10000xi32, #tpu.memory_space<vmem>> -> memref<80xi32, #tpu.memory_space<vmem>>
      %dma_wait3A_242 = arith.constant 0 : i32
      %dma_wait3A_243 = arith.constant 0 : i32
      %dma_wait3A_244 = tpu.memref_slice %arg3[%dma_wait3A_242, %dma_wait3A_243] : memref<10000x128xf32, #tpu.memory_space<hbm>> -> memref<10000x128xf32, #tpu.memory_space<hbm>>
      tpu.wait_indirect_dma semaphore(%arg18 : memref<!tpu.dma_semaphore, #tpu.memory_space<semaphore_mem>>) src(%dma_wait3A_244 : memref<10000x128xf32, #tpu.memory_space<hbm>>) dst(%arg16 : memref<80x128xf32, #tpu.memory_space<vmem>>)
      %dma_start3A_245 = arith.constant 0 : i32
      %dma_start3A_246 = tpu.memref_slice %arg15[%mul3A_237, %dma_start3A_245] : memref<125x80xi32, #tpu.memory_space<vmem>> -> memref<1x80xi32, #tpu.memory_space<vmem>>
      %dma_start3A_247 = tpu.memref_squeeze %dma_start3A_246 : memref<1x80xi32, #tpu.memory_space<vmem>> -> memref<80xi32, #tpu.memory_space<vmem>>
      %dma_start3A_248 = arith.constant 0 : i32
      %dma_start3A_249 = arith.constant 0 : i32
      %dma_start3A_250 = tpu.memref_slice %arg13[%dma_start3A_248, %dma_start3A_249] : memref<10000x128xf32, #tpu.memory_space<vmem_shared>> -> memref<10000x128xf32, #tpu.memory_space<vmem_shared>>
      tpu.enqueue_indirect_dma source(%arg16 : memref<80x128xf32, #tpu.memory_space<vmem>>) target(%dma_start3A_250 : memref<10000x128xf32, #tpu.memory_space<vmem_shared>>) offsets(%dma_start3A_247 : memref<80xi32, #tpu.memory_space<vmem>>) semaphore(%arg20 : memref<!tpu.dma_semaphore, #tpu.memory_space<semaphore_mem>>) {add = true}
      %dma_wait3A_251 = arith.constant 0 : i32
      %dma_wait3A_252 = tpu.memref_slice %arg15[%mul3A_237, %dma_wait3A_251] : memref<125x80xi32, #tpu.memory_space<vmem>> -> memref<1x80xi32, #tpu.memory_space<vmem>>
      %dma_wait3A_253 = tpu.memref_squeeze %dma_wait3A_252 : memref<1x80xi32, #tpu.memory_space<vmem>> -> memref<80xi32, #tpu.memory_space<vmem>>
      %dma_wait3A_254 = arith.constant 0 : i32
      %dma_wait3A_255 = arith.constant 0 : i32
      %dma_wait3A_256 = tpu.memref_slice %arg13[%dma_wait3A_254, %dma_wait3A_255] : memref<10000x128xf32, #tpu.memory_space<vmem_shared>> -> memref<10000x128xf32, #tpu.memory_space<vmem_shared>>
      tpu.wait_indirect_dma semaphore(%arg20 : memref<!tpu.dma_semaphore, #tpu.memory_space<semaphore_mem>>) src(%arg16 : memref<80x128xf32, #tpu.memory_space<vmem>>) dst(%dma_wait3A_256 : memref<10000x128xf32, #tpu.memory_space<vmem_shared>>)
      %add3A_257 = arith.constant 2 : i32
      %add3A_258 = arith.addi %mul3A_237, %add3A_257 : i32
      %lt3A_259 = arith.constant 125 : i32
      %lt3A_260 = arith.cmpi slt, %add3A_258, %lt3A_259 : i32
      %convert_element_type3A_261 = arith.extui %lt3A_260 : i1 to i32
      %cond3A_262 = arith.constant 0 : i32
      %cond3A_263 = arith.cmpi ne, %convert_element_type3A_261, %cond3A_262 : i32
      scf.if %cond3A_263 {
        %add3A_294 = arith.constant 2 : i32
        %add3A_295 = arith.addi %mul3A_237, %add3A_294 : i32
        %mul3A_296 = arith.constant 80 : i32
        %mul3A_297 = arith.muli %add3A_295, %mul3A_296 : i32
        %multiple_of3A_298 = tpu.assume_multiple %mul3A_297, 8 : i32
        %dma_start3A_299 = tpu.memref_slice %arg14[%multiple_of3A_298] : memref<10000xi32, #tpu.memory_space<vmem>> -> memref<80xi32, #tpu.memory_space<vmem>>
        %dma_start3A_300 = arith.constant 0 : i32
        %dma_start3A_301 = arith.constant 0 : i32
        %dma_start3A_302 = tpu.memref_slice %arg3[%dma_start3A_300, %dma_start3A_301] : memref<10000x128xf32, #tpu.memory_space<hbm>> -> memref<10000x128xf32, #tpu.memory_space<hbm>>
        tpu.enqueue_indirect_dma source(%dma_start3A_302 : memref<10000x128xf32, #tpu.memory_space<hbm>>) target(%arg16 : memref<80x128xf32, #tpu.memory_space<vmem>>) offsets(%dma_start3A_299 : memref<80xi32, #tpu.memory_space<vmem>>) semaphore(%arg18 : memref<!tpu.dma_semaphore, #tpu.memory_space<semaphore_mem>>)
      } else {
      }
      %mul3A_264 = arith.constant 2 : i32
      %mul3A_265 = arith.muli %mul3A_264, %scan3A_235 : i32
      %add3A_266 = arith.constant 1 : i32
      %add3A_267 = arith.addi %mul3A_265, %add3A_266 : i32
      %mul3A_268 = arith.constant 80 : i32
      %mul3A_269 = arith.muli %add3A_267, %mul3A_268 : i32
      %multiple_of3A_270 = tpu.assume_multiple %mul3A_269, 8 : i32
      %dma_wait3A_271 = tpu.memref_slice %arg14[%multiple_of3A_270] : memref<10000xi32, #tpu.memory_space<vmem>> -> memref<80xi32, #tpu.memory_space<vmem>>
      %dma_wait3A_272 = arith.constant 0 : i32
      %dma_wait3A_273 = arith.constant 0 : i32
      %dma_wait3A_274 = tpu.memref_slice %arg3[%dma_wait3A_272, %dma_wait3A_273] : memref<10000x128xf32, #tpu.memory_space<hbm>> -> memref<10000x128xf32, #tpu.memory_space<hbm>>
      tpu.wait_indirect_dma semaphore(%arg19 : memref<!tpu.dma_semaphore, #tpu.memory_space<semaphore_mem>>) src(%dma_wait3A_274 : memref<10000x128xf32, #tpu.memory_space<hbm>>) dst(%arg17 : memref<80x128xf32, #tpu.memory_space<vmem>>)
      %dma_start3A_275 = arith.constant 0 : i32
      %dma_start3A_276 = tpu.memref_slice %arg15[%add3A_267, %dma_start3A_275] : memref<125x80xi32, #tpu.memory_space<vmem>> -> memref<1x80xi32, #tpu.memory_space<vmem>>
      %dma_start3A_277 = tpu.memref_squeeze %dma_start3A_276 : memref<1x80xi32, #tpu.memory_space<vmem>> -> memref<80xi32, #tpu.memory_space<vmem>>
      %dma_start3A_278 = arith.constant 0 : i32
      %dma_start3A_279 = arith.constant 0 : i32
      %dma_start3A_280 = tpu.memref_slice %arg13[%dma_start3A_278, %dma_start3A_279] : memref<10000x128xf32, #tpu.memory_space<vmem_shared>> -> memref<10000x128xf32, #tpu.memory_space<vmem_shared>>
      tpu.enqueue_indirect_dma source(%arg17 : memref<80x128xf32, #tpu.memory_space<vmem>>) target(%dma_start3A_280 : memref<10000x128xf32, #tpu.memory_space<vmem_shared>>) offsets(%dma_start3A_277 : memref<80xi32, #tpu.memory_space<vmem>>) semaphore(%arg21 : memref<!tpu.dma_semaphore, #tpu.memory_space<semaphore_mem>>) {add = true}
      %dma_wait3A_281 = arith.constant 0 : i32
      %dma_wait3A_282 = tpu.memref_slice %arg15[%add3A_267, %dma_wait3A_281] : memref<125x80xi32, #tpu.memory_space<vmem>> -> memref<1x80xi32, #tpu.memory_space<vmem>>
      %dma_wait3A_283 = tpu.memref_squeeze %dma_wait3A_282 : memref<1x80xi32, #tpu.memory_space<vmem>> -> memref<80xi32, #tpu.memory_space<vmem>>
      %dma_wait3A_284 = arith.constant 0 : i32
      %dma_wait3A_285 = arith.constant 0 : i32
      %dma_wait3A_286 = tpu.memref_slice %arg13[%dma_wait3A_284, %dma_wait3A_285] : memref<10000x128xf32, #tpu.memory_space<vmem_shared>> -> memref<10000x128xf32, #tpu.memory_space<vmem_shared>>
      tpu.wait_indirect_dma semaphore(%arg21 : memref<!tpu.dma_semaphore, #tpu.memory_space<semaphore_mem>>) src(%arg17 : memref<80x128xf32, #tpu.memory_space<vmem>>) dst(%dma_wait3A_286 : memref<10000x128xf32, #tpu.memory_space<vmem_shared>>)
      %add3A_287 = arith.constant 2 : i32
      %add3A_288 = arith.addi %add3A_267, %add3A_287 : i32
      %lt3A_289 = arith.constant 125 : i32
      %lt3A_290 = arith.cmpi slt, %add3A_288, %lt3A_289 : i32
      %convert_element_type3A_291 = arith.extui %lt3A_290 : i1 to i32
      %cond3A_292 = arith.constant 0 : i32
      %cond3A_293 = arith.cmpi ne, %convert_element_type3A_291, %cond3A_292 : i32
      scf.if %cond3A_293 {
        %add3A_294 = arith.constant 2 : i32
        %add3A_295 = arith.addi %add3A_267, %add3A_294 : i32
        %mul3A_296 = arith.constant 80 : i32
        %mul3A_297 = arith.muli %add3A_295, %mul3A_296 : i32
        %multiple_of3A_298 = tpu.assume_multiple %mul3A_297, 8 : i32
        %dma_start3A_299 = tpu.memref_slice %arg14[%multiple_of3A_298] : memref<10000xi32, #tpu.memory_space<vmem>> -> memref<80xi32, #tpu.memory_space<vmem>>
        %dma_start3A_300 = arith.constant 0 : i32
        %dma_start3A_301 = arith.constant 0 : i32
        %dma_start3A_302 = tpu.memref_slice %arg3[%dma_start3A_300, %dma_start3A_301] : memref<10000x128xf32, #tpu.memory_space<hbm>> -> memref<10000x128xf32, #tpu.memory_space<hbm>>
        tpu.enqueue_indirect_dma source(%dma_start3A_302 : memref<10000x128xf32, #tpu.memory_space<hbm>>) target(%arg17 : memref<80x128xf32, #tpu.memory_space<vmem>>) offsets(%dma_start3A_299 : memref<80xi32, #tpu.memory_space<vmem>>) semaphore(%arg19 : memref<!tpu.dma_semaphore, #tpu.memory_space<semaphore_mem>>)
      } else {
      }
    }
    %scan3A_83 = arith.constant 62 : i32
    %multiple_of3A_84 = arith.constant 9920 : i32
    %multiple_of3A_85 = tpu.assume_multiple %multiple_of3A_84, 8 : i32
    %dma_wait3A_86 = tpu.memref_slice %arg14[%multiple_of3A_85] : memref<10000xi32, #tpu.memory_space<vmem>> -> memref<80xi32, #tpu.memory_space<vmem>>
    %dma_wait3A_87 = arith.constant 0 : i32
    %dma_wait3A_88 = arith.constant 0 : i32
    %dma_wait3A_89 = tpu.memref_slice %arg3[%dma_wait3A_87, %dma_wait3A_88] : memref<10000x128xf32, #tpu.memory_space<hbm>> -> memref<10000x128xf32, #tpu.memory_space<hbm>>
    tpu.wait_indirect_dma semaphore(%arg18 : memref<!tpu.dma_semaphore, #tpu.memory_space<semaphore_mem>>) src(%dma_wait3A_89 : memref<10000x128xf32, #tpu.memory_space<hbm>>) dst(%arg16 : memref<80x128xf32, #tpu.memory_space<vmem>>)
    %dma_start3A_90 = arith.constant 124 : i32
    %dma_start3A_91 = arith.constant 0 : i32
    %dma_start3A_92 = tpu.memref_slice %arg15[%dma_start3A_90, %dma_start3A_91] : memref<125x80xi32, #tpu.memory_space<vmem>> -> memref<1x80xi32, #tpu.memory_space<vmem>>
    %dma_start3A_93 = tpu.memref_squeeze %dma_start3A_92 : memref<1x80xi32, #tpu.memory_space<vmem>> -> memref<80xi32, #tpu.memory_space<vmem>>
    %dma_start3A_94 = arith.constant 0 : i32
    %dma_start3A_95 = arith.constant 0 : i32
    %dma_start3A_96 = tpu.memref_slice %arg13[%dma_start3A_94, %dma_start3A_95] : memref<10000x128xf32, #tpu.memory_space<vmem_shared>> -> memref<10000x128xf32, #tpu.memory_space<vmem_shared>>
    tpu.enqueue_indirect_dma source(%arg16 : memref<80x128xf32, #tpu.memory_space<vmem>>) target(%dma_start3A_96 : memref<10000x128xf32, #tpu.memory_space<vmem_shared>>) offsets(%dma_start3A_93 : memref<80xi32, #tpu.memory_space<vmem>>) semaphore(%arg20 : memref<!tpu.dma_semaphore, #tpu.memory_space<semaphore_mem>>) {add = true}
    %dma_wait3A_97 = arith.constant 124 : i32
    %dma_wait3A_98 = arith.constant 0 : i32
    %dma_wait3A_99 = tpu.memref_slice %arg15[%dma_wait3A_97, %dma_wait3A_98] : memref<125x80xi32, #tpu.memory_space<vmem>> -> memref<1x80xi32, #tpu.memory_space<vmem>>
    %dma_wait3A_100 = tpu.memref_squeeze %dma_wait3A_99 : memref<1x80xi32, #tpu.memory_space<vmem>> -> memref<80xi32, #tpu.memory_space<vmem>>
    %dma_wait3A_101 = arith.constant 0 : i32
    %dma_wait3A_102 = arith.constant 0 : i32
    %dma_wait3A_103 = tpu.memref_slice %arg13[%dma_wait3A_101, %dma_wait3A_102] : memref<10000x128xf32, #tpu.memory_space<vmem_shared>> -> memref<10000x128xf32, #tpu.memory_space<vmem_shared>>
    tpu.wait_indirect_dma semaphore(%arg20 : memref<!tpu.dma_semaphore, #tpu.memory_space<semaphore_mem>>) src(%arg16 : memref<80x128xf32, #tpu.memory_space<vmem>>) dst(%dma_wait3A_103 : memref<10000x128xf32, #tpu.memory_space<vmem_shared>>)
    %barrier3A_104 = arith.constant 0 : index
    tpu.barrier barrier_id(%barrier3A_104)
    %lt3A_105 = arith.constant 15 : i32
    %lt3A_106 = arith.cmpi slt, %arg1, %lt3A_105 : i32
    %convert_element_type3A_107 = arith.extui %lt3A_106 : i1 to i32
    %cond3A_108 = arith.constant 0 : i32
    %cond3A_109 = arith.cmpi ne, %convert_element_type3A_107, %cond3A_108 : i32
    scf.if %cond3A_109 {
      %mul3A_235 = arith.constant 632 : i32
      %mul3A_236 = arith.muli %arg1, %mul3A_235 : i32
      %multiple_of3A_237 = tpu.assume_multiple %mul3A_236, 8 : i32
      %mul3A_238 = arith.constant 10000 : i32
      %mul3A_239 = arith.muli %arg0, %mul3A_238 : i32
      %add3A_240 = arith.addi %mul3A_239, %multiple_of3A_237 : i32
      %multiple_of3A_241 = tpu.assume_multiple %add3A_240, 8 : i32
      "tpu.region"() ({
        %run_scoped3A = tpu.sem_alloc : memref<!tpu.dma_semaphore, #tpu.memory_space<semaphore_mem>>
        %dma_start3A_242 = arith.constant 0 : i32
        %dma_start3A_243 = tpu.memref_slice %arg10[%multiple_of3A_241, %dma_start3A_242] : memref<20000x128xf32, #tpu.memory_space<hbm>> -> memref<632x128xf32, #tpu.memory_space<hbm>>
        %dma_start3A_244 = arith.constant 0 : i32
        %dma_start3A_245 = tpu.memref_slice %arg13[%multiple_of3A_237, %dma_start3A_244] : memref<10000x128xf32, #tpu.memory_space<vmem_shared>> -> memref<632x128xf32, #tpu.memory_space<vmem_shared>>
        tpu.enqueue_dma source(%dma_start3A_245 : memref<632x128xf32, #tpu.memory_space<vmem_shared>>) target(%dma_start3A_243 : memref<632x128xf32, #tpu.memory_space<hbm>>) target_semaphore(%run_scoped3A : memref<!tpu.dma_semaphore, #tpu.memory_space<semaphore_mem>>)
        %dma_wait3A_246 = arith.constant 0 : i32
        %dma_wait3A_247 = tpu.memref_slice %arg10[%multiple_of3A_241, %dma_wait3A_246] : memref<20000x128xf32, #tpu.memory_space<hbm>> -> memref<632x128xf32, #tpu.memory_space<hbm>>
        %dma_wait3A_248 = arith.constant 0 : i32
        %dma_wait3A_249 = tpu.memref_slice %arg13[%multiple_of3A_237, %dma_wait3A_248] : memref<10000x128xf32, #tpu.memory_space<vmem_shared>> -> memref<632x128xf32, #tpu.memory_space<vmem_shared>>
        tpu.wait_dma2 semaphore(%run_scoped3A : memref<!tpu.dma_semaphore, #tpu.memory_space<semaphore_mem>>) src(%dma_wait3A_249 : memref<632x128xf32, #tpu.memory_space<vmem_shared>>) dst(%dma_wait3A_247 : memref<632x128xf32, #tpu.memory_space<hbm>>)
        tpu.yield
      }) : () -> ()
    } else {
    }
    %eq3A_110 = arith.constant 15 : i32
    %eq3A_111 = arith.cmpi eq, %arg1, %eq3A_110 : i32
    %convert_element_type3A_112 = arith.extui %eq3A_111 : i1 to i32
    %cond3A_113 = arith.constant 0 : i32
    %cond3A_114 = arith.cmpi ne, %convert_element_type3A_112, %cond3A_113 : i32
    scf.if %cond3A_114 {
      %mul3A_235 = arith.constant 10000 : i32
      %mul3A_236 = arith.muli %arg0, %mul3A_235 : i32
      %add3A_237 = arith.constant 9480 : i32
      %add3A_238 = arith.addi %mul3A_236, %add3A_237 : i32
      %multiple_of3A_239 = tpu.assume_multiple %add3A_238, 8 : i32
      "tpu.region"() ({
        %run_scoped3A = tpu.sem_alloc : memref<!tpu.dma_semaphore, #tpu.memory_space<semaphore_mem>>
        %dma_start3A_240 = arith.constant 0 : i32
        %dma_start3A_241 = tpu.memref_slice %arg10[%multiple_of3A_239, %dma_start3A_240] : memref<20000x128xf32, #tpu.memory_space<hbm>> -> memref<520x128xf32, #tpu.memory_space<hbm>>
        %dma_start3A_242 = arith.constant 9480 : i32
        %dma_start3A_243 = arith.constant 0 : i32
        %dma_start3A_244 = tpu.memref_slice %arg13[%dma_start3A_242, %dma_start3A_243] : memref<10000x128xf32, #tpu.memory_space<vmem_shared>> -> memref<520x128xf32, #tpu.memory_space<vmem_shared>>
        tpu.enqueue_dma source(%dma_start3A_244 : memref<520x128xf32, #tpu.memory_space<vmem_shared>>) target(%dma_start3A_241 : memref<520x128xf32, #tpu.memory_space<hbm>>) target_semaphore(%run_scoped3A : memref<!tpu.dma_semaphore, #tpu.memory_space<semaphore_mem>>)
        %dma_wait3A_245 = arith.constant 0 : i32
        %dma_wait3A_246 = tpu.memref_slice %arg10[%multiple_of3A_239, %dma_wait3A_245] : memref<20000x128xf32, #tpu.memory_space<hbm>> -> memref<520x128xf32, #tpu.memory_space<hbm>>
        %dma_wait3A_247 = arith.constant 9480 : i32
        %dma_wait3A_248 = arith.constant 0 : i32
        %dma_wait3A_249 = tpu.memref_slice %arg13[%dma_wait3A_247, %dma_wait3A_248] : memref<10000x128xf32, #tpu.memory_space<vmem_shared>> -> memref<520x128xf32, #tpu.memory_space<vmem_shared>>
        tpu.wait_dma2 semaphore(%run_scoped3A : memref<!tpu.dma_semaphore, #tpu.memory_space<semaphore_mem>>) src(%dma_wait3A_249 : memref<520x128xf32, #tpu.memory_space<vmem_shared>>) dst(%dma_wait3A_246 : memref<520x128xf32, #tpu.memory_space<hbm>>)
        tpu.yield
      }) : () -> ()
    } else {
    }
    %lt3A_115 = arith.constant 15 : i32
    %lt3A_116 = arith.cmpi slt, %arg1, %lt3A_115 : i32
    %convert_element_type3A_117 = arith.extui %lt3A_116 : i1 to i32
    %cond3A_118 = arith.constant 0 : i32
    %cond3A_119 = arith.cmpi ne, %convert_element_type3A_117, %cond3A_118 : i32
    scf.if %cond3A_119 {
      %mul3A_235 = arith.constant 632 : i32
      %mul3A_236 = arith.muli %arg1, %mul3A_235 : i32
      %multiple_of3A_237 = tpu.assume_multiple %mul3A_236, 8 : i32
      "tpu.region"() ({
        %run_scoped3A = tpu.sem_alloc : memref<!tpu.dma_semaphore, #tpu.memory_space<semaphore_mem>>
        %dma_start3A_238 = arith.constant 0 : i32
        %dma_start3A_239 = tpu.memref_slice %arg13[%multiple_of3A_237, %dma_start3A_238] : memref<10000x128xf32, #tpu.memory_space<vmem_shared>> -> memref<632x128xf32, #tpu.memory_space<vmem_shared>>
        %dma_start3A_240 = arith.constant 0 : i32
        %dma_start3A_241 = tpu.memref_slice %arg8[%multiple_of3A_237, %dma_start3A_240] : memref<10000x128xf32, #tpu.memory_space<hbm>> -> memref<632x128xf32, #tpu.memory_space<hbm>>
        tpu.enqueue_dma source(%dma_start3A_241 : memref<632x128xf32, #tpu.memory_space<hbm>>) target(%dma_start3A_239 : memref<632x128xf32, #tpu.memory_space<vmem_shared>>) target_semaphore(%run_scoped3A : memref<!tpu.dma_semaphore, #tpu.memory_space<semaphore_mem>>)
        %dma_wait3A_242 = arith.constant 0 : i32
        %dma_wait3A_243 = tpu.memref_slice %arg13[%multiple_of3A_237, %dma_wait3A_242] : memref<10000x128xf32, #tpu.memory_space<vmem_shared>> -> memref<632x128xf32, #tpu.memory_space<vmem_shared>>
        %dma_wait3A_244 = arith.constant 0 : i32
        %dma_wait3A_245 = tpu.memref_slice %arg8[%multiple_of3A_237, %dma_wait3A_244] : memref<10000x128xf32, #tpu.memory_space<hbm>> -> memref<632x128xf32, #tpu.memory_space<hbm>>
        tpu.wait_dma2 semaphore(%run_scoped3A : memref<!tpu.dma_semaphore, #tpu.memory_space<semaphore_mem>>) src(%dma_wait3A_245 : memref<632x128xf32, #tpu.memory_space<hbm>>) dst(%dma_wait3A_243 : memref<632x128xf32, #tpu.memory_space<vmem_shared>>)
        tpu.yield
      }) : () -> ()
    } else {
    }
    %eq3A_120 = arith.constant 15 : i32
    %eq3A_121 = arith.cmpi eq, %arg1, %eq3A_120 : i32
    %convert_element_type3A_122 = arith.extui %eq3A_121 : i1 to i32
    %cond3A_123 = arith.constant 0 : i32
    %cond3A_124 = arith.cmpi ne, %convert_element_type3A_122, %cond3A_123 : i32
    scf.if %cond3A_124 {
      "tpu.region"() ({
        %run_scoped3A = tpu.sem_alloc : memref<!tpu.dma_semaphore, #tpu.memory_space<semaphore_mem>>
        %dma_start3A_235 = arith.constant 9480 : i32
        %dma_start3A_236 = arith.constant 0 : i32
        %dma_start3A_237 = tpu.memref_slice %arg13[%dma_start3A_235, %dma_start3A_236] : memref<10000x128xf32, #tpu.memory_space<vmem_shared>> -> memref<520x128xf32, #tpu.memory_space<vmem_shared>>
        %dma_start3A_238 = arith.constant 9480 : i32
        %dma_start3A_239 = arith.constant 0 : i32
        %dma_start3A_240 = tpu.memref_slice %arg8[%dma_start3A_238, %dma_start3A_239] : memref<10000x128xf32, #tpu.memory_space<hbm>> -> memref<520x128xf32, #tpu.memory_space<hbm>>
        tpu.enqueue_dma source(%dma_start3A_240 : memref<520x128xf32, #tpu.memory_space<hbm>>) target(%dma_start3A_237 : memref<520x128xf32, #tpu.memory_space<vmem_shared>>) target_semaphore(%run_scoped3A : memref<!tpu.dma_semaphore, #tpu.memory_space<semaphore_mem>>)
        %dma_wait3A_241 = arith.constant 9480 : i32
        %dma_wait3A_242 = arith.constant 0 : i32
        %dma_wait3A_243 = tpu.memref_slice %arg13[%dma_wait3A_241, %dma_wait3A_242] : memref<10000x128xf32, #tpu.memory_space<vmem_shared>> -> memref<520x128xf32, #tpu.memory_space<vmem_shared>>
        %dma_wait3A_244 = arith.constant 9480 : i32
        %dma_wait3A_245 = arith.constant 0 : i32
        %dma_wait3A_246 = tpu.memref_slice %arg8[%dma_wait3A_244, %dma_wait3A_245] : memref<10000x128xf32, #tpu.memory_space<hbm>> -> memref<520x128xf32, #tpu.memory_space<hbm>>
        tpu.wait_dma2 semaphore(%run_scoped3A : memref<!tpu.dma_semaphore, #tpu.memory_space<semaphore_mem>>) src(%dma_wait3A_246 : memref<520x128xf32, #tpu.memory_space<hbm>>) dst(%dma_wait3A_243 : memref<520x128xf32, #tpu.memory_space<vmem_shared>>)
        tpu.yield
      }) : () -> ()
    } else {
    }
    %barrier3A_125 = arith.constant 0 : index
    tpu.barrier barrier_id(%barrier3A_125)
    %multiple_of3A_126 = arith.constant 0 : i32
    %multiple_of3A_127 = tpu.assume_multiple %multiple_of3A_126, 8 : i32
    %dma_start3A_128 = tpu.memref_slice %arg14[%multiple_of3A_127] : memref<10000xi32, #tpu.memory_space<vmem>> -> memref<80xi32, #tpu.memory_space<vmem>>
    %dma_start3A_129 = arith.constant 0 : i32
    %dma_start3A_130 = arith.constant 0 : i32
    %dma_start3A_131 = tpu.memref_slice %arg4[%dma_start3A_129, %dma_start3A_130] : memref<10000x128xf32, #tpu.memory_space<hbm>> -> memref<10000x128xf32, #tpu.memory_space<hbm>>
    tpu.enqueue_indirect_dma source(%dma_start3A_131 : memref<10000x128xf32, #tpu.memory_space<hbm>>) target(%arg16 : memref<80x128xf32, #tpu.memory_space<vmem>>) offsets(%dma_start3A_128 : memref<80xi32, #tpu.memory_space<vmem>>) semaphore(%arg18 : memref<!tpu.dma_semaphore, #tpu.memory_space<semaphore_mem>>)
    %multiple_of3A_132 = arith.constant 80 : i32
    %multiple_of3A_133 = tpu.assume_multiple %multiple_of3A_132, 8 : i32
    %dma_start3A_134 = tpu.memref_slice %arg14[%multiple_of3A_133] : memref<10000xi32, #tpu.memory_space<vmem>> -> memref<80xi32, #tpu.memory_space<vmem>>
    %dma_start3A_135 = arith.constant 0 : i32
    %dma_start3A_136 = arith.constant 0 : i32
    %dma_start3A_137 = tpu.memref_slice %arg4[%dma_start3A_135, %dma_start3A_136] : memref<10000x128xf32, #tpu.memory_space<hbm>> -> memref<10000x128xf32, #tpu.memory_space<hbm>>
    tpu.enqueue_indirect_dma source(%dma_start3A_137 : memref<10000x128xf32, #tpu.memory_space<hbm>>) target(%arg17 : memref<80x128xf32, #tpu.memory_space<vmem>>) offsets(%dma_start3A_134 : memref<80xi32, #tpu.memory_space<vmem>>) semaphore(%arg19 : memref<!tpu.dma_semaphore, #tpu.memory_space<semaphore_mem>>)
    %scan3A_138 = arith.constant 0 : i32
    %scan3A_139 = arith.constant 0 : i32
    %scan3A_140 = arith.constant 62 : i32
    %scan3A_141 = arith.addi %scan3A_139, %scan3A_140 : i32
    %scan3A_142 = arith.constant 1 : i32
    scf.for %scan3A_235 = %scan3A_139 to %scan3A_141 step %scan3A_142  : i32 {
      %mul3A_236 = arith.constant 2 : i32
      %mul3A_237 = arith.muli %mul3A_236, %scan3A_235 : i32
      %mul3A_238 = arith.constant 80 : i32
      %mul3A_239 = arith.muli %mul3A_237, %mul3A_238 : i32
      %multiple_of3A_240 = tpu.assume_multiple %mul3A_239, 8 : i32
      %dma_wait3A_241 = tpu.memref_slice %arg14[%multiple_of3A_240] : memref<10000xi32, #tpu.memory_space<vmem>> -> memref<80xi32, #tpu.memory_space<vmem>>
      %dma_wait3A_242 = arith.constant 0 : i32
      %dma_wait3A_243 = arith.constant 0 : i32
      %dma_wait3A_244 = tpu.memref_slice %arg4[%dma_wait3A_242, %dma_wait3A_243] : memref<10000x128xf32, #tpu.memory_space<hbm>> -> memref<10000x128xf32, #tpu.memory_space<hbm>>
      tpu.wait_indirect_dma semaphore(%arg18 : memref<!tpu.dma_semaphore, #tpu.memory_space<semaphore_mem>>) src(%dma_wait3A_244 : memref<10000x128xf32, #tpu.memory_space<hbm>>) dst(%arg16 : memref<80x128xf32, #tpu.memory_space<vmem>>)
      %dma_start3A_245 = arith.constant 0 : i32
      %dma_start3A_246 = tpu.memref_slice %arg15[%mul3A_237, %dma_start3A_245] : memref<125x80xi32, #tpu.memory_space<vmem>> -> memref<1x80xi32, #tpu.memory_space<vmem>>
      %dma_start3A_247 = tpu.memref_squeeze %dma_start3A_246 : memref<1x80xi32, #tpu.memory_space<vmem>> -> memref<80xi32, #tpu.memory_space<vmem>>
      %dma_start3A_248 = arith.constant 0 : i32
      %dma_start3A_249 = arith.constant 0 : i32
      %dma_start3A_250 = tpu.memref_slice %arg13[%dma_start3A_248, %dma_start3A_249] : memref<10000x128xf32, #tpu.memory_space<vmem_shared>> -> memref<10000x128xf32, #tpu.memory_space<vmem_shared>>
      tpu.enqueue_indirect_dma source(%arg16 : memref<80x128xf32, #tpu.memory_space<vmem>>) target(%dma_start3A_250 : memref<10000x128xf32, #tpu.memory_space<vmem_shared>>) offsets(%dma_start3A_247 : memref<80xi32, #tpu.memory_space<vmem>>) semaphore(%arg20 : memref<!tpu.dma_semaphore, #tpu.memory_space<semaphore_mem>>) {add = true}
      %dma_wait3A_251 = arith.constant 0 : i32
      %dma_wait3A_252 = tpu.memref_slice %arg15[%mul3A_237, %dma_wait3A_251] : memref<125x80xi32, #tpu.memory_space<vmem>> -> memref<1x80xi32, #tpu.memory_space<vmem>>
      %dma_wait3A_253 = tpu.memref_squeeze %dma_wait3A_252 : memref<1x80xi32, #tpu.memory_space<vmem>> -> memref<80xi32, #tpu.memory_space<vmem>>
      %dma_wait3A_254 = arith.constant 0 : i32
      %dma_wait3A_255 = arith.constant 0 : i32
      %dma_wait3A_256 = tpu.memref_slice %arg13[%dma_wait3A_254, %dma_wait3A_255] : memref<10000x128xf32, #tpu.memory_space<vmem_shared>> -> memref<10000x128xf32, #tpu.memory_space<vmem_shared>>
      tpu.wait_indirect_dma semaphore(%arg20 : memref<!tpu.dma_semaphore, #tpu.memory_space<semaphore_mem>>) src(%arg16 : memref<80x128xf32, #tpu.memory_space<vmem>>) dst(%dma_wait3A_256 : memref<10000x128xf32, #tpu.memory_space<vmem_shared>>)
      %add3A_257 = arith.constant 2 : i32
      %add3A_258 = arith.addi %mul3A_237, %add3A_257 : i32
      %lt3A_259 = arith.constant 125 : i32
      %lt3A_260 = arith.cmpi slt, %add3A_258, %lt3A_259 : i32
      %convert_element_type3A_261 = arith.extui %lt3A_260 : i1 to i32
      %cond3A_262 = arith.constant 0 : i32
      %cond3A_263 = arith.cmpi ne, %convert_element_type3A_261, %cond3A_262 : i32
      scf.if %cond3A_263 {
        %add3A_294 = arith.constant 2 : i32
        %add3A_295 = arith.addi %mul3A_237, %add3A_294 : i32
        %mul3A_296 = arith.constant 80 : i32
        %mul3A_297 = arith.muli %add3A_295, %mul3A_296 : i32
        %multiple_of3A_298 = tpu.assume_multiple %mul3A_297, 8 : i32
        %dma_start3A_299 = tpu.memref_slice %arg14[%multiple_of3A_298] : memref<10000xi32, #tpu.memory_space<vmem>> -> memref<80xi32, #tpu.memory_space<vmem>>
        %dma_start3A_300 = arith.constant 0 : i32
        %dma_start3A_301 = arith.constant 0 : i32
        %dma_start3A_302 = tpu.memref_slice %arg4[%dma_start3A_300, %dma_start3A_301] : memref<10000x128xf32, #tpu.memory_space<hbm>> -> memref<10000x128xf32, #tpu.memory_space<hbm>>
        tpu.enqueue_indirect_dma source(%dma_start3A_302 : memref<10000x128xf32, #tpu.memory_space<hbm>>) target(%arg16 : memref<80x128xf32, #tpu.memory_space<vmem>>) offsets(%dma_start3A_299 : memref<80xi32, #tpu.memory_space<vmem>>) semaphore(%arg18 : memref<!tpu.dma_semaphore, #tpu.memory_space<semaphore_mem>>)
      } else {
      }
      %mul3A_264 = arith.constant 2 : i32
      %mul3A_265 = arith.muli %mul3A_264, %scan3A_235 : i32
      %add3A_266 = arith.constant 1 : i32
      %add3A_267 = arith.addi %mul3A_265, %add3A_266 : i32
      %mul3A_268 = arith.constant 80 : i32
      %mul3A_269 = arith.muli %add3A_267, %mul3A_268 : i32
      %multiple_of3A_270 = tpu.assume_multiple %mul3A_269, 8 : i32
      %dma_wait3A_271 = tpu.memref_slice %arg14[%multiple_of3A_270] : memref<10000xi32, #tpu.memory_space<vmem>> -> memref<80xi32, #tpu.memory_space<vmem>>
      %dma_wait3A_272 = arith.constant 0 : i32
      %dma_wait3A_273 = arith.constant 0 : i32
      %dma_wait3A_274 = tpu.memref_slice %arg4[%dma_wait3A_272, %dma_wait3A_273] : memref<10000x128xf32, #tpu.memory_space<hbm>> -> memref<10000x128xf32, #tpu.memory_space<hbm>>
      tpu.wait_indirect_dma semaphore(%arg19 : memref<!tpu.dma_semaphore, #tpu.memory_space<semaphore_mem>>) src(%dma_wait3A_274 : memref<10000x128xf32, #tpu.memory_space<hbm>>) dst(%arg17 : memref<80x128xf32, #tpu.memory_space<vmem>>)
      %dma_start3A_275 = arith.constant 0 : i32
      %dma_start3A_276 = tpu.memref_slice %arg15[%add3A_267, %dma_start3A_275] : memref<125x80xi32, #tpu.memory_space<vmem>> -> memref<1x80xi32, #tpu.memory_space<vmem>>
      %dma_start3A_277 = tpu.memref_squeeze %dma_start3A_276 : memref<1x80xi32, #tpu.memory_space<vmem>> -> memref<80xi32, #tpu.memory_space<vmem>>
      %dma_start3A_278 = arith.constant 0 : i32
      %dma_start3A_279 = arith.constant 0 : i32
      %dma_start3A_280 = tpu.memref_slice %arg13[%dma_start3A_278, %dma_start3A_279] : memref<10000x128xf32, #tpu.memory_space<vmem_shared>> -> memref<10000x128xf32, #tpu.memory_space<vmem_shared>>
      tpu.enqueue_indirect_dma source(%arg17 : memref<80x128xf32, #tpu.memory_space<vmem>>) target(%dma_start3A_280 : memref<10000x128xf32, #tpu.memory_space<vmem_shared>>) offsets(%dma_start3A_277 : memref<80xi32, #tpu.memory_space<vmem>>) semaphore(%arg21 : memref<!tpu.dma_semaphore, #tpu.memory_space<semaphore_mem>>) {add = true}
      %dma_wait3A_281 = arith.constant 0 : i32
      %dma_wait3A_282 = tpu.memref_slice %arg15[%add3A_267, %dma_wait3A_281] : memref<125x80xi32, #tpu.memory_space<vmem>> -> memref<1x80xi32, #tpu.memory_space<vmem>>
      %dma_wait3A_283 = tpu.memref_squeeze %dma_wait3A_282 : memref<1x80xi32, #tpu.memory_space<vmem>> -> memref<80xi32, #tpu.memory_space<vmem>>
      %dma_wait3A_284 = arith.constant 0 : i32
      %dma_wait3A_285 = arith.constant 0 : i32
      %dma_wait3A_286 = tpu.memref_slice %arg13[%dma_wait3A_284, %dma_wait3A_285] : memref<10000x128xf32, #tpu.memory_space<vmem_shared>> -> memref<10000x128xf32, #tpu.memory_space<vmem_shared>>
      tpu.wait_indirect_dma semaphore(%arg21 : memref<!tpu.dma_semaphore, #tpu.memory_space<semaphore_mem>>) src(%arg17 : memref<80x128xf32, #tpu.memory_space<vmem>>) dst(%dma_wait3A_286 : memref<10000x128xf32, #tpu.memory_space<vmem_shared>>)
      %add3A_287 = arith.constant 2 : i32
      %add3A_288 = arith.addi %add3A_267, %add3A_287 : i32
      %lt3A_289 = arith.constant 125 : i32
      %lt3A_290 = arith.cmpi slt, %add3A_288, %lt3A_289 : i32
      %convert_element_type3A_291 = arith.extui %lt3A_290 : i1 to i32
      %cond3A_292 = arith.constant 0 : i32
      %cond3A_293 = arith.cmpi ne, %convert_element_type3A_291, %cond3A_292 : i32
      scf.if %cond3A_293 {
        %add3A_294 = arith.constant 2 : i32
        %add3A_295 = arith.addi %add3A_267, %add3A_294 : i32
        %mul3A_296 = arith.constant 80 : i32
        %mul3A_297 = arith.muli %add3A_295, %mul3A_296 : i32
        %multiple_of3A_298 = tpu.assume_multiple %mul3A_297, 8 : i32
        %dma_start3A_299 = tpu.memref_slice %arg14[%multiple_of3A_298] : memref<10000xi32, #tpu.memory_space<vmem>> -> memref<80xi32, #tpu.memory_space<vmem>>
        %dma_start3A_300 = arith.constant 0 : i32
        %dma_start3A_301 = arith.constant 0 : i32
        %dma_start3A_302 = tpu.memref_slice %arg4[%dma_start3A_300, %dma_start3A_301] : memref<10000x128xf32, #tpu.memory_space<hbm>> -> memref<10000x128xf32, #tpu.memory_space<hbm>>
        tpu.enqueue_indirect_dma source(%dma_start3A_302 : memref<10000x128xf32, #tpu.memory_space<hbm>>) target(%arg17 : memref<80x128xf32, #tpu.memory_space<vmem>>) offsets(%dma_start3A_299 : memref<80xi32, #tpu.memory_space<vmem>>) semaphore(%arg19 : memref<!tpu.dma_semaphore, #tpu.memory_space<semaphore_mem>>)
      } else {
      }
    }
    %scan3A_143 = arith.constant 62 : i32
    %multiple_of3A_144 = arith.constant 9920 : i32
    %multiple_of3A_145 = tpu.assume_multiple %multiple_of3A_144, 8 : i32
    %dma_wait3A_146 = tpu.memref_slice %arg14[%multiple_of3A_145] : memref<10000xi32, #tpu.memory_space<vmem>> -> memref<80xi32, #tpu.memory_space<vmem>>
    %dma_wait3A_147 = arith.constant 0 : i32
    %dma_wait3A_148 = arith.constant 0 : i32
    %dma_wait3A_149 = tpu.memref_slice %arg4[%dma_wait3A_147, %dma_wait3A_148] : memref<10000x128xf32, #tpu.memory_space<hbm>> -> memref<10000x128xf32, #tpu.memory_space<hbm>>
    tpu.wait_indirect_dma semaphore(%arg18 : memref<!tpu.dma_semaphore, #tpu.memory_space<semaphore_mem>>) src(%dma_wait3A_149 : memref<10000x128xf32, #tpu.memory_space<hbm>>) dst(%arg16 : memref<80x128xf32, #tpu.memory_space<vmem>>)
    %dma_start3A_150 = arith.constant 124 : i32
    %dma_start3A_151 = arith.constant 0 : i32
    %dma_start3A_152 = tpu.memref_slice %arg15[%dma_start3A_150, %dma_start3A_151] : memref<125x80xi32, #tpu.memory_space<vmem>> -> memref<1x80xi32, #tpu.memory_space<vmem>>
    %dma_start3A_153 = tpu.memref_squeeze %dma_start3A_152 : memref<1x80xi32, #tpu.memory_space<vmem>> -> memref<80xi32, #tpu.memory_space<vmem>>
    %dma_start3A_154 = arith.constant 0 : i32
    %dma_start3A_155 = arith.constant 0 : i32
    %dma_start3A_156 = tpu.memref_slice %arg13[%dma_start3A_154, %dma_start3A_155] : memref<10000x128xf32, #tpu.memory_space<vmem_shared>> -> memref<10000x128xf32, #tpu.memory_space<vmem_shared>>
    tpu.enqueue_indirect_dma source(%arg16 : memref<80x128xf32, #tpu.memory_space<vmem>>) target(%dma_start3A_156 : memref<10000x128xf32, #tpu.memory_space<vmem_shared>>) offsets(%dma_start3A_153 : memref<80xi32, #tpu.memory_space<vmem>>) semaphore(%arg20 : memref<!tpu.dma_semaphore, #tpu.memory_space<semaphore_mem>>) {add = true}
    %dma_wait3A_157 = arith.constant 124 : i32
    %dma_wait3A_158 = arith.constant 0 : i32
    %dma_wait3A_159 = tpu.memref_slice %arg15[%dma_wait3A_157, %dma_wait3A_158] : memref<125x80xi32, #tpu.memory_space<vmem>> -> memref<1x80xi32, #tpu.memory_space<vmem>>
    %dma_wait3A_160 = tpu.memref_squeeze %dma_wait3A_159 : memref<1x80xi32, #tpu.memory_space<vmem>> -> memref<80xi32, #tpu.memory_space<vmem>>
    %dma_wait3A_161 = arith.constant 0 : i32
    %dma_wait3A_162 = arith.constant 0 : i32
    %dma_wait3A_163 = tpu.memref_slice %arg13[%dma_wait3A_161, %dma_wait3A_162] : memref<10000x128xf32, #tpu.memory_space<vmem_shared>> -> memref<10000x128xf32, #tpu.memory_space<vmem_shared>>
    tpu.wait_indirect_dma semaphore(%arg20 : memref<!tpu.dma_semaphore, #tpu.memory_space<semaphore_mem>>) src(%arg16 : memref<80x128xf32, #tpu.memory_space<vmem>>) dst(%dma_wait3A_163 : memref<10000x128xf32, #tpu.memory_space<vmem_shared>>)
    %barrier3A_164 = arith.constant 0 : index
    tpu.barrier barrier_id(%barrier3A_164)
    %lt3A_165 = arith.constant 15 : i32
    %lt3A_166 = arith.cmpi slt, %arg1, %lt3A_165 : i32
    %convert_element_type3A_167 = arith.extui %lt3A_166 : i1 to i32
    %cond3A_168 = arith.constant 0 : i32
    %cond3A_169 = arith.cmpi ne, %convert_element_type3A_167, %cond3A_168 : i32
    scf.if %cond3A_169 {
      %mul3A_235 = arith.constant 632 : i32
      %mul3A_236 = arith.muli %arg1, %mul3A_235 : i32
      %multiple_of3A_237 = tpu.assume_multiple %mul3A_236, 8 : i32
      %mul3A_238 = arith.constant 10000 : i32
      %mul3A_239 = arith.muli %arg0, %mul3A_238 : i32
      %add3A_240 = arith.addi %mul3A_239, %multiple_of3A_237 : i32
      %multiple_of3A_241 = tpu.assume_multiple %add3A_240, 8 : i32
      "tpu.region"() ({
        %run_scoped3A = tpu.sem_alloc : memref<!tpu.dma_semaphore, #tpu.memory_space<semaphore_mem>>
        %dma_start3A_242 = arith.constant 0 : i32
        %dma_start3A_243 = tpu.memref_slice %arg11[%multiple_of3A_241, %dma_start3A_242] : memref<20000x128xf32, #tpu.memory_space<hbm>> -> memref<632x128xf32, #tpu.memory_space<hbm>>
        %dma_start3A_244 = arith.constant 0 : i32
        %dma_start3A_245 = tpu.memref_slice %arg13[%multiple_of3A_237, %dma_start3A_244] : memref<10000x128xf32, #tpu.memory_space<vmem_shared>> -> memref<632x128xf32, #tpu.memory_space<vmem_shared>>
        tpu.enqueue_dma source(%dma_start3A_245 : memref<632x128xf32, #tpu.memory_space<vmem_shared>>) target(%dma_start3A_243 : memref<632x128xf32, #tpu.memory_space<hbm>>) target_semaphore(%run_scoped3A : memref<!tpu.dma_semaphore, #tpu.memory_space<semaphore_mem>>)
        %dma_wait3A_246 = arith.constant 0 : i32
        %dma_wait3A_247 = tpu.memref_slice %arg11[%multiple_of3A_241, %dma_wait3A_246] : memref<20000x128xf32, #tpu.memory_space<hbm>> -> memref<632x128xf32, #tpu.memory_space<hbm>>
        %dma_wait3A_248 = arith.constant 0 : i32
        %dma_wait3A_249 = tpu.memref_slice %arg13[%multiple_of3A_237, %dma_wait3A_248] : memref<10000x128xf32, #tpu.memory_space<vmem_shared>> -> memref<632x128xf32, #tpu.memory_space<vmem_shared>>
        tpu.wait_dma2 semaphore(%run_scoped3A : memref<!tpu.dma_semaphore, #tpu.memory_space<semaphore_mem>>) src(%dma_wait3A_249 : memref<632x128xf32, #tpu.memory_space<vmem_shared>>) dst(%dma_wait3A_247 : memref<632x128xf32, #tpu.memory_space<hbm>>)
        tpu.yield
      }) : () -> ()
    } else {
    }
    %eq3A_170 = arith.constant 15 : i32
    %eq3A_171 = arith.cmpi eq, %arg1, %eq3A_170 : i32
    %convert_element_type3A_172 = arith.extui %eq3A_171 : i1 to i32
    %cond3A_173 = arith.constant 0 : i32
    %cond3A_174 = arith.cmpi ne, %convert_element_type3A_172, %cond3A_173 : i32
    scf.if %cond3A_174 {
      %mul3A_235 = arith.constant 10000 : i32
      %mul3A_236 = arith.muli %arg0, %mul3A_235 : i32
      %add3A_237 = arith.constant 9480 : i32
      %add3A_238 = arith.addi %mul3A_236, %add3A_237 : i32
      %multiple_of3A_239 = tpu.assume_multiple %add3A_238, 8 : i32
      "tpu.region"() ({
        %run_scoped3A = tpu.sem_alloc : memref<!tpu.dma_semaphore, #tpu.memory_space<semaphore_mem>>
        %dma_start3A_240 = arith.constant 0 : i32
        %dma_start3A_241 = tpu.memref_slice %arg11[%multiple_of3A_239, %dma_start3A_240] : memref<20000x128xf32, #tpu.memory_space<hbm>> -> memref<520x128xf32, #tpu.memory_space<hbm>>
        %dma_start3A_242 = arith.constant 9480 : i32
        %dma_start3A_243 = arith.constant 0 : i32
        %dma_start3A_244 = tpu.memref_slice %arg13[%dma_start3A_242, %dma_start3A_243] : memref<10000x128xf32, #tpu.memory_space<vmem_shared>> -> memref<520x128xf32, #tpu.memory_space<vmem_shared>>
        tpu.enqueue_dma source(%dma_start3A_244 : memref<520x128xf32, #tpu.memory_space<vmem_shared>>) target(%dma_start3A_241 : memref<520x128xf32, #tpu.memory_space<hbm>>) target_semaphore(%run_scoped3A : memref<!tpu.dma_semaphore, #tpu.memory_space<semaphore_mem>>)
        %dma_wait3A_245 = arith.constant 0 : i32
        %dma_wait3A_246 = tpu.memref_slice %arg11[%multiple_of3A_239, %dma_wait3A_245] : memref<20000x128xf32, #tpu.memory_space<hbm>> -> memref<520x128xf32, #tpu.memory_space<hbm>>
        %dma_wait3A_247 = arith.constant 9480 : i32
        %dma_wait3A_248 = arith.constant 0 : i32
        %dma_wait3A_249 = tpu.memref_slice %arg13[%dma_wait3A_247, %dma_wait3A_248] : memref<10000x128xf32, #tpu.memory_space<vmem_shared>> -> memref<520x128xf32, #tpu.memory_space<vmem_shared>>
        tpu.wait_dma2 semaphore(%run_scoped3A : memref<!tpu.dma_semaphore, #tpu.memory_space<semaphore_mem>>) src(%dma_wait3A_249 : memref<520x128xf32, #tpu.memory_space<vmem_shared>>) dst(%dma_wait3A_246 : memref<520x128xf32, #tpu.memory_space<hbm>>)
        tpu.yield
      }) : () -> ()
    } else {
    }
    %lt3A_175 = arith.constant 15 : i32
    %lt3A_176 = arith.cmpi slt, %arg1, %lt3A_175 : i32
    %convert_element_type3A_177 = arith.extui %lt3A_176 : i1 to i32
    %cond3A_178 = arith.constant 0 : i32
    %cond3A_179 = arith.cmpi ne, %convert_element_type3A_177, %cond3A_178 : i32
    scf.if %cond3A_179 {
      %mul3A_235 = arith.constant 632 : i32
      %mul3A_236 = arith.muli %arg1, %mul3A_235 : i32
      %multiple_of3A_237 = tpu.assume_multiple %mul3A_236, 8 : i32
      "tpu.region"() ({
        %run_scoped3A = tpu.sem_alloc : memref<!tpu.dma_semaphore, #tpu.memory_space<semaphore_mem>>
        %dma_start3A_238 = arith.constant 0 : i32
        %dma_start3A_239 = tpu.memref_slice %arg13[%multiple_of3A_237, %dma_start3A_238] : memref<10000x128xf32, #tpu.memory_space<vmem_shared>> -> memref<632x128xf32, #tpu.memory_space<vmem_shared>>
        %dma_start3A_240 = arith.constant 0 : i32
        %dma_start3A_241 = tpu.memref_slice %arg8[%multiple_of3A_237, %dma_start3A_240] : memref<10000x128xf32, #tpu.memory_space<hbm>> -> memref<632x128xf32, #tpu.memory_space<hbm>>
        tpu.enqueue_dma source(%dma_start3A_241 : memref<632x128xf32, #tpu.memory_space<hbm>>) target(%dma_start3A_239 : memref<632x128xf32, #tpu.memory_space<vmem_shared>>) target_semaphore(%run_scoped3A : memref<!tpu.dma_semaphore, #tpu.memory_space<semaphore_mem>>)
        %dma_wait3A_242 = arith.constant 0 : i32
        %dma_wait3A_243 = tpu.memref_slice %arg13[%multiple_of3A_237, %dma_wait3A_242] : memref<10000x128xf32, #tpu.memory_space<vmem_shared>> -> memref<632x128xf32, #tpu.memory_space<vmem_shared>>
        %dma_wait3A_244 = arith.constant 0 : i32
        %dma_wait3A_245 = tpu.memref_slice %arg8[%multiple_of3A_237, %dma_wait3A_244] : memref<10000x128xf32, #tpu.memory_space<hbm>> -> memref<632x128xf32, #tpu.memory_space<hbm>>
        tpu.wait_dma2 semaphore(%run_scoped3A : memref<!tpu.dma_semaphore, #tpu.memory_space<semaphore_mem>>) src(%dma_wait3A_245 : memref<632x128xf32, #tpu.memory_space<hbm>>) dst(%dma_wait3A_243 : memref<632x128xf32, #tpu.memory_space<vmem_shared>>)
        tpu.yield
      }) : () -> ()
    } else {
    }
    %eq3A_180 = arith.constant 15 : i32
    %eq3A_181 = arith.cmpi eq, %arg1, %eq3A_180 : i32
    %convert_element_type3A_182 = arith.extui %eq3A_181 : i1 to i32
    %cond3A_183 = arith.constant 0 : i32
    %cond3A_184 = arith.cmpi ne, %convert_element_type3A_182, %cond3A_183 : i32
    scf.if %cond3A_184 {
      "tpu.region"() ({
        %run_scoped3A = tpu.sem_alloc : memref<!tpu.dma_semaphore, #tpu.memory_space<semaphore_mem>>
        %dma_start3A_235 = arith.constant 9480 : i32
        %dma_start3A_236 = arith.constant 0 : i32
        %dma_start3A_237 = tpu.memref_slice %arg13[%dma_start3A_235, %dma_start3A_236] : memref<10000x128xf32, #tpu.memory_space<vmem_shared>> -> memref<520x128xf32, #tpu.memory_space<vmem_shared>>
        %dma_start3A_238 = arith.constant 9480 : i32
        %dma_start3A_239 = arith.constant 0 : i32
        %dma_start3A_240 = tpu.memref_slice %arg8[%dma_start3A_238, %dma_start3A_239] : memref<10000x128xf32, #tpu.memory_space<hbm>> -> memref<520x128xf32, #tpu.memory_space<hbm>>
        tpu.enqueue_dma source(%dma_start3A_240 : memref<520x128xf32, #tpu.memory_space<hbm>>) target(%dma_start3A_237 : memref<520x128xf32, #tpu.memory_space<vmem_shared>>) target_semaphore(%run_scoped3A : memref<!tpu.dma_semaphore, #tpu.memory_space<semaphore_mem>>)
        %dma_wait3A_241 = arith.constant 9480 : i32
        %dma_wait3A_242 = arith.constant 0 : i32
        %dma_wait3A_243 = tpu.memref_slice %arg13[%dma_wait3A_241, %dma_wait3A_242] : memref<10000x128xf32, #tpu.memory_space<vmem_shared>> -> memref<520x128xf32, #tpu.memory_space<vmem_shared>>
        %dma_wait3A_244 = arith.constant 9480 : i32
        %dma_wait3A_245 = arith.constant 0 : i32
        %dma_wait3A_246 = tpu.memref_slice %arg8[%dma_wait3A_244, %dma_wait3A_245] : memref<10000x128xf32, #tpu.memory_space<hbm>> -> memref<520x128xf32, #tpu.memory_space<hbm>>
        tpu.wait_dma2 semaphore(%run_scoped3A : memref<!tpu.dma_semaphore, #tpu.memory_space<semaphore_mem>>) src(%dma_wait3A_246 : memref<520x128xf32, #tpu.memory_space<hbm>>) dst(%dma_wait3A_243 : memref<520x128xf32, #tpu.memory_space<vmem_shared>>)
        tpu.yield
      }) : () -> ()
    } else {
    }
    %barrier3A_185 = arith.constant 0 : index
    tpu.barrier barrier_id(%barrier3A_185)
    %multiple_of3A_186 = arith.constant 0 : i32
    %multiple_of3A_187 = tpu.assume_multiple %multiple_of3A_186, 8 : i32
    %dma_start3A_188 = tpu.memref_slice %arg14[%multiple_of3A_187] : memref<10000xi32, #tpu.memory_space<vmem>> -> memref<80xi32, #tpu.memory_space<vmem>>
    %dma_start3A_189 = arith.constant 0 : i32
    %dma_start3A_190 = arith.constant 0 : i32
    %dma_start3A_191 = tpu.memref_slice %arg5[%dma_start3A_189, %dma_start3A_190] : memref<10000x128xf32, #tpu.memory_space<hbm>> -> memref<10000x128xf32, #tpu.memory_space<hbm>>
    tpu.enqueue_indirect_dma source(%dma_start3A_191 : memref<10000x128xf32, #tpu.memory_space<hbm>>) target(%arg16 : memref<80x128xf32, #tpu.memory_space<vmem>>) offsets(%dma_start3A_188 : memref<80xi32, #tpu.memory_space<vmem>>) semaphore(%arg18 : memref<!tpu.dma_semaphore, #tpu.memory_space<semaphore_mem>>)
    %multiple_of3A_192 = arith.constant 80 : i32
    %multiple_of3A_193 = tpu.assume_multiple %multiple_of3A_192, 8 : i32
    %dma_start3A_194 = tpu.memref_slice %arg14[%multiple_of3A_193] : memref<10000xi32, #tpu.memory_space<vmem>> -> memref<80xi32, #tpu.memory_space<vmem>>
    %dma_start3A_195 = arith.constant 0 : i32
    %dma_start3A_196 = arith.constant 0 : i32
    %dma_start3A_197 = tpu.memref_slice %arg5[%dma_start3A_195, %dma_start3A_196] : memref<10000x128xf32, #tpu.memory_space<hbm>> -> memref<10000x128xf32, #tpu.memory_space<hbm>>
    tpu.enqueue_indirect_dma source(%dma_start3A_197 : memref<10000x128xf32, #tpu.memory_space<hbm>>) target(%arg17 : memref<80x128xf32, #tpu.memory_space<vmem>>) offsets(%dma_start3A_194 : memref<80xi32, #tpu.memory_space<vmem>>) semaphore(%arg19 : memref<!tpu.dma_semaphore, #tpu.memory_space<semaphore_mem>>)
    %scan3A_198 = arith.constant 0 : i32
    %scan3A_199 = arith.constant 0 : i32
    %scan3A_200 = arith.constant 62 : i32
    %scan3A_201 = arith.addi %scan3A_199, %scan3A_200 : i32
    %scan3A_202 = arith.constant 1 : i32
    scf.for %scan3A_235 = %scan3A_199 to %scan3A_201 step %scan3A_202  : i32 {
      %mul3A_236 = arith.constant 2 : i32
      %mul3A_237 = arith.muli %mul3A_236, %scan3A_235 : i32
      %mul3A_238 = arith.constant 80 : i32
      %mul3A_239 = arith.muli %mul3A_237, %mul3A_238 : i32
      %multiple_of3A_240 = tpu.assume_multiple %mul3A_239, 8 : i32
      %dma_wait3A_241 = tpu.memref_slice %arg14[%multiple_of3A_240] : memref<10000xi32, #tpu.memory_space<vmem>> -> memref<80xi32, #tpu.memory_space<vmem>>
      %dma_wait3A_242 = arith.constant 0 : i32
      %dma_wait3A_243 = arith.constant 0 : i32
      %dma_wait3A_244 = tpu.memref_slice %arg5[%dma_wait3A_242, %dma_wait3A_243] : memref<10000x128xf32, #tpu.memory_space<hbm>> -> memref<10000x128xf32, #tpu.memory_space<hbm>>
      tpu.wait_indirect_dma semaphore(%arg18 : memref<!tpu.dma_semaphore, #tpu.memory_space<semaphore_mem>>) src(%dma_wait3A_244 : memref<10000x128xf32, #tpu.memory_space<hbm>>) dst(%arg16 : memref<80x128xf32, #tpu.memory_space<vmem>>)
      %dma_start3A_245 = arith.constant 0 : i32
      %dma_start3A_246 = tpu.memref_slice %arg15[%mul3A_237, %dma_start3A_245] : memref<125x80xi32, #tpu.memory_space<vmem>> -> memref<1x80xi32, #tpu.memory_space<vmem>>
      %dma_start3A_247 = tpu.memref_squeeze %dma_start3A_246 : memref<1x80xi32, #tpu.memory_space<vmem>> -> memref<80xi32, #tpu.memory_space<vmem>>
      %dma_start3A_248 = arith.constant 0 : i32
      %dma_start3A_249 = arith.constant 0 : i32
      %dma_start3A_250 = tpu.memref_slice %arg13[%dma_start3A_248, %dma_start3A_249] : memref<10000x128xf32, #tpu.memory_space<vmem_shared>> -> memref<10000x128xf32, #tpu.memory_space<vmem_shared>>
      tpu.enqueue_indirect_dma source(%arg16 : memref<80x128xf32, #tpu.memory_space<vmem>>) target(%dma_start3A_250 : memref<10000x128xf32, #tpu.memory_space<vmem_shared>>) offsets(%dma_start3A_247 : memref<80xi32, #tpu.memory_space<vmem>>) semaphore(%arg20 : memref<!tpu.dma_semaphore, #tpu.memory_space<semaphore_mem>>) {add = true}
      %dma_wait3A_251 = arith.constant 0 : i32
      %dma_wait3A_252 = tpu.memref_slice %arg15[%mul3A_237, %dma_wait3A_251] : memref<125x80xi32, #tpu.memory_space<vmem>> -> memref<1x80xi32, #tpu.memory_space<vmem>>
      %dma_wait3A_253 = tpu.memref_squeeze %dma_wait3A_252 : memref<1x80xi32, #tpu.memory_space<vmem>> -> memref<80xi32, #tpu.memory_space<vmem>>
      %dma_wait3A_254 = arith.constant 0 : i32
      %dma_wait3A_255 = arith.constant 0 : i32
      %dma_wait3A_256 = tpu.memref_slice %arg13[%dma_wait3A_254, %dma_wait3A_255] : memref<10000x128xf32, #tpu.memory_space<vmem_shared>> -> memref<10000x128xf32, #tpu.memory_space<vmem_shared>>
      tpu.wait_indirect_dma semaphore(%arg20 : memref<!tpu.dma_semaphore, #tpu.memory_space<semaphore_mem>>) src(%arg16 : memref<80x128xf32, #tpu.memory_space<vmem>>) dst(%dma_wait3A_256 : memref<10000x128xf32, #tpu.memory_space<vmem_shared>>)
      %add3A_257 = arith.constant 2 : i32
      %add3A_258 = arith.addi %mul3A_237, %add3A_257 : i32
      %lt3A_259 = arith.constant 125 : i32
      %lt3A_260 = arith.cmpi slt, %add3A_258, %lt3A_259 : i32
      %convert_element_type3A_261 = arith.extui %lt3A_260 : i1 to i32
      %cond3A_262 = arith.constant 0 : i32
      %cond3A_263 = arith.cmpi ne, %convert_element_type3A_261, %cond3A_262 : i32
      scf.if %cond3A_263 {
        %add3A_294 = arith.constant 2 : i32
        %add3A_295 = arith.addi %mul3A_237, %add3A_294 : i32
        %mul3A_296 = arith.constant 80 : i32
        %mul3A_297 = arith.muli %add3A_295, %mul3A_296 : i32
        %multiple_of3A_298 = tpu.assume_multiple %mul3A_297, 8 : i32
        %dma_start3A_299 = tpu.memref_slice %arg14[%multiple_of3A_298] : memref<10000xi32, #tpu.memory_space<vmem>> -> memref<80xi32, #tpu.memory_space<vmem>>
        %dma_start3A_300 = arith.constant 0 : i32
        %dma_start3A_301 = arith.constant 0 : i32
        %dma_start3A_302 = tpu.memref_slice %arg5[%dma_start3A_300, %dma_start3A_301] : memref<10000x128xf32, #tpu.memory_space<hbm>> -> memref<10000x128xf32, #tpu.memory_space<hbm>>
        tpu.enqueue_indirect_dma source(%dma_start3A_302 : memref<10000x128xf32, #tpu.memory_space<hbm>>) target(%arg16 : memref<80x128xf32, #tpu.memory_space<vmem>>) offsets(%dma_start3A_299 : memref<80xi32, #tpu.memory_space<vmem>>) semaphore(%arg18 : memref<!tpu.dma_semaphore, #tpu.memory_space<semaphore_mem>>)
      } else {
      }
      %mul3A_264 = arith.constant 2 : i32
      %mul3A_265 = arith.muli %mul3A_264, %scan3A_235 : i32
      %add3A_266 = arith.constant 1 : i32
      %add3A_267 = arith.addi %mul3A_265, %add3A_266 : i32
      %mul3A_268 = arith.constant 80 : i32
      %mul3A_269 = arith.muli %add3A_267, %mul3A_268 : i32
      %multiple_of3A_270 = tpu.assume_multiple %mul3A_269, 8 : i32
      %dma_wait3A_271 = tpu.memref_slice %arg14[%multiple_of3A_270] : memref<10000xi32, #tpu.memory_space<vmem>> -> memref<80xi32, #tpu.memory_space<vmem>>
      %dma_wait3A_272 = arith.constant 0 : i32
      %dma_wait3A_273 = arith.constant 0 : i32
      %dma_wait3A_274 = tpu.memref_slice %arg5[%dma_wait3A_272, %dma_wait3A_273] : memref<10000x128xf32, #tpu.memory_space<hbm>> -> memref<10000x128xf32, #tpu.memory_space<hbm>>
      tpu.wait_indirect_dma semaphore(%arg19 : memref<!tpu.dma_semaphore, #tpu.memory_space<semaphore_mem>>) src(%dma_wait3A_274 : memref<10000x128xf32, #tpu.memory_space<hbm>>) dst(%arg17 : memref<80x128xf32, #tpu.memory_space<vmem>>)
      %dma_start3A_275 = arith.constant 0 : i32
      %dma_start3A_276 = tpu.memref_slice %arg15[%add3A_267, %dma_start3A_275] : memref<125x80xi32, #tpu.memory_space<vmem>> -> memref<1x80xi32, #tpu.memory_space<vmem>>
      %dma_start3A_277 = tpu.memref_squeeze %dma_start3A_276 : memref<1x80xi32, #tpu.memory_space<vmem>> -> memref<80xi32, #tpu.memory_space<vmem>>
      %dma_start3A_278 = arith.constant 0 : i32
      %dma_start3A_279 = arith.constant 0 : i32
      %dma_start3A_280 = tpu.memref_slice %arg13[%dma_start3A_278, %dma_start3A_279] : memref<10000x128xf32, #tpu.memory_space<vmem_shared>> -> memref<10000x128xf32, #tpu.memory_space<vmem_shared>>
      tpu.enqueue_indirect_dma source(%arg17 : memref<80x128xf32, #tpu.memory_space<vmem>>) target(%dma_start3A_280 : memref<10000x128xf32, #tpu.memory_space<vmem_shared>>) offsets(%dma_start3A_277 : memref<80xi32, #tpu.memory_space<vmem>>) semaphore(%arg21 : memref<!tpu.dma_semaphore, #tpu.memory_space<semaphore_mem>>) {add = true}
      %dma_wait3A_281 = arith.constant 0 : i32
      %dma_wait3A_282 = tpu.memref_slice %arg15[%add3A_267, %dma_wait3A_281] : memref<125x80xi32, #tpu.memory_space<vmem>> -> memref<1x80xi32, #tpu.memory_space<vmem>>
      %dma_wait3A_283 = tpu.memref_squeeze %dma_wait3A_282 : memref<1x80xi32, #tpu.memory_space<vmem>> -> memref<80xi32, #tpu.memory_space<vmem>>
      %dma_wait3A_284 = arith.constant 0 : i32
      %dma_wait3A_285 = arith.constant 0 : i32
      %dma_wait3A_286 = tpu.memref_slice %arg13[%dma_wait3A_284, %dma_wait3A_285] : memref<10000x128xf32, #tpu.memory_space<vmem_shared>> -> memref<10000x128xf32, #tpu.memory_space<vmem_shared>>
      tpu.wait_indirect_dma semaphore(%arg21 : memref<!tpu.dma_semaphore, #tpu.memory_space<semaphore_mem>>) src(%arg17 : memref<80x128xf32, #tpu.memory_space<vmem>>) dst(%dma_wait3A_286 : memref<10000x128xf32, #tpu.memory_space<vmem_shared>>)
      %add3A_287 = arith.constant 2 : i32
      %add3A_288 = arith.addi %add3A_267, %add3A_287 : i32
      %lt3A_289 = arith.constant 125 : i32
      %lt3A_290 = arith.cmpi slt, %add3A_288, %lt3A_289 : i32
      %convert_element_type3A_291 = arith.extui %lt3A_290 : i1 to i32
      %cond3A_292 = arith.constant 0 : i32
      %cond3A_293 = arith.cmpi ne, %convert_element_type3A_291, %cond3A_292 : i32
      scf.if %cond3A_293 {
        %add3A_294 = arith.constant 2 : i32
        %add3A_295 = arith.addi %add3A_267, %add3A_294 : i32
        %mul3A_296 = arith.constant 80 : i32
        %mul3A_297 = arith.muli %add3A_295, %mul3A_296 : i32
        %multiple_of3A_298 = tpu.assume_multiple %mul3A_297, 8 : i32
        %dma_start3A_299 = tpu.memref_slice %arg14[%multiple_of3A_298] : memref<10000xi32, #tpu.memory_space<vmem>> -> memref<80xi32, #tpu.memory_space<vmem>>
        %dma_start3A_300 = arith.constant 0 : i32
        %dma_start3A_301 = arith.constant 0 : i32
        %dma_start3A_302 = tpu.memref_slice %arg5[%dma_start3A_300, %dma_start3A_301] : memref<10000x128xf32, #tpu.memory_space<hbm>> -> memref<10000x128xf32, #tpu.memory_space<hbm>>
        tpu.enqueue_indirect_dma source(%dma_start3A_302 : memref<10000x128xf32, #tpu.memory_space<hbm>>) target(%arg17 : memref<80x128xf32, #tpu.memory_space<vmem>>) offsets(%dma_start3A_299 : memref<80xi32, #tpu.memory_space<vmem>>) semaphore(%arg19 : memref<!tpu.dma_semaphore, #tpu.memory_space<semaphore_mem>>)
      } else {
      }
    }
    %scan3A_203 = arith.constant 62 : i32
    %multiple_of3A_204 = arith.constant 9920 : i32
    %multiple_of3A_205 = tpu.assume_multiple %multiple_of3A_204, 8 : i32
    %dma_wait3A_206 = tpu.memref_slice %arg14[%multiple_of3A_205] : memref<10000xi32, #tpu.memory_space<vmem>> -> memref<80xi32, #tpu.memory_space<vmem>>
    %dma_wait3A_207 = arith.constant 0 : i32
    %dma_wait3A_208 = arith.constant 0 : i32
    %dma_wait3A_209 = tpu.memref_slice %arg5[%dma_wait3A_207, %dma_wait3A_208] : memref<10000x128xf32, #tpu.memory_space<hbm>> -> memref<10000x128xf32, #tpu.memory_space<hbm>>
    tpu.wait_indirect_dma semaphore(%arg18 : memref<!tpu.dma_semaphore, #tpu.memory_space<semaphore_mem>>) src(%dma_wait3A_209 : memref<10000x128xf32, #tpu.memory_space<hbm>>) dst(%arg16 : memref<80x128xf32, #tpu.memory_space<vmem>>)
    %dma_start3A_210 = arith.constant 124 : i32
    %dma_start3A_211 = arith.constant 0 : i32
    %dma_start3A_212 = tpu.memref_slice %arg15[%dma_start3A_210, %dma_start3A_211] : memref<125x80xi32, #tpu.memory_space<vmem>> -> memref<1x80xi32, #tpu.memory_space<vmem>>
    %dma_start3A_213 = tpu.memref_squeeze %dma_start3A_212 : memref<1x80xi32, #tpu.memory_space<vmem>> -> memref<80xi32, #tpu.memory_space<vmem>>
    %dma_start3A_214 = arith.constant 0 : i32
    %dma_start3A_215 = arith.constant 0 : i32
    %dma_start3A_216 = tpu.memref_slice %arg13[%dma_start3A_214, %dma_start3A_215] : memref<10000x128xf32, #tpu.memory_space<vmem_shared>> -> memref<10000x128xf32, #tpu.memory_space<vmem_shared>>
    tpu.enqueue_indirect_dma source(%arg16 : memref<80x128xf32, #tpu.memory_space<vmem>>) target(%dma_start3A_216 : memref<10000x128xf32, #tpu.memory_space<vmem_shared>>) offsets(%dma_start3A_213 : memref<80xi32, #tpu.memory_space<vmem>>) semaphore(%arg20 : memref<!tpu.dma_semaphore, #tpu.memory_space<semaphore_mem>>) {add = true}
    %dma_wait3A_217 = arith.constant 124 : i32
    %dma_wait3A_218 = arith.constant 0 : i32
    %dma_wait3A_219 = tpu.memref_slice %arg15[%dma_wait3A_217, %dma_wait3A_218] : memref<125x80xi32, #tpu.memory_space<vmem>> -> memref<1x80xi32, #tpu.memory_space<vmem>>
    %dma_wait3A_220 = tpu.memref_squeeze %dma_wait3A_219 : memref<1x80xi32, #tpu.memory_space<vmem>> -> memref<80xi32, #tpu.memory_space<vmem>>
    %dma_wait3A_221 = arith.constant 0 : i32
    %dma_wait3A_222 = arith.constant 0 : i32
    %dma_wait3A_223 = tpu.memref_slice %arg13[%dma_wait3A_221, %dma_wait3A_222] : memref<10000x128xf32, #tpu.memory_space<vmem_shared>> -> memref<10000x128xf32, #tpu.memory_space<vmem_shared>>
    tpu.wait_indirect_dma semaphore(%arg20 : memref<!tpu.dma_semaphore, #tpu.memory_space<semaphore_mem>>) src(%arg16 : memref<80x128xf32, #tpu.memory_space<vmem>>) dst(%dma_wait3A_223 : memref<10000x128xf32, #tpu.memory_space<vmem_shared>>)
    %barrier3A_224 = arith.constant 0 : index
    tpu.barrier barrier_id(%barrier3A_224)
    %lt3A_225 = arith.constant 15 : i32
    %lt3A_226 = arith.cmpi slt, %arg1, %lt3A_225 : i32
    %convert_element_type3A_227 = arith.extui %lt3A_226 : i1 to i32
    %cond3A_228 = arith.constant 0 : i32
    %cond3A_229 = arith.cmpi ne, %convert_element_type3A_227, %cond3A_228 : i32
    scf.if %cond3A_229 {
      %mul3A_235 = arith.constant 632 : i32
      %mul3A_236 = arith.muli %arg1, %mul3A_235 : i32
      %multiple_of3A_237 = tpu.assume_multiple %mul3A_236, 8 : i32
      %mul3A_238 = arith.constant 10000 : i32
      %mul3A_239 = arith.muli %arg0, %mul3A_238 : i32
      %add3A_240 = arith.addi %mul3A_239, %multiple_of3A_237 : i32
      %multiple_of3A_241 = tpu.assume_multiple %add3A_240, 8 : i32
      "tpu.region"() ({
        %run_scoped3A = tpu.sem_alloc : memref<!tpu.dma_semaphore, #tpu.memory_space<semaphore_mem>>
        %dma_start3A_242 = arith.constant 0 : i32
        %dma_start3A_243 = tpu.memref_slice %arg12[%multiple_of3A_241, %dma_start3A_242] : memref<20000x128xf32, #tpu.memory_space<hbm>> -> memref<632x128xf32, #tpu.memory_space<hbm>>
        %dma_start3A_244 = arith.constant 0 : i32
        %dma_start3A_245 = tpu.memref_slice %arg13[%multiple_of3A_237, %dma_start3A_244] : memref<10000x128xf32, #tpu.memory_space<vmem_shared>> -> memref<632x128xf32, #tpu.memory_space<vmem_shared>>
        tpu.enqueue_dma source(%dma_start3A_245 : memref<632x128xf32, #tpu.memory_space<vmem_shared>>) target(%dma_start3A_243 : memref<632x128xf32, #tpu.memory_space<hbm>>) target_semaphore(%run_scoped3A : memref<!tpu.dma_semaphore, #tpu.memory_space<semaphore_mem>>)
        %dma_wait3A_246 = arith.constant 0 : i32
        %dma_wait3A_247 = tpu.memref_slice %arg12[%multiple_of3A_241, %dma_wait3A_246] : memref<20000x128xf32, #tpu.memory_space<hbm>> -> memref<632x128xf32, #tpu.memory_space<hbm>>
        %dma_wait3A_248 = arith.constant 0 : i32
        %dma_wait3A_249 = tpu.memref_slice %arg13[%multiple_of3A_237, %dma_wait3A_248] : memref<10000x128xf32, #tpu.memory_space<vmem_shared>> -> memref<632x128xf32, #tpu.memory_space<vmem_shared>>
        tpu.wait_dma2 semaphore(%run_scoped3A : memref<!tpu.dma_semaphore, #tpu.memory_space<semaphore_mem>>) src(%dma_wait3A_249 : memref<632x128xf32, #tpu.memory_space<vmem_shared>>) dst(%dma_wait3A_247 : memref<632x128xf32, #tpu.memory_space<hbm>>)
        tpu.yield
      }) : () -> ()
    } else {
    }
    %eq3A_230 = arith.constant 15 : i32
    %eq3A_231 = arith.cmpi eq, %arg1, %eq3A_230 : i32
    %convert_element_type3A_232 = arith.extui %eq3A_231 : i1 to i32
    %cond3A_233 = arith.constant 0 : i32
    %cond3A_234 = arith.cmpi ne, %convert_element_type3A_232, %cond3A_233 : i32
    scf.if %cond3A_234 {
      %mul3A_235 = arith.constant 10000 : i32
      %mul3A_236 = arith.muli %arg0, %mul3A_235 : i32
      %add3A_237 = arith.constant 9480 : i32
      %add3A_238 = arith.addi %mul3A_236, %add3A_237 : i32
      %multiple_of3A_239 = tpu.assume_multiple %add3A_238, 8 : i32
      "tpu.region"() ({
        %run_scoped3A = tpu.sem_alloc : memref<!tpu.dma_semaphore, #tpu.memory_space<semaphore_mem>>
        %dma_start3A_240 = arith.constant 0 : i32
        %dma_start3A_241 = tpu.memref_slice %arg12[%multiple_of3A_239, %dma_start3A_240] : memref<20000x128xf32, #tpu.memory_space<hbm>> -> memref<520x128xf32, #tpu.memory_space<hbm>>
        %dma_start3A_242 = arith.constant 9480 : i32
        %dma_start3A_243 = arith.constant 0 : i32
        %dma_start3A_244 = tpu.memref_slice %arg13[%dma_start3A_242, %dma_start3A_243] : memref<10000x128xf32, #tpu.memory_space<vmem_shared>> -> memref<520x128xf32, #tpu.memory_space<vmem_shared>>
        tpu.enqueue_dma source(%dma_start3A_244 : memref<520x128xf32, #tpu.memory_space<vmem_shared>>) target(%dma_start3A_241 : memref<520x128xf32, #tpu.memory_space<hbm>>) target_semaphore(%run_scoped3A : memref<!tpu.dma_semaphore, #tpu.memory_space<semaphore_mem>>)
        %dma_wait3A_245 = arith.constant 0 : i32
        %dma_wait3A_246 = tpu.memref_slice %arg12[%multiple_of3A_239, %dma_wait3A_245] : memref<20000x128xf32, #tpu.memory_space<hbm>> -> memref<520x128xf32, #tpu.memory_space<hbm>>
        %dma_wait3A_247 = arith.constant 9480 : i32
        %dma_wait3A_248 = arith.constant 0 : i32
        %dma_wait3A_249 = tpu.memref_slice %arg13[%dma_wait3A_247, %dma_wait3A_248] : memref<10000x128xf32, #tpu.memory_space<vmem_shared>> -> memref<520x128xf32, #tpu.memory_space<vmem_shared>>
        tpu.wait_dma2 semaphore(%run_scoped3A : memref<!tpu.dma_semaphore, #tpu.memory_space<semaphore_mem>>) src(%dma_wait3A_249 : memref<520x128xf32, #tpu.memory_space<vmem_shared>>) dst(%dma_wait3A_246 : memref<520x128xf32, #tpu.memory_space<hbm>>)
        tpu.yield
      }) : () -> ()
    } else {
    }
    return
  }
}

module attributes {stable_mosaic.version = 14 : i64} {
  func.func @body(%arg0: i32, %arg1: memref<400x128xf32, #tpu.memory_space<vmem>>, %arg2: memref<400x128xf32, #tpu.memory_space<vmem>>, %arg3: memref<400x128xf32, #tpu.memory_space<vmem>>, %arg4: memref<400x1xf32, #tpu.memory_space<vmem>>, %arg5: memref<400x128xf32, #tpu.memory_space<vmem>>) attributes {dimension_semantics = [#tpu.dimension_semantics<arbitrary>], iteration_bounds = array<i64: 25>, scalar_prefetch = 0 : i64, scratch_operands = 0 : i64, tpu.core_type = #tpu.core_type<tc>, window_params = [{transform_indices = @transform_0, window_bounds = array<i64: 400, 128>}, {transform_indices = @transform_1, window_bounds = array<i64: 400, 128>}, {transform_indices = @transform_2, window_bounds = array<i64: 400, 128>}, {transform_indices = @transform_3, window_bounds = array<i64: 400, 1>}, {transform_indices = @transform_4, window_bounds = array<i64: 400, 128>}]} {
    %get3A = arith.constant 0 : index
    %get3A_0 = arith.constant 0 : index
    %get3A_1 = vector.load %arg2[%get3A, %get3A_0] : memref<400x128xf32, #tpu.memory_space<vmem>>, vector<400x1xf32>
    %add3A = arith.constant 1.000000e+00 : f32
    %add3A_2 = vector.broadcast %add3A : f32 to vector<400x1xf32>
    %add3A_3 = arith.addf %add3A_2, %get3A_1 : vector<400x1xf32>
    %get3A_4 = arith.constant 0 : index
    %get3A_5 = arith.constant 0 : index
    %get3A_6 = vector.load %arg3[%get3A_4, %get3A_5] : memref<400x128xf32, #tpu.memory_space<vmem>>, vector<400x1xf32>
    %add3A_7 = arith.addf %add3A_3, %get3A_6 : vector<400x1xf32>
    %rsqrt3A = math.rsqrt %add3A_7 : vector<400x1xf32>
    %swap3A = arith.constant 0 : index
    %swap3A_8 = arith.constant 0 : index
    %swap3A_9 = vector.load %arg4[%swap3A, %swap3A_8] : memref<400x1xf32, #tpu.memory_space<vmem>>, vector<400x1xf32>
    tpu.vector_store %arg4[%swap3A, %swap3A_8], %rsqrt3A {strides = array<i32>} : memref<400x1xf32, #tpu.memory_space<vmem>>, vector<400x1xf32>,
    %get3A_10 = arith.constant 0 : index
    %get3A_11 = arith.constant 0 : index
    %get3A_12 = vector.load %arg1[%get3A_10, %get3A_11] : memref<400x128xf32, #tpu.memory_space<vmem>>, vector<400x128xf32>
    %convert_element_type3A = arith.truncf %get3A_12 : vector<400x128xf32> to vector<400x128xbf16>
    %convert_element_type3A_13 = arith.extf %convert_element_type3A : vector<400x128xbf16> to vector<400x128xf32>
    %mul3A = vector.broadcast %rsqrt3A : vector<400x1xf32> to vector<400x128xf32>
    %mul3A_14 = arith.mulf %convert_element_type3A_13, %mul3A : vector<400x128xf32>
    %swap3A_15 = arith.constant 0 : index
    %swap3A_16 = arith.constant 0 : index
    %swap3A_17 = vector.load %arg5[%swap3A_15, %swap3A_16] : memref<400x128xf32, #tpu.memory_space<vmem>>, vector<400x128xf32>
    tpu.vector_store %arg5[%swap3A_15, %swap3A_16], %mul3A_14 {strides = array<i32>} : memref<400x128xf32, #tpu.memory_space<vmem>>, vector<400x128xf32>,
    return
  }
  func.func @transform_0(%arg0: i32) -> (i32, i32) {
    %c0_i32 = arith.constant 0 : i32
    %c0_i32_0 = arith.constant 0 : i32
    return %arg0, %c0_i32 : i32, i32
  }
  func.func @transform_1(%arg0: i32) -> (i32, i32) {
    %c0_i32 = arith.constant 0 : i32
    %c0_i32_0 = arith.constant 0 : i32
    return %arg0, %c0_i32 : i32, i32
  }
  func.func @transform_2(%arg0: i32) -> (i32, i32) {
    %add3A = arith.constant 25 : i32
    %add3A_0 = arith.addi %arg0, %add3A : i32
    %c0_i32 = arith.constant 0 : i32
    %c0_i32_1 = arith.constant 0 : i32
    return %add3A_0, %c0_i32 : i32, i32
  }
  func.func @transform_3(%arg0: i32) -> (i32, i32) {
    %c0_i32 = arith.constant 0 : i32
    %c0_i32_0 = arith.constant 0 : i32
    return %arg0, %c0_i32 : i32, i32
  }
  func.func @transform_4(%arg0: i32) -> (i32, i32) {
    %c0_i32 = arith.constant 0 : i32
    %c0_i32_0 = arith.constant 0 : i32
    return %arg0, %c0_i32 : i32, i32
  }
}

module attributes {stable_mosaic.version = 14 : i64} {
  func.func @body(%arg0: i32, %arg1: memref<400x1xf32, #tpu.memory_space<vmem>>, %arg2: memref<400x128xf32, #tpu.memory_space<vmem>>, %arg3: memref<400x128xf32, #tpu.memory_space<vmem>>, %arg4: memref<400x128xf32, #tpu.memory_space<vmem>>, %arg5: memref<128x128xf32, #tpu.memory_space<vmem>>, %arg6: memref<1x128xf32, #tpu.memory_space<vmem>>, %arg7: memref<400x128xf32, #tpu.memory_space<vmem>>) attributes {dimension_semantics = [#tpu.dimension_semantics<arbitrary>], iteration_bounds = array<i64: 25>, scalar_prefetch = 0 : i64, scratch_operands = 0 : i64, tpu.core_type = #tpu.core_type<tc>, window_params = [{transform_indices = @transform_0, window_bounds = array<i64: 400, 1>}, {transform_indices = @transform_1, window_bounds = array<i64: 400, 128>}, {transform_indices = @transform_2, window_bounds = array<i64: 400, 128>}, {transform_indices = @transform_3, window_bounds = array<i64: 400, 128>}, {pipeline_mode = #tpu.pipeline_mode<synchronous>, transform_indices = @transform_4, window_bounds = array<i64: 128, 128>}, {pipeline_mode = #tpu.pipeline_mode<synchronous>, transform_indices = @transform_5, window_bounds = array<i64: 1, 128>}, {transform_indices = @transform_6, window_bounds = array<i64: 400, 128>}]} {
    %get3A = arith.constant 0 : index
    %get3A_0 = arith.constant 0 : index
    %get3A_1 = vector.load %arg1[%get3A, %get3A_0] : memref<400x1xf32, #tpu.memory_space<vmem>>, vector<400x1xf32>
    %get3A_2 = arith.constant 0 : index
    %get3A_3 = arith.constant 0 : index
    %get3A_4 = vector.load %arg3[%get3A_2, %get3A_3] : memref<400x128xf32, #tpu.memory_space<vmem>>, vector<400x128xf32>
    %get3A_5 = arith.constant 0 : index
    %get3A_6 = arith.constant 0 : index
    %get3A_7 = vector.load %arg4[%get3A_5, %get3A_6] : memref<400x128xf32, #tpu.memory_space<vmem>>, vector<400x128xf32>
    %add3A = arith.addf %get3A_4, %get3A_7 : vector<400x128xf32>
    %get3A_8 = arith.constant 0 : index
    %get3A_9 = arith.constant 0 : index
    %get3A_10 = vector.load %arg2[%get3A_8, %get3A_9] : memref<400x128xf32, #tpu.memory_space<vmem>>, vector<400x128xf32>
    %add3A_11 = arith.addf %add3A, %get3A_10 : vector<400x128xf32>
    %mul3A = vector.broadcast %get3A_1 : vector<400x1xf32> to vector<400x128xf32>
    %mul3A_12 = arith.mulf %mul3A, %add3A_11 : vector<400x128xf32>
    %get3A_13 = arith.constant 0 : index
    %get3A_14 = arith.constant 0 : index
    %get3A_15 = vector.load %arg5[%get3A_13, %get3A_14] : memref<128x128xf32, #tpu.memory_space<vmem>>, vector<128x128xf32>
    %dot_general3A = arith.constant dense<0.000000e+00> : vector<400x128xf32>
    %dot_general3A_16 = tpu.matmul %mul3A_12, %get3A_15, %dot_general3A {dimension_numbers = #tpu.dot_dimension_numbers<[1], [0], [0], [1], [0, 0, 1, 1], [], []>, precision = #tpu.contract_precision<fp32>, transpose_lhs_hint = false} : vector<400x128xf32>, vector<128x128xf32>, vector<400x128xf32> -> vector<400x128xf32>
    %get3A_17 = arith.constant 0 : index
    %get3A_18 = arith.constant 0 : index
    %get3A_19 = vector.load %arg6[%get3A_17, %get3A_18] : memref<1x128xf32, #tpu.memory_space<vmem>>, vector<1x128xf32>
    %add3A_20 = vector.broadcast %get3A_19 : vector<1x128xf32> to vector<400x128xf32>
    %add3A_21 = arith.addf %dot_general3A_16, %add3A_20 : vector<400x128xf32>
    %max3A = arith.constant 0.000000e+00 : f32
    %max3A_22 = vector.broadcast %max3A : f32 to vector<400x128xf32>
    %max3A_23 = arith.maximumf %add3A_21, %max3A_22 : vector<400x128xf32>
    %convert_element_type3A = arith.truncf %max3A_23 : vector<400x128xf32> to vector<400x128xbf16>
    %convert_element_type3A_24 = arith.extf %convert_element_type3A : vector<400x128xbf16> to vector<400x128xf32>
    %mul3A_25 = vector.broadcast %get3A_1 : vector<400x1xf32> to vector<400x128xf32>
    %mul3A_26 = arith.mulf %convert_element_type3A_24, %mul3A_25 : vector<400x128xf32>
    %swap3A = arith.constant 0 : index
    %swap3A_27 = arith.constant 0 : index
    %swap3A_28 = vector.load %arg7[%swap3A, %swap3A_27] : memref<400x128xf32, #tpu.memory_space<vmem>>, vector<400x128xf32>
    tpu.vector_store %arg7[%swap3A, %swap3A_27], %mul3A_26 {strides = array<i32>} : memref<400x128xf32, #tpu.memory_space<vmem>>, vector<400x128xf32>,
    return
  }
  func.func @transform_0(%arg0: i32) -> (i32, i32) {
    %c0_i32 = arith.constant 0 : i32
    %c0_i32_0 = arith.constant 0 : i32
    return %arg0, %c0_i32 : i32, i32
  }
  func.func @transform_1(%arg0: i32) -> (i32, i32) {
    %c0_i32 = arith.constant 0 : i32
    %c0_i32_0 = arith.constant 0 : i32
    return %arg0, %c0_i32 : i32, i32
  }
  func.func @transform_2(%arg0: i32) -> (i32, i32) {
    %c0_i32 = arith.constant 0 : i32
    %c0_i32_0 = arith.constant 0 : i32
    return %arg0, %c0_i32 : i32, i32
  }
  func.func @transform_3(%arg0: i32) -> (i32, i32) {
    %add3A = arith.constant 25 : i32
    %add3A_0 = arith.addi %arg0, %add3A : i32
    %c0_i32 = arith.constant 0 : i32
    %c0_i32_1 = arith.constant 0 : i32
    return %add3A_0, %c0_i32 : i32, i32
  }
  func.func @transform_4(%arg0: i32) -> (i32, i32) {
    %c0_i32 = arith.constant 0 : i32
    %c0_i32_0 = arith.constant 0 : i32
    %c0_i32_1 = arith.constant 0 : i32
    return %c0_i32, %c0_i32_0 : i32, i32
  }
  func.func @transform_5(%arg0: i32) -> (i32, i32) {
    %c0_i32 = arith.constant 0 : i32
    %c0_i32_0 = arith.constant 0 : i32
    %c0_i32_1 = arith.constant 0 : i32
    return %c0_i32, %c0_i32_0 : i32, i32
  }
  func.func @transform_6(%arg0: i32) -> (i32, i32) {
    %c0_i32 = arith.constant 0 : i32
    %c0_i32_0 = arith.constant 0 : i32
    return %arg0, %c0_i32 : i32, i32
  }
}

module attributes {stable_mosaic.version = 14 : i64} {
  func.func @body(%arg0: i32, %arg1: memref<400x1xf32, #tpu.memory_space<vmem>>, %arg2: memref<400x128xf32, #tpu.memory_space<vmem>>, %arg3: memref<400x128xf32, #tpu.memory_space<vmem>>, %arg4: memref<400x128xf32, #tpu.memory_space<vmem>>, %arg5: memref<128x256xf32, #tpu.memory_space<vmem>>, %arg6: memref<1x256xf32, #tpu.memory_space<vmem>>, %arg7: memref<400x128xf32, #tpu.memory_space<vmem>>, %arg8: memref<400x128xf32, #tpu.memory_space<vmem>>) attributes {dimension_semantics = [#tpu.dimension_semantics<arbitrary>], iteration_bounds = array<i64: 25>, scalar_prefetch = 0 : i64, scratch_operands = 0 : i64, tpu.core_type = #tpu.core_type<tc>, window_params = [{transform_indices = @transform_0, window_bounds = array<i64: 400, 1>}, {transform_indices = @transform_1, window_bounds = array<i64: 400, 128>}, {transform_indices = @transform_2, window_bounds = array<i64: 400, 128>}, {transform_indices = @transform_3, window_bounds = array<i64: 400, 128>}, {pipeline_mode = #tpu.pipeline_mode<synchronous>, transform_indices = @transform_4, window_bounds = array<i64: 128, 256>}, {pipeline_mode = #tpu.pipeline_mode<synchronous>, transform_indices = @transform_5, window_bounds = array<i64: 1, 256>}, {transform_indices = @transform_6, window_bounds = array<i64: 400, 128>}, {transform_indices = @transform_7, window_bounds = array<i64: 400, 128>}]} {
    %get3A = arith.constant 0 : index
    %get3A_0 = arith.constant 0 : index
    %get3A_1 = vector.load %arg1[%get3A, %get3A_0] : memref<400x1xf32, #tpu.memory_space<vmem>>, vector<400x1xf32>
    %get3A_2 = arith.constant 0 : index
    %get3A_3 = arith.constant 0 : index
    %get3A_4 = vector.load %arg3[%get3A_2, %get3A_3] : memref<400x128xf32, #tpu.memory_space<vmem>>, vector<400x128xf32>
    %get3A_5 = arith.constant 0 : index
    %get3A_6 = arith.constant 0 : index
    %get3A_7 = vector.load %arg4[%get3A_5, %get3A_6] : memref<400x128xf32, #tpu.memory_space<vmem>>, vector<400x128xf32>
    %add3A = arith.addf %get3A_4, %get3A_7 : vector<400x128xf32>
    %get3A_8 = arith.constant 0 : index
    %get3A_9 = arith.constant 0 : index
    %get3A_10 = vector.load %arg2[%get3A_8, %get3A_9] : memref<400x128xf32, #tpu.memory_space<vmem>>, vector<400x128xf32>
    %add3A_11 = arith.addf %add3A, %get3A_10 : vector<400x128xf32>
    %mul3A = vector.broadcast %get3A_1 : vector<400x1xf32> to vector<400x128xf32>
    %mul3A_12 = arith.mulf %mul3A, %add3A_11 : vector<400x128xf32>
    %get3A_13 = arith.constant 0 : index
    %get3A_14 = arith.constant 0 : index
    %get3A_15 = vector.load %arg5[%get3A_13, %get3A_14] : memref<128x256xf32, #tpu.memory_space<vmem>>, vector<128x256xf32>
    %dot_general3A = arith.constant dense<0.000000e+00> : vector<400x256xf32>
    %dot_general3A_16 = tpu.matmul %mul3A_12, %get3A_15, %dot_general3A {dimension_numbers = #tpu.dot_dimension_numbers<[1], [0], [0], [1], [0, 0, 1, 1], [], []>, precision = #tpu.contract_precision<fp32>, transpose_lhs_hint = false} : vector<400x128xf32>, vector<128x256xf32>, vector<400x256xf32> -> vector<400x256xf32>
    %get3A_17 = arith.constant 0 : index
    %get3A_18 = arith.constant 0 : index
    %get3A_19 = vector.load %arg6[%get3A_17, %get3A_18] : memref<1x256xf32, #tpu.memory_space<vmem>>, vector<1x256xf32>
    %add3A_20 = vector.broadcast %get3A_19 : vector<1x256xf32> to vector<400x256xf32>
    %add3A_21 = arith.addf %dot_general3A_16, %add3A_20 : vector<400x256xf32>
    %max3A = arith.constant 0.000000e+00 : f32
    %max3A_22 = vector.broadcast %max3A : f32 to vector<400x256xf32>
    %max3A_23 = arith.maximumf %add3A_21, %max3A_22 : vector<400x256xf32>
    %convert_element_type3A = arith.truncf %max3A_23 : vector<400x256xf32> to vector<400x256xbf16>
    %convert_element_type3A_24 = arith.extf %convert_element_type3A : vector<400x256xbf16> to vector<400x256xf32>
    %mul3A_25 = vector.broadcast %get3A_1 : vector<400x1xf32> to vector<400x256xf32>
    %mul3A_26 = arith.mulf %convert_element_type3A_24, %mul3A_25 : vector<400x256xf32>
    %slice3A = vector.extract_strided_slice %mul3A_26 {offsets = [0, 0], sizes = [400, 128], strides = [1, 1]} : vector<400x256xf32> to vector<400x128xf32>
    %swap3A = arith.constant 0 : index
    %swap3A_27 = arith.constant 0 : index
    %swap3A_28 = vector.load %arg7[%swap3A, %swap3A_27] : memref<400x128xf32, #tpu.memory_space<vmem>>, vector<400x128xf32>
    tpu.vector_store %arg7[%swap3A, %swap3A_27], %slice3A {strides = array<i32>} : memref<400x128xf32, #tpu.memory_space<vmem>>, vector<400x128xf32>,
    %slice3A_29 = vector.extract_strided_slice %mul3A_26 {offsets = [0, 128], sizes = [400, 128], strides = [1, 1]} : vector<400x256xf32> to vector<400x128xf32>
    %swap3A_30 = arith.constant 0 : index
    %swap3A_31 = arith.constant 0 : index
    %swap3A_32 = vector.load %arg8[%swap3A_30, %swap3A_31] : memref<400x128xf32, #tpu.memory_space<vmem>>, vector<400x128xf32>
    tpu.vector_store %arg8[%swap3A_30, %swap3A_31], %slice3A_29 {strides = array<i32>} : memref<400x128xf32, #tpu.memory_space<vmem>>, vector<400x128xf32>,
    return
  }
  func.func @transform_0(%arg0: i32) -> (i32, i32) {
    %c0_i32 = arith.constant 0 : i32
    %c0_i32_0 = arith.constant 0 : i32
    return %arg0, %c0_i32 : i32, i32
  }
  func.func @transform_1(%arg0: i32) -> (i32, i32) {
    %c0_i32 = arith.constant 0 : i32
    %c0_i32_0 = arith.constant 0 : i32
    return %arg0, %c0_i32 : i32, i32
  }
  func.func @transform_2(%arg0: i32) -> (i32, i32) {
    %c0_i32 = arith.constant 0 : i32
    %c0_i32_0 = arith.constant 0 : i32
    return %arg0, %c0_i32 : i32, i32
  }
  func.func @transform_3(%arg0: i32) -> (i32, i32) {
    %add3A = arith.constant 25 : i32
    %add3A_0 = arith.addi %arg0, %add3A : i32
    %c0_i32 = arith.constant 0 : i32
    %c0_i32_1 = arith.constant 0 : i32
    return %add3A_0, %c0_i32 : i32, i32
  }
  func.func @transform_4(%arg0: i32) -> (i32, i32) {
    %c0_i32 = arith.constant 0 : i32
    %c0_i32_0 = arith.constant 0 : i32
    %c0_i32_1 = arith.constant 0 : i32
    return %c0_i32, %c0_i32_0 : i32, i32
  }
  func.func @transform_5(%arg0: i32) -> (i32, i32) {
    %c0_i32 = arith.constant 0 : i32
    %c0_i32_0 = arith.constant 0 : i32
    %c0_i32_1 = arith.constant 0 : i32
    return %c0_i32, %c0_i32_0 : i32, i32
  }
  func.func @transform_6(%arg0: i32) -> (i32, i32) {
    %c0_i32 = arith.constant 0 : i32
    %c0_i32_0 = arith.constant 0 : i32
    return %arg0, %c0_i32 : i32, i32
  }
  func.func @transform_7(%arg0: i32) -> (i32, i32) {
    %c0_i32 = arith.constant 0 : i32
    %c0_i32_0 = arith.constant 0 : i32
    return %arg0, %c0_i32 : i32, i32
  }
}

module attributes {stable_mosaic.version = 14 : i64} {
  func.func @body(%arg0: i32, %arg1: memref<400x1xf32, #tpu.memory_space<vmem>>, %arg2: memref<400x128xf32, #tpu.memory_space<vmem>>, %arg3: memref<400x128xf32, #tpu.memory_space<vmem>>, %arg4: memref<400x128xf32, #tpu.memory_space<vmem>>, %arg5: memref<400x128xf32, #tpu.memory_space<vmem>>, %arg6: memref<400x128xf32, #tpu.memory_space<vmem>>, %arg7: memref<400x128xf32, #tpu.memory_space<vmem>>, %arg8: memref<256x512xf32, #tpu.memory_space<vmem>>, %arg9: memref<1x512xf32, #tpu.memory_space<vmem>>, %arg10: memref<400x128xf32, #tpu.memory_space<vmem>>, %arg11: memref<400x128xf32, #tpu.memory_space<vmem>>, %arg12: memref<400x128xf32, #tpu.memory_space<vmem>>, %arg13: memref<400x128xf32, #tpu.memory_space<vmem>>) attributes {dimension_semantics = [#tpu.dimension_semantics<arbitrary>], iteration_bounds = array<i64: 25>, scalar_prefetch = 0 : i64, scratch_operands = 0 : i64, tpu.core_type = #tpu.core_type<tc>, window_params = [{transform_indices = @transform_0, window_bounds = array<i64: 400, 1>}, {transform_indices = @transform_1, window_bounds = array<i64: 400, 128>}, {transform_indices = @transform_2, window_bounds = array<i64: 400, 128>}, {transform_indices = @transform_3, window_bounds = array<i64: 400, 128>}, {transform_indices = @transform_4, window_bounds = array<i64: 400, 128>}, {transform_indices = @transform_5, window_bounds = array<i64: 400, 128>}, {transform_indices = @transform_6, window_bounds = array<i64: 400, 128>}, {pipeline_mode = #tpu.pipeline_mode<synchronous>, transform_indices = @transform_7, window_bounds = array<i64: 256, 512>}, {pipeline_mode = #tpu.pipeline_mode<synchronous>, transform_indices = @transform_8, window_bounds = array<i64: 1, 512>}, {transform_indices = @transform_9, window_bounds = array<i64: 400, 128>}, {transform_indices = @transform_10, window_bounds = array<i64: 400, 128>}, {transform_indices = @transform_11, window_bounds = array<i64: 400, 128>}, {transform_indices = @transform_12, window_bounds = array<i64: 400, 128>}]} {
    %get3A = arith.constant 0 : index
    %get3A_0 = arith.constant 0 : index
    %get3A_1 = vector.load %arg1[%get3A, %get3A_0] : memref<400x1xf32, #tpu.memory_space<vmem>>, vector<400x1xf32>
    %get3A_2 = arith.constant 0 : index
    %get3A_3 = arith.constant 0 : index
    %get3A_4 = vector.load %arg4[%get3A_2, %get3A_3] : memref<400x128xf32, #tpu.memory_space<vmem>>, vector<400x128xf32>
    %get3A_5 = arith.constant 0 : index
    %get3A_6 = arith.constant 0 : index
    %get3A_7 = vector.load %arg5[%get3A_5, %get3A_6] : memref<400x128xf32, #tpu.memory_space<vmem>>, vector<400x128xf32>
    %add3A = arith.addf %get3A_4, %get3A_7 : vector<400x128xf32>
    %get3A_8 = arith.constant 0 : index
    %get3A_9 = arith.constant 0 : index
    %get3A_10 = vector.load %arg2[%get3A_8, %get3A_9] : memref<400x128xf32, #tpu.memory_space<vmem>>, vector<400x128xf32>
    %add3A_11 = arith.addf %add3A, %get3A_10 : vector<400x128xf32>
    %mul3A = vector.broadcast %get3A_1 : vector<400x1xf32> to vector<400x128xf32>
    %mul3A_12 = arith.mulf %mul3A, %add3A_11 : vector<400x128xf32>
    %get3A_13 = arith.constant 0 : index
    %get3A_14 = arith.constant 0 : index
    %get3A_15 = vector.load %arg8[%get3A_13, %get3A_14] : memref<256x512xf32, #tpu.memory_space<vmem>>, vector<128x512xf32>
    %dot_general3A = arith.constant dense<0.000000e+00> : vector<400x512xf32>
    %dot_general3A_16 = tpu.matmul %mul3A_12, %get3A_15, %dot_general3A {dimension_numbers = #tpu.dot_dimension_numbers<[1], [0], [0], [1], [0, 0, 1, 1], [], []>, precision = #tpu.contract_precision<fp32>, transpose_lhs_hint = false} : vector<400x128xf32>, vector<128x512xf32>, vector<400x512xf32> -> vector<400x512xf32>
    %get3A_17 = arith.constant 0 : index
    %get3A_18 = arith.constant 0 : index
    %get3A_19 = vector.load %arg6[%get3A_17, %get3A_18] : memref<400x128xf32, #tpu.memory_space<vmem>>, vector<400x128xf32>
    %get3A_20 = arith.constant 0 : index
    %get3A_21 = arith.constant 0 : index
    %get3A_22 = vector.load %arg7[%get3A_20, %get3A_21] : memref<400x128xf32, #tpu.memory_space<vmem>>, vector<400x128xf32>
    %add3A_23 = arith.addf %get3A_19, %get3A_22 : vector<400x128xf32>
    %get3A_24 = arith.constant 0 : index
    %get3A_25 = arith.constant 0 : index
    %get3A_26 = vector.load %arg3[%get3A_24, %get3A_25] : memref<400x128xf32, #tpu.memory_space<vmem>>, vector<400x128xf32>
    %add3A_27 = arith.addf %add3A_23, %get3A_26 : vector<400x128xf32>
    %mul3A_28 = vector.broadcast %get3A_1 : vector<400x1xf32> to vector<400x128xf32>
    %mul3A_29 = arith.mulf %mul3A_28, %add3A_27 : vector<400x128xf32>
    %get3A_30 = arith.constant 128 : index
    %get3A_31 = arith.constant 0 : index
    %get3A_32 = vector.load %arg8[%get3A_30, %get3A_31] : memref<256x512xf32, #tpu.memory_space<vmem>>, vector<128x512xf32>
    %dot_general3A_33 = arith.constant dense<0.000000e+00> : vector<400x512xf32>
    %dot_general3A_34 = tpu.matmul %mul3A_29, %get3A_32, %dot_general3A_33 {dimension_numbers = #tpu.dot_dimension_numbers<[1], [0], [0], [1], [0, 0, 1, 1], [], []>, precision = #tpu.contract_precision<fp32>, transpose_lhs_hint = false} : vector<400x128xf32>, vector<128x512xf32>, vector<400x512xf32> -> vector<400x512xf32>
    %add3A_35 = arith.addf %dot_general3A_16, %dot_general3A_34 : vector<400x512xf32>
    %get3A_36 = arith.constant 0 : index
    %get3A_37 = arith.constant 0 : index
    %get3A_38 = vector.load %arg9[%get3A_36, %get3A_37] : memref<1x512xf32, #tpu.memory_space<vmem>>, vector<1x512xf32>
    %add3A_39 = vector.broadcast %get3A_38 : vector<1x512xf32> to vector<400x512xf32>
    %add3A_40 = arith.addf %add3A_35, %add3A_39 : vector<400x512xf32>
    %max3A = arith.constant 0.000000e+00 : f32
    %max3A_41 = vector.broadcast %max3A : f32 to vector<400x512xf32>
    %max3A_42 = arith.maximumf %add3A_40, %max3A_41 : vector<400x512xf32>
    %convert_element_type3A = arith.truncf %max3A_42 : vector<400x512xf32> to vector<400x512xbf16>
    %convert_element_type3A_43 = arith.extf %convert_element_type3A : vector<400x512xbf16> to vector<400x512xf32>
    %mul3A_44 = vector.broadcast %get3A_1 : vector<400x1xf32> to vector<400x512xf32>
    %mul3A_45 = arith.mulf %convert_element_type3A_43, %mul3A_44 : vector<400x512xf32>
    %slice3A = vector.extract_strided_slice %mul3A_45 {offsets = [0, 0], sizes = [400, 128], strides = [1, 1]} : vector<400x512xf32> to vector<400x128xf32>
    %swap3A = arith.constant 0 : index
    %swap3A_46 = arith.constant 0 : index
    %swap3A_47 = vector.load %arg10[%swap3A, %swap3A_46] : memref<400x128xf32, #tpu.memory_space<vmem>>, vector<400x128xf32>
    tpu.vector_store %arg10[%swap3A, %swap3A_46], %slice3A {strides = array<i32>} : memref<400x128xf32, #tpu.memory_space<vmem>>, vector<400x128xf32>,
    %slice3A_48 = vector.extract_strided_slice %mul3A_45 {offsets = [0, 128], sizes = [400, 128], strides = [1, 1]} : vector<400x512xf32> to vector<400x128xf32>
    %swap3A_49 = arith.constant 0 : index
    %swap3A_50 = arith.constant 0 : index
    %swap3A_51 = vector.load %arg11[%swap3A_49, %swap3A_50] : memref<400x128xf32, #tpu.memory_space<vmem>>, vector<400x128xf32>
    tpu.vector_store %arg11[%swap3A_49, %swap3A_50], %slice3A_48 {strides = array<i32>} : memref<400x128xf32, #tpu.memory_space<vmem>>, vector<400x128xf32>,
    %slice3A_52 = vector.extract_strided_slice %mul3A_45 {offsets = [0, 256], sizes = [400, 128], strides = [1, 1]} : vector<400x512xf32> to vector<400x128xf32>
    %swap3A_53 = arith.constant 0 : index
    %swap3A_54 = arith.constant 0 : index
    %swap3A_55 = vector.load %arg12[%swap3A_53, %swap3A_54] : memref<400x128xf32, #tpu.memory_space<vmem>>, vector<400x128xf32>
    tpu.vector_store %arg12[%swap3A_53, %swap3A_54], %slice3A_52 {strides = array<i32>} : memref<400x128xf32, #tpu.memory_space<vmem>>, vector<400x128xf32>,
    %slice3A_56 = vector.extract_strided_slice %mul3A_45 {offsets = [0, 384], sizes = [400, 128], strides = [1, 1]} : vector<400x512xf32> to vector<400x128xf32>
    %swap3A_57 = arith.constant 0 : index
    %swap3A_58 = arith.constant 0 : index
    %swap3A_59 = vector.load %arg13[%swap3A_57, %swap3A_58] : memref<400x128xf32, #tpu.memory_space<vmem>>, vector<400x128xf32>
    tpu.vector_store %arg13[%swap3A_57, %swap3A_58], %slice3A_56 {strides = array<i32>} : memref<400x128xf32, #tpu.memory_space<vmem>>, vector<400x128xf32>,
    return
  }
  func.func @transform_0(%arg0: i32) -> (i32, i32) {
    %c0_i32 = arith.constant 0 : i32
    %c0_i32_0 = arith.constant 0 : i32
    return %arg0, %c0_i32 : i32, i32
  }
  func.func @transform_1(%arg0: i32) -> (i32, i32) {
    %c0_i32 = arith.constant 0 : i32
    %c0_i32_0 = arith.constant 0 : i32
    return %arg0, %c0_i32 : i32, i32
  }
  func.func @transform_2(%arg0: i32) -> (i32, i32) {
    %c0_i32 = arith.constant 0 : i32
    %c0_i32_0 = arith.constant 0 : i32
    return %arg0, %c0_i32 : i32, i32
  }
  func.func @transform_3(%arg0: i32) -> (i32, i32) {
    %c0_i32 = arith.constant 0 : i32
    %c0_i32_0 = arith.constant 0 : i32
    return %arg0, %c0_i32 : i32, i32
  }
  func.func @transform_4(%arg0: i32) -> (i32, i32) {
    %add3A = arith.constant 25 : i32
    %add3A_0 = arith.addi %arg0, %add3A : i32
    %c0_i32 = arith.constant 0 : i32
    %c0_i32_1 = arith.constant 0 : i32
    return %add3A_0, %c0_i32 : i32, i32
  }
  func.func @transform_5(%arg0: i32) -> (i32, i32) {
    %c0_i32 = arith.constant 0 : i32
    %c0_i32_0 = arith.constant 0 : i32
    return %arg0, %c0_i32 : i32, i32
  }
  func.func @transform_6(%arg0: i32) -> (i32, i32) {
    %add3A = arith.constant 25 : i32
    %add3A_0 = arith.addi %arg0, %add3A : i32
    %c0_i32 = arith.constant 0 : i32
    %c0_i32_1 = arith.constant 0 : i32
    return %add3A_0, %c0_i32 : i32, i32
  }
  func.func @transform_7(%arg0: i32) -> (i32, i32) {
    %c0_i32 = arith.constant 0 : i32
    %c0_i32_0 = arith.constant 0 : i32
    %c0_i32_1 = arith.constant 0 : i32
    return %c0_i32, %c0_i32_0 : i32, i32
  }
  func.func @transform_8(%arg0: i32) -> (i32, i32) {
    %c0_i32 = arith.constant 0 : i32
    %c0_i32_0 = arith.constant 0 : i32
    %c0_i32_1 = arith.constant 0 : i32
    return %c0_i32, %c0_i32_0 : i32, i32
  }
  func.func @transform_9(%arg0: i32) -> (i32, i32) {
    %c0_i32 = arith.constant 0 : i32
    %c0_i32_0 = arith.constant 0 : i32
    return %arg0, %c0_i32 : i32, i32
  }
  func.func @transform_10(%arg0: i32) -> (i32, i32) {
    %c0_i32 = arith.constant 0 : i32
    %c0_i32_0 = arith.constant 0 : i32
    return %arg0, %c0_i32 : i32, i32
  }
  func.func @transform_11(%arg0: i32) -> (i32, i32) {
    %c0_i32 = arith.constant 0 : i32
    %c0_i32_0 = arith.constant 0 : i32
    return %arg0, %c0_i32 : i32, i32
  }
  func.func @transform_12(%arg0: i32) -> (i32, i32) {
    %c0_i32 = arith.constant 0 : i32
    %c0_i32_0 = arith.constant 0 : i32
    return %arg0, %c0_i32 : i32, i32
  }
}

module attributes {stable_mosaic.version = 14 : i64} {
  func.func @body(%arg0: i32, %arg1: memref<400x1xf32, #tpu.memory_space<vmem>>, %arg2: memref<400x128xf32, #tpu.memory_space<vmem>>, %arg3: memref<400x128xf32, #tpu.memory_space<vmem>>, %arg4: memref<400x128xf32, #tpu.memory_space<vmem>>, %arg5: memref<400x128xf32, #tpu.memory_space<vmem>>, %arg6: memref<400x128xf32, #tpu.memory_space<vmem>>, %arg7: memref<400x128xf32, #tpu.memory_space<vmem>>, %arg8: memref<400x128xf32, #tpu.memory_space<vmem>>, %arg9: memref<400x128xf32, #tpu.memory_space<vmem>>, %arg10: memref<400x128xf32, #tpu.memory_space<vmem>>, %arg11: memref<400x128xf32, #tpu.memory_space<vmem>>, %arg12: memref<400x128xf32, #tpu.memory_space<vmem>>, %arg13: memref<400x128xf32, #tpu.memory_space<vmem>>, %arg14: memref<512x1024xf32, #tpu.memory_space<vmem>>, %arg15: memref<1x1024xf32, #tpu.memory_space<vmem>>, %arg16: memref<400x128xf32, #tpu.memory_space<vmem>>, %arg17: memref<400x128xf32, #tpu.memory_space<vmem>>, %arg18: memref<400x128xf32, #tpu.memory_space<vmem>>, %arg19: memref<400x128xf32, #tpu.memory_space<vmem>>, %arg20: memref<400x128xf32, #tpu.memory_space<vmem>>, %arg21: memref<400x128xf32, #tpu.memory_space<vmem>>, %arg22: memref<400x128xf32, #tpu.memory_space<vmem>>, %arg23: memref<400x128xf32, #tpu.memory_space<vmem>>) attributes {dimension_semantics = [#tpu.dimension_semantics<arbitrary>], iteration_bounds = array<i64: 25>, scalar_prefetch = 0 : i64, scratch_operands = 0 : i64, tpu.core_type = #tpu.core_type<tc>, window_params = [{transform_indices = @transform_0, window_bounds = array<i64: 400, 1>}, {transform_indices = @transform_1, window_bounds = array<i64: 400, 128>}, {transform_indices = @transform_2, window_bounds = array<i64: 400, 128>}, {transform_indices = @transform_3, window_bounds = array<i64: 400, 128>}, {transform_indices = @transform_4, window_bounds = array<i64: 400, 128>}, {transform_indices = @transform_5, window_bounds = array<i64: 400, 128>}, {transform_indices = @transform_6, window_bounds = array<i64: 400, 128>}, {transform_indices = @transform_7, window_bounds = array<i64: 400, 128>}, {transform_indices = @transform_8, window_bounds = array<i64: 400, 128>}, {transform_indices = @transform_9, window_bounds = array<i64: 400, 128>}, {transform_indices = @transform_10, window_bounds = array<i64: 400, 128>}, {transform_indices = @transform_11, window_bounds = array<i64: 400, 128>}, {transform_indices = @transform_12, window_bounds = array<i64: 400, 128>}, {pipeline_mode = #tpu.pipeline_mode<synchronous>, transform_indices = @transform_13, window_bounds = array<i64: 512, 1024>}, {pipeline_mode = #tpu.pipeline_mode<synchronous>, transform_indices = @transform_14, window_bounds = array<i64: 1, 1024>}, {transform_indices = @transform_15, window_bounds = array<i64: 400, 128>}, {transform_indices = @transform_16, window_bounds = array<i64: 400, 128>}, {transform_indices = @transform_17, window_bounds = array<i64: 400, 128>}, {transform_indices = @transform_18, window_bounds = array<i64: 400, 128>}, {transform_indices = @transform_19, window_bounds = array<i64: 400, 128>}, {transform_indices = @transform_20, window_bounds = array<i64: 400, 128>}, {transform_indices = @transform_21, window_bounds = array<i64: 400, 128>}, {transform_indices = @transform_22, window_bounds = array<i64: 400, 128>}]} {
    %get3A = arith.constant 0 : index
    %get3A_0 = arith.constant 0 : index
    %get3A_1 = vector.load %arg1[%get3A, %get3A_0] : memref<400x1xf32, #tpu.memory_space<vmem>>, vector<400x1xf32>
    %get3A_2 = arith.constant 0 : index
    %get3A_3 = arith.constant 0 : index
    %get3A_4 = vector.load %arg6[%get3A_2, %get3A_3] : memref<400x128xf32, #tpu.memory_space<vmem>>, vector<400x128xf32>
    %get3A_5 = arith.constant 0 : index
    %get3A_6 = arith.constant 0 : index
    %get3A_7 = vector.load %arg7[%get3A_5, %get3A_6] : memref<400x128xf32, #tpu.memory_space<vmem>>, vector<400x128xf32>
    %add3A = arith.addf %get3A_4, %get3A_7 : vector<400x128xf32>
    %get3A_8 = arith.constant 0 : index
    %get3A_9 = arith.constant 0 : index
    %get3A_10 = vector.load %arg2[%get3A_8, %get3A_9] : memref<400x128xf32, #tpu.memory_space<vmem>>, vector<400x128xf32>
    %add3A_11 = arith.addf %add3A, %get3A_10 : vector<400x128xf32>
    %mul3A = vector.broadcast %get3A_1 : vector<400x1xf32> to vector<400x128xf32>
    %mul3A_12 = arith.mulf %mul3A, %add3A_11 : vector<400x128xf32>
    %get3A_13 = arith.constant 0 : index
    %get3A_14 = arith.constant 0 : index
    %get3A_15 = vector.load %arg14[%get3A_13, %get3A_14] : memref<512x1024xf32, #tpu.memory_space<vmem>>, vector<128x1024xf32>
    %dot_general3A = arith.constant dense<0.000000e+00> : vector<400x1024xf32>
    %dot_general3A_16 = tpu.matmul %mul3A_12, %get3A_15, %dot_general3A {dimension_numbers = #tpu.dot_dimension_numbers<[1], [0], [0], [1], [0, 0, 1, 1], [], []>, precision = #tpu.contract_precision<fp32>, transpose_lhs_hint = false} : vector<400x128xf32>, vector<128x1024xf32>, vector<400x1024xf32> -> vector<400x1024xf32>
    %get3A_17 = arith.constant 0 : index
    %get3A_18 = arith.constant 0 : index
    %get3A_19 = vector.load %arg8[%get3A_17, %get3A_18] : memref<400x128xf32, #tpu.memory_space<vmem>>, vector<400x128xf32>
    %get3A_20 = arith.constant 0 : index
    %get3A_21 = arith.constant 0 : index
    %get3A_22 = vector.load %arg9[%get3A_20, %get3A_21] : memref<400x128xf32, #tpu.memory_space<vmem>>, vector<400x128xf32>
    %add3A_23 = arith.addf %get3A_19, %get3A_22 : vector<400x128xf32>
    %get3A_24 = arith.constant 0 : index
    %get3A_25 = arith.constant 0 : index
    %get3A_26 = vector.load %arg3[%get3A_24, %get3A_25] : memref<400x128xf32, #tpu.memory_space<vmem>>, vector<400x128xf32>
    %add3A_27 = arith.addf %add3A_23, %get3A_26 : vector<400x128xf32>
    %mul3A_28 = vector.broadcast %get3A_1 : vector<400x1xf32> to vector<400x128xf32>
    %mul3A_29 = arith.mulf %mul3A_28, %add3A_27 : vector<400x128xf32>
    %get3A_30 = arith.constant 128 : index
    %get3A_31 = arith.constant 0 : index
    %get3A_32 = vector.load %arg14[%get3A_30, %get3A_31] : memref<512x1024xf32, #tpu.memory_space<vmem>>, vector<128x1024xf32>
    %dot_general3A_33 = arith.constant dense<0.000000e+00> : vector<400x1024xf32>
    %dot_general3A_34 = tpu.matmul %mul3A_29, %get3A_32, %dot_general3A_33 {dimension_numbers = #tpu.dot_dimension_numbers<[1], [0], [0], [1], [0, 0, 1, 1], [], []>, precision = #tpu.contract_precision<fp32>, transpose_lhs_hint = false} : vector<400x128xf32>, vector<128x1024xf32>, vector<400x1024xf32> -> vector<400x1024xf32>
    %add3A_35 = arith.addf %dot_general3A_16, %dot_general3A_34 : vector<400x1024xf32>
    %get3A_36 = arith.constant 0 : index
    %get3A_37 = arith.constant 0 : index
    %get3A_38 = vector.load %arg10[%get3A_36, %get3A_37] : memref<400x128xf32, #tpu.memory_space<vmem>>, vector<400x128xf32>
    %get3A_39 = arith.constant 0 : index
    %get3A_40 = arith.constant 0 : index
    %get3A_41 = vector.load %arg11[%get3A_39, %get3A_40] : memref<400x128xf32, #tpu.memory_space<vmem>>, vector<400x128xf32>
    %add3A_42 = arith.addf %get3A_38, %get3A_41 : vector<400x128xf32>
    %get3A_43 = arith.constant 0 : index
    %get3A_44 = arith.constant 0 : index
    %get3A_45 = vector.load %arg4[%get3A_43, %get3A_44] : memref<400x128xf32, #tpu.memory_space<vmem>>, vector<400x128xf32>
    %add3A_46 = arith.addf %add3A_42, %get3A_45 : vector<400x128xf32>
    %mul3A_47 = vector.broadcast %get3A_1 : vector<400x1xf32> to vector<400x128xf32>
    %mul3A_48 = arith.mulf %mul3A_47, %add3A_46 : vector<400x128xf32>
    %get3A_49 = arith.constant 256 : index
    %get3A_50 = arith.constant 0 : index
    %get3A_51 = vector.load %arg14[%get3A_49, %get3A_50] : memref<512x1024xf32, #tpu.memory_space<vmem>>, vector<128x1024xf32>
    %dot_general3A_52 = arith.constant dense<0.000000e+00> : vector<400x1024xf32>
    %dot_general3A_53 = tpu.matmul %mul3A_48, %get3A_51, %dot_general3A_52 {dimension_numbers = #tpu.dot_dimension_numbers<[1], [0], [0], [1], [0, 0, 1, 1], [], []>, precision = #tpu.contract_precision<fp32>, transpose_lhs_hint = false} : vector<400x128xf32>, vector<128x1024xf32>, vector<400x1024xf32> -> vector<400x1024xf32>
    %add3A_54 = arith.addf %add3A_35, %dot_general3A_53 : vector<400x1024xf32>
    %get3A_55 = arith.constant 0 : index
    %get3A_56 = arith.constant 0 : index
    %get3A_57 = vector.load %arg12[%get3A_55, %get3A_56] : memref<400x128xf32, #tpu.memory_space<vmem>>, vector<400x128xf32>
    %get3A_58 = arith.constant 0 : index
    %get3A_59 = arith.constant 0 : index
    %get3A_60 = vector.load %arg13[%get3A_58, %get3A_59] : memref<400x128xf32, #tpu.memory_space<vmem>>, vector<400x128xf32>
    %add3A_61 = arith.addf %get3A_57, %get3A_60 : vector<400x128xf32>
    %get3A_62 = arith.constant 0 : index
    %get3A_63 = arith.constant 0 : index
    %get3A_64 = vector.load %arg5[%get3A_62, %get3A_63] : memref<400x128xf32, #tpu.memory_space<vmem>>, vector<400x128xf32>
    %add3A_65 = arith.addf %add3A_61, %get3A_64 : vector<400x128xf32>
    %mul3A_66 = vector.broadcast %get3A_1 : vector<400x1xf32> to vector<400x128xf32>
    %mul3A_67 = arith.mulf %mul3A_66, %add3A_65 : vector<400x128xf32>
    %get3A_68 = arith.constant 384 : index
    %get3A_69 = arith.constant 0 : index
    %get3A_70 = vector.load %arg14[%get3A_68, %get3A_69] : memref<512x1024xf32, #tpu.memory_space<vmem>>, vector<128x1024xf32>
    %dot_general3A_71 = arith.constant dense<0.000000e+00> : vector<400x1024xf32>
    %dot_general3A_72 = tpu.matmul %mul3A_67, %get3A_70, %dot_general3A_71 {dimension_numbers = #tpu.dot_dimension_numbers<[1], [0], [0], [1], [0, 0, 1, 1], [], []>, precision = #tpu.contract_precision<fp32>, transpose_lhs_hint = false} : vector<400x128xf32>, vector<128x1024xf32>, vector<400x1024xf32> -> vector<400x1024xf32>
    %add3A_73 = arith.addf %add3A_54, %dot_general3A_72 : vector<400x1024xf32>
    %get3A_74 = arith.constant 0 : index
    %get3A_75 = arith.constant 0 : index
    %get3A_76 = vector.load %arg15[%get3A_74, %get3A_75] : memref<1x1024xf32, #tpu.memory_space<vmem>>, vector<1x1024xf32>
    %add3A_77 = vector.broadcast %get3A_76 : vector<1x1024xf32> to vector<400x1024xf32>
    %add3A_78 = arith.addf %add3A_73, %add3A_77 : vector<400x1024xf32>
    %max3A = arith.constant 0.000000e+00 : f32
    %max3A_79 = vector.broadcast %max3A : f32 to vector<400x1024xf32>
    %max3A_80 = arith.maximumf %add3A_78, %max3A_79 : vector<400x1024xf32>
    %slice3A = vector.extract_strided_slice %max3A_80 {offsets = [0, 0], sizes = [400, 128], strides = [1, 1]} : vector<400x1024xf32> to vector<400x128xf32>
    %swap3A = arith.constant 0 : index
    %swap3A_81 = arith.constant 0 : index
    %swap3A_82 = vector.load %arg16[%swap3A, %swap3A_81] : memref<400x128xf32, #tpu.memory_space<vmem>>, vector<400x128xf32>
    tpu.vector_store %arg16[%swap3A, %swap3A_81], %slice3A {strides = array<i32>} : memref<400x128xf32, #tpu.memory_space<vmem>>, vector<400x128xf32>,
    %slice3A_83 = vector.extract_strided_slice %max3A_80 {offsets = [0, 128], sizes = [400, 128], strides = [1, 1]} : vector<400x1024xf32> to vector<400x128xf32>
    %swap3A_84 = arith.constant 0 : index
    %swap3A_85 = arith.constant 0 : index
    %swap3A_86 = vector.load %arg17[%swap3A_84, %swap3A_85] : memref<400x128xf32, #tpu.memory_space<vmem>>, vector<400x128xf32>
    tpu.vector_store %arg17[%swap3A_84, %swap3A_85], %slice3A_83 {strides = array<i32>} : memref<400x128xf32, #tpu.memory_space<vmem>>, vector<400x128xf32>,
    %slice3A_87 = vector.extract_strided_slice %max3A_80 {offsets = [0, 256], sizes = [400, 128], strides = [1, 1]} : vector<400x1024xf32> to vector<400x128xf32>
    %swap3A_88 = arith.constant 0 : index
    %swap3A_89 = arith.constant 0 : index
    %swap3A_90 = vector.load %arg18[%swap3A_88, %swap3A_89] : memref<400x128xf32, #tpu.memory_space<vmem>>, vector<400x128xf32>
    tpu.vector_store %arg18[%swap3A_88, %swap3A_89], %slice3A_87 {strides = array<i32>} : memref<400x128xf32, #tpu.memory_space<vmem>>, vector<400x128xf32>,
    %slice3A_91 = vector.extract_strided_slice %max3A_80 {offsets = [0, 384], sizes = [400, 128], strides = [1, 1]} : vector<400x1024xf32> to vector<400x128xf32>
    %swap3A_92 = arith.constant 0 : index
    %swap3A_93 = arith.constant 0 : index
    %swap3A_94 = vector.load %arg19[%swap3A_92, %swap3A_93] : memref<400x128xf32, #tpu.memory_space<vmem>>, vector<400x128xf32>
    tpu.vector_store %arg19[%swap3A_92, %swap3A_93], %slice3A_91 {strides = array<i32>} : memref<400x128xf32, #tpu.memory_space<vmem>>, vector<400x128xf32>,
    %slice3A_95 = vector.extract_strided_slice %max3A_80 {offsets = [0, 512], sizes = [400, 128], strides = [1, 1]} : vector<400x1024xf32> to vector<400x128xf32>
    %swap3A_96 = arith.constant 0 : index
    %swap3A_97 = arith.constant 0 : index
    %swap3A_98 = vector.load %arg20[%swap3A_96, %swap3A_97] : memref<400x128xf32, #tpu.memory_space<vmem>>, vector<400x128xf32>
    tpu.vector_store %arg20[%swap3A_96, %swap3A_97], %slice3A_95 {strides = array<i32>} : memref<400x128xf32, #tpu.memory_space<vmem>>, vector<400x128xf32>,
    %slice3A_99 = vector.extract_strided_slice %max3A_80 {offsets = [0, 640], sizes = [400, 128], strides = [1, 1]} : vector<400x1024xf32> to vector<400x128xf32>
    %swap3A_100 = arith.constant 0 : index
    %swap3A_101 = arith.constant 0 : index
    %swap3A_102 = vector.load %arg21[%swap3A_100, %swap3A_101] : memref<400x128xf32, #tpu.memory_space<vmem>>, vector<400x128xf32>
    tpu.vector_store %arg21[%swap3A_100, %swap3A_101], %slice3A_99 {strides = array<i32>} : memref<400x128xf32, #tpu.memory_space<vmem>>, vector<400x128xf32>,
    %slice3A_103 = vector.extract_strided_slice %max3A_80 {offsets = [0, 768], sizes = [400, 128], strides = [1, 1]} : vector<400x1024xf32> to vector<400x128xf32>
    %swap3A_104 = arith.constant 0 : index
    %swap3A_105 = arith.constant 0 : index
    %swap3A_106 = vector.load %arg22[%swap3A_104, %swap3A_105] : memref<400x128xf32, #tpu.memory_space<vmem>>, vector<400x128xf32>
    tpu.vector_store %arg22[%swap3A_104, %swap3A_105], %slice3A_103 {strides = array<i32>} : memref<400x128xf32, #tpu.memory_space<vmem>>, vector<400x128xf32>,
    %slice3A_107 = vector.extract_strided_slice %max3A_80 {offsets = [0, 896], sizes = [400, 128], strides = [1, 1]} : vector<400x1024xf32> to vector<400x128xf32>
    %swap3A_108 = arith.constant 0 : index
    %swap3A_109 = arith.constant 0 : index
    %swap3A_110 = vector.load %arg23[%swap3A_108, %swap3A_109] : memref<400x128xf32, #tpu.memory_space<vmem>>, vector<400x128xf32>
    tpu.vector_store %arg23[%swap3A_108, %swap3A_109], %slice3A_107 {strides = array<i32>} : memref<400x128xf32, #tpu.memory_space<vmem>>, vector<400x128xf32>,
    return
  }
  func.func @transform_0(%arg0: i32) -> (i32, i32) {
    %c0_i32 = arith.constant 0 : i32
    %c0_i32_0 = arith.constant 0 : i32
    return %arg0, %c0_i32 : i32, i32
  }
  func.func @transform_1(%arg0: i32) -> (i32, i32) {
    %c0_i32 = arith.constant 0 : i32
    %c0_i32_0 = arith.constant 0 : i32
    return %arg0, %c0_i32 : i32, i32
  }
  func.func @transform_2(%arg0: i32) -> (i32, i32) {
    %c0_i32 = arith.constant 0 : i32
    %c0_i32_0 = arith.constant 0 : i32
    return %arg0, %c0_i32 : i32, i32
  }
  func.func @transform_3(%arg0: i32) -> (i32, i32) {
    %c0_i32 = arith.constant 0 : i32
    %c0_i32_0 = arith.constant 0 : i32
    return %arg0, %c0_i32 : i32, i32
  }
  func.func @transform_4(%arg0: i32) -> (i32, i32) {
    %c0_i32 = arith.constant 0 : i32
    %c0_i32_0 = arith.constant 0 : i32
    return %arg0, %c0_i32 : i32, i32
  }
  func.func @transform_5(%arg0: i32) -> (i32, i32) {
    %c0_i32 = arith.constant 0 : i32
    %c0_i32_0 = arith.constant 0 : i32
    return %arg0, %c0_i32 : i32, i32
  }
  func.func @transform_6(%arg0: i32) -> (i32, i32) {
    %add3A = arith.constant 25 : i32
    %add3A_0 = arith.addi %arg0, %add3A : i32
    %c0_i32 = arith.constant 0 : i32
    %c0_i32_1 = arith.constant 0 : i32
    return %add3A_0, %c0_i32 : i32, i32
  }
  func.func @transform_7(%arg0: i32) -> (i32, i32) {
    %c0_i32 = arith.constant 0 : i32
    %c0_i32_0 = arith.constant 0 : i32
    return %arg0, %c0_i32 : i32, i32
  }
  func.func @transform_8(%arg0: i32) -> (i32, i32) {
    %add3A = arith.constant 25 : i32
    %add3A_0 = arith.addi %arg0, %add3A : i32
    %c0_i32 = arith.constant 0 : i32
    %c0_i32_1 = arith.constant 0 : i32
    return %add3A_0, %c0_i32 : i32, i32
  }
  func.func @transform_9(%arg0: i32) -> (i32, i32) {
    %c0_i32 = arith.constant 0 : i32
    %c0_i32_0 = arith.constant 0 : i32
    return %arg0, %c0_i32 : i32, i32
  }
  func.func @transform_10(%arg0: i32) -> (i32, i32) {
    %add3A = arith.constant 25 : i32
    %add3A_0 = arith.addi %arg0, %add3A : i32
    %c0_i32 = arith.constant 0 : i32
    %c0_i32_1 = arith.constant 0 : i32
    return %add3A_0, %c0_i32 : i32, i32
  }
  func.func @transform_11(%arg0: i32) -> (i32, i32) {
    %c0_i32 = arith.constant 0 : i32
    %c0_i32_0 = arith.constant 0 : i32
    return %arg0, %c0_i32 : i32, i32
  }
  func.func @transform_12(%arg0: i32) -> (i32, i32) {
    %add3A = arith.constant 25 : i32
    %add3A_0 = arith.addi %arg0, %add3A : i32
    %c0_i32 = arith.constant 0 : i32
    %c0_i32_1 = arith.constant 0 : i32
    return %add3A_0, %c0_i32 : i32, i32
  }
  func.func @transform_13(%arg0: i32) -> (i32, i32) {
    %c0_i32 = arith.constant 0 : i32
    %c0_i32_0 = arith.constant 0 : i32
    %c0_i32_1 = arith.constant 0 : i32
    return %c0_i32, %c0_i32_0 : i32, i32
  }
  func.func @transform_14(%arg0: i32) -> (i32, i32) {
    %c0_i32 = arith.constant 0 : i32
    %c0_i32_0 = arith.constant 0 : i32
    %c0_i32_1 = arith.constant 0 : i32
    return %c0_i32, %c0_i32_0 : i32, i32
  }
  func.func @transform_15(%arg0: i32) -> (i32, i32) {
    %c0_i32 = arith.constant 0 : i32
    %c0_i32_0 = arith.constant 0 : i32
    return %arg0, %c0_i32 : i32, i32
  }
  func.func @transform_16(%arg0: i32) -> (i32, i32) {
    %c0_i32 = arith.constant 0 : i32
    %c0_i32_0 = arith.constant 0 : i32
    return %arg0, %c0_i32 : i32, i32
  }
  func.func @transform_17(%arg0: i32) -> (i32, i32) {
    %c0_i32 = arith.constant 0 : i32
    %c0_i32_0 = arith.constant 0 : i32
    return %arg0, %c0_i32 : i32, i32
  }
  func.func @transform_18(%arg0: i32) -> (i32, i32) {
    %c0_i32 = arith.constant 0 : i32
    %c0_i32_0 = arith.constant 0 : i32
    return %arg0, %c0_i32 : i32, i32
  }
  func.func @transform_19(%arg0: i32) -> (i32, i32) {
    %c0_i32 = arith.constant 0 : i32
    %c0_i32_0 = arith.constant 0 : i32
    return %arg0, %c0_i32 : i32, i32
  }
  func.func @transform_20(%arg0: i32) -> (i32, i32) {
    %c0_i32 = arith.constant 0 : i32
    %c0_i32_0 = arith.constant 0 : i32
    return %arg0, %c0_i32 : i32, i32
  }
  func.func @transform_21(%arg0: i32) -> (i32, i32) {
    %c0_i32 = arith.constant 0 : i32
    %c0_i32_0 = arith.constant 0 : i32
    return %arg0, %c0_i32 : i32, i32
  }
  func.func @transform_22(%arg0: i32) -> (i32, i32) {
    %c0_i32 = arith.constant 0 : i32
    %c0_i32_0 = arith.constant 0 : i32
    return %arg0, %c0_i32 : i32, i32
  }
}

module attributes {stable_mosaic.version = 14 : i64} {
  func.func @body(%arg0: i32, %arg1: memref<400x128xf32, #tpu.memory_space<vmem>>, %arg2: memref<400x128xf32, #tpu.memory_space<vmem>>, %arg3: memref<400x128xf32, #tpu.memory_space<vmem>>, %arg4: memref<400x128xf32, #tpu.memory_space<vmem>>, %arg5: memref<400x128xf32, #tpu.memory_space<vmem>>, %arg6: memref<400x128xf32, #tpu.memory_space<vmem>>, %arg7: memref<400x128xf32, #tpu.memory_space<vmem>>, %arg8: memref<400x128xf32, #tpu.memory_space<vmem>>, %arg9: memref<400x1xi32, #tpu.memory_space<vmem>>, %arg10: memref<2048x1xf32, #tpu.memory_space<vmem>>, %arg11: memref<1x1xf32, #tpu.memory_space<vmem>>, %arg12: memref<64x1xf32, #tpu.memory_space<vmem>>, %arg13: memref<64x1024xf32, #tpu.memory_space<vmem>>, %arg14: memref<64x1xf32, #tpu.memory_space<vmem>>) attributes {dimension_semantics = [#tpu.dimension_semantics<arbitrary>], iteration_bounds = array<i64: 25>, scalar_prefetch = 0 : i64, scratch_operands = 2 : i64, tpu.core_type = #tpu.core_type<tc>, window_params = [{transform_indices = @transform_0, window_bounds = array<i64: 400, 128>}, {transform_indices = @transform_1, window_bounds = array<i64: 400, 128>}, {transform_indices = @transform_2, window_bounds = array<i64: 400, 128>}, {transform_indices = @transform_3, window_bounds = array<i64: 400, 128>}, {transform_indices = @transform_4, window_bounds = array<i64: 400, 128>}, {transform_indices = @transform_5, window_bounds = array<i64: 400, 128>}, {transform_indices = @transform_6, window_bounds = array<i64: 400, 128>}, {transform_indices = @transform_7, window_bounds = array<i64: 400, 128>}, {transform_indices = @transform_8, window_bounds = array<i64: 400, 1>}, {pipeline_mode = #tpu.pipeline_mode<synchronous>, transform_indices = @transform_9, window_bounds = array<i64: 2048, 1>}, {pipeline_mode = #tpu.pipeline_mode<synchronous>, transform_indices = @transform_10, window_bounds = array<i64: 1, 1>}, {pipeline_mode = #tpu.pipeline_mode<synchronous>, transform_indices = @transform_11, window_bounds = array<i64: 64, 1>}]} {
    %eq3A = arith.constant 0 : i32
    %eq3A_0 = arith.cmpi eq, %arg0, %eq3A : i32
    %convert_element_type3A = arith.extui %eq3A_0 : i1 to i32
    %cond3A = arith.constant 0 : i32
    %cond3A_1 = arith.cmpi ne, %convert_element_type3A, %cond3A : i32
    scf.if %cond3A_1 {
      %broadcast_in_dim3A_53 = arith.constant 0.000000e+00 : f32
      %broadcast_in_dim3A_54 = vector.broadcast %broadcast_in_dim3A_53 : f32 to vector<64x1024xf32>
      %swap3A_55 = arith.constant 0 : index
      %swap3A_56 = arith.constant 0 : index
      %swap3A_57 = vector.load %arg13[%swap3A_55, %swap3A_56] : memref<64x1024xf32, #tpu.memory_space<vmem>>, vector<64x1024xf32>
      tpu.vector_store %arg13[%swap3A_55, %swap3A_56], %broadcast_in_dim3A_54 {strides = array<i32>} : memref<64x1024xf32, #tpu.memory_space<vmem>>, vector<64x1024xf32>,
      %broadcast_in_dim3A_58 = arith.constant 0.000000e+00 : f32
      %broadcast_in_dim3A_59 = vector.broadcast %broadcast_in_dim3A_58 : f32 to vector<64x1xf32>
      %swap3A_60 = arith.constant 0 : index
      %swap3A_61 = arith.constant 0 : index
      %swap3A_62 = vector.load %arg14[%swap3A_60, %swap3A_61] : memref<64x1xf32, #tpu.memory_space<vmem>>, vector<64x1xf32>
      tpu.vector_store %arg14[%swap3A_60, %swap3A_61], %broadcast_in_dim3A_59 {strides = array<i32>} : memref<64x1xf32, #tpu.memory_space<vmem>>, vector<64x1xf32>,
    } else {
    }
    %get3A = arith.constant 0 : index
    %get3A_2 = arith.constant 0 : index
    %get3A_3 = vector.load %arg1[%get3A, %get3A_2] : memref<400x128xf32, #tpu.memory_space<vmem>>, vector<400x128xf32>
    %get3A_4 = arith.constant 0 : index
    %get3A_5 = arith.constant 0 : index
    %get3A_6 = vector.load %arg2[%get3A_4, %get3A_5] : memref<400x128xf32, #tpu.memory_space<vmem>>, vector<400x128xf32>
    %get3A_7 = arith.constant 0 : index
    %get3A_8 = arith.constant 0 : index
    %get3A_9 = vector.load %arg3[%get3A_7, %get3A_8] : memref<400x128xf32, #tpu.memory_space<vmem>>, vector<400x128xf32>
    %get3A_10 = arith.constant 0 : index
    %get3A_11 = arith.constant 0 : index
    %get3A_12 = vector.load %arg4[%get3A_10, %get3A_11] : memref<400x128xf32, #tpu.memory_space<vmem>>, vector<400x128xf32>
    %get3A_13 = arith.constant 0 : index
    %get3A_14 = arith.constant 0 : index
    %get3A_15 = vector.load %arg5[%get3A_13, %get3A_14] : memref<400x128xf32, #tpu.memory_space<vmem>>, vector<400x128xf32>
    %get3A_16 = arith.constant 0 : index
    %get3A_17 = arith.constant 0 : index
    %get3A_18 = vector.load %arg6[%get3A_16, %get3A_17] : memref<400x128xf32, #tpu.memory_space<vmem>>, vector<400x128xf32>
    %get3A_19 = arith.constant 0 : index
    %get3A_20 = arith.constant 0 : index
    %get3A_21 = vector.load %arg7[%get3A_19, %get3A_20] : memref<400x128xf32, #tpu.memory_space<vmem>>, vector<400x128xf32>
    %get3A_22 = arith.constant 0 : index
    %get3A_23 = arith.constant 0 : index
    %get3A_24 = vector.load %arg8[%get3A_22, %get3A_23] : memref<400x128xf32, #tpu.memory_space<vmem>>, vector<400x128xf32>
    %concatenate3A = tpu.concatenate %get3A_3, %get3A_6, %get3A_9, %get3A_12, %get3A_15, %get3A_18, %get3A_21, %get3A_24 in 1 : vector<400x128xf32>, vector<400x128xf32>, vector<400x128xf32>, vector<400x128xf32>, vector<400x128xf32>, vector<400x128xf32>, vector<400x128xf32>, vector<400x128xf32> -> vector<400x1024xf32>
    %iota3A = tpu.iota {dimensions = array<i32: 1>} : vector<400x64xi32>
    %get3A_25 = arith.constant 0 : index
    %get3A_26 = arith.constant 0 : index
    %get3A_27 = vector.load %arg9[%get3A_25, %get3A_26] : memref<400x1xi32, #tpu.memory_space<vmem>>, vector<400x1xi32>
    %eq3A_28 = vector.broadcast %get3A_27 : vector<400x1xi32> to vector<400x64xi32>
    %eq3A_29 = arith.cmpi eq, %eq3A_28, %iota3A : vector<400x64xi32>
    %convert_element_type3A_30 = arith.extui %eq3A_29 : vector<400x64xi1> to vector<400x64xi32>
    %convert_element_type3A_31 = arith.sitofp %convert_element_type3A_30 : vector<400x64xi32> to vector<400x64xf32>
    %get3A_32 = arith.constant 0 : index
    %get3A_33 = arith.constant 0 : index
    %get3A_34 = vector.load %arg13[%get3A_32, %get3A_33] : memref<64x1024xf32, #tpu.memory_space<vmem>>, vector<64x1024xf32>
    %dot_general3A = arith.constant dense<0.000000e+00> : vector<64x1024xf32>
    %dot_general3A_35 = tpu.matmul %convert_element_type3A_31, %concatenate3A, %dot_general3A {dimension_numbers = #tpu.dot_dimension_numbers<[0], [0], [1], [1], [0, 1, 1, 1], [], []>, precision = #tpu.contract_precision<fp32>, transpose_lhs_hint = false} : vector<400x64xf32>, vector<400x1024xf32>, vector<64x1024xf32> -> vector<64x1024xf32>
    %add3A = arith.addf %get3A_34, %dot_general3A_35 : vector<64x1024xf32>
    %swap3A = arith.constant 0 : index
    %swap3A_36 = arith.constant 0 : index
    %swap3A_37 = vector.load %arg13[%swap3A, %swap3A_36] : memref<64x1024xf32, #tpu.memory_space<vmem>>, vector<64x1024xf32>
    tpu.vector_store %arg13[%swap3A, %swap3A_36], %add3A {strides = array<i32>} : memref<64x1024xf32, #tpu.memory_space<vmem>>, vector<64x1024xf32>,
    %get3A_38 = arith.constant 0 : index
    %get3A_39 = arith.constant 0 : index
    %get3A_40 = vector.load %arg14[%get3A_38, %get3A_39] : memref<64x1xf32, #tpu.memory_space<vmem>>, vector<64x1xf32>
    %broadcast_in_dim3A = arith.constant 1.000000e+00 : f32
    %broadcast_in_dim3A_41 = vector.broadcast %broadcast_in_dim3A : f32 to vector<400x1xf32>
    %dot_general3A_42 = arith.constant dense<0.000000e+00> : vector<64x1xf32>
    %dot_general3A_43 = tpu.matmul %convert_element_type3A_31, %broadcast_in_dim3A_41, %dot_general3A_42 {dimension_numbers = #tpu.dot_dimension_numbers<[0], [0], [1], [1], [0, 1, 1, 1], [], []>, precision = #tpu.contract_precision<fp32>, transpose_lhs_hint = false} : vector<400x64xf32>, vector<400x1xf32>, vector<64x1xf32> -> vector<64x1xf32>
    %add3A_44 = arith.addf %get3A_40, %dot_general3A_43 : vector<64x1xf32>
    %swap3A_45 = arith.constant 0 : index
    %swap3A_46 = arith.constant 0 : index
    %swap3A_47 = vector.load %arg14[%swap3A_45, %swap3A_46] : memref<64x1xf32, #tpu.memory_space<vmem>>, vector<64x1xf32>
    tpu.vector_store %arg14[%swap3A_45, %swap3A_46], %add3A_44 {strides = array<i32>} : memref<64x1xf32, #tpu.memory_space<vmem>>, vector<64x1xf32>,
    %eq3A_48 = arith.constant 24 : i32
    %eq3A_49 = arith.cmpi eq, %arg0, %eq3A_48 : i32
    %convert_element_type3A_50 = arith.extui %eq3A_49 : i1 to i32
    %cond3A_51 = arith.constant 0 : i32
    %cond3A_52 = arith.cmpi ne, %convert_element_type3A_50, %cond3A_51 : i32
    scf.if %cond3A_52 {
      %get3A_53 = arith.constant 0 : index
      %get3A_54 = arith.constant 0 : index
      %get3A_55 = vector.load %arg13[%get3A_53, %get3A_54] : memref<64x1024xf32, #tpu.memory_space<vmem>>, vector<64x1024xf32>
      %get3A_56 = arith.constant 0 : index
      %get3A_57 = arith.constant 0 : index
      %get3A_58 = vector.load %arg14[%get3A_56, %get3A_57] : memref<64x1xf32, #tpu.memory_space<vmem>>, vector<64x1xf32>
      %max3A = arith.constant 1.000000e+00 : f32
      %max3A_59 = vector.broadcast %max3A : f32 to vector<64x1xf32>
      %max3A_60 = arith.maximumf %get3A_58, %max3A_59 : vector<64x1xf32>
      %div3A = vector.broadcast %max3A_60 : vector<64x1xf32> to vector<64x1024xf32>
      %div3A_61 = arith.divf %get3A_55, %div3A : vector<64x1024xf32>
      %get3A_62 = arith.constant 0 : index
      %get3A_63 = arith.constant 0 : index
      %get3A_64 = vector.load %arg10[%get3A_62, %get3A_63] : memref<2048x1xf32, #tpu.memory_space<vmem>>, vector<1024x1xf32>
      %convert_element_type3A_65 = arith.truncf %get3A_64 : vector<1024x1xf32> to vector<1024x1xbf16>
      %convert_element_type3A_66 = arith.extf %convert_element_type3A_65 : vector<1024x1xbf16> to vector<1024x1xf32>
      %get3A_67 = arith.constant 1024 : index
      %get3A_68 = arith.constant 0 : index
      %get3A_69 = vector.load %arg10[%get3A_67, %get3A_68] : memref<2048x1xf32, #tpu.memory_space<vmem>>, vector<1024x1xf32>
      %convert_element_type3A_70 = arith.truncf %get3A_69 : vector<1024x1xf32> to vector<1024x1xbf16>
      %convert_element_type3A_71 = arith.extf %convert_element_type3A_70 : vector<1024x1xbf16> to vector<1024x1xf32>
      %add3A_72 = arith.addf %convert_element_type3A_66, %convert_element_type3A_71 : vector<1024x1xf32>
      %convert_element_type3A_73 = arith.truncf %div3A_61 : vector<64x1024xf32> to vector<64x1024xbf16>
      %convert_element_type3A_74 = arith.extf %convert_element_type3A_73 : vector<64x1024xbf16> to vector<64x1024xf32>
      %dot_general3A_75 = arith.constant dense<0.000000e+00> : vector<64x1xf32>
      %dot_general3A_76 = tpu.matmul %convert_element_type3A_74, %add3A_72, %dot_general3A_75 {dimension_numbers = #tpu.dot_dimension_numbers<[1], [0], [0], [1], [0, 0, 1, 1], [], []>, precision = #tpu.contract_precision<fp32>, transpose_lhs_hint = false} : vector<64x1024xf32>, vector<1024x1xf32>, vector<64x1xf32> -> vector<64x1xf32>
      %get3A_77 = arith.constant 0 : index
      %get3A_78 = arith.constant 0 : index
      %get3A_79 = vector.load %arg11[%get3A_77, %get3A_78] : memref<1x1xf32, #tpu.memory_space<vmem>>, vector<1x1xf32>
      %add3A_80 = vector.broadcast %get3A_79 : vector<1x1xf32> to vector<64x1xf32>
      %add3A_81 = arith.addf %dot_general3A_76, %add3A_80 : vector<64x1xf32>
      %swap3A_82 = arith.constant 0 : index
      %swap3A_83 = arith.constant 0 : index
      %swap3A_84 = vector.load %arg12[%swap3A_82, %swap3A_83] : memref<64x1xf32, #tpu.memory_space<vmem>>, vector<64x1xf32>
      tpu.vector_store %arg12[%swap3A_82, %swap3A_83], %add3A_81 {strides = array<i32>} : memref<64x1xf32, #tpu.memory_space<vmem>>, vector<64x1xf32>,
    } else {
    }
    return
  }
  func.func @transform_0(%arg0: i32) -> (i32, i32) {
    %c0_i32 = arith.constant 0 : i32
    %c0_i32_0 = arith.constant 0 : i32
    return %arg0, %c0_i32 : i32, i32
  }
  func.func @transform_1(%arg0: i32) -> (i32, i32) {
    %c0_i32 = arith.constant 0 : i32
    %c0_i32_0 = arith.constant 0 : i32
    return %arg0, %c0_i32 : i32, i32
  }
  func.func @transform_2(%arg0: i32) -> (i32, i32) {
    %c0_i32 = arith.constant 0 : i32
    %c0_i32_0 = arith.constant 0 : i32
    return %arg0, %c0_i32 : i32, i32
  }
  func.func @transform_3(%arg0: i32) -> (i32, i32) {
    %c0_i32 = arith.constant 0 : i32
    %c0_i32_0 = arith.constant 0 : i32
    return %arg0, %c0_i32 : i32, i32
  }
  func.func @transform_4(%arg0: i32) -> (i32, i32) {
    %c0_i32 = arith.constant 0 : i32
    %c0_i32_0 = arith.constant 0 : i32
    return %arg0, %c0_i32 : i32, i32
  }
  func.func @transform_5(%arg0: i32) -> (i32, i32) {
    %c0_i32 = arith.constant 0 : i32
    %c0_i32_0 = arith.constant 0 : i32
    return %arg0, %c0_i32 : i32, i32
  }
  func.func @transform_6(%arg0: i32) -> (i32, i32) {
    %c0_i32 = arith.constant 0 : i32
    %c0_i32_0 = arith.constant 0 : i32
    return %arg0, %c0_i32 : i32, i32
  }
  func.func @transform_7(%arg0: i32) -> (i32, i32) {
    %c0_i32 = arith.constant 0 : i32
    %c0_i32_0 = arith.constant 0 : i32
    return %arg0, %c0_i32 : i32, i32
  }
  func.func @transform_8(%arg0: i32) -> (i32, i32) {
    %c0_i32 = arith.constant 0 : i32
    %c0_i32_0 = arith.constant 0 : i32
    return %arg0, %c0_i32 : i32, i32
  }
  func.func @transform_9(%arg0: i32) -> (i32, i32) {
    %c0_i32 = arith.constant 0 : i32
    %c0_i32_0 = arith.constant 0 : i32
    %c0_i32_1 = arith.constant 0 : i32
    return %c0_i32, %c0_i32_0 : i32, i32
  }
  func.func @transform_10(%arg0: i32) -> (i32, i32) {
    %c0_i32 = arith.constant 0 : i32
    %c0_i32_0 = arith.constant 0 : i32
    %c0_i32_1 = arith.constant 0 : i32
    return %c0_i32, %c0_i32_0 : i32, i32
  }
  func.func @transform_11(%arg0: i32) -> (i32, i32) {
    %c0_i32 = arith.constant 0 : i32
    %c0_i32_0 = arith.constant 0 : i32
    %c0_i32_1 = arith.constant 0 : i32
    return %c0_i32, %c0_i32_0 : i32, i32
  }
}

</mosaic_0001>

<sc_bundles>
// kernel: kernel.13.cloned.1.call-start
scs
__scs_entry_jumppad:
0x0: {  	(pc) =	sbr.rel $0x88, $3  }
0x1: {  	(tag) =	ssettag $0x0;
	lr =	simm.s32 $0x1  }
0x2: {  	[smem:$0x3F94] =	sst lr;
	_ =	strace $0xD0000000  }
0x3: {  	_ = 	snop  }
0x4: {  	_ = 	snop  }
0x5: {  	_ = 	snop  }
0x6: {  	_ = 	snop  }
0x7: {  	_ = 	snop  }
__scs_overlays_trampoline_lowered:
0x8: {  	[smem:$0x3FA3] =	sst s0  }
0x9: {  	[smem:$0x3FA4] =	sst s1  }
0xa: {  	[smem:$0x3FA5] =	sst s2  }
0xb: {  	[smem:$0x3FA6] =	sst s3  }
0xc: {  	[smem:$0x3FA7] =	sst s4  }
0xd: {  	[smem:$0x3FA8] =	sst s5  }
0xe: {  	[smem:$0x3FA9] =	sst s6  }
0xf: {  	[smem:$0x3FAA] =	sst s7  }
0x10: {  	[smem:$0x3FAB] =	sst s8  }
0x11: {  	[smem:$0x3FAC] =	sst s9;
	s0 =	simm.s32 @!p0 $0x0  }
0x12: {  	s1 =	sld [smem:$0x3F92];
	s0 =	simm.s32 @p0 $0x1  }
0x13: {  	[smem:$0x3FAD] =	sst s0;
	s0 =	simm.s32 @!p1 $0x0  }
0x14: {  	s2 =	sld [smem:$0x3F91];
	s0 =	simm.s32 @p1 $0x1  }
0x15: {  	[smem:$0x3FAE] =	sst s0;
	s0 =	simm.s32 @!p2 $0x0  }
0x16: {  	s3 =	sld [smem:$0x3FDB];
	s0 =	simm.s32 @p2 $0x1  }
0x17: {  	s4 =	simm.s32 $0x1BF5;
	[smem:$0x3FB0] =	sst s0  }
0x18: {  	s0 =	sld [smem:$0x3F93];
	_ =	swait.ge [sflag:s4], $0x0  }
0x19: {  	s7 =	sld [smem:$0x3F94]  }
0x1a: {  	s8 =	sadd.s32 $0xFFFFE003, lr  }
0x1b: {  	s9 =	sadd.s32 $0xFFFFFEF7, lr;
	s5 =	simm.s32 $0xFFFFFFFF;
	p2 =	slt.u32 s8, $0xFFFFF086  }
0x1c: {  	p1 =	slt.u32 s9, $0xF7A;
	s5 =	simm.s32 @!p2 $0x0  }
0x1d: {  	s5 =	simm.s32 @p1 $0x1;
	p0 =	seq.s32 s7, s2  }
0x1e: {  	s7 =	smul.u32 @!p0 $0xF7A, s2;
	p2 =	seq.s32 @!p0 s5, $0x0  }
0x1f: {  	s9 =	smul.u32 $0xF7A, s1;
	s8 =	simm.s32 @!p0 $0x1BF5;
	p2 =	por !p2, p0  }
0x20: {  	[sflag:s8] =	ssyncset.s32 @!p0 $0xFFFFF086;
	s6 =	sadd.s32 @!p0 s3, s7;
	s7 =	simm.s32 @!p0 $0x108  }
0x21: {  	s3 =	sadd.s32 s3, s9;
	s6 =	sadd.s32 @!p0 $0x88, s6;
	s7 =	simm.s32 @p2 $0x1082  }
0x22: {  	[simem:s7], [sflag:s8] =	dma.local @!p0 [hbm:s6], $0xF7A  }
0x23: {  	s9 =	sor.u32 $0xD0000000, s2;
	s6 =	simm.s32 $0x108;
	_ =	swait.ge @!p0 [sflag:s8], $0x0  }
0x24: {  	s3 =	sadd.s32 $0x88, s3;
	s6 =	simm.s32 @!p1 $0x1082;
	[sflag:s4] =	ssyncset.s32 $0xFFFFF086  }
0x25: {  	[simem:s6], [sflag:s4] =	dma.local [hbm:s3], $0xF7A  }
0x26: {  	[smem:$0x3F94] =	sst s1;
	(tag) =	ssettag s2;
	_ =	strace s9  }
0x27: {  	s1 =	sld [smem:$0x3FA4]  }
0x28: {  	s2 =	sld [smem:$0x3FA5]  }
0x29: {  	s4 =	sld [smem:$0x3FA7]  }
0x2a: {  	p0 =	seq.s32 s5, $0x0;
	s5 =	sld [smem:$0x3FA8]  }
0x2b: {  	s6 =	sld [smem:$0x3FA9]  }
0x2c: {  	s7 =	sld [smem:$0x3FAA]  }
0x2d: {  	s3 =	simm.s32 $0x108;
	s8 =	sld [smem:$0x3FAB]  }
0x2e: {  	s3 =	simm.s32 @!p0 $0x1082;
	s9 =	sld [smem:$0x3FAC]  }
0x2f: {  	lr =	sadd.s32 s0, s3;
	s0 =	sld [smem:$0x3FA3]  }
0x30: {  	s3 =	sld [smem:$0x3FA6]  }
0x31: {  	[smem:$0x3FAF] =	sst s10  }
0x32: {  	s10 =	sld [smem:$0x3FAD];
	_ =	sdelay $0x3  }
0x33: {  	p0 =	seq.s32 s10, $0x1;
	s10 =	sld [smem:$0x3FAF];
	_ =	sdelay $0x3  }
0x34: {  	[smem:$0x3FAF] =	sst s10  }
0x35: {  	s10 =	sld [smem:$0x3FAE];
	_ =	sdelay $0x3  }
0x36: {  	p1 =	seq.s32 s10, $0x1;
	s10 =	sld [smem:$0x3FAF];
	_ =	sdelay $0x3  }
0x37: {  	[smem:$0x3FAF] =	sst s10  }
0x38: {  	s10 =	sld [smem:$0x3FB0]  }
0x39: {  	_ = 	snop;
	(pc) =	sbr.ind lr, $3  }
0x3a: {  	_ = 	snop  }
0x3b: {  	_ = 	snop  }
0x3c: {  	p2 =	seq.s32 s10, $0x1;
	s10 =	sld [smem:$0x3FAF]  }
0x3d: {  	_ =	shalt  }
0x3e: {  	_ =	shalt  }
0x3f: {  	_ =	shalt  }
0x40: {  	_ =	shalt  }
0x41: {  	_ =	shalt  }
0x42: {  	_ =	shalt  }
0x43: {  	_ =	shalt  }
0x44: {  	_ =	shalt  }
0x45: {  	_ =	shalt  }
0x46: {  	_ =	shalt  }
0x47: {  	_ =	shalt  }
0x48: {  	_ =	shalt  }
0x49: {  	_ =	shalt  }
0x4a: {  	_ =	shalt  }
0x4b: {  	_ =	shalt  }
0x4c: {  	_ =	shalt  }
0x4d: {  	_ =	shalt  }
0x4e: {  	_ =	shalt  }
0x4f: {  	_ =	shalt  }
0x50: {  	_ =	shalt  }
0x51: {  	_ =	shalt  }
0x52: {  	_ =	shalt  }
0x53: {  	_ =	shalt  }
0x54: {  	_ =	shalt  }
0x55: {  	_ =	shalt  }
0x56: {  	_ =	shalt  }
0x57: {  	_ =	shalt  }
0x58: {  	_ =	shalt  }
0x59: {  	_ =	shalt  }
0x5a: {  	_ =	shalt  }
0x5b: {  	_ =	shalt  }
0x5c: {  	_ =	shalt  }
0x5d: {  	_ =	shalt  }
0x5e: {  	_ =	shalt  }
0x5f: {  	_ =	shalt  }
0x60: {  	_ =	shalt  }
0x61: {  	_ =	shalt  }
0x62: {  	_ =	shalt  }
0x63: {  	_ =	shalt  }
0x64: {  	_ =	shalt  }
0x65: {  	_ =	shalt  }
0x66: {  	_ =	shalt  }
0x67: {  	_ =	shalt  }
0x68: {  	_ =	shalt  }
0x69: {  	_ =	shalt  }
0x6a: {  	_ =	shalt  }
0x6b: {  	_ =	shalt  }
0x6c: {  	_ =	shalt  }
0x6d: {  	_ =	shalt  }
0x6e: {  	_ =	shalt  }
0x6f: {  	_ =	shalt  }
0x70: {  	_ =	shalt  }
0x71: {  	_ =	shalt  }
0x72: {  	_ =	shalt  }
0x73: {  	_ =	shalt  }
0x74: {  	_ =	shalt  }
0x75: {  	_ =	shalt  }
0x76: {  	_ =	shalt  }
0x77: {  	_ =	shalt  }
0x78: {  	_ =	shalt  }
0x79: {  	_ =	shalt  }
0x7a: {  	_ =	shalt  }
0x7b: {  	_ =	shalt  }
0x7c: {  	_ =	shalt  }
0x7d: {  	_ =	shalt  }
0x7e: {  	_ =	shalt  }
0x7f: {  	_ =	shalt  }
0x80: {  	_ =	shalt  }
0x81: {  	_ =	shalt  }
0x82: {  	_ =	shalt  }
0x83: {  	_ =	shalt  }
0x84: {  	_ =	shalt  }
0x85: {  	_ =	shalt  }
0x86: {  	_ =	shalt  }
0x87: {  	_ =	shalt  }
.Lfunc_end0:
.L_simem_size_0:
called_computation_lowered:
.L_overlay_start_0:
0x88: {  	s2 =	sld [smem:$0x3FD9]  }
0x89: {  	s3 =	sld [smem:$0x3FFE];
	_ =	sdelay $0x1  }
0x8a: {  	s1 =	srdreg.scid  }
0x8b: {  	s0 =	sand.u32 $0x1, s1  }
0x8c: {  	s16 =	sshll.u32 s0, $0xA;
	s2 =	sadd.s32 s3, s2  }
0x8d: {  	s2 =	sadd.s32 s2, s16  }
0x8e: {  	[smem:$0x3FBB] =	sst s2  }
0x8f: {  	_ = 	snop  }
0x90: {  	(tm) =	ssettm $0x1  }
0x91: {  	s17 =	sld [smem:$0x3FFB];
	_ =	sdelay $0x3  }
0x92: {  	_ =	strace s17  }
0x93: {  	s2 =	sld [smem:$0x3FFC];
	_ =	sdelay $0x3  }
0x94: {  	_ =	strace s2  }
0x95: {  	s2 =	sld [smem:$0x3FFD];
	_ =	sdelay $0x3  }
0x96: {  	_ =	strace s2  }
0x97: {  	_ =	strace $0x8FFFFFFF  }
0x98: {  	s18 =	sld [smem:$0x3FDB];
	_ =	sdelay $0x1  }
0x99: {  	s19 =	simm.s32 $_scs_section_size  }
0x9a: {  	s4 =	simm.s32 $_size__tile_overlayer_lowered;
	s5 =	simm.s32 $_tile_overlayer_lowered  }
0x9b: {  	s22 =	simm.s32 $0x1BFF;
	s21 =	sshll.u32 s5, $0x1;
	s2 =	sadd.s32 s19, s18  }
0x9c: {  	s6 =	simm.s32 $0x0;
	s20 =	sshll.u32 s4, $0x1;
	s4 =	sadd.s32 s21, s2  }
0x9d: {  	[timem:s6], [sflag:s22] =	dma.local [hbm:s4], s20  }
0x9e: {  	_ =	swait.ge [sflag:s22], s20  }
0x9f: {  	s3 =	ssub.s32 $0x0, s20;
	[sflag:s22] =	ssyncset.done $0x0  }
0xa0: {  	[sflag:s22] =	ssyncadd.s32 s3;
	_ =	sdelay $0x1  }
0xa1: {  	s23 =	simm.s32 $0x1B8B  }
0xa2: {  	_ =	swait.ge [sflag:s23], $0x1  }
0xa3: {  	[sflag:s23] =	ssyncset.done $0x0  }
0xa4: {  	s25 =	simm.s32 $0x1B8E;
	s24 =	sld [smem:$0x3FFE];
	[sflag:s23] =	ssyncadd.s32 $0xFFFFFFFF  }
0xa5: {  	s26 =	simm.s32 $execute0_lowered;
	[smem:$0x3FD2] =	sst s25  }
0xa6: {  	s4 =	sshll.u32 s26, $0x1;
	_ =	strace $0x80000046;
	[dreg:$0x1] =	wrdreg $0xFFFFFFFF  }
0xa7: {  	s28 =	simm.s32 $_size_execute0_lowered;
	s2 =	sadd.s32 s2, s4;
	[dreg:$0x0] =	wrdreg $0x0  }
0xa8: {  	s4 =	sshll.u32 s28, $0x1;
	[dreg:$0x2] =	wrdreg s2  }
0xa9: {  	[dreg:$0x3] =	wrdreg s4  }
0xaa: {  	[dreg:$0x4] =	wrdreg $0xC0  }
0xab: {  	_ =	task [dreg:s6], $0x5FFFF  }
0xac: {  	[dreg:$0x1] =	wrdreg $0xFFFFFFFF  }
0xad: {  	[dreg:$0x0] =	wrdreg $0x60  }
0xae: {  	[dreg:$0x2] =	wrdreg s24  }
0xaf: {  	[dreg:$0x3] =	wrdreg $0x0  }
0xb0: {  	[dreg:$0x4] =	wrdreg $0x9  }
0xb1: {  	_ =	task.clear_ibuf [dreg:s6], $0x5FFFF;
	_ =	strace $0x90000046  }
0xb2: {  	s29 =	simm.s32 $0x9;
	_ =	strace $0x80000048  }
0xb3: {  	_ =	swait.ge [sflag:s29], $0x1  }
0xb4: {  	[sflag:s29] =	ssyncadd.s32 $0xFFFFFFFF  }
0xb5: {  	_ =	strace $0x90000048  }
0xb6: {  	_ =	sfence  }
0xb7: {  	s30 =	sld [smem:$0x0];
	_ =	sdelay $0x2  }
0xb8: {  	s31 =	sshll.u32 s1, $0xD;
	s1 =	sshrl.u32 s1, $0x2  }
0xb9: {  	s3 =	sand.u32 $0x4000, s31;
	s1 =	sadd.s32 s1, s30  }
0xba: {  	s0 =	sor.u32 s3, s0;
	s1 =	sshll.u32 s1, $0x11  }
0xbb: {  	s0 =	sor.u32 s1, s0  }
0xbc: {  	s0 =	sadd.s32 $0x8F2B, s0  }
0xbd: {  	[sflag:s0] =	ssyncadd.remote.s32 $0x1  }
0xbe: {  	_ =	sfence.sel $0xFFFF  }
0xbf: {  	[dreg:$0x0] =	wrdreg $0xFFFFFFFF;
	(pc) =	sbr.abs _section_cstart, $3  }
0xc0: {  	[dreg:$0x1] =	wrdreg $0xFFFFFFFF  }
0xc1: {  	_ =	task.clear_ibuf [dreg:s6], $0x2FFFF;
	_ =	strace $0x9FFFFFFF  }
0xc2: {  	(tm) =	ssettm $0x7FFFFFFF  }
0xc3: {  	_ =	shalt  }
tec
execute0_lowered:
.L_overlay_start_1:
0x0: {  	(tag) =	ssettag $0x1  }
0x1: {  	s7 =	rddreg [dreg:$0x0]  }
0x2: {  	s2 =	rddreg [dreg:$0x1]  }
0x3: {  	s0 =	rddreg [dreg:$0x2];
	s3 =	simm.s32 $0x0  }
0x4: {  	s1 =	stileid.u32;
	s5 =	srdreg.scid;
	s17 =	simm.s32 $0x50  }
0x5: {  	s18 =	simm.s32 $0x1;
	s19 =	simm.s32 $0x0;
	[smem:$0x7FF] =	sst s3  }
0x6: {  	s8 =	smul.u32 $0x2780, s1;
	s4 =	sshll.u32 s1, $0xB;
	s10 =	sand.u32 $0x1, s5  }
0x7: {  	s11 =	sadd.s32 $0x46400, s7;
	s14 =	smul.u32 $0x4F000, s1;
	p0 =	seq.s32 s1, $0xF  }
0x8: {  	_ =	strace $0x80000047;
	s6 =	sadd.s32 s4, s7;
	s4 =	sadd.s32 $0x45E00, s7  }
0x9: {  	s5 =	ssub.s32 $0x2, s10;
	s13 =	sshll.u32 s10, $0xF;
	s29 =	smul.u32 $0x138800, s10  }
0xa: {  	s10 =	smul.u32 $0x27100, s10;
	s15 =	sshll.u32 @!p0 s1, $0x6;
	s9 =	sadd.s32 s8, s7  }
0xb: {  	s12 =	sshrl.u32 s5, $0x1;
	s28 =	sadd.s32 s13, s6;
	s30 =	sshrl.u32 s14, $0x2  }
0xc: {  	s14 =	sadd.s32 $0x128400, s2;
	s7 =	sadd.s32 $0x43C80, s7;
	s13 =	simm.s32 $0x17880  }
0xd: {  	s15 =	sor.u32 @!p0 $0x1C02, s15;
	s12 =	ssub.s32 s5, s12;
	s5 =	sadd.s32 $0xEC00, s28  }
0xe: {  	s16 =	sadd.s32 s30, s2;
	s6 =	sadd.s32 $0x1EC00, s9;
	s31 =	sshrl.u32 s29, $0x3  }
0xf: {  	s8 =	sadd.s32 s8, s10;
	s14 =	sshrl.u32 @p0 s14, $0x3;
	s9 =	sadd.s32 s11, s31  }
0x10: {  	s8 =	sadd.s32 s11, s8;
	s10 =	smax.u32 s12, $0x1;
	s11 =	simm.s32 $0x13880  }
0x11: {  	s12 =	simm.s32 $0x2;
	s16 =	sshrl.u32 @!p0 s16, $0x3;
	s9 =	sadd.s32 $0x25080, s9  }
.LBB2_1:
0x12: {  	[tilespmem:s11], [sflag:$0x2] =	stream.linear.gather [hbm4b:s5+s3], $0x3E80, $0x38;
	[tilespmem:$0x1A080] =	vst v63  }
0x13: {  	_ =	swait.ge [sflag:s12], $0x3E80  }
0x14: {  	[sflag:s12] =	ssyncset.done $0x0  }
0x15: {  	[sflag:s12] =	ssyncadd.s32 $0xFFFFC180  }
0x16: {  	[tilespmem:s13], [sflag:$0x2] =	stream.linear.gather [hbm4b:s4+s3], $0x2800, $0x38;
	[tilespmem:$0x1A080] =	vst v63  }
0x17: {  	_ =	swait.ge [sflag:s12], $0x2800  }
0x18: {  	[sflag:s12] =	ssyncset.done $0x0  }
0x19: {  	s20 =	simm.s32 @p0 $0x1FC2;
	[sflag:s12] =	ssyncadd.s32 $0xFFFFD800  }
0x1a: {  	[spmem:s14], [sflag:s20] =	dma.local @p0 [hbm:s7], $0x2080  }
0x1b: {  	s20 =	simm.s32 @p0 $0x2  }
0x1c: {  	_ =	swait.ge @p0 [sflag:s20], $0x2080  }
0x1d: {  	[sflag:s20] =	ssyncset.done @p0 $0x0  }
0x1e: {  	[sflag:s20] =	ssyncadd.s32 @p0 $0xFFFFDF80;
	s20 =	simm.s32 @!p0 $0x2  }
0x1f: {  	[spmem:s16], [sflag:s15] =	dma.local @!p0 [hbm:s6], $0x2780  }
0x20: {  	_ =	swait.ge @!p0 [sflag:s20], $0x2780  }
0x21: {  	[sflag:s20] =	ssyncset.done @!p0 $0x0  }
0x22: {  	[sflag:s20] =	ssyncadd.s32 @!p0 $0xFFFFD880  }
0x23: {  	s31 =	simm.s32 $0x13880;
	[bflag:$0x0] =	sbarrier.arrive $0xFFFF  }
0x24: {  	[spmem:s2] =	stream.indirect.scatter.add.f32 [tilespmem:s13], [sflag:$0x1], $0x80, s31, s17, $0xb8;
	[tilespmem:$0x1A080] =	vst v63  }
0x25: {  	s20 =	simm.s32 $0x200;
	_ =	swait.ge [sflag:s18], $0x2800  }
.LBB2_2:
0x26: {  	s21 =	sshra.s32 s20, $0x2;
	[sflag:s18] =	ssyncset.done $0x0;
	p1 =	sne.s32 s20, $0xF800  }
.Ltmp0:
0x27: {  	s21 =	sadd.s32 $0x13880, s21;
	[sflag:s18] =	ssyncadd.s32 $0xFFFFD800;
	(pc) =	sbr.rel @p1 .LBB2_2-.Ltmp0, $3  }
0x28: {  	[spmem:s2] =	stream.indirect.scatter.add.f32 [tilespmem:s13], [sflag:$0x1], $0x80, s21, s17, $0xb8;
	[tilespmem:$0x1A080] =	vst v63  }
0x29: {  	s20 =	sadd.s32 $0x200, s20;
	_ =	sdelay $0x1  }
0x2a: {  	_ =	swait.ge [sflag:s18], $0x2800  }
0x2b: {  	[sflag:s18] =	ssyncset.done $0x0  }
0x2c: {  	[sflag:s18] =	ssyncadd.s32 $0xFFFFD800  }
0x2d: {  	s20 =	simm.s32 @p0 $0x1FC2;
	[bflag:$0x0] =	sbarrier.arrive $0xFFFF  }
0x2e: {  	[hbm:s9], [sflag:s20] =	dma.local @p0 [spmem:s14], $0x2080  }
0x2f: {  	s20 =	simm.s32 @p0 $0x2  }
0x30: {  	s19 =	sadd.s32 $0x1, s19;
	_ =	swait.ge @p0 [sflag:s20], $0x2080  }
0x31: {  	p1 =	sne.s32 s19, s10;
	[sflag:s20] =	ssyncset.done @p0 $0x0  }
.Ltmp1:
0x32: {  	[sflag:s20] =	ssyncadd.s32 @p0 $0xFFFFDF80;
	s20 =	simm.s32 @!p0 $0x2;
	(pc) =	sbr.rel @p1 .LBB2_1-.Ltmp1, $4  }
0x33: {  	[hbm:s8], [sflag:s15] =	dma.local @!p0 [spmem:s16], $0x2780  }
0x34: {  	_ =	swait.ge @!p0 [sflag:s20], $0x2780  }
0x35: {  	[sflag:s20] =	ssyncset.done @!p0 $0x0  }
0x36: {  	[sflag:s20] =	ssyncadd.s32 @!p0 $0xFFFFD880  }
0x37: {  	_ =	sfence.sel $0x180000  }
0x38: {  	[bflag:$0x0] =	sbarrier.arrive $0xFFFF  }
0x39: {  	p0 =	sne.s32 s1, $0x0;
	_ =	strace $0x90000047  }
0x3a: {  	s0 =	sadd.s32 @!p0 $0x100000, s0;
	[bflag:$0x2] =	sbarrier.arrive $0xFFFF  }
0x3b: {  	[sflag:s0] =	ssyncadd.tile.s32 @!p0 $0x1;
	_ =	shalt  }
.Lfunc_end2:
_tile_overlayer_lowered:
.L_overlay_start_2:
0x3c: {  	(tag) =	ssettag $0x2  }
0x3d: {  	s0 =	rddreg [dreg:$0x0];
	s2 =	stileid.u32  }
0x3e: {  	s1 =	rddreg [dreg:$0x1];
	p0 =	sne.s32 s2, $0x0  }
0x3f: {  	s3 =	rddreg [dreg:$0x2];
	[bflag:$0x3] =	sbarrier.arrive $0xFFFF;
	s2 =	simm.s32 @!p0 $0x1C02  }
0x40: {  	[timem:s3], [sflag:s2] =	dma.local @!p0 [hbm:s0], s1  }
0x41: {  	s0 =	simm.s32 @!p0 $0x2  }
0x42: {  	_ =	swait.ge @!p0 [sflag:s0], s1  }
0x43: {  	s1 =	ssub.s32 @!p0 $0x0, s1;
	[sflag:s0] =	ssyncset.done @!p0 $0x0  }
0x44: {  	[sflag:s0] =	ssyncadd.s32 @!p0 s1  }
0x45: {  	[bflag:$0x3] =	sbarrier.arrive $0xFFFF  }
0x46: {  	_ =	shalt  }

// kernel: kernel.16.cloned.1.call-start
scs
__scs_entry_jumppad:
0x0: {  	(pc) =	sbr.rel $0x88, $3  }
0x1: {  	(tag) =	ssettag $0x0;
	lr =	simm.s32 $0x1  }
0x2: {  	[smem:$0x3F94] =	sst lr;
	_ =	strace $0xD0000000  }
0x3: {  	_ = 	snop  }
0x4: {  	_ = 	snop  }
0x5: {  	_ = 	snop  }
0x6: {  	_ = 	snop  }
0x7: {  	_ = 	snop  }
__scs_overlays_trampoline_lowered:
0x8: {  	[smem:$0x3FA3] =	sst s0  }
0x9: {  	[smem:$0x3FA4] =	sst s1  }
0xa: {  	[smem:$0x3FA5] =	sst s2  }
0xb: {  	[smem:$0x3FA6] =	sst s3  }
0xc: {  	[smem:$0x3FA7] =	sst s4  }
0xd: {  	[smem:$0x3FA8] =	sst s5  }
0xe: {  	[smem:$0x3FA9] =	sst s6  }
0xf: {  	[smem:$0x3FAA] =	sst s7  }
0x10: {  	[smem:$0x3FAB] =	sst s8  }
0x11: {  	[smem:$0x3FAC] =	sst s9;
	s0 =	simm.s32 @!p0 $0x0  }
0x12: {  	s1 =	sld [smem:$0x3F92];
	s0 =	simm.s32 @p0 $0x1  }
0x13: {  	[smem:$0x3FAD] =	sst s0;
	s0 =	simm.s32 @!p1 $0x0  }
0x14: {  	s2 =	sld [smem:$0x3F91];
	s0 =	simm.s32 @p1 $0x1  }
0x15: {  	[smem:$0x3FAE] =	sst s0;
	s0 =	simm.s32 @!p2 $0x0  }
0x16: {  	s3 =	sld [smem:$0x3FDB];
	s0 =	simm.s32 @p2 $0x1  }
0x17: {  	s4 =	simm.s32 $0x1BF5;
	[smem:$0x3FB0] =	sst s0  }
0x18: {  	s0 =	sld [smem:$0x3F93];
	_ =	swait.ge [sflag:s4], $0x0  }
0x19: {  	s7 =	sld [smem:$0x3F94]  }
0x1a: {  	s8 =	sadd.s32 $0xFFFFE003, lr  }
0x1b: {  	s9 =	sadd.s32 $0xFFFFFEF7, lr;
	s5 =	simm.s32 $0xFFFFFFFF;
	p2 =	slt.u32 s8, $0xFFFFF086  }
0x1c: {  	p1 =	slt.u32 s9, $0xF7A;
	s5 =	simm.s32 @!p2 $0x0  }
0x1d: {  	s5 =	simm.s32 @p1 $0x1;
	p0 =	seq.s32 s7, s2  }
0x1e: {  	s7 =	smul.u32 @!p0 $0xF7A, s2;
	p2 =	seq.s32 @!p0 s5, $0x0  }
0x1f: {  	s9 =	smul.u32 $0xF7A, s1;
	s8 =	simm.s32 @!p0 $0x1BF5;
	p2 =	por !p2, p0  }
0x20: {  	[sflag:s8] =	ssyncset.s32 @!p0 $0xFFFFF086;
	s6 =	sadd.s32 @!p0 s3, s7;
	s7 =	simm.s32 @!p0 $0x108  }
0x21: {  	s3 =	sadd.s32 s3, s9;
	s6 =	sadd.s32 @!p0 $0x88, s6;
	s7 =	simm.s32 @p2 $0x1082  }
0x22: {  	[simem:s7], [sflag:s8] =	dma.local @!p0 [hbm:s6], $0xF7A  }
0x23: {  	s9 =	sor.u32 $0xD0000000, s2;
	s6 =	simm.s32 $0x108;
	_ =	swait.ge @!p0 [sflag:s8], $0x0  }
0x24: {  	s3 =	sadd.s32 $0x88, s3;
	s6 =	simm.s32 @!p1 $0x1082;
	[sflag:s4] =	ssyncset.s32 $0xFFFFF086  }
0x25: {  	[simem:s6], [sflag:s4] =	dma.local [hbm:s3], $0xF7A  }
0x26: {  	[smem:$0x3F94] =	sst s1;
	(tag) =	ssettag s2;
	_ =	strace s9  }
0x27: {  	s1 =	sld [smem:$0x3FA4]  }
0x28: {  	s2 =	sld [smem:$0x3FA5]  }
0x29: {  	s4 =	sld [smem:$0x3FA7]  }
0x2a: {  	p0 =	seq.s32 s5, $0x0;
	s5 =	sld [smem:$0x3FA8]  }
0x2b: {  	s6 =	sld [smem:$0x3FA9]  }
0x2c: {  	s7 =	sld [smem:$0x3FAA]  }
0x2d: {  	s3 =	simm.s32 $0x108;
	s8 =	sld [smem:$0x3FAB]  }
0x2e: {  	s3 =	simm.s32 @!p0 $0x1082;
	s9 =	sld [smem:$0x3FAC]  }
0x2f: {  	lr =	sadd.s32 s0, s3;
	s0 =	sld [smem:$0x3FA3]  }
0x30: {  	s3 =	sld [smem:$0x3FA6]  }
0x31: {  	[smem:$0x3FAF] =	sst s10  }
0x32: {  	s10 =	sld [smem:$0x3FAD];
	_ =	sdelay $0x3  }
0x33: {  	p0 =	seq.s32 s10, $0x1;
	s10 =	sld [smem:$0x3FAF];
	_ =	sdelay $0x3  }
0x34: {  	[smem:$0x3FAF] =	sst s10  }
0x35: {  	s10 =	sld [smem:$0x3FAE];
	_ =	sdelay $0x3  }
0x36: {  	p1 =	seq.s32 s10, $0x1;
	s10 =	sld [smem:$0x3FAF];
	_ =	sdelay $0x3  }
0x37: {  	[smem:$0x3FAF] =	sst s10  }
0x38: {  	s10 =	sld [smem:$0x3FB0]  }
0x39: {  	_ = 	snop;
	(pc) =	sbr.ind lr, $3  }
0x3a: {  	_ = 	snop  }
0x3b: {  	_ = 	snop  }
0x3c: {  	p2 =	seq.s32 s10, $0x1;
	s10 =	sld [smem:$0x3FAF]  }
0x3d: {  	_ =	shalt  }
0x3e: {  	_ =	shalt  }
0x3f: {  	_ =	shalt  }
0x40: {  	_ =	shalt  }
0x41: {  	_ =	shalt  }
0x42: {  	_ =	shalt  }
0x43: {  	_ =	shalt  }
0x44: {  	_ =	shalt  }
0x45: {  	_ =	shalt  }
0x46: {  	_ =	shalt  }
0x47: {  	_ =	shalt  }
0x48: {  	_ =	shalt  }
0x49: {  	_ =	shalt  }
0x4a: {  	_ =	shalt  }
0x4b: {  	_ =	shalt  }
0x4c: {  	_ =	shalt  }
0x4d: {  	_ =	shalt  }
0x4e: {  	_ =	shalt  }
0x4f: {  	_ =	shalt  }
0x50: {  	_ =	shalt  }
0x51: {  	_ =	shalt  }
0x52: {  	_ =	shalt  }
0x53: {  	_ =	shalt  }
0x54: {  	_ =	shalt  }
0x55: {  	_ =	shalt  }
0x56: {  	_ =	shalt  }
0x57: {  	_ =	shalt  }
0x58: {  	_ =	shalt  }
0x59: {  	_ =	shalt  }
0x5a: {  	_ =	shalt  }
0x5b: {  	_ =	shalt  }
0x5c: {  	_ =	shalt  }
0x5d: {  	_ =	shalt  }
0x5e: {  	_ =	shalt  }
0x5f: {  	_ =	shalt  }
0x60: {  	_ =	shalt  }
0x61: {  	_ =	shalt  }
0x62: {  	_ =	shalt  }
0x63: {  	_ =	shalt  }
0x64: {  	_ =	shalt  }
0x65: {  	_ =	shalt  }
0x66: {  	_ =	shalt  }
0x67: {  	_ =	shalt  }
0x68: {  	_ =	shalt  }
0x69: {  	_ =	shalt  }
0x6a: {  	_ =	shalt  }
0x6b: {  	_ =	shalt  }
0x6c: {  	_ =	shalt  }
0x6d: {  	_ =	shalt  }
0x6e: {  	_ =	shalt  }
0x6f: {  	_ =	shalt  }
0x70: {  	_ =	shalt  }
0x71: {  	_ =	shalt  }
0x72: {  	_ =	shalt  }
0x73: {  	_ =	shalt  }
0x74: {  	_ =	shalt  }
0x75: {  	_ =	shalt  }
0x76: {  	_ =	shalt  }
0x77: {  	_ =	shalt  }
0x78: {  	_ =	shalt  }
0x79: {  	_ =	shalt  }
0x7a: {  	_ =	shalt  }
0x7b: {  	_ =	shalt  }
0x7c: {  	_ =	shalt  }
0x7d: {  	_ =	shalt  }
0x7e: {  	_ =	shalt  }
0x7f: {  	_ =	shalt  }
0x80: {  	_ =	shalt  }
0x81: {  	_ =	shalt  }
0x82: {  	_ =	shalt  }
0x83: {  	_ =	shalt  }
0x84: {  	_ =	shalt  }
0x85: {  	_ =	shalt  }
0x86: {  	_ =	shalt  }
0x87: {  	_ =	shalt  }
.Lfunc_end0:
.L_simem_size_0:
called_computation.1_lowered:
.L_overlay_start_0:
0x88: {  	s2 =	sld [smem:$0x3FD9]  }
0x89: {  	s3 =	sld [smem:$0x3FFE];
	_ =	sdelay $0x1  }
0x8a: {  	s1 =	srdreg.scid  }
0x8b: {  	s0 =	sand.u32 $0x1, s1  }
0x8c: {  	s16 =	sshll.u32 s0, $0xA;
	s2 =	sadd.s32 s3, s2  }
0x8d: {  	s2 =	sadd.s32 s2, s16  }
0x8e: {  	[smem:$0x3FBB] =	sst s2  }
0x8f: {  	_ = 	snop  }
0x90: {  	(tm) =	ssettm $0x1  }
0x91: {  	s17 =	sld [smem:$0x3FFB];
	_ =	sdelay $0x3  }
0x92: {  	_ =	strace s17  }
0x93: {  	s2 =	sld [smem:$0x3FFC];
	_ =	sdelay $0x3  }
0x94: {  	_ =	strace s2  }
0x95: {  	s2 =	sld [smem:$0x3FFD];
	_ =	sdelay $0x3  }
0x96: {  	_ =	strace s2  }
0x97: {  	_ =	strace $0x8FFFFFFF  }
0x98: {  	s18 =	sld [smem:$0x3FDB];
	_ =	sdelay $0x1  }
0x99: {  	s19 =	simm.s32 $_scs_section_size  }
0x9a: {  	s4 =	simm.s32 $_size__tile_overlayer_lowered;
	s5 =	simm.s32 $_tile_overlayer_lowered  }
0x9b: {  	s22 =	simm.s32 $0x1BFF;
	s21 =	sshll.u32 s5, $0x1;
	s2 =	sadd.s32 s19, s18  }
0x9c: {  	s6 =	simm.s32 $0x0;
	s20 =	sshll.u32 s4, $0x1;
	s4 =	sadd.s32 s21, s2  }
0x9d: {  	[timem:s6], [sflag:s22] =	dma.local [hbm:s4], s20  }
0x9e: {  	_ =	swait.ge [sflag:s22], s20  }
0x9f: {  	s3 =	ssub.s32 $0x0, s20;
	[sflag:s22] =	ssyncset.done $0x0  }
0xa0: {  	[sflag:s22] =	ssyncadd.s32 s3;
	_ =	sdelay $0x1  }
0xa1: {  	s23 =	simm.s32 $0x1B8B  }
0xa2: {  	_ =	swait.ge [sflag:s23], $0x1  }
0xa3: {  	[sflag:s23] =	ssyncset.done $0x0  }
0xa4: {  	s25 =	simm.s32 $0x1B8E;
	s24 =	sld [smem:$0x3FFE];
	[sflag:s23] =	ssyncadd.s32 $0xFFFFFFFF  }
0xa5: {  	s26 =	simm.s32 $execute0_lowered;
	[smem:$0x3FD2] =	sst s25  }
0xa6: {  	s4 =	sshll.u32 s26, $0x1;
	_ =	strace $0x80000049;
	[dreg:$0x1] =	wrdreg $0xFFFFFFFF  }
0xa7: {  	s28 =	simm.s32 $_size_execute0_lowered;
	s2 =	sadd.s32 s2, s4;
	[dreg:$0x0] =	wrdreg $0x0  }
0xa8: {  	s4 =	sshll.u32 s28, $0x1;
	[dreg:$0x2] =	wrdreg s2  }
0xa9: {  	[dreg:$0x3] =	wrdreg s4  }
0xaa: {  	[dreg:$0x4] =	wrdreg $0xC0  }
0xab: {  	_ =	task [dreg:s6], $0x5FFFF  }
0xac: {  	[dreg:$0x1] =	wrdreg $0xFFFFFFFF  }
0xad: {  	[dreg:$0x0] =	wrdreg $0x60  }
0xae: {  	[dreg:$0x2] =	wrdreg s24  }
0xaf: {  	[dreg:$0x3] =	wrdreg $0x0  }
0xb0: {  	[dreg:$0x4] =	wrdreg $0x9  }
0xb1: {  	_ =	task.clear_ibuf [dreg:s6], $0x5FFFF;
	_ =	strace $0x90000049  }
0xb2: {  	s29 =	simm.s32 $0x9;
	_ =	strace $0x8000004B  }
0xb3: {  	_ =	swait.ge [sflag:s29], $0x1  }
0xb4: {  	[sflag:s29] =	ssyncadd.s32 $0xFFFFFFFF  }
0xb5: {  	_ =	strace $0x9000004B  }
0xb6: {  	_ =	sfence  }
0xb7: {  	s30 =	sld [smem:$0x0];
	_ =	sdelay $0x2  }
0xb8: {  	s31 =	sshll.u32 s1, $0xD;
	s1 =	sshrl.u32 s1, $0x2  }
0xb9: {  	s3 =	sand.u32 $0x4000, s31;
	s1 =	sadd.s32 s1, s30  }
0xba: {  	s0 =	sor.u32 s3, s0;
	s1 =	sshll.u32 s1, $0x11  }
0xbb: {  	s0 =	sor.u32 s1, s0  }
0xbc: {  	s0 =	sadd.s32 $0x8F2B, s0  }
0xbd: {  	[sflag:s0] =	ssyncadd.remote.s32 $0x1  }
0xbe: {  	_ =	sfence.sel $0xFFFF  }
0xbf: {  	[dreg:$0x0] =	wrdreg $0xFFFFFFFF;
	(pc) =	sbr.abs _section_cstart, $3  }
0xc0: {  	[dreg:$0x1] =	wrdreg $0xFFFFFFFF  }
0xc1: {  	_ =	task.clear_ibuf [dreg:s6], $0x2FFFF;
	_ =	strace $0x9FFFFFFF  }
0xc2: {  	(tm) =	ssettm $0x7FFFFFFF  }
0xc3: {  	_ =	shalt  }
tec
execute0_lowered:
.L_overlay_start_1:
0x0: {  	(tag) =	ssettag $0x1  }
0x1: {  	s0 =	srdreg.scid;
	s1 =	rddreg [dreg:$0x0]  }
0x2: {  	s16 =	stileid.u32;
	s2 =	rddreg [dreg:$0x1]  }
0x3: {  	s18 =	simm.s32 $0x50;
	s19 =	simm.s32 $0x1A000;
	s21 =	simm.s32 $0x1C800  }
0x4: {  	s22 =	simm.s32 $0x1;
	s28 =	simm.s32 $0x15F40;
	s29 =	simm.s32 $0x19D80  }
0x5: {  	s30 =	simm.s32 $0x19E00;
	s31 =	simm.s32 $0x0;
	s9 =	smul.u32 $0x2780, s16  }
0x6: {  	s0 =	sand.u32 $0x1, s0;
	s4 =	sadd.s32 $0x45E00, s1;
	s10 =	smul.u32 $0x4F000, s16  }
0x7: {  	s12 =	sadd.s32 $0x94200, s1;
	s15 =	sadd.s32 $0x128400, s2;
	p0 =	seq.s32 s16, $0xF  }
0x8: {  	s3 =	sshll.u32 s0, $0x4;
	s7 =	ssub.s32 $0x2, s0;
	s25 =	smul.u32 $0x138800, s0  }
0x9: {  	s0 =	smul.u32 $0x27100, s0;
	s15 =	sshrl.u32 @p0 s15, $0x3;
	s5 =	sor.u32 s16, s3  }
0xa: {  	s3 =	simm.s32 $0x0;
	s23 =	sshrl.u32 s7, $0x1;
	s11 =	sadd.s32 s9, s1  }
0xb: {  	s24 =	sshrl.u32 s10, $0x2;
	s6 =	smul.u32 $0x4E2, s5;
	[smem:$0x7FF] =	sst s3  }
0xc: {  	s5 =	sshll.u32 s5, $0xB;
	s13 =	ssub.s32 s7, s23;
	s14 =	sadd.s32 s24, s2  }
0xd: {  	s7 =	sadd.s32 $0x1EC00, s11;
	s10 =	sshrl.u32 s25, $0x3;
	s0 =	sadd.s32 s9, s0  }
0xe: {  	s23 =	simm.s32 $0x3;
	s24 =	simm.s32 $0x2;
	s25 =	simm.s32 $0x4  }
0xf: {  	_ =	strace $0x8000004A;
	s8 =	sadd.s32 s5, s1;
	s26 =	sadd.s32 s12, s10  }
0x10: {  	s9 =	sadd.s32 s12, s0;
	s11 =	smax.u32 s13, $0x1;
	s12 =	simm.s32 $0x13880  }
0x11: {  	s13 =	simm.s32 $0x5;
	s0 =	sshll.u32 @!p0 s16, $0x6;
	s17 =	sshrl.u32 @!p0 s14, $0x3  }
0x12: {  	s6 =	sadd.s32 s6, s1;
	s10 =	sadd.s32 $0x25080, s26;
	s16 =	sor.u32 @!p0 $0x1C05, s0  }
0x13: {  	s5 =	sadd.s32 $0x4E00, s6;
	s6 =	sadd.s32 $0xEC00, s8;
	s8 =	sadd.s32 $0x43C80, s1  }
.LBB2_1:
0x14: {  	[tilespmem:s12], [sflag:$0x5] =	stream.linear.gather [hbm4b:s5+s3], $0x2710, $0x38;
	[tilespmem:$0x1F000] =	vst v63  }
0x15: {  	_ =	swait.ge [sflag:s13], $0x2710  }
0x16: {  	[sflag:s13] =	ssyncset.done $0x0  }
0x17: {  	s0 =	simm.s32 $0x16000;
	[sflag:s13] =	ssyncadd.s32 $0xFFFFD8F0  }
0x18: {  	[tilespmem:s0], [sflag:$0x5] =	stream.linear.gather [hbm4b:s6+s3], $0x3E80, $0x38;
	[tilespmem:$0x1F000] =	vst v63  }
0x19: {  	_ =	swait.ge [sflag:s13], $0x3E80  }
0x1a: {  	[sflag:s13] =	ssyncset.done $0x0  }
0x1b: {  	s0 =	simm.s32 @p0 $0x1FC5;
	[sflag:s13] =	ssyncadd.s32 $0xFFFFC180  }
0x1c: {  	[spmem:s15], [sflag:s0] =	dma.local @p0 [hbm:s8], $0x2080  }
0x1d: {  	s0 =	simm.s32 @p0 $0x5  }
0x1e: {  	_ =	swait.ge @p0 [sflag:s0], $0x2080  }
0x1f: {  	[sflag:s0] =	ssyncset.done @p0 $0x0  }
0x20: {  	[sflag:s0] =	ssyncadd.s32 @p0 $0xFFFFDF80;
	s0 =	simm.s32 @!p0 $0x5  }
0x21: {  	[spmem:s17], [sflag:s16] =	dma.local @!p0 [hbm:s7], $0x2780  }
0x22: {  	_ =	swait.ge @!p0 [sflag:s0], $0x2780  }
0x23: {  	[sflag:s0] =	ssyncset.done @!p0 $0x0  }
0x24: {  	[sflag:s0] =	ssyncadd.s32 @!p0 $0xFFFFD880  }
0x25: {  	[bflag:$0x0] =	sbarrier.arrive $0xFFFF  }
0x26: {  	[tilespmem:s19], [sflag:$0x1] =	stream.indirect.gather [hbm4b:s4+s18], $0x80, s12, s18, $0xb8;
	[tilespmem:$0x1F000] =	vst v63  }
0x27: {  	s1 =	simm.s32 $0x138D0  }
0x28: {  	[tilespmem:s21], [sflag:$0x2] =	stream.indirect.gather [hbm4b:s4+s18], $0x80, s1, s18, $0xb8;
	[tilespmem:$0x1F000] =	vst v63  }
0x29: {  	_ =	swait.ge [sflag:s22], $0x2800  }
0x2a: {  	[sflag:s22] =	ssyncset.done $0x0  }
0x2b: {  	s14 =	simm.s32 $0x16000;
	[sflag:s22] =	ssyncadd.s32 $0xFFFFD800  }
0x2c: {  	[spmem:s2] =	stream.indirect.scatter.add.f32 [tilespmem:s19], [sflag:$0x3], $0x80, s14, s18, $0xb8;
	[tilespmem:$0x1F000] =	vst v63  }
0x2d: {  	_ =	swait.ge [sflag:s23], $0x2800  }
0x2e: {  	[sflag:s23] =	ssyncset.done $0x0  }
0x2f: {  	s20 =	simm.s32 $0x13920;
	[sflag:s23] =	ssyncadd.s32 $0xFFFFD800  }
0x30: {  	[tilespmem:s19], [sflag:$0x1] =	stream.indirect.gather [hbm4b:s4+s18], $0x80, s20, s18, $0xb8;
	[tilespmem:$0x1F000] =	vst v63  }
0x31: {  	_ =	swait.ge [sflag:s24], $0x2800  }
0x32: {  	[sflag:s24] =	ssyncset.done $0x0  }
0x33: {  	s26 =	simm.s32 $0x16080;
	[sflag:s24] =	ssyncadd.s32 $0xFFFFD800  }
0x34: {  	[spmem:s2] =	stream.indirect.scatter.add.f32 [tilespmem:s21], [sflag:$0x4], $0x80, s26, s18, $0xb8;
	[tilespmem:$0x1F000] =	vst v63  }
0x35: {  	_ =	swait.ge [sflag:s25], $0x2800  }
0x36: {  	s0 =	simm.s32 $0x400;
	[sflag:s25] =	ssyncset.done $0x0  }
0x37: {  	s1 =	simm.s32 $0x13970;
	s14 =	simm.s32 $0x13A10;
	[sflag:s25] =	ssyncadd.s32 $0xFFFFD800  }
.LBB2_2:
0x38: {  	[tilespmem:s21], [sflag:$0x2] =	stream.indirect.gather [hbm4b:s4+s18], $0x80, s1, s18, $0xb8;
	[tilespmem:$0x1F000] =	vst v63  }
0x39: {  	s20 =	smov.u32 s0;
	s1 =	smov.u32 s14  }
0x3a: {  	p1 =	sne.s32 s0, $0xF000;
	s0 =	sadd.s32 $0x400, s0;
	_ =	swait.ge [sflag:s22], $0x2800  }
0x3b: {  	s20 =	sshra.s32 s20, $0x2;
	[sflag:s22] =	ssyncset.done $0x0  }
0x3c: {  	s26 =	sadd.s32 $0x16000, s20;
	[sflag:s22] =	ssyncadd.s32 $0xFFFFD800  }
0x3d: {  	[spmem:s2] =	stream.indirect.scatter.add.f32 [tilespmem:s19], [sflag:$0x3], $0x80, s26, s18, $0xb8;
	[tilespmem:$0x1F000] =	vst v63  }
0x3e: {  	_ =	swait.ge [sflag:s23], $0x2800  }
0x3f: {  	[sflag:s23] =	ssyncset.done $0x0  }
0x40: {  	s26 =	sadd.s32 $0xFFFFFFB0, s14;
	[sflag:s23] =	ssyncadd.s32 $0xFFFFD800  }
0x41: {  	[tilespmem:s19], [sflag:$0x1] =	stream.indirect.gather [hbm4b:s4+s18], $0x80, s26, s18, $0xb8;
	[tilespmem:$0x1F000] =	vst v63  }
0x42: {  	_ =	swait.ge [sflag:s24], $0x2800  }
0x43: {  	[sflag:s24] =	ssyncset.done $0x0  }
.Ltmp0:
0x44: {  	s20 =	sadd.s32 $0x16080, s20;
	[sflag:s24] =	ssyncadd.s32 $0xFFFFD800;
	(pc) =	sbr.rel @p1 .LBB2_2-.Ltmp0, $4  }
0x45: {  	[spmem:s2] =	stream.indirect.scatter.add.f32 [tilespmem:s21], [sflag:$0x4], $0x80, s20, s18, $0xb8;
	[tilespmem:$0x1F000] =	vst v63  }
0x46: {  	_ =	swait.ge [sflag:s25], $0x2800  }
0x47: {  	[sflag:s25] =	ssyncset.done $0x0  }
0x48: {  	s14 =	sadd.s32 $0xA0, s14;
	[sflag:s25] =	ssyncadd.s32 $0xFFFFD800  }
0x49: {  	[tilespmem:s21], [sflag:$0x2] =	stream.indirect.gather [hbm4b:s4+s18], $0x80, s1, s18, $0xb8;
	[tilespmem:$0x1F000] =	vst v63  }
0x4a: {  	_ =	swait.ge [sflag:s22], $0x2800  }
0x4b: {  	[sflag:s22] =	ssyncset.done $0x0  }
0x4c: {  	s0 =	simm.s32 $0x19D00;
	[sflag:s22] =	ssyncadd.s32 $0xFFFFD800  }
0x4d: {  	[spmem:s2] =	stream.indirect.scatter.add.f32 [tilespmem:s19], [sflag:$0x3], $0x80, s0, s18, $0xb8;
	[tilespmem:$0x1F000] =	vst v63  }
0x4e: {  	_ =	swait.ge [sflag:s23], $0x2800  }
0x4f: {  	[sflag:s23] =	ssyncset.done $0x0  }
0x50: {  	[sflag:s23] =	ssyncadd.s32 $0xFFFFD800  }
0x51: {  	[tilespmem:s19], [sflag:$0x1] =	stream.indirect.gather [hbm4b:s4+s18], $0x80, s28, s18, $0xb8;
	[tilespmem:$0x1F000] =	vst v63  }
0x52: {  	_ =	swait.ge [sflag:s24], $0x2800  }
0x53: {  	[sflag:s24] =	ssyncset.done $0x0  }
0x54: {  	[sflag:s24] =	ssyncadd.s32 $0xFFFFD800  }
0x55: {  	[spmem:s2] =	stream.indirect.scatter.add.f32 [tilespmem:s21], [sflag:$0x4], $0x80, s29, s18, $0xb8;
	[tilespmem:$0x1F000] =	vst v63  }
0x56: {  	_ =	swait.ge [sflag:s25], $0x2800  }
0x57: {  	[sflag:s25] =	ssyncset.done $0x0  }
0x58: {  	[sflag:s25] =	ssyncadd.s32 $0xFFFFD800  }
0x59: {  	_ =	swait.ge [sflag:s22], $0x2800  }
0x5a: {  	[sflag:s22] =	ssyncset.done $0x0  }
0x5b: {  	[sflag:s22] =	ssyncadd.s32 $0xFFFFD800  }
0x5c: {  	[spmem:s2] =	stream.indirect.scatter.add.f32 [tilespmem:s19], [sflag:$0x3], $0x80, s30, s18, $0xb8;
	[tilespmem:$0x1F000] =	vst v63  }
0x5d: {  	_ =	swait.ge [sflag:s23], $0x2800  }
0x5e: {  	[sflag:s23] =	ssyncset.done $0x0  }
0x5f: {  	[sflag:s23] =	ssyncadd.s32 $0xFFFFD800  }
0x60: {  	s0 =	simm.s32 @p0 $0x1FC5;
	[bflag:$0x0] =	sbarrier.arrive $0xFFFF  }
0x61: {  	[hbm:s10], [sflag:s0] =	dma.local @p0 [spmem:s15], $0x2080  }
0x62: {  	s0 =	simm.s32 @p0 $0x5  }
0x63: {  	s31 =	sadd.s32 $0x1, s31;
	_ =	swait.ge @p0 [sflag:s0], $0x2080  }
0x64: {  	p1 =	sne.s32 s31, s11;
	[sflag:s0] =	ssyncset.done @p0 $0x0  }
.Ltmp1:
0x65: {  	[sflag:s0] =	ssyncadd.s32 @p0 $0xFFFFDF80;
	s0 =	simm.s32 @!p0 $0x5;
	(pc) =	sbr.rel @p1 .LBB2_1-.Ltmp1, $4  }
0x66: {  	[hbm:s9], [sflag:s16] =	dma.local @!p0 [spmem:s17], $0x2780  }
0x67: {  	_ =	swait.ge @!p0 [sflag:s0], $0x2780  }
0x68: {  	[sflag:s0] =	ssyncset.done @!p0 $0x0  }
0x69: {  	[sflag:s0] =	ssyncadd.s32 @!p0 $0xFFFFD880  }
0x6a: {  	_ =	sfence.sel $0x180000  }
0x6b: {  	[bflag:$0x0] =	sbarrier.arrive $0xFFFF  }
0x6c: {  	_ =	strace $0x9000004A  }
0x6d: {  	s0 =	stileid.u32;
	[bflag:$0x2] =	sbarrier.arrive $0xFFFF  }
0x6e: {  	p0 =	sne.s32 s0, $0x0;
	s0 =	rddreg [dreg:$0x2]  }
0x6f: {  	s0 =	sadd.s32 @!p0 $0x100000, s0  }
0x70: {  	[sflag:s0] =	ssyncadd.tile.s32 @!p0 $0x1;
	_ =	shalt  }
.Lfunc_end2:
_tile_overlayer_lowered:
.L_overlay_start_2:
0x71: {  	(tag) =	ssettag $0x2  }
0x72: {  	s0 =	rddreg [dreg:$0x0];
	s2 =	stileid.u32  }
0x73: {  	s1 =	rddreg [dreg:$0x1];
	p0 =	sne.s32 s2, $0x0  }
0x74: {  	s3 =	rddreg [dreg:$0x2];
	[bflag:$0x3] =	sbarrier.arrive $0xFFFF;
	s2 =	simm.s32 @!p0 $0x1C05  }
0x75: {  	[timem:s3], [sflag:s2] =	dma.local @!p0 [hbm:s0], s1  }
0x76: {  	s0 =	simm.s32 @!p0 $0x5  }
0x77: {  	_ =	swait.ge @!p0 [sflag:s0], s1  }
0x78: {  	s1 =	ssub.s32 @!p0 $0x0, s1;
	[sflag:s0] =	ssyncset.done @!p0 $0x0  }
0x79: {  	[sflag:s0] =	ssyncadd.s32 @!p0 s1  }
0x7a: {  	[bflag:$0x3] =	sbarrier.arrive $0xFFFF  }
0x7b: {  	_ =	shalt  }

// kernel: kernel.19.cloned.1.call-start
scs
__scs_entry_jumppad:
0x0: {  	(pc) =	sbr.rel $0x88, $3  }
0x1: {  	(tag) =	ssettag $0x0;
	lr =	simm.s32 $0x1  }
0x2: {  	[smem:$0x3F94] =	sst lr;
	_ =	strace $0xD0000000  }
0x3: {  	_ = 	snop  }
0x4: {  	_ = 	snop  }
0x5: {  	_ = 	snop  }
0x6: {  	_ = 	snop  }
0x7: {  	_ = 	snop  }
__scs_overlays_trampoline_lowered:
0x8: {  	[smem:$0x3FA3] =	sst s0  }
0x9: {  	[smem:$0x3FA4] =	sst s1  }
0xa: {  	[smem:$0x3FA5] =	sst s2  }
0xb: {  	[smem:$0x3FA6] =	sst s3  }
0xc: {  	[smem:$0x3FA7] =	sst s4  }
0xd: {  	[smem:$0x3FA8] =	sst s5  }
0xe: {  	[smem:$0x3FA9] =	sst s6  }
0xf: {  	[smem:$0x3FAA] =	sst s7  }
0x10: {  	[smem:$0x3FAB] =	sst s8  }
0x11: {  	[smem:$0x3FAC] =	sst s9;
	s0 =	simm.s32 @!p0 $0x0  }
0x12: {  	s1 =	sld [smem:$0x3F92];
	s0 =	simm.s32 @p0 $0x1  }
0x13: {  	[smem:$0x3FAD] =	sst s0;
	s0 =	simm.s32 @!p1 $0x0  }
0x14: {  	s2 =	sld [smem:$0x3F91];
	s0 =	simm.s32 @p1 $0x1  }
0x15: {  	[smem:$0x3FAE] =	sst s0;
	s0 =	simm.s32 @!p2 $0x0  }
0x16: {  	s3 =	sld [smem:$0x3FDB];
	s0 =	simm.s32 @p2 $0x1  }
0x17: {  	s4 =	simm.s32 $0x1BF5;
	[smem:$0x3FB0] =	sst s0  }
0x18: {  	s0 =	sld [smem:$0x3F93];
	_ =	swait.ge [sflag:s4], $0x0  }
0x19: {  	s7 =	sld [smem:$0x3F94]  }
0x1a: {  	s8 =	sadd.s32 $0xFFFFE003, lr  }
0x1b: {  	s9 =	sadd.s32 $0xFFFFFEF7, lr;
	s5 =	simm.s32 $0xFFFFFFFF;
	p2 =	slt.u32 s8, $0xFFFFF086  }
0x1c: {  	p1 =	slt.u32 s9, $0xF7A;
	s5 =	simm.s32 @!p2 $0x0  }
0x1d: {  	s5 =	simm.s32 @p1 $0x1;
	p0 =	seq.s32 s7, s2  }
0x1e: {  	s7 =	smul.u32 @!p0 $0xF7A, s2;
	p2 =	seq.s32 @!p0 s5, $0x0  }
0x1f: {  	s9 =	smul.u32 $0xF7A, s1;
	s8 =	simm.s32 @!p0 $0x1BF5;
	p2 =	por !p2, p0  }
0x20: {  	[sflag:s8] =	ssyncset.s32 @!p0 $0xFFFFF086;
	s6 =	sadd.s32 @!p0 s3, s7;
	s7 =	simm.s32 @!p0 $0x108  }
0x21: {  	s3 =	sadd.s32 s3, s9;
	s6 =	sadd.s32 @!p0 $0x88, s6;
	s7 =	simm.s32 @p2 $0x1082  }
0x22: {  	[simem:s7], [sflag:s8] =	dma.local @!p0 [hbm:s6], $0xF7A  }
0x23: {  	s9 =	sor.u32 $0xD0000000, s2;
	s6 =	simm.s32 $0x108;
	_ =	swait.ge @!p0 [sflag:s8], $0x0  }
0x24: {  	s3 =	sadd.s32 $0x88, s3;
	s6 =	simm.s32 @!p1 $0x1082;
	[sflag:s4] =	ssyncset.s32 $0xFFFFF086  }
0x25: {  	[simem:s6], [sflag:s4] =	dma.local [hbm:s3], $0xF7A  }
0x26: {  	[smem:$0x3F94] =	sst s1;
	(tag) =	ssettag s2;
	_ =	strace s9  }
0x27: {  	s1 =	sld [smem:$0x3FA4]  }
0x28: {  	s2 =	sld [smem:$0x3FA5]  }
0x29: {  	s4 =	sld [smem:$0x3FA7]  }
0x2a: {  	p0 =	seq.s32 s5, $0x0;
	s5 =	sld [smem:$0x3FA8]  }
0x2b: {  	s6 =	sld [smem:$0x3FA9]  }
0x2c: {  	s7 =	sld [smem:$0x3FAA]  }
0x2d: {  	s3 =	simm.s32 $0x108;
	s8 =	sld [smem:$0x3FAB]  }
0x2e: {  	s3 =	simm.s32 @!p0 $0x1082;
	s9 =	sld [smem:$0x3FAC]  }
0x2f: {  	lr =	sadd.s32 s0, s3;
	s0 =	sld [smem:$0x3FA3]  }
0x30: {  	s3 =	sld [smem:$0x3FA6]  }
0x31: {  	[smem:$0x3FAF] =	sst s10  }
0x32: {  	s10 =	sld [smem:$0x3FAD];
	_ =	sdelay $0x3  }
0x33: {  	p0 =	seq.s32 s10, $0x1;
	s10 =	sld [smem:$0x3FAF];
	_ =	sdelay $0x3  }
0x34: {  	[smem:$0x3FAF] =	sst s10  }
0x35: {  	s10 =	sld [smem:$0x3FAE];
	_ =	sdelay $0x3  }
0x36: {  	p1 =	seq.s32 s10, $0x1;
	s10 =	sld [smem:$0x3FAF];
	_ =	sdelay $0x3  }
0x37: {  	[smem:$0x3FAF] =	sst s10  }
0x38: {  	s10 =	sld [smem:$0x3FB0]  }
0x39: {  	_ = 	snop;
	(pc) =	sbr.ind lr, $3  }
0x3a: {  	_ = 	snop  }
0x3b: {  	_ = 	snop  }
0x3c: {  	p2 =	seq.s32 s10, $0x1;
	s10 =	sld [smem:$0x3FAF]  }
0x3d: {  	_ =	shalt  }
0x3e: {  	_ =	shalt  }
0x3f: {  	_ =	shalt  }
0x40: {  	_ =	shalt  }
0x41: {  	_ =	shalt  }
0x42: {  	_ =	shalt  }
0x43: {  	_ =	shalt  }
0x44: {  	_ =	shalt  }
0x45: {  	_ =	shalt  }
0x46: {  	_ =	shalt  }
0x47: {  	_ =	shalt  }
0x48: {  	_ =	shalt  }
0x49: {  	_ =	shalt  }
0x4a: {  	_ =	shalt  }
0x4b: {  	_ =	shalt  }
0x4c: {  	_ =	shalt  }
0x4d: {  	_ =	shalt  }
0x4e: {  	_ =	shalt  }
0x4f: {  	_ =	shalt  }
0x50: {  	_ =	shalt  }
0x51: {  	_ =	shalt  }
0x52: {  	_ =	shalt  }
0x53: {  	_ =	shalt  }
0x54: {  	_ =	shalt  }
0x55: {  	_ =	shalt  }
0x56: {  	_ =	shalt  }
0x57: {  	_ =	shalt  }
0x58: {  	_ =	shalt  }
0x59: {  	_ =	shalt  }
0x5a: {  	_ =	shalt  }
0x5b: {  	_ =	shalt  }
0x5c: {  	_ =	shalt  }
0x5d: {  	_ =	shalt  }
0x5e: {  	_ =	shalt  }
0x5f: {  	_ =	shalt  }
0x60: {  	_ =	shalt  }
0x61: {  	_ =	shalt  }
0x62: {  	_ =	shalt  }
0x63: {  	_ =	shalt  }
0x64: {  	_ =	shalt  }
0x65: {  	_ =	shalt  }
0x66: {  	_ =	shalt  }
0x67: {  	_ =	shalt  }
0x68: {  	_ =	shalt  }
0x69: {  	_ =	shalt  }
0x6a: {  	_ =	shalt  }
0x6b: {  	_ =	shalt  }
0x6c: {  	_ =	shalt  }
0x6d: {  	_ =	shalt  }
0x6e: {  	_ =	shalt  }
0x6f: {  	_ =	shalt  }
0x70: {  	_ =	shalt  }
0x71: {  	_ =	shalt  }
0x72: {  	_ =	shalt  }
0x73: {  	_ =	shalt  }
0x74: {  	_ =	shalt  }
0x75: {  	_ =	shalt  }
0x76: {  	_ =	shalt  }
0x77: {  	_ =	shalt  }
0x78: {  	_ =	shalt  }
0x79: {  	_ =	shalt  }
0x7a: {  	_ =	shalt  }
0x7b: {  	_ =	shalt  }
0x7c: {  	_ =	shalt  }
0x7d: {  	_ =	shalt  }
0x7e: {  	_ =	shalt  }
0x7f: {  	_ =	shalt  }
0x80: {  	_ =	shalt  }
0x81: {  	_ =	shalt  }
0x82: {  	_ =	shalt  }
0x83: {  	_ =	shalt  }
0x84: {  	_ =	shalt  }
0x85: {  	_ =	shalt  }
0x86: {  	_ =	shalt  }
0x87: {  	_ =	shalt  }
.Lfunc_end0:
.L_simem_size_0:
called_computation.2_lowered:
.L_overlay_start_0:
0x88: {  	s2 =	sld [smem:$0x3FD9]  }
0x89: {  	s3 =	sld [smem:$0x3FFE];
	_ =	sdelay $0x1  }
0x8a: {  	s1 =	srdreg.scid  }
0x8b: {  	s0 =	sand.u32 $0x1, s1  }
0x8c: {  	s16 =	sshll.u32 s0, $0xA;
	s2 =	sadd.s32 s3, s2  }
0x8d: {  	s2 =	sadd.s32 s2, s16  }
0x8e: {  	[smem:$0x3FBB] =	sst s2  }
0x8f: {  	_ = 	snop  }
0x90: {  	(tm) =	ssettm $0x1  }
0x91: {  	s17 =	sld [smem:$0x3FFB];
	_ =	sdelay $0x3  }
0x92: {  	_ =	strace s17  }
0x93: {  	s2 =	sld [smem:$0x3FFC];
	_ =	sdelay $0x3  }
0x94: {  	_ =	strace s2  }
0x95: {  	s2 =	sld [smem:$0x3FFD];
	_ =	sdelay $0x3  }
0x96: {  	_ =	strace s2  }
0x97: {  	_ =	strace $0x8FFFFFFF  }
0x98: {  	s18 =	sld [smem:$0x3FDB];
	_ =	sdelay $0x1  }
0x99: {  	s19 =	simm.s32 $_scs_section_size  }
0x9a: {  	s4 =	simm.s32 $_size__tile_overlayer_lowered;
	s5 =	simm.s32 $_tile_overlayer_lowered  }
0x9b: {  	s22 =	simm.s32 $0x1BFF;
	s21 =	sshll.u32 s5, $0x1;
	s2 =	sadd.s32 s19, s18  }
0x9c: {  	s6 =	simm.s32 $0x0;
	s20 =	sshll.u32 s4, $0x1;
	s4 =	sadd.s32 s21, s2  }
0x9d: {  	[timem:s6], [sflag:s22] =	dma.local [hbm:s4], s20  }
0x9e: {  	_ =	swait.ge [sflag:s22], s20  }
0x9f: {  	s3 =	ssub.s32 $0x0, s20;
	[sflag:s22] =	ssyncset.done $0x0  }
0xa0: {  	[sflag:s22] =	ssyncadd.s32 s3;
	_ =	sdelay $0x1  }
0xa1: {  	s23 =	simm.s32 $0x1B8B  }
0xa2: {  	_ =	swait.ge [sflag:s23], $0x1  }
0xa3: {  	[sflag:s23] =	ssyncset.done $0x0  }
0xa4: {  	s25 =	simm.s32 $0x1B8E;
	s24 =	sld [smem:$0x3FFE];
	[sflag:s23] =	ssyncadd.s32 $0xFFFFFFFF  }
0xa5: {  	s26 =	simm.s32 $execute0_lowered;
	[smem:$0x3FD2] =	sst s25  }
0xa6: {  	s4 =	sshll.u32 s26, $0x1;
	_ =	strace $0x8000004C;
	[dreg:$0x1] =	wrdreg $0xFFFFFFFF  }
0xa7: {  	s28 =	simm.s32 $_size_execute0_lowered;
	s2 =	sadd.s32 s2, s4;
	[dreg:$0x0] =	wrdreg $0x0  }
0xa8: {  	s4 =	sshll.u32 s28, $0x1;
	[dreg:$0x2] =	wrdreg s2  }
0xa9: {  	[dreg:$0x3] =	wrdreg s4  }
0xaa: {  	[dreg:$0x4] =	wrdreg $0xC0  }
0xab: {  	_ =	task [dreg:s6], $0x5FFFF  }
0xac: {  	[dreg:$0x1] =	wrdreg $0xFFFFFFFF  }
0xad: {  	[dreg:$0x0] =	wrdreg $0x60  }
0xae: {  	[dreg:$0x2] =	wrdreg s24  }
0xaf: {  	[dreg:$0x3] =	wrdreg $0x0  }
0xb0: {  	[dreg:$0x4] =	wrdreg $0x9  }
0xb1: {  	_ =	task.clear_ibuf [dreg:s6], $0x5FFFF;
	_ =	strace $0x9000004C  }
0xb2: {  	s29 =	simm.s32 $0x9;
	_ =	strace $0x8000004E  }
0xb3: {  	_ =	swait.ge [sflag:s29], $0x1  }
0xb4: {  	[sflag:s29] =	ssyncadd.s32 $0xFFFFFFFF  }
0xb5: {  	_ =	strace $0x9000004E  }
0xb6: {  	_ =	sfence  }
0xb7: {  	s30 =	sld [smem:$0x0];
	_ =	sdelay $0x2  }
0xb8: {  	s31 =	sshll.u32 s1, $0xD;
	s1 =	sshrl.u32 s1, $0x2  }
0xb9: {  	s3 =	sand.u32 $0x4000, s31;
	s1 =	sadd.s32 s1, s30  }
0xba: {  	s0 =	sor.u32 s3, s0;
	s1 =	sshll.u32 s1, $0x11  }
0xbb: {  	s0 =	sor.u32 s1, s0  }
0xbc: {  	s0 =	sadd.s32 $0x8F2B, s0  }
0xbd: {  	[sflag:s0] =	ssyncadd.remote.s32 $0x1  }
0xbe: {  	_ =	sfence.sel $0xFFFF  }
0xbf: {  	[dreg:$0x0] =	wrdreg $0xFFFFFFFF;
	(pc) =	sbr.abs _section_cstart, $3  }
0xc0: {  	[dreg:$0x1] =	wrdreg $0xFFFFFFFF  }
0xc1: {  	_ =	task.clear_ibuf [dreg:s6], $0x2FFFF;
	_ =	strace $0x9FFFFFFF  }
0xc2: {  	(tm) =	ssettm $0x7FFFFFFF  }
0xc3: {  	_ =	shalt  }
tec
execute0_lowered:
.L_overlay_start_1:
0x0: {  	(tag) =	ssettag $0x1  }
0x1: {  	s0 =	srdreg.scid;
	s1 =	rddreg [dreg:$0x0]  }
0x2: {  	s16 =	stileid.u32;
	s2 =	rddreg [dreg:$0x1]  }
0x3: {  	s18 =	simm.s32 $0x50;
	s19 =	simm.s32 $0x1A000;
	s21 =	simm.s32 $0x1C800  }
0x4: {  	s22 =	simm.s32 $0x1;
	s28 =	simm.s32 $0x15F40;
	s29 =	simm.s32 $0x19D80  }
0x5: {  	s30 =	simm.s32 $0x19E00;
	s31 =	simm.s32 $0x0;
	s9 =	smul.u32 $0x2780, s16  }
0x6: {  	s0 =	sand.u32 $0x1, s0;
	s4 =	sadd.s32 $0x45E00, s1;
	s10 =	smul.u32 $0x4F000, s16  }
0x7: {  	s12 =	sadd.s32 $0x94200, s1;
	s15 =	sadd.s32 $0x128400, s2;
	p0 =	seq.s32 s16, $0xF  }
0x8: {  	s3 =	sshll.u32 s0, $0x4;
	s7 =	ssub.s32 $0x2, s0;
	s25 =	smul.u32 $0x138800, s0  }
0x9: {  	s0 =	smul.u32 $0x27100, s0;
	s15 =	sshrl.u32 @p0 s15, $0x3;
	s5 =	sor.u32 s16, s3  }
0xa: {  	s3 =	simm.s32 $0x0;
	s23 =	sshrl.u32 s7, $0x1;
	s11 =	sadd.s32 s9, s1  }
0xb: {  	s24 =	sshrl.u32 s10, $0x2;
	s6 =	smul.u32 $0x4E2, s5;
	[smem:$0x7FF] =	sst s3  }
0xc: {  	s5 =	sshll.u32 s5, $0xB;
	s13 =	ssub.s32 s7, s23;
	s14 =	sadd.s32 s24, s2  }
0xd: {  	s7 =	sadd.s32 $0x1EC00, s11;
	s10 =	sshrl.u32 s25, $0x3;
	s0 =	sadd.s32 s9, s0  }
0xe: {  	s23 =	simm.s32 $0x3;
	s24 =	simm.s32 $0x2;
	s25 =	simm.s32 $0x4  }
0xf: {  	_ =	strace $0x8000004D;
	s8 =	sadd.s32 s5, s1;
	s26 =	sadd.s32 s12, s10  }
0x10: {  	s9 =	sadd.s32 s12, s0;
	s11 =	smax.u32 s13, $0x1;
	s12 =	simm.s32 $0x13880  }
0x11: {  	s13 =	simm.s32 $0x5;
	s0 =	sshll.u32 @!p0 s16, $0x6;
	s17 =	sshrl.u32 @!p0 s14, $0x3  }
0x12: {  	s6 =	sadd.s32 s6, s1;
	s10 =	sadd.s32 $0x25080, s26;
	s16 =	sor.u32 @!p0 $0x1C05, s0  }
0x13: {  	s5 =	sadd.s32 $0x4E00, s6;
	s6 =	sadd.s32 $0xEC00, s8;
	s8 =	sadd.s32 $0x43C80, s1  }
.LBB2_1:
0x14: {  	[tilespmem:s12], [sflag:$0x5] =	stream.linear.gather [hbm4b:s5+s3], $0x2710, $0x38;
	[tilespmem:$0x1F000] =	vst v63  }
0x15: {  	_ =	swait.ge [sflag:s13], $0x2710  }
0x16: {  	[sflag:s13] =	ssyncset.done $0x0  }
0x17: {  	s0 =	simm.s32 $0x16000;
	[sflag:s13] =	ssyncadd.s32 $0xFFFFD8F0  }
0x18: {  	[tilespmem:s0], [sflag:$0x5] =	stream.linear.gather [hbm4b:s6+s3], $0x3E80, $0x38;
	[tilespmem:$0x1F000] =	vst v63  }
0x19: {  	_ =	swait.ge [sflag:s13], $0x3E80  }
0x1a: {  	[sflag:s13] =	ssyncset.done $0x0  }
0x1b: {  	s0 =	simm.s32 @p0 $0x1FC5;
	[sflag:s13] =	ssyncadd.s32 $0xFFFFC180  }
0x1c: {  	[spmem:s15], [sflag:s0] =	dma.local @p0 [hbm:s8], $0x2080  }
0x1d: {  	s0 =	simm.s32 @p0 $0x5  }
0x1e: {  	_ =	swait.ge @p0 [sflag:s0], $0x2080  }
0x1f: {  	[sflag:s0] =	ssyncset.done @p0 $0x0  }
0x20: {  	[sflag:s0] =	ssyncadd.s32 @p0 $0xFFFFDF80;
	s0 =	simm.s32 @!p0 $0x5  }
0x21: {  	[spmem:s17], [sflag:s16] =	dma.local @!p0 [hbm:s7], $0x2780  }
0x22: {  	_ =	swait.ge @!p0 [sflag:s0], $0x2780  }
0x23: {  	[sflag:s0] =	ssyncset.done @!p0 $0x0  }
0x24: {  	[sflag:s0] =	ssyncadd.s32 @!p0 $0xFFFFD880  }
0x25: {  	[bflag:$0x0] =	sbarrier.arrive $0xFFFF  }
0x26: {  	[tilespmem:s19], [sflag:$0x1] =	stream.indirect.gather [hbm4b:s4+s18], $0x80, s12, s18, $0xb8;
	[tilespmem:$0x1F000] =	vst v63  }
0x27: {  	s1 =	simm.s32 $0x138D0  }
0x28: {  	[tilespmem:s21], [sflag:$0x2] =	stream.indirect.gather [hbm4b:s4+s18], $0x80, s1, s18, $0xb8;
	[tilespmem:$0x1F000] =	vst v63  }
0x29: {  	_ =	swait.ge [sflag:s22], $0x2800  }
0x2a: {  	[sflag:s22] =	ssyncset.done $0x0  }
0x2b: {  	s14 =	simm.s32 $0x16000;
	[sflag:s22] =	ssyncadd.s32 $0xFFFFD800  }
0x2c: {  	[spmem:s2] =	stream.indirect.scatter.add.f32 [tilespmem:s19], [sflag:$0x3], $0x80, s14, s18, $0xb8;
	[tilespmem:$0x1F000] =	vst v63  }
0x2d: {  	_ =	swait.ge [sflag:s23], $0x2800  }
0x2e: {  	[sflag:s23] =	ssyncset.done $0x0  }
0x2f: {  	s20 =	simm.s32 $0x13920;
	[sflag:s23] =	ssyncadd.s32 $0xFFFFD800  }
0x30: {  	[tilespmem:s19], [sflag:$0x1] =	stream.indirect.gather [hbm4b:s4+s18], $0x80, s20, s18, $0xb8;
	[tilespmem:$0x1F000] =	vst v63  }
0x31: {  	_ =	swait.ge [sflag:s24], $0x2800  }
0x32: {  	[sflag:s24] =	ssyncset.done $0x0  }
0x33: {  	s26 =	simm.s32 $0x16080;
	[sflag:s24] =	ssyncadd.s32 $0xFFFFD800  }
0x34: {  	[spmem:s2] =	stream.indirect.scatter.add.f32 [tilespmem:s21], [sflag:$0x4], $0x80, s26, s18, $0xb8;
	[tilespmem:$0x1F000] =	vst v63  }
0x35: {  	_ =	swait.ge [sflag:s25], $0x2800  }
0x36: {  	s0 =	simm.s32 $0x400;
	[sflag:s25] =	ssyncset.done $0x0  }
0x37: {  	s1 =	simm.s32 $0x13970;
	s14 =	simm.s32 $0x13A10;
	[sflag:s25] =	ssyncadd.s32 $0xFFFFD800  }
.LBB2_2:
0x38: {  	[tilespmem:s21], [sflag:$0x2] =	stream.indirect.gather [hbm4b:s4+s18], $0x80, s1, s18, $0xb8;
	[tilespmem:$0x1F000] =	vst v63  }
0x39: {  	s20 =	smov.u32 s0;
	s1 =	smov.u32 s14  }
0x3a: {  	p1 =	sne.s32 s0, $0xF000;
	s0 =	sadd.s32 $0x400, s0;
	_ =	swait.ge [sflag:s22], $0x2800  }
0x3b: {  	s20 =	sshra.s32 s20, $0x2;
	[sflag:s22] =	ssyncset.done $0x0  }
0x3c: {  	s26 =	sadd.s32 $0x16000, s20;
	[sflag:s22] =	ssyncadd.s32 $0xFFFFD800  }
0x3d: {  	[spmem:s2] =	stream.indirect.scatter.add.f32 [tilespmem:s19], [sflag:$0x3], $0x80, s26, s18, $0xb8;
	[tilespmem:$0x1F000] =	vst v63  }
0x3e: {  	_ =	swait.ge [sflag:s23], $0x2800  }
0x3f: {  	[sflag:s23] =	ssyncset.done $0x0  }
0x40: {  	s26 =	sadd.s32 $0xFFFFFFB0, s14;
	[sflag:s23] =	ssyncadd.s32 $0xFFFFD800  }
0x41: {  	[tilespmem:s19], [sflag:$0x1] =	stream.indirect.gather [hbm4b:s4+s18], $0x80, s26, s18, $0xb8;
	[tilespmem:$0x1F000] =	vst v63  }
0x42: {  	_ =	swait.ge [sflag:s24], $0x2800  }
0x43: {  	[sflag:s24] =	ssyncset.done $0x0  }
.Ltmp0:
0x44: {  	s20 =	sadd.s32 $0x16080, s20;
	[sflag:s24] =	ssyncadd.s32 $0xFFFFD800;
	(pc) =	sbr.rel @p1 .LBB2_2-.Ltmp0, $4  }
0x45: {  	[spmem:s2] =	stream.indirect.scatter.add.f32 [tilespmem:s21], [sflag:$0x4], $0x80, s20, s18, $0xb8;
	[tilespmem:$0x1F000] =	vst v63  }
0x46: {  	_ =	swait.ge [sflag:s25], $0x2800  }
0x47: {  	[sflag:s25] =	ssyncset.done $0x0  }
0x48: {  	s14 =	sadd.s32 $0xA0, s14;
	[sflag:s25] =	ssyncadd.s32 $0xFFFFD800  }
0x49: {  	[tilespmem:s21], [sflag:$0x2] =	stream.indirect.gather [hbm4b:s4+s18], $0x80, s1, s18, $0xb8;
	[tilespmem:$0x1F000] =	vst v63  }
0x4a: {  	_ =	swait.ge [sflag:s22], $0x2800  }
0x4b: {  	[sflag:s22] =	ssyncset.done $0x0  }
0x4c: {  	s0 =	simm.s32 $0x19D00;
	[sflag:s22] =	ssyncadd.s32 $0xFFFFD800  }
0x4d: {  	[spmem:s2] =	stream.indirect.scatter.add.f32 [tilespmem:s19], [sflag:$0x3], $0x80, s0, s18, $0xb8;
	[tilespmem:$0x1F000] =	vst v63  }
0x4e: {  	_ =	swait.ge [sflag:s23], $0x2800  }
0x4f: {  	[sflag:s23] =	ssyncset.done $0x0  }
0x50: {  	[sflag:s23] =	ssyncadd.s32 $0xFFFFD800  }
0x51: {  	[tilespmem:s19], [sflag:$0x1] =	stream.indirect.gather [hbm4b:s4+s18], $0x80, s28, s18, $0xb8;
	[tilespmem:$0x1F000] =	vst v63  }
0x52: {  	_ =	swait.ge [sflag:s24], $0x2800  }
0x53: {  	[sflag:s24] =	ssyncset.done $0x0  }
0x54: {  	[sflag:s24] =	ssyncadd.s32 $0xFFFFD800  }
0x55: {  	[spmem:s2] =	stream.indirect.scatter.add.f32 [tilespmem:s21], [sflag:$0x4], $0x80, s29, s18, $0xb8;
	[tilespmem:$0x1F000] =	vst v63  }
0x56: {  	_ =	swait.ge [sflag:s25], $0x2800  }
0x57: {  	[sflag:s25] =	ssyncset.done $0x0  }
0x58: {  	[sflag:s25] =	ssyncadd.s32 $0xFFFFD800  }
0x59: {  	_ =	swait.ge [sflag:s22], $0x2800  }
0x5a: {  	[sflag:s22] =	ssyncset.done $0x0  }
0x5b: {  	[sflag:s22] =	ssyncadd.s32 $0xFFFFD800  }
0x5c: {  	[spmem:s2] =	stream.indirect.scatter.add.f32 [tilespmem:s19], [sflag:$0x3], $0x80, s30, s18, $0xb8;
	[tilespmem:$0x1F000] =	vst v63  }
0x5d: {  	_ =	swait.ge [sflag:s23], $0x2800  }
0x5e: {  	[sflag:s23] =	ssyncset.done $0x0  }
0x5f: {  	[sflag:s23] =	ssyncadd.s32 $0xFFFFD800  }
0x60: {  	s0 =	simm.s32 @p0 $0x1FC5;
	[bflag:$0x0] =	sbarrier.arrive $0xFFFF  }
0x61: {  	[hbm:s10], [sflag:s0] =	dma.local @p0 [spmem:s15], $0x2080  }
0x62: {  	s0 =	simm.s32 @p0 $0x5  }
0x63: {  	s31 =	sadd.s32 $0x1, s31;
	_ =	swait.ge @p0 [sflag:s0], $0x2080  }
0x64: {  	p1 =	sne.s32 s31, s11;
	[sflag:s0] =	ssyncset.done @p0 $0x0  }
.Ltmp1:
0x65: {  	[sflag:s0] =	ssyncadd.s32 @p0 $0xFFFFDF80;
	s0 =	simm.s32 @!p0 $0x5;
	(pc) =	sbr.rel @p1 .LBB2_1-.Ltmp1, $4  }
0x66: {  	[hbm:s9], [sflag:s16] =	dma.local @!p0 [spmem:s17], $0x2780  }
0x67: {  	_ =	swait.ge @!p0 [sflag:s0], $0x2780  }
0x68: {  	[sflag:s0] =	ssyncset.done @!p0 $0x0  }
0x69: {  	[sflag:s0] =	ssyncadd.s32 @!p0 $0xFFFFD880  }
0x6a: {  	_ =	sfence.sel $0x180000  }
0x6b: {  	[bflag:$0x0] =	sbarrier.arrive $0xFFFF  }
0x6c: {  	_ =	strace $0x9000004D  }
0x6d: {  	s0 =	stileid.u32;
	[bflag:$0x2] =	sbarrier.arrive $0xFFFF  }
0x6e: {  	p0 =	sne.s32 s0, $0x0;
	s0 =	rddreg [dreg:$0x2]  }
0x6f: {  	s0 =	sadd.s32 @!p0 $0x100000, s0  }
0x70: {  	[sflag:s0] =	ssyncadd.tile.s32 @!p0 $0x1;
	_ =	shalt  }
.Lfunc_end2:
_tile_overlayer_lowered:
.L_overlay_start_2:
0x71: {  	(tag) =	ssettag $0x2  }
0x72: {  	s0 =	rddreg [dreg:$0x0];
	s2 =	stileid.u32  }
0x73: {  	s1 =	rddreg [dreg:$0x1];
	p0 =	sne.s32 s2, $0x0  }
0x74: {  	s3 =	rddreg [dreg:$0x2];
	[bflag:$0x3] =	sbarrier.arrive $0xFFFF;
	s2 =	simm.s32 @!p0 $0x1C05  }
0x75: {  	[timem:s3], [sflag:s2] =	dma.local @!p0 [hbm:s0], s1  }
0x76: {  	s0 =	simm.s32 @!p0 $0x5  }
0x77: {  	_ =	swait.ge @!p0 [sflag:s0], s1  }
0x78: {  	s1 =	ssub.s32 @!p0 $0x0, s1;
	[sflag:s0] =	ssyncset.done @!p0 $0x0  }
0x79: {  	[sflag:s0] =	ssyncadd.s32 @!p0 s1  }
0x7a: {  	[bflag:$0x3] =	sbarrier.arrive $0xFFFF  }
0x7b: {  	_ =	shalt  }

// kernel: kernel.22.cloned.1.call-start
scs
__scs_entry_jumppad:
0x0: {  	(pc) =	sbr.rel $0x88, $3  }
0x1: {  	(tag) =	ssettag $0x0;
	lr =	simm.s32 $0x1  }
0x2: {  	[smem:$0x3F94] =	sst lr;
	_ =	strace $0xD0000000  }
0x3: {  	_ = 	snop  }
0x4: {  	_ = 	snop  }
0x5: {  	_ = 	snop  }
0x6: {  	_ = 	snop  }
0x7: {  	_ = 	snop  }
__scs_overlays_trampoline_lowered:
0x8: {  	[smem:$0x3FA3] =	sst s0  }
0x9: {  	[smem:$0x3FA4] =	sst s1  }
0xa: {  	[smem:$0x3FA5] =	sst s2  }
0xb: {  	[smem:$0x3FA6] =	sst s3  }
0xc: {  	[smem:$0x3FA7] =	sst s4  }
0xd: {  	[smem:$0x3FA8] =	sst s5  }
0xe: {  	[smem:$0x3FA9] =	sst s6  }
0xf: {  	[smem:$0x3FAA] =	sst s7  }
0x10: {  	[smem:$0x3FAB] =	sst s8  }
0x11: {  	[smem:$0x3FAC] =	sst s9;
	s0 =	simm.s32 @!p0 $0x0  }
0x12: {  	s1 =	sld [smem:$0x3F92];
	s0 =	simm.s32 @p0 $0x1  }
0x13: {  	[smem:$0x3FAD] =	sst s0;
	s0 =	simm.s32 @!p1 $0x0  }
0x14: {  	s2 =	sld [smem:$0x3F91];
	s0 =	simm.s32 @p1 $0x1  }
0x15: {  	[smem:$0x3FAE] =	sst s0;
	s0 =	simm.s32 @!p2 $0x0  }
0x16: {  	s3 =	sld [smem:$0x3FDB];
	s0 =	simm.s32 @p2 $0x1  }
0x17: {  	s4 =	simm.s32 $0x1BF5;
	[smem:$0x3FB0] =	sst s0  }
0x18: {  	s0 =	sld [smem:$0x3F93];
	_ =	swait.ge [sflag:s4], $0x0  }
0x19: {  	s7 =	sld [smem:$0x3F94]  }
0x1a: {  	s8 =	sadd.s32 $0xFFFFE003, lr  }
0x1b: {  	s9 =	sadd.s32 $0xFFFFFEF7, lr;
	s5 =	simm.s32 $0xFFFFFFFF;
	p2 =	slt.u32 s8, $0xFFFFF086  }
0x1c: {  	p1 =	slt.u32 s9, $0xF7A;
	s5 =	simm.s32 @!p2 $0x0  }
0x1d: {  	s5 =	simm.s32 @p1 $0x1;
	p0 =	seq.s32 s7, s2  }
0x1e: {  	s7 =	smul.u32 @!p0 $0xF7A, s2;
	p2 =	seq.s32 @!p0 s5, $0x0  }
0x1f: {  	s9 =	smul.u32 $0xF7A, s1;
	s8 =	simm.s32 @!p0 $0x1BF5;
	p2 =	por !p2, p0  }
0x20: {  	[sflag:s8] =	ssyncset.s32 @!p0 $0xFFFFF086;
	s6 =	sadd.s32 @!p0 s3, s7;
	s7 =	simm.s32 @!p0 $0x108  }
0x21: {  	s3 =	sadd.s32 s3, s9;
	s6 =	sadd.s32 @!p0 $0x88, s6;
	s7 =	simm.s32 @p2 $0x1082  }
0x22: {  	[simem:s7], [sflag:s8] =	dma.local @!p0 [hbm:s6], $0xF7A  }
0x23: {  	s9 =	sor.u32 $0xD0000000, s2;
	s6 =	simm.s32 $0x108;
	_ =	swait.ge @!p0 [sflag:s8], $0x0  }
0x24: {  	s3 =	sadd.s32 $0x88, s3;
	s6 =	simm.s32 @!p1 $0x1082;
	[sflag:s4] =	ssyncset.s32 $0xFFFFF086  }
0x25: {  	[simem:s6], [sflag:s4] =	dma.local [hbm:s3], $0xF7A  }
0x26: {  	[smem:$0x3F94] =	sst s1;
	(tag) =	ssettag s2;
	_ =	strace s9  }
0x27: {  	s1 =	sld [smem:$0x3FA4]  }
0x28: {  	s2 =	sld [smem:$0x3FA5]  }
0x29: {  	s4 =	sld [smem:$0x3FA7]  }
0x2a: {  	p0 =	seq.s32 s5, $0x0;
	s5 =	sld [smem:$0x3FA8]  }
0x2b: {  	s6 =	sld [smem:$0x3FA9]  }
0x2c: {  	s7 =	sld [smem:$0x3FAA]  }
0x2d: {  	s3 =	simm.s32 $0x108;
	s8 =	sld [smem:$0x3FAB]  }
0x2e: {  	s3 =	simm.s32 @!p0 $0x1082;
	s9 =	sld [smem:$0x3FAC]  }
0x2f: {  	lr =	sadd.s32 s0, s3;
	s0 =	sld [smem:$0x3FA3]  }
0x30: {  	s3 =	sld [smem:$0x3FA6]  }
0x31: {  	[smem:$0x3FAF] =	sst s10  }
0x32: {  	s10 =	sld [smem:$0x3FAD];
	_ =	sdelay $0x3  }
0x33: {  	p0 =	seq.s32 s10, $0x1;
	s10 =	sld [smem:$0x3FAF];
	_ =	sdelay $0x3  }
0x34: {  	[smem:$0x3FAF] =	sst s10  }
0x35: {  	s10 =	sld [smem:$0x3FAE];
	_ =	sdelay $0x3  }
0x36: {  	p1 =	seq.s32 s10, $0x1;
	s10 =	sld [smem:$0x3FAF];
	_ =	sdelay $0x3  }
0x37: {  	[smem:$0x3FAF] =	sst s10  }
0x38: {  	s10 =	sld [smem:$0x3FB0]  }
0x39: {  	_ = 	snop;
	(pc) =	sbr.ind lr, $3  }
0x3a: {  	_ = 	snop  }
0x3b: {  	_ = 	snop  }
0x3c: {  	p2 =	seq.s32 s10, $0x1;
	s10 =	sld [smem:$0x3FAF]  }
0x3d: {  	_ =	shalt  }
0x3e: {  	_ =	shalt  }
0x3f: {  	_ =	shalt  }
0x40: {  	_ =	shalt  }
0x41: {  	_ =	shalt  }
0x42: {  	_ =	shalt  }
0x43: {  	_ =	shalt  }
0x44: {  	_ =	shalt  }
0x45: {  	_ =	shalt  }
0x46: {  	_ =	shalt  }
0x47: {  	_ =	shalt  }
0x48: {  	_ =	shalt  }
0x49: {  	_ =	shalt  }
0x4a: {  	_ =	shalt  }
0x4b: {  	_ =	shalt  }
0x4c: {  	_ =	shalt  }
0x4d: {  	_ =	shalt  }
0x4e: {  	_ =	shalt  }
0x4f: {  	_ =	shalt  }
0x50: {  	_ =	shalt  }
0x51: {  	_ =	shalt  }
0x52: {  	_ =	shalt  }
0x53: {  	_ =	shalt  }
0x54: {  	_ =	shalt  }
0x55: {  	_ =	shalt  }
0x56: {  	_ =	shalt  }
0x57: {  	_ =	shalt  }
0x58: {  	_ =	shalt  }
0x59: {  	_ =	shalt  }
0x5a: {  	_ =	shalt  }
0x5b: {  	_ =	shalt  }
0x5c: {  	_ =	shalt  }
0x5d: {  	_ =	shalt  }
0x5e: {  	_ =	shalt  }
0x5f: {  	_ =	shalt  }
0x60: {  	_ =	shalt  }
0x61: {  	_ =	shalt  }
0x62: {  	_ =	shalt  }
0x63: {  	_ =	shalt  }
0x64: {  	_ =	shalt  }
0x65: {  	_ =	shalt  }
0x66: {  	_ =	shalt  }
0x67: {  	_ =	shalt  }
0x68: {  	_ =	shalt  }
0x69: {  	_ =	shalt  }
0x6a: {  	_ =	shalt  }
0x6b: {  	_ =	shalt  }
0x6c: {  	_ =	shalt  }
0x6d: {  	_ =	shalt  }
0x6e: {  	_ =	shalt  }
0x6f: {  	_ =	shalt  }
0x70: {  	_ =	shalt  }
0x71: {  	_ =	shalt  }
0x72: {  	_ =	shalt  }
0x73: {  	_ =	shalt  }
0x74: {  	_ =	shalt  }
0x75: {  	_ =	shalt  }
0x76: {  	_ =	shalt  }
0x77: {  	_ =	shalt  }
0x78: {  	_ =	shalt  }
0x79: {  	_ =	shalt  }
0x7a: {  	_ =	shalt  }
0x7b: {  	_ =	shalt  }
0x7c: {  	_ =	shalt  }
0x7d: {  	_ =	shalt  }
0x7e: {  	_ =	shalt  }
0x7f: {  	_ =	shalt  }
0x80: {  	_ =	shalt  }
0x81: {  	_ =	shalt  }
0x82: {  	_ =	shalt  }
0x83: {  	_ =	shalt  }
0x84: {  	_ =	shalt  }
0x85: {  	_ =	shalt  }
0x86: {  	_ =	shalt  }
0x87: {  	_ =	shalt  }
.Lfunc_end0:
.L_simem_size_0:
called_computation.3_lowered:
.L_overlay_start_0:
0x88: {  	s2 =	sld [smem:$0x3FD9]  }
0x89: {  	s3 =	sld [smem:$0x3FFE];
	_ =	sdelay $0x1  }
0x8a: {  	s1 =	srdreg.scid  }
0x8b: {  	s0 =	sand.u32 $0x1, s1  }
0x8c: {  	s16 =	sshll.u32 s0, $0xA;
	s2 =	sadd.s32 s3, s2  }
0x8d: {  	s2 =	sadd.s32 s2, s16  }
0x8e: {  	[smem:$0x3FBB] =	sst s2  }
0x8f: {  	_ = 	snop  }
0x90: {  	(tm) =	ssettm $0x1  }
0x91: {  	s17 =	sld [smem:$0x3FFB];
	_ =	sdelay $0x3  }
0x92: {  	_ =	strace s17  }
0x93: {  	s2 =	sld [smem:$0x3FFC];
	_ =	sdelay $0x3  }
0x94: {  	_ =	strace s2  }
0x95: {  	s2 =	sld [smem:$0x3FFD];
	_ =	sdelay $0x3  }
0x96: {  	_ =	strace s2  }
0x97: {  	_ =	strace $0x8FFFFFFF  }
0x98: {  	s18 =	sld [smem:$0x3FDB];
	_ =	sdelay $0x1  }
0x99: {  	s19 =	simm.s32 $_scs_section_size  }
0x9a: {  	s4 =	simm.s32 $_size__tile_overlayer_lowered;
	s5 =	simm.s32 $_tile_overlayer_lowered  }
0x9b: {  	s22 =	simm.s32 $0x1BFF;
	s21 =	sshll.u32 s5, $0x1;
	s2 =	sadd.s32 s19, s18  }
0x9c: {  	s6 =	simm.s32 $0x0;
	s20 =	sshll.u32 s4, $0x1;
	s4 =	sadd.s32 s21, s2  }
0x9d: {  	[timem:s6], [sflag:s22] =	dma.local [hbm:s4], s20  }
0x9e: {  	_ =	swait.ge [sflag:s22], s20  }
0x9f: {  	s3 =	ssub.s32 $0x0, s20;
	[sflag:s22] =	ssyncset.done $0x0  }
0xa0: {  	[sflag:s22] =	ssyncadd.s32 s3;
	_ =	sdelay $0x1  }
0xa1: {  	s23 =	simm.s32 $0x1B8B  }
0xa2: {  	_ =	swait.ge [sflag:s23], $0x1  }
0xa3: {  	[sflag:s23] =	ssyncset.done $0x0  }
0xa4: {  	s25 =	simm.s32 $0x1B8E;
	s24 =	sld [smem:$0x3FFE];
	[sflag:s23] =	ssyncadd.s32 $0xFFFFFFFF  }
0xa5: {  	s26 =	simm.s32 $execute0_lowered;
	[smem:$0x3FD2] =	sst s25  }
0xa6: {  	s4 =	sshll.u32 s26, $0x1;
	_ =	strace $0x8000004F;
	[dreg:$0x1] =	wrdreg $0xFFFFFFFF  }
0xa7: {  	s28 =	simm.s32 $_size_execute0_lowered;
	s2 =	sadd.s32 s2, s4;
	[dreg:$0x0] =	wrdreg $0x0  }
0xa8: {  	s4 =	sshll.u32 s28, $0x1;
	[dreg:$0x2] =	wrdreg s2  }
0xa9: {  	[dreg:$0x3] =	wrdreg s4  }
0xaa: {  	[dreg:$0x4] =	wrdreg $0xC0  }
0xab: {  	_ =	task [dreg:s6], $0x5FFFF  }
0xac: {  	[dreg:$0x1] =	wrdreg $0xFFFFFFFF  }
0xad: {  	[dreg:$0x0] =	wrdreg $0x60  }
0xae: {  	[dreg:$0x2] =	wrdreg s24  }
0xaf: {  	[dreg:$0x3] =	wrdreg $0x0  }
0xb0: {  	[dreg:$0x4] =	wrdreg $0x9  }
0xb1: {  	_ =	task.clear_ibuf [dreg:s6], $0x5FFFF;
	_ =	strace $0x9000004F  }
0xb2: {  	s29 =	simm.s32 $0x9;
	_ =	strace $0x80000051  }
0xb3: {  	_ =	swait.ge [sflag:s29], $0x1  }
0xb4: {  	[sflag:s29] =	ssyncadd.s32 $0xFFFFFFFF  }
0xb5: {  	_ =	strace $0x90000051  }
0xb6: {  	_ =	sfence  }
0xb7: {  	s30 =	sld [smem:$0x0];
	_ =	sdelay $0x2  }
0xb8: {  	s31 =	sshll.u32 s1, $0xD;
	s1 =	sshrl.u32 s1, $0x2  }
0xb9: {  	s3 =	sand.u32 $0x4000, s31;
	s1 =	sadd.s32 s1, s30  }
0xba: {  	s0 =	sor.u32 s3, s0;
	s1 =	sshll.u32 s1, $0x11  }
0xbb: {  	s0 =	sor.u32 s1, s0  }
0xbc: {  	s0 =	sadd.s32 $0x8F2B, s0  }
0xbd: {  	[sflag:s0] =	ssyncadd.remote.s32 $0x1  }
0xbe: {  	_ =	sfence.sel $0xFFFF  }
0xbf: {  	[dreg:$0x0] =	wrdreg $0xFFFFFFFF;
	(pc) =	sbr.abs _section_cstart, $3  }
0xc0: {  	[dreg:$0x1] =	wrdreg $0xFFFFFFFF  }
0xc1: {  	_ =	task.clear_ibuf [dreg:s6], $0x2FFFF;
	_ =	strace $0x9FFFFFFF  }
0xc2: {  	(tm) =	ssettm $0x7FFFFFFF  }
0xc3: {  	_ =	shalt  }
tec
execute0_lowered:
.L_overlay_start_1:
0x0: {  	(tag) =	ssettag $0x1  }
0x1: {  	s0 =	srdreg.scid;
	s1 =	rddreg [dreg:$0x0]  }
0x2: {  	s2 =	rddreg [dreg:$0x1];
	s18 =	stileid.u32;
	s4 =	simm.s32 $0x0  }
0x3: {  	s16 =	simm.s32 $0x13880;
	s17 =	simm.s32 $0x5;
	s28 =	simm.s32 $0x2  }
0x4: {  	s29 =	simm.s32 $0x4;
	s30 =	simm.s32 $0x19D00;
	s31 =	simm.s32 $0x15F40  }
0x5: {  	s0 =	sand.u32 $0x1, s0;
	[smem:$0x7FF] =	sst s4;
	s4 =	sadd.s32 $0x45E00, s1  }
0x6: {  	s7 =	smul.u32 $0x2780, s18;
	s5 =	sadd.s32 $0x94200, s1;
	s12 =	sadd.s32 $0xBB400, s1  }
0x7: {  	s11 =	smul.u32 $0x4F000, s18;
	s14 =	sadd.s32 $0x109600, s1;
	p0 =	seq.s32 s18, $0xF  }
0x8: {  	s3 =	sshll.u32 s0, $0x4;
	_ =	strace $0x80000050;
	s21 =	smul.u32 $0x27100, s0  }
0x9: {  	s9 =	ssub.s32 $0x2, s0;
	s0 =	smul.u32 $0x138800, s0;
	s3 =	sor.u32 s18, s3  }
0xa: {  	s8 =	sadd.s32 s7, s1;
	s10 =	sshrl.u32 s9, $0x1;
	s22 =	sshrl.u32 s11, $0x2  }
0xb: {  	s6 =	smul.u32 $0x4E2, s3;
	s3 =	sshll.u32 s3, $0xB;
	s15 =	ssub.s32 s9, s10  }
0xc: {  	s23 =	sadd.s32 s22, s2;
	s9 =	sadd.s32 $0x1EC00, s8;
	s24 =	sadd.s32 s7, s21  }
0xd: {  	s0 =	sshrl.u32 s0, $0x3;
	s10 =	sadd.s32 $0x43C80, s1;
	s21 =	simm.s32 $0x50  }
0xe: {  	s22 =	simm.s32 $0x1A000;
	s3 =	sadd.s32 s3, s1;
	[dreg:$0x5] =	wrdreg s23  }
0xf: {  	s25 =	sadd.s32 s12, s24;
	s0 =	sadd.s32 $0x25080, s0;
	s13 =	sadd.s32 s14, s24  }
0x10: {  	s15 =	smax.u32 s15, $0x1;
	s23 =	simm.s32 $0x138D0;
	s24 =	simm.s32 $0x1C800  }
0x11: {  	s6 =	sadd.s32 s6, s1;
	s3 =	sadd.s32 $0xEC00, s3;
	[dreg:$0x6] =	wrdreg s25  }
0x12: {  	s26 =	sadd.s32 s12, s0;
	s14 =	sadd.s32 s14, s0;
	s0 =	sshll.u32 @!p0 s18, $0x6  }
0x13: {  	s25 =	simm.s32 $0x1;
	s1 =	simm.s32 $0x19E00;
	s18 =	simm.s32 $0x0  }
0x14: {  	s6 =	sadd.s32 $0x4E00, s6;
	[dreg:$0x4] =	wrdreg s3;
	s3 =	sadd.s32 $0x128400, s2  }
0x15: {  	[dreg:$0x7] =	wrdreg s26;
	s20 =	sor.u32 @!p0 $0x1C05, s0;
	s26 =	simm.s32 $0x3  }
0x16: {  	s0 =	simm.s32 $0x19D80;
	[dreg:$0x3] =	wrdreg s6;
	s19 =	sshrl.u32 @p0 s3, $0x3  }
.LBB2_1:
0x17: {  	s3 =	simm.s32 $0x0;
	s6 =	rddreg [dreg:$0x3]  }
0x18: {  	[tilespmem:s16], [sflag:$0x5] =	stream.linear.gather [hbm4b:s6+s3], $0x2710, $0x38;
	[tilespmem:$0x1F000] =	vst v63  }
0x19: {  	_ =	swait.ge [sflag:s17], $0x2710  }
0x1a: {  	[sflag:s17] =	ssyncset.done $0x0  }
0x1b: {  	s7 =	simm.s32 $0x16000;
	s12 =	rddreg [dreg:$0x4];
	[sflag:s17] =	ssyncadd.s32 $0xFFFFD8F0  }
0x1c: {  	[tilespmem:s7], [sflag:$0x5] =	stream.linear.gather [hbm4b:s12+s3], $0x3E80, $0x38;
	[tilespmem:$0x1F000] =	vst v63  }
0x1d: {  	_ =	swait.ge [sflag:s17], $0x3E80  }
0x1e: {  	[sflag:s17] =	ssyncset.done $0x0  }
0x1f: {  	s3 =	simm.s32 @p0 $0x1FC5;
	[sflag:s17] =	ssyncadd.s32 $0xFFFFC180  }
0x20: {  	[spmem:s19], [sflag:s3] =	dma.local @p0 [hbm:s10], $0x2080  }
0x21: {  	s3 =	simm.s32 @p0 $0x5  }
0x22: {  	_ =	swait.ge @p0 [sflag:s3], $0x2080  }
0x23: {  	[sflag:s3] =	ssyncset.done @p0 $0x0  }
0x24: {  	[sflag:s3] =	ssyncadd.s32 @p0 $0xFFFFDF80;
	s3 =	rddreg [dreg:$0x5]  }
0x25: {  	s6 =	simm.s32 @!p0 $0x5;
	s3 =	sshrl.u32 @!p0 s3, $0x3  }
0x26: {  	[spmem:s3], [sflag:s20] =	dma.local @!p0 [hbm:s9], $0x2780  }
0x27: {  	_ =	swait.ge @!p0 [sflag:s6], $0x2780  }
0x28: {  	[sflag:s6] =	ssyncset.done @!p0 $0x0  }
0x29: {  	[sflag:s6] =	ssyncadd.s32 @!p0 $0xFFFFD880  }
0x2a: {  	[bflag:$0x0] =	sbarrier.arrive $0xFFFF  }
0x2b: {  	[tilespmem:s22], [sflag:$0x1] =	stream.indirect.gather [hbm4b:s4+s21], $0x80, s16, s21, $0xb8;
	[tilespmem:$0x1F000] =	vst v63  }
0x2c: {  	_ = 	snop  }
0x2d: {  	[tilespmem:s24], [sflag:$0x2] =	stream.indirect.gather [hbm4b:s4+s21], $0x80, s23, s21, $0xb8;
	[tilespmem:$0x1F000] =	vst v63  }
0x2e: {  	_ =	swait.ge [sflag:s25], $0x2800  }
0x2f: {  	[sflag:s25] =	ssyncset.done $0x0  }
0x30: {  	s8 =	simm.s32 $0x16000;
	[sflag:s25] =	ssyncadd.s32 $0xFFFFD800  }
0x31: {  	[spmem:s2] =	stream.indirect.scatter.add.f32 [tilespmem:s22], [sflag:$0x3], $0x80, s8, s21, $0xb8;
	[tilespmem:$0x1F000] =	vst v63  }
0x32: {  	_ =	swait.ge [sflag:s26], $0x2800  }
0x33: {  	[sflag:s26] =	ssyncset.done $0x0  }
0x34: {  	s11 =	simm.s32 $0x13920;
	[sflag:s26] =	ssyncadd.s32 $0xFFFFD800  }
0x35: {  	[tilespmem:s22], [sflag:$0x1] =	stream.indirect.gather [hbm4b:s4+s21], $0x80, s11, s21, $0xb8;
	[tilespmem:$0x1F000] =	vst v63  }
0x36: {  	_ =	swait.ge [sflag:s28], $0x2800  }
0x37: {  	[sflag:s28] =	ssyncset.done $0x0  }
0x38: {  	s12 =	simm.s32 $0x16080;
	[sflag:s28] =	ssyncadd.s32 $0xFFFFD800  }
0x39: {  	[spmem:s2] =	stream.indirect.scatter.add.f32 [tilespmem:s24], [sflag:$0x4], $0x80, s12, s21, $0xb8;
	[tilespmem:$0x1F000] =	vst v63  }
0x3a: {  	_ =	swait.ge [sflag:s29], $0x2800  }
0x3b: {  	s7 =	simm.s32 $0x400;
	[sflag:s29] =	ssyncset.done $0x0  }
0x3c: {  	s6 =	simm.s32 $0x13970;
	s8 =	simm.s32 $0x13A10;
	[sflag:s29] =	ssyncadd.s32 $0xFFFFD800  }
.LBB2_2:
0x3d: {  	[tilespmem:s24], [sflag:$0x2] =	stream.indirect.gather [hbm4b:s4+s21], $0x80, s6, s21, $0xb8;
	[tilespmem:$0x1F000] =	vst v63  }
0x3e: {  	s11 =	smov.u32 s7;
	s6 =	smov.u32 s8  }
0x3f: {  	p1 =	sne.s32 s7, $0xF000;
	s7 =	sadd.s32 $0x400, s7;
	_ =	swait.ge [sflag:s25], $0x2800  }
0x40: {  	s11 =	sshra.s32 s11, $0x2;
	[sflag:s25] =	ssyncset.done $0x0  }
0x41: {  	s12 =	sadd.s32 $0x16000, s11;
	[sflag:s25] =	ssyncadd.s32 $0xFFFFD800  }
0x42: {  	[spmem:s2] =	stream.indirect.scatter.add.f32 [tilespmem:s22], [sflag:$0x3], $0x80, s12, s21, $0xb8;
	[tilespmem:$0x1F000] =	vst v63  }
0x43: {  	_ =	swait.ge [sflag:s26], $0x2800  }
0x44: {  	[sflag:s26] =	ssyncset.done $0x0  }
0x45: {  	s12 =	sadd.s32 $0xFFFFFFB0, s8;
	[sflag:s26] =	ssyncadd.s32 $0xFFFFD800  }
0x46: {  	[tilespmem:s22], [sflag:$0x1] =	stream.indirect.gather [hbm4b:s4+s21], $0x80, s12, s21, $0xb8;
	[tilespmem:$0x1F000] =	vst v63  }
0x47: {  	_ =	swait.ge [sflag:s28], $0x2800  }
0x48: {  	[sflag:s28] =	ssyncset.done $0x0  }
.Ltmp0:
0x49: {  	s11 =	sadd.s32 $0x16080, s11;
	[sflag:s28] =	ssyncadd.s32 $0xFFFFD800;
	(pc) =	sbr.rel @p1 .LBB2_2-.Ltmp0, $4  }
0x4a: {  	[spmem:s2] =	stream.indirect.scatter.add.f32 [tilespmem:s24], [sflag:$0x4], $0x80, s11, s21, $0xb8;
	[tilespmem:$0x1F000] =	vst v63  }
0x4b: {  	_ =	swait.ge [sflag:s29], $0x2800  }
0x4c: {  	[sflag:s29] =	ssyncset.done $0x0  }
0x4d: {  	s8 =	sadd.s32 $0xA0, s8;
	[sflag:s29] =	ssyncadd.s32 $0xFFFFD800  }
0x4e: {  	[tilespmem:s24], [sflag:$0x2] =	stream.indirect.gather [hbm4b:s4+s21], $0x80, s6, s21, $0xb8;
	[tilespmem:$0x1F000] =	vst v63  }
0x4f: {  	_ =	swait.ge [sflag:s25], $0x2800  }
0x50: {  	[sflag:s25] =	ssyncset.done $0x0  }
0x51: {  	[sflag:s25] =	ssyncadd.s32 $0xFFFFD800  }
0x52: {  	[spmem:s2] =	stream.indirect.scatter.add.f32 [tilespmem:s22], [sflag:$0x3], $0x80, s30, s21, $0xb8;
	[tilespmem:$0x1F000] =	vst v63  }
0x53: {  	_ =	swait.ge [sflag:s26], $0x2800  }
0x54: {  	[sflag:s26] =	ssyncset.done $0x0  }
0x55: {  	[sflag:s26] =	ssyncadd.s32 $0xFFFFD800  }
0x56: {  	[tilespmem:s22], [sflag:$0x1] =	stream.indirect.gather [hbm4b:s4+s21], $0x80, s31, s21, $0xb8;
	[tilespmem:$0x1F000] =	vst v63  }
0x57: {  	_ =	swait.ge [sflag:s28], $0x2800  }
0x58: {  	[sflag:s28] =	ssyncset.done $0x0  }
0x59: {  	[sflag:s28] =	ssyncadd.s32 $0xFFFFD800  }
0x5a: {  	[spmem:s2] =	stream.indirect.scatter.add.f32 [tilespmem:s24], [sflag:$0x4], $0x80, s0, s21, $0xb8;
	[tilespmem:$0x1F000] =	vst v63  }
0x5b: {  	_ =	swait.ge [sflag:s29], $0x2800  }
0x5c: {  	[sflag:s29] =	ssyncset.done $0x0  }
0x5d: {  	[sflag:s29] =	ssyncadd.s32 $0xFFFFD800  }
0x5e: {  	_ =	swait.ge [sflag:s25], $0x2800  }
0x5f: {  	[sflag:s25] =	ssyncset.done $0x0  }
0x60: {  	[sflag:s25] =	ssyncadd.s32 $0xFFFFD800  }
0x61: {  	[spmem:s2] =	stream.indirect.scatter.add.f32 [tilespmem:s22], [sflag:$0x3], $0x80, s1, s21, $0xb8;
	[tilespmem:$0x1F000] =	vst v63  }
0x62: {  	_ =	swait.ge [sflag:s26], $0x2800  }
0x63: {  	[sflag:s26] =	ssyncset.done $0x0  }
0x64: {  	[sflag:s26] =	ssyncadd.s32 $0xFFFFD800  }
0x65: {  	[bflag:$0x0] =	sbarrier.arrive $0xFFFF  }
0x66: {  	s6 =	simm.s32 @p0 $0x1FC5;
	s7 =	rddreg [dreg:$0x7]  }
0x67: {  	[hbm:s7], [sflag:s6] =	dma.local @p0 [spmem:s19], $0x2080  }
0x68: {  	s7 =	simm.s32 @p0 $0x5  }
0x69: {  	_ =	swait.ge @p0 [sflag:s7], $0x2080  }
0x6a: {  	[sflag:s7] =	ssyncset.done @p0 $0x0  }
0x6b: {  	[sflag:s7] =	ssyncadd.s32 @p0 $0xFFFFDF80  }
0x6c: {  	[spmem:s19], [sflag:s6] =	dma.local @p0 [hbm:s10], $0x2080  }
0x6d: {  	_ =	swait.ge @p0 [sflag:s7], $0x2080  }
0x6e: {  	[sflag:s7] =	ssyncset.done @p0 $0x0  }
0x6f: {  	s6 =	rddreg [dreg:$0x6];
	[sflag:s7] =	ssyncadd.s32 @p0 $0xFFFFDF80  }
0x70: {  	[hbm:s6], [sflag:s20] =	dma.local @!p0 [spmem:s3], $0x2780  }
0x71: {  	s6 =	simm.s32 @!p0 $0x5  }
0x72: {  	_ =	swait.ge @!p0 [sflag:s6], $0x2780  }
0x73: {  	[sflag:s6] =	ssyncset.done @!p0 $0x0  }
0x74: {  	[sflag:s6] =	ssyncadd.s32 @!p0 $0xFFFFD880  }
0x75: {  	[spmem:s3], [sflag:s20] =	dma.local @!p0 [hbm:s9], $0x2780  }
0x76: {  	_ =	swait.ge @!p0 [sflag:s6], $0x2780  }
0x77: {  	[sflag:s6] =	ssyncset.done @!p0 $0x0  }
0x78: {  	[sflag:s6] =	ssyncadd.s32 @!p0 $0xFFFFD880  }
0x79: {  	[bflag:$0x0] =	sbarrier.arrive $0xFFFF  }
0x7a: {  	[tilespmem:s22], [sflag:$0x1] =	stream.indirect.gather [hbm4b:s5+s21], $0x80, s16, s21, $0xb8;
	[tilespmem:$0x1F000] =	vst v63  }
0x7b: {  	_ = 	snop  }
0x7c: {  	[tilespmem:s24], [sflag:$0x2] =	stream.indirect.gather [hbm4b:s5+s21], $0x80, s23, s21, $0xb8;
	[tilespmem:$0x1F000] =	vst v63  }
0x7d: {  	_ =	swait.ge [sflag:s25], $0x2800  }
0x7e: {  	[sflag:s25] =	ssyncset.done $0x0  }
0x7f: {  	s8 =	simm.s32 $0x16000;
	[sflag:s25] =	ssyncadd.s32 $0xFFFFD800  }
0x80: {  	[spmem:s2] =	stream.indirect.scatter.add.f32 [tilespmem:s22], [sflag:$0x3], $0x80, s8, s21, $0xb8;
	[tilespmem:$0x1F000] =	vst v63  }
0x81: {  	_ =	swait.ge [sflag:s26], $0x2800  }
0x82: {  	[sflag:s26] =	ssyncset.done $0x0  }
0x83: {  	s11 =	simm.s32 $0x13920;
	[sflag:s26] =	ssyncadd.s32 $0xFFFFD800  }
0x84: {  	[tilespmem:s22], [sflag:$0x1] =	stream.indirect.gather [hbm4b:s5+s21], $0x80, s11, s21, $0xb8;
	[tilespmem:$0x1F000] =	vst v63  }
0x85: {  	_ =	swait.ge [sflag:s28], $0x2800  }
0x86: {  	[sflag:s28] =	ssyncset.done $0x0  }
0x87: {  	s12 =	simm.s32 $0x16080;
	[sflag:s28] =	ssyncadd.s32 $0xFFFFD800  }
0x88: {  	[spmem:s2] =	stream.indirect.scatter.add.f32 [tilespmem:s24], [sflag:$0x4], $0x80, s12, s21, $0xb8;
	[tilespmem:$0x1F000] =	vst v63  }
0x89: {  	_ =	swait.ge [sflag:s29], $0x2800  }
0x8a: {  	s7 =	simm.s32 $0x400;
	[sflag:s29] =	ssyncset.done $0x0  }
0x8b: {  	s6 =	simm.s32 $0x13970;
	s8 =	simm.s32 $0x13A10;
	[sflag:s29] =	ssyncadd.s32 $0xFFFFD800  }
.LBB2_4:
0x8c: {  	[tilespmem:s24], [sflag:$0x2] =	stream.indirect.gather [hbm4b:s5+s21], $0x80, s6, s21, $0xb8;
	[tilespmem:$0x1F000] =	vst v63  }
0x8d: {  	s11 =	smov.u32 s7;
	s6 =	smov.u32 s8  }
0x8e: {  	p1 =	sne.s32 s7, $0xF000;
	s7 =	sadd.s32 $0x400, s7;
	_ =	swait.ge [sflag:s25], $0x2800  }
0x8f: {  	s11 =	sshra.s32 s11, $0x2;
	[sflag:s25] =	ssyncset.done $0x0  }
0x90: {  	s12 =	sadd.s32 $0x16000, s11;
	[sflag:s25] =	ssyncadd.s32 $0xFFFFD800  }
0x91: {  	[spmem:s2] =	stream.indirect.scatter.add.f32 [tilespmem:s22], [sflag:$0x3], $0x80, s12, s21, $0xb8;
	[tilespmem:$0x1F000] =	vst v63  }
0x92: {  	_ =	swait.ge [sflag:s26], $0x2800  }
0x93: {  	[sflag:s26] =	ssyncset.done $0x0  }
0x94: {  	s12 =	sadd.s32 $0xFFFFFFB0, s8;
	[sflag:s26] =	ssyncadd.s32 $0xFFFFD800  }
0x95: {  	[tilespmem:s22], [sflag:$0x1] =	stream.indirect.gather [hbm4b:s5+s21], $0x80, s12, s21, $0xb8;
	[tilespmem:$0x1F000] =	vst v63  }
0x96: {  	_ =	swait.ge [sflag:s28], $0x2800  }
0x97: {  	[sflag:s28] =	ssyncset.done $0x0  }
.Ltmp1:
0x98: {  	s11 =	sadd.s32 $0x16080, s11;
	[sflag:s28] =	ssyncadd.s32 $0xFFFFD800;
	(pc) =	sbr.rel @p1 .LBB2_4-.Ltmp1, $4  }
0x99: {  	[spmem:s2] =	stream.indirect.scatter.add.f32 [tilespmem:s24], [sflag:$0x4], $0x80, s11, s21, $0xb8;
	[tilespmem:$0x1F000] =	vst v63  }
0x9a: {  	_ =	swait.ge [sflag:s29], $0x2800  }
0x9b: {  	[sflag:s29] =	ssyncset.done $0x0  }
0x9c: {  	s8 =	sadd.s32 $0xA0, s8;
	[sflag:s29] =	ssyncadd.s32 $0xFFFFD800  }
0x9d: {  	[tilespmem:s24], [sflag:$0x2] =	stream.indirect.gather [hbm4b:s5+s21], $0x80, s6, s21, $0xb8;
	[tilespmem:$0x1F000] =	vst v63  }
0x9e: {  	_ =	swait.ge [sflag:s25], $0x2800  }
0x9f: {  	[sflag:s25] =	ssyncset.done $0x0  }
0xa0: {  	[sflag:s25] =	ssyncadd.s32 $0xFFFFD800  }
0xa1: {  	[spmem:s2] =	stream.indirect.scatter.add.f32 [tilespmem:s22], [sflag:$0x3], $0x80, s30, s21, $0xb8;
	[tilespmem:$0x1F000] =	vst v63  }
0xa2: {  	_ =	swait.ge [sflag:s26], $0x2800  }
0xa3: {  	[sflag:s26] =	ssyncset.done $0x0  }
0xa4: {  	[sflag:s26] =	ssyncadd.s32 $0xFFFFD800  }
0xa5: {  	[tilespmem:s22], [sflag:$0x1] =	stream.indirect.gather [hbm4b:s5+s21], $0x80, s31, s21, $0xb8;
	[tilespmem:$0x1F000] =	vst v63  }
0xa6: {  	_ =	swait.ge [sflag:s28], $0x2800  }
0xa7: {  	[sflag:s28] =	ssyncset.done $0x0  }
0xa8: {  	[sflag:s28] =	ssyncadd.s32 $0xFFFFD800  }
0xa9: {  	[spmem:s2] =	stream.indirect.scatter.add.f32 [tilespmem:s24], [sflag:$0x4], $0x80, s0, s21, $0xb8;
	[tilespmem:$0x1F000] =	vst v63  }
0xaa: {  	_ =	swait.ge [sflag:s29], $0x2800  }
0xab: {  	[sflag:s29] =	ssyncset.done $0x0  }
0xac: {  	[sflag:s29] =	ssyncadd.s32 $0xFFFFD800  }
0xad: {  	_ =	swait.ge [sflag:s25], $0x2800  }
0xae: {  	[sflag:s25] =	ssyncset.done $0x0  }
0xaf: {  	[sflag:s25] =	ssyncadd.s32 $0xFFFFD800  }
0xb0: {  	[spmem:s2] =	stream.indirect.scatter.add.f32 [tilespmem:s22], [sflag:$0x3], $0x80, s1, s21, $0xb8;
	[tilespmem:$0x1F000] =	vst v63  }
0xb1: {  	_ =	swait.ge [sflag:s26], $0x2800  }
0xb2: {  	[sflag:s26] =	ssyncset.done $0x0  }
0xb3: {  	[sflag:s26] =	ssyncadd.s32 $0xFFFFD800  }
0xb4: {  	s6 =	simm.s32 @p0 $0x1FC5;
	[bflag:$0x0] =	sbarrier.arrive $0xFFFF  }
0xb5: {  	[hbm:s14], [sflag:s6] =	dma.local @p0 [spmem:s19], $0x2080  }
0xb6: {  	s6 =	simm.s32 @p0 $0x5  }
0xb7: {  	_ =	swait.ge @p0 [sflag:s6], $0x2080  }
0xb8: {  	s18 =	sadd.s32 $0x1, s18;
	[sflag:s6] =	ssyncset.done @p0 $0x0  }
0xb9: {  	p1 =	sne.s32 s18, s15;
	[sflag:s6] =	ssyncadd.s32 @p0 $0xFFFFDF80  }
0xba: {  	[hbm:s13], [sflag:s20] =	dma.local @!p0 [spmem:s3], $0x2780  }
.Ltmp2:
0xbb: {  	_ = 	snop;
	(pc) =	sbr.rel @p1 .LBB2_1-.Ltmp2, $4  }
0xbc: {  	s3 =	simm.s32 @!p0 $0x5  }
0xbd: {  	_ =	swait.ge @!p0 [sflag:s3], $0x2780  }
0xbe: {  	[sflag:s3] =	ssyncset.done @!p0 $0x0  }
0xbf: {  	[sflag:s3] =	ssyncadd.s32 @!p0 $0xFFFFD880  }
0xc0: {  	_ =	sfence.sel $0x180000  }
0xc1: {  	[bflag:$0x0] =	sbarrier.arrive $0xFFFF  }
0xc2: {  	_ =	strace $0x90000050  }
0xc3: {  	s0 =	stileid.u32;
	[bflag:$0x2] =	sbarrier.arrive $0xFFFF  }
0xc4: {  	p0 =	sne.s32 s0, $0x0;
	s0 =	rddreg [dreg:$0x2]  }
0xc5: {  	s0 =	sadd.s32 @!p0 $0x100000, s0  }
0xc6: {  	[sflag:s0] =	ssyncadd.tile.s32 @!p0 $0x1;
	_ =	shalt  }
.Lfunc_end2:
_tile_overlayer_lowered:
.L_overlay_start_2:
0xc7: {  	(tag) =	ssettag $0x2  }
0xc8: {  	s0 =	rddreg [dreg:$0x0];
	s2 =	stileid.u32  }
0xc9: {  	s1 =	rddreg [dreg:$0x1];
	p0 =	sne.s32 s2, $0x0  }
0xca: {  	s3 =	rddreg [dreg:$0x2];
	[bflag:$0x3] =	sbarrier.arrive $0xFFFF;
	s2 =	simm.s32 @!p0 $0x1C05  }
0xcb: {  	[timem:s3], [sflag:s2] =	dma.local @!p0 [hbm:s0], s1  }
0xcc: {  	s0 =	simm.s32 @!p0 $0x5  }
0xcd: {  	_ =	swait.ge @!p0 [sflag:s0], s1  }
0xce: {  	s1 =	ssub.s32 @!p0 $0x0, s1;
	[sflag:s0] =	ssyncset.done @!p0 $0x0  }
0xcf: {  	[sflag:s0] =	ssyncadd.s32 @!p0 s1  }
0xd0: {  	[bflag:$0x3] =	sbarrier.arrive $0xFFFF  }
0xd1: {  	_ =	shalt  }

// kernel: kernel.25.cloned.1.call-start
scs
__scs_entry_jumppad:
0x0: {  	(pc) =	sbr.rel $0x88, $3  }
0x1: {  	(tag) =	ssettag $0x0;
	lr =	simm.s32 $0x1  }
0x2: {  	[smem:$0x3F94] =	sst lr;
	_ =	strace $0xD0000000  }
0x3: {  	_ = 	snop  }
0x4: {  	_ = 	snop  }
0x5: {  	_ = 	snop  }
0x6: {  	_ = 	snop  }
0x7: {  	_ = 	snop  }
__scs_overlays_trampoline_lowered:
0x8: {  	[smem:$0x3FA3] =	sst s0  }
0x9: {  	[smem:$0x3FA4] =	sst s1  }
0xa: {  	[smem:$0x3FA5] =	sst s2  }
0xb: {  	[smem:$0x3FA6] =	sst s3  }
0xc: {  	[smem:$0x3FA7] =	sst s4  }
0xd: {  	[smem:$0x3FA8] =	sst s5  }
0xe: {  	[smem:$0x3FA9] =	sst s6  }
0xf: {  	[smem:$0x3FAA] =	sst s7  }
0x10: {  	[smem:$0x3FAB] =	sst s8  }
0x11: {  	[smem:$0x3FAC] =	sst s9;
	s0 =	simm.s32 @!p0 $0x0  }
0x12: {  	s1 =	sld [smem:$0x3F92];
	s0 =	simm.s32 @p0 $0x1  }
0x13: {  	[smem:$0x3FAD] =	sst s0;
	s0 =	simm.s32 @!p1 $0x0  }
0x14: {  	s2 =	sld [smem:$0x3F91];
	s0 =	simm.s32 @p1 $0x1  }
0x15: {  	[smem:$0x3FAE] =	sst s0;
	s0 =	simm.s32 @!p2 $0x0  }
0x16: {  	s3 =	sld [smem:$0x3FDB];
	s0 =	simm.s32 @p2 $0x1  }
0x17: {  	s4 =	simm.s32 $0x1BF5;
	[smem:$0x3FB0] =	sst s0  }
0x18: {  	s0 =	sld [smem:$0x3F93];
	_ =	swait.ge [sflag:s4], $0x0  }
0x19: {  	s7 =	sld [smem:$0x3F94]  }
0x1a: {  	s8 =	sadd.s32 $0xFFFFE003, lr  }
0x1b: {  	s9 =	sadd.s32 $0xFFFFFEF7, lr;
	s5 =	simm.s32 $0xFFFFFFFF;
	p2 =	slt.u32 s8, $0xFFFFF086  }
0x1c: {  	p1 =	slt.u32 s9, $0xF7A;
	s5 =	simm.s32 @!p2 $0x0  }
0x1d: {  	s5 =	simm.s32 @p1 $0x1;
	p0 =	seq.s32 s7, s2  }
0x1e: {  	s7 =	smul.u32 @!p0 $0xF7A, s2;
	p2 =	seq.s32 @!p0 s5, $0x0  }
0x1f: {  	s9 =	smul.u32 $0xF7A, s1;
	s8 =	simm.s32 @!p0 $0x1BF5;
	p2 =	por !p2, p0  }
0x20: {  	[sflag:s8] =	ssyncset.s32 @!p0 $0xFFFFF086;
	s6 =	sadd.s32 @!p0 s3, s7;
	s7 =	simm.s32 @!p0 $0x108  }
0x21: {  	s3 =	sadd.s32 s3, s9;
	s6 =	sadd.s32 @!p0 $0x88, s6;
	s7 =	simm.s32 @p2 $0x1082  }
0x22: {  	[simem:s7], [sflag:s8] =	dma.local @!p0 [hbm:s6], $0xF7A  }
0x23: {  	s9 =	sor.u32 $0xD0000000, s2;
	s6 =	simm.s32 $0x108;
	_ =	swait.ge @!p0 [sflag:s8], $0x0  }
0x24: {  	s3 =	sadd.s32 $0x88, s3;
	s6 =	simm.s32 @!p1 $0x1082;
	[sflag:s4] =	ssyncset.s32 $0xFFFFF086  }
0x25: {  	[simem:s6], [sflag:s4] =	dma.local [hbm:s3], $0xF7A  }
0x26: {  	[smem:$0x3F94] =	sst s1;
	(tag) =	ssettag s2;
	_ =	strace s9  }
0x27: {  	s1 =	sld [smem:$0x3FA4]  }
0x28: {  	s2 =	sld [smem:$0x3FA5]  }
0x29: {  	s4 =	sld [smem:$0x3FA7]  }
0x2a: {  	p0 =	seq.s32 s5, $0x0;
	s5 =	sld [smem:$0x3FA8]  }
0x2b: {  	s6 =	sld [smem:$0x3FA9]  }
0x2c: {  	s7 =	sld [smem:$0x3FAA]  }
0x2d: {  	s3 =	simm.s32 $0x108;
	s8 =	sld [smem:$0x3FAB]  }
0x2e: {  	s3 =	simm.s32 @!p0 $0x1082;
	s9 =	sld [smem:$0x3FAC]  }
0x2f: {  	lr =	sadd.s32 s0, s3;
	s0 =	sld [smem:$0x3FA3]  }
0x30: {  	s3 =	sld [smem:$0x3FA6]  }
0x31: {  	[smem:$0x3FAF] =	sst s10  }
0x32: {  	s10 =	sld [smem:$0x3FAD];
	_ =	sdelay $0x3  }
0x33: {  	p0 =	seq.s32 s10, $0x1;
	s10 =	sld [smem:$0x3FAF];
	_ =	sdelay $0x3  }
0x34: {  	[smem:$0x3FAF] =	sst s10  }
0x35: {  	s10 =	sld [smem:$0x3FAE];
	_ =	sdelay $0x3  }
0x36: {  	p1 =	seq.s32 s10, $0x1;
	s10 =	sld [smem:$0x3FAF];
	_ =	sdelay $0x3  }
0x37: {  	[smem:$0x3FAF] =	sst s10  }
0x38: {  	s10 =	sld [smem:$0x3FB0]  }
0x39: {  	_ = 	snop;
	(pc) =	sbr.ind lr, $3  }
0x3a: {  	_ = 	snop  }
0x3b: {  	_ = 	snop  }
0x3c: {  	p2 =	seq.s32 s10, $0x1;
	s10 =	sld [smem:$0x3FAF]  }
0x3d: {  	_ =	shalt  }
0x3e: {  	_ =	shalt  }
0x3f: {  	_ =	shalt  }
0x40: {  	_ =	shalt  }
0x41: {  	_ =	shalt  }
0x42: {  	_ =	shalt  }
0x43: {  	_ =	shalt  }
0x44: {  	_ =	shalt  }
0x45: {  	_ =	shalt  }
0x46: {  	_ =	shalt  }
0x47: {  	_ =	shalt  }
0x48: {  	_ =	shalt  }
0x49: {  	_ =	shalt  }
0x4a: {  	_ =	shalt  }
0x4b: {  	_ =	shalt  }
0x4c: {  	_ =	shalt  }
0x4d: {  	_ =	shalt  }
0x4e: {  	_ =	shalt  }
0x4f: {  	_ =	shalt  }
0x50: {  	_ =	shalt  }
0x51: {  	_ =	shalt  }
0x52: {  	_ =	shalt  }
0x53: {  	_ =	shalt  }
0x54: {  	_ =	shalt  }
0x55: {  	_ =	shalt  }
0x56: {  	_ =	shalt  }
0x57: {  	_ =	shalt  }
0x58: {  	_ =	shalt  }
0x59: {  	_ =	shalt  }
0x5a: {  	_ =	shalt  }
0x5b: {  	_ =	shalt  }
0x5c: {  	_ =	shalt  }
0x5d: {  	_ =	shalt  }
0x5e: {  	_ =	shalt  }
0x5f: {  	_ =	shalt  }
0x60: {  	_ =	shalt  }
0x61: {  	_ =	shalt  }
0x62: {  	_ =	shalt  }
0x63: {  	_ =	shalt  }
0x64: {  	_ =	shalt  }
0x65: {  	_ =	shalt  }
0x66: {  	_ =	shalt  }
0x67: {  	_ =	shalt  }
0x68: {  	_ =	shalt  }
0x69: {  	_ =	shalt  }
0x6a: {  	_ =	shalt  }
0x6b: {  	_ =	shalt  }
0x6c: {  	_ =	shalt  }
0x6d: {  	_ =	shalt  }
0x6e: {  	_ =	shalt  }
0x6f: {  	_ =	shalt  }
0x70: {  	_ =	shalt  }
0x71: {  	_ =	shalt  }
0x72: {  	_ =	shalt  }
0x73: {  	_ =	shalt  }
0x74: {  	_ =	shalt  }
0x75: {  	_ =	shalt  }
0x76: {  	_ =	shalt  }
0x77: {  	_ =	shalt  }
0x78: {  	_ =	shalt  }
0x79: {  	_ =	shalt  }
0x7a: {  	_ =	shalt  }
0x7b: {  	_ =	shalt  }
0x7c: {  	_ =	shalt  }
0x7d: {  	_ =	shalt  }
0x7e: {  	_ =	shalt  }
0x7f: {  	_ =	shalt  }
0x80: {  	_ =	shalt  }
0x81: {  	_ =	shalt  }
0x82: {  	_ =	shalt  }
0x83: {  	_ =	shalt  }
0x84: {  	_ =	shalt  }
0x85: {  	_ =	shalt  }
0x86: {  	_ =	shalt  }
0x87: {  	_ =	shalt  }
.Lfunc_end0:
.L_simem_size_0:
called_computation.4_lowered:
.L_overlay_start_0:
0x88: {  	s2 =	sld [smem:$0x3FD9]  }
0x89: {  	s3 =	sld [smem:$0x3FFE];
	_ =	sdelay $0x1  }
0x8a: {  	s1 =	srdreg.scid  }
0x8b: {  	s0 =	sand.u32 $0x1, s1  }
0x8c: {  	s16 =	sshll.u32 s0, $0xA;
	s2 =	sadd.s32 s3, s2  }
0x8d: {  	s2 =	sadd.s32 s2, s16  }
0x8e: {  	[smem:$0x3FBB] =	sst s2  }
0x8f: {  	_ = 	snop  }
0x90: {  	(tm) =	ssettm $0x1  }
0x91: {  	s17 =	sld [smem:$0x3FFB];
	_ =	sdelay $0x3  }
0x92: {  	_ =	strace s17  }
0x93: {  	s2 =	sld [smem:$0x3FFC];
	_ =	sdelay $0x3  }
0x94: {  	_ =	strace s2  }
0x95: {  	s2 =	sld [smem:$0x3FFD];
	_ =	sdelay $0x3  }
0x96: {  	_ =	strace s2  }
0x97: {  	_ =	strace $0x8FFFFFFF  }
0x98: {  	s18 =	sld [smem:$0x3FDB];
	_ =	sdelay $0x1  }
0x99: {  	s19 =	simm.s32 $_scs_section_size  }
0x9a: {  	s4 =	simm.s32 $_size__tile_overlayer_lowered;
	s5 =	simm.s32 $_tile_overlayer_lowered  }
0x9b: {  	s22 =	simm.s32 $0x1BFF;
	s21 =	sshll.u32 s5, $0x1;
	s2 =	sadd.s32 s19, s18  }
0x9c: {  	s6 =	simm.s32 $0x0;
	s20 =	sshll.u32 s4, $0x1;
	s4 =	sadd.s32 s21, s2  }
0x9d: {  	[timem:s6], [sflag:s22] =	dma.local [hbm:s4], s20  }
0x9e: {  	_ =	swait.ge [sflag:s22], s20  }
0x9f: {  	s3 =	ssub.s32 $0x0, s20;
	[sflag:s22] =	ssyncset.done $0x0  }
0xa0: {  	[sflag:s22] =	ssyncadd.s32 s3;
	_ =	sdelay $0x1  }
0xa1: {  	s23 =	simm.s32 $0x1B8B  }
0xa2: {  	_ =	swait.ge [sflag:s23], $0x1  }
0xa3: {  	[sflag:s23] =	ssyncset.done $0x0  }
0xa4: {  	s25 =	simm.s32 $0x1B8E;
	s24 =	sld [smem:$0x3FFE];
	[sflag:s23] =	ssyncadd.s32 $0xFFFFFFFF  }
0xa5: {  	s26 =	simm.s32 $execute0_lowered;
	[smem:$0x3FD2] =	sst s25  }
0xa6: {  	s4 =	sshll.u32 s26, $0x1;
	_ =	strace $0x80000052;
	[dreg:$0x1] =	wrdreg $0xFFFFFFFF  }
0xa7: {  	s28 =	simm.s32 $_size_execute0_lowered;
	s2 =	sadd.s32 s2, s4;
	[dreg:$0x0] =	wrdreg $0x0  }
0xa8: {  	s4 =	sshll.u32 s28, $0x1;
	[dreg:$0x2] =	wrdreg s2  }
0xa9: {  	[dreg:$0x3] =	wrdreg s4  }
0xaa: {  	[dreg:$0x4] =	wrdreg $0xC0  }
0xab: {  	_ =	task [dreg:s6], $0x5FFFF  }
0xac: {  	[dreg:$0x1] =	wrdreg $0xFFFFFFFF  }
0xad: {  	[dreg:$0x0] =	wrdreg $0x60  }
0xae: {  	[dreg:$0x2] =	wrdreg s24  }
0xaf: {  	[dreg:$0x3] =	wrdreg $0x0  }
0xb0: {  	[dreg:$0x4] =	wrdreg $0x9  }
0xb1: {  	_ =	task.clear_ibuf [dreg:s6], $0x5FFFF;
	_ =	strace $0x90000052  }
0xb2: {  	s29 =	simm.s32 $0x9;
	_ =	strace $0x80000054  }
0xb3: {  	_ =	swait.ge [sflag:s29], $0x1  }
0xb4: {  	[sflag:s29] =	ssyncadd.s32 $0xFFFFFFFF  }
0xb5: {  	_ =	strace $0x90000054  }
0xb6: {  	_ =	sfence  }
0xb7: {  	s30 =	sld [smem:$0x0];
	_ =	sdelay $0x2  }
0xb8: {  	s31 =	sshll.u32 s1, $0xD;
	s1 =	sshrl.u32 s1, $0x2  }
0xb9: {  	s3 =	sand.u32 $0x4000, s31;
	s1 =	sadd.s32 s1, s30  }
0xba: {  	s0 =	sor.u32 s3, s0;
	s1 =	sshll.u32 s1, $0x11  }
0xbb: {  	s0 =	sor.u32 s1, s0  }
0xbc: {  	s0 =	sadd.s32 $0x8F2B, s0  }
0xbd: {  	[sflag:s0] =	ssyncadd.remote.s32 $0x1  }
0xbe: {  	_ =	sfence.sel $0xFFFF  }
0xbf: {  	[dreg:$0x0] =	wrdreg $0xFFFFFFFF;
	(pc) =	sbr.abs _section_cstart, $3  }
0xc0: {  	[dreg:$0x1] =	wrdreg $0xFFFFFFFF  }
0xc1: {  	_ =	task.clear_ibuf [dreg:s6], $0x2FFFF;
	_ =	strace $0x9FFFFFFF  }
0xc2: {  	(tm) =	ssettm $0x7FFFFFFF  }
0xc3: {  	_ =	shalt  }
tec
execute0_lowered:
.L_overlay_start_1:
0x0: {  	(tag) =	ssettag $0x1  }
0x1: {  	s0 =	rddreg [dreg:$0x0]  }
0x2: {  	s1 =	rddreg [dreg:$0x1]  }
0x3: {  	s2 =	srdreg.scid;
	s4 =	simm.s32 $0x0;
	s19 =	stileid.u32  }
0x4: {  	s28 =	simm.s32 $0x1A000;
	s29 =	simm.s32 $0x138D0;
	s30 =	simm.s32 $0x1C800  }
0x5: {  	[smem:$0x7FF] =	sst s4;
	s4 =	sadd.s32 $0x45E00, s0;
	s5 =	sadd.s32 $0x94200, s0  }
0x6: {  	s6 =	sadd.s32 $0xBB400, s0;
	s9 =	smul.u32 $0x2780, s19;
	s7 =	sadd.s32 $0xE2600, s0  }
0x7: {  	s31 =	simm.s32 $0x1;
	s12 =	sadd.s32 $0x109800, s0;
	s14 =	sadd.s32 $0x157A00, s0  }
0x8: {  	s2 =	sand.u32 $0x1, s2;
	s15 =	sadd.s32 $0x1A5C00, s0;
	s16 =	sadd.s32 $0x1F3E00, s0  }
0x9: {  	s17 =	smul.u32 $0x4F000, s19;
	p0 =	seq.s32 s19, $0xF;
	s3 =	sshll.u32 s2, $0x4  }
0xa: {  	_ =	strace $0x80000053;
	s11 =	ssub.s32 $0x2, s2;
	s25 =	smul.u32 $0x138800, s2  }
0xb: {  	s2 =	smul.u32 $0x27100, s2;
	s3 =	sor.u32 s19, s3;
	s10 =	sadd.s32 s9, s0  }
0xc: {  	s13 =	sshrl.u32 s11, $0x1;
	s26 =	sshrl.u32 s17, $0x2;
	s8 =	smul.u32 $0x4E2, s3  }
0xd: {  	s3 =	sshll.u32 s3, $0xB;
	s18 =	ssub.s32 s11, s13;
	s11 =	sadd.s32 $0x1EC00, s10  }
0xe: {  	s10 =	sshrl.u32 s25, $0x3;
	s13 =	sadd.s32 $0x128400, s1;
	s2 =	sadd.s32 s9, s2  }
0xf: {  	s9 =	simm.s32 $0x19D80;
	[dreg:$0x6] =	wrdreg s13;
	s17 =	sadd.s32 s12, s2  }
0x10: {  	s3 =	sadd.s32 s3, s0;
	s21 =	sadd.s32 s14, s2;
	[dreg:$0x7] =	wrdreg s17  }
0x11: {  	s13 =	sadd.s32 $0x43C80, s0;
	s23 =	sadd.s32 s15, s2;
	[dreg:$0x9] =	wrdreg s21  }
0x12: {  	s25 =	sadd.s32 s16, s2;
	s2 =	simm.s32 $0x4;
	[dreg:$0xb] =	wrdreg s23  }
0x13: {  	s8 =	sadd.s32 s8, s0;
	s3 =	sadd.s32 $0xEC00, s3;
	[dreg:$0xd] =	wrdreg s25  }
0x14: {  	s23 =	simm.s32 $0x13880;
	[dreg:$0x4] =	wrdreg s3;
	s3 =	sadd.s32 s26, s1  }
0x15: {  	s8 =	sadd.s32 $0x4E00, s8;
	[dreg:$0x5] =	wrdreg s3;
	s3 =	sadd.s32 $0x25080, s10  }
0x16: {  	s0 =	simm.s32 $0x3;
	[dreg:$0x3] =	wrdreg s8;
	s20 =	sadd.s32 s12, s3  }
0x17: {  	s25 =	simm.s32 $0x2;
	s22 =	sadd.s32 s14, s3;
	[dreg:$0x8] =	wrdreg s20  }
0x18: {  	s8 =	simm.s32 $0x15F40;
	s24 =	sadd.s32 s15, s3;
	[dreg:$0xa] =	wrdreg s22  }
0x19: {  	s10 =	simm.s32 $0x19E00;
	s26 =	sadd.s32 s16, s3;
	[dreg:$0xc] =	wrdreg s24  }
0x1a: {  	s3 =	simm.s32 $0x19D00;
	s12 =	simm.s32 $0x0;
	[dreg:$0xe] =	wrdreg s26  }
0x1b: {  	s22 =	smax.u32 s18, $0x1;
	s24 =	simm.s32 $0x5;
	s26 =	simm.s32 $0x50  }
.LBB2_1:
0x1c: {  	s14 =	simm.s32 $0x0;
	s15 =	rddreg [dreg:$0x3]  }
0x1d: {  	[tilespmem:s23], [sflag:$0x5] =	stream.linear.gather [hbm4b:s15+s14], $0x2710, $0x38;
	[tilespmem:$0x1F000] =	vst v63  }
0x1e: {  	_ =	swait.ge [sflag:s24], $0x2710  }
0x1f: {  	[sflag:s24] =	ssyncset.done $0x0  }
0x20: {  	s16 =	simm.s32 $0x16000;
	s18 =	rddreg [dreg:$0x4];
	[sflag:s24] =	ssyncadd.s32 $0xFFFFD8F0  }
0x21: {  	[tilespmem:s16], [sflag:$0x5] =	stream.linear.gather [hbm4b:s18+s14], $0x3E80, $0x38;
	[tilespmem:$0x1F000] =	vst v63  }
0x22: {  	_ =	swait.ge [sflag:s24], $0x3E80  }
0x23: {  	[sflag:s24] =	ssyncset.done $0x0;
	s14 =	rddreg [dreg:$0x6]  }
0x24: {  	s15 =	simm.s32 @p0 $0x1FC5;
	[sflag:s24] =	ssyncadd.s32 $0xFFFFC180;
	s14 =	sshrl.u32 @p0 s14, $0x3  }
0x25: {  	[spmem:s14], [sflag:s15] =	dma.local @p0 [hbm:s13], $0x2080  }
0x26: {  	s15 =	simm.s32 @p0 $0x5  }
0x27: {  	s16 =	stileid.u32;
	_ =	swait.ge @p0 [sflag:s15], $0x2080  }
0x28: {  	s16 =	sshll.u32 @!p0 s16, $0x6;
	[sflag:s15] =	ssyncset.done @p0 $0x0  }
0x29: {  	[sflag:s15] =	ssyncadd.s32 @p0 $0xFFFFDF80;
	s15 =	sor.u32 @!p0 $0x1C05, s16;
	s16 =	rddreg [dreg:$0x5]  }
0x2a: {  	s17 =	simm.s32 @!p0 $0x5;
	s16 =	sshrl.u32 @!p0 s16, $0x3  }
0x2b: {  	[spmem:s16], [sflag:s15] =	dma.local @!p0 [hbm:s11], $0x2780  }
0x2c: {  	_ =	swait.ge @!p0 [sflag:s17], $0x2780  }
0x2d: {  	[sflag:s17] =	ssyncset.done @!p0 $0x0  }
0x2e: {  	[sflag:s17] =	ssyncadd.s32 @!p0 $0xFFFFD880  }
0x2f: {  	[bflag:$0x0] =	sbarrier.arrive $0xFFFF  }
0x30: {  	[tilespmem:s28], [sflag:$0x1] =	stream.indirect.gather [hbm4b:s4+s26], $0x80, s23, s26, $0xb8;
	[tilespmem:$0x1F000] =	vst v63  }
0x31: {  	_ = 	snop  }
0x32: {  	[tilespmem:s30], [sflag:$0x2] =	stream.indirect.gather [hbm4b:s4+s26], $0x80, s29, s26, $0xb8;
	[tilespmem:$0x1F000] =	vst v63  }
0x33: {  	_ =	swait.ge [sflag:s31], $0x2800  }
0x34: {  	[sflag:s31] =	ssyncset.done $0x0  }
0x35: {  	s19 =	simm.s32 $0x16000;
	[sflag:s31] =	ssyncadd.s32 $0xFFFFD800  }
0x36: {  	[spmem:s1] =	stream.indirect.scatter.add.f32 [tilespmem:s28], [sflag:$0x3], $0x80, s19, s26, $0xb8;
	[tilespmem:$0x1F000] =	vst v63  }
0x37: {  	_ =	swait.ge [sflag:s0], $0x2800  }
0x38: {  	[sflag:s0] =	ssyncset.done $0x0  }
0x39: {  	s20 =	simm.s32 $0x13920;
	[sflag:s0] =	ssyncadd.s32 $0xFFFFD800  }
0x3a: {  	[tilespmem:s28], [sflag:$0x1] =	stream.indirect.gather [hbm4b:s4+s26], $0x80, s20, s26, $0xb8;
	[tilespmem:$0x1F000] =	vst v63  }
0x3b: {  	_ =	swait.ge [sflag:s25], $0x2800  }
0x3c: {  	[sflag:s25] =	ssyncset.done $0x0  }
0x3d: {  	s21 =	simm.s32 $0x16080;
	[sflag:s25] =	ssyncadd.s32 $0xFFFFD800  }
0x3e: {  	[spmem:s1] =	stream.indirect.scatter.add.f32 [tilespmem:s30], [sflag:$0x4], $0x80, s21, s26, $0xb8;
	[tilespmem:$0x1F000] =	vst v63  }
0x3f: {  	_ =	swait.ge [sflag:s2], $0x2800  }
0x40: {  	s18 =	simm.s32 $0x400;
	[sflag:s2] =	ssyncset.done $0x0  }
0x41: {  	s17 =	simm.s32 $0x13970;
	s19 =	simm.s32 $0x13A10;
	[sflag:s2] =	ssyncadd.s32 $0xFFFFD800  }
.LBB2_2:
0x42: {  	[tilespmem:s30], [sflag:$0x2] =	stream.indirect.gather [hbm4b:s4+s26], $0x80, s17, s26, $0xb8;
	[tilespmem:$0x1F000] =	vst v63  }
0x43: {  	s20 =	smov.u32 s18;
	s17 =	smov.u32 s19  }
0x44: {  	p1 =	sne.s32 s18, $0xF000;
	s18 =	sadd.s32 $0x400, s18;
	_ =	swait.ge [sflag:s31], $0x2800  }
0x45: {  	s20 =	sshra.s32 s20, $0x2;
	[sflag:s31] =	ssyncset.done $0x0  }
0x46: {  	s21 =	sadd.s32 $0x16000, s20;
	[sflag:s31] =	ssyncadd.s32 $0xFFFFD800  }
0x47: {  	[spmem:s1] =	stream.indirect.scatter.add.f32 [tilespmem:s28], [sflag:$0x3], $0x80, s21, s26, $0xb8;
	[tilespmem:$0x1F000] =	vst v63  }
0x48: {  	_ =	swait.ge [sflag:s0], $0x2800  }
0x49: {  	[sflag:s0] =	ssyncset.done $0x0  }
0x4a: {  	s21 =	sadd.s32 $0xFFFFFFB0, s19;
	[sflag:s0] =	ssyncadd.s32 $0xFFFFD800  }
0x4b: {  	[tilespmem:s28], [sflag:$0x1] =	stream.indirect.gather [hbm4b:s4+s26], $0x80, s21, s26, $0xb8;
	[tilespmem:$0x1F000] =	vst v63  }
0x4c: {  	_ =	swait.ge [sflag:s25], $0x2800  }
0x4d: {  	[sflag:s25] =	ssyncset.done $0x0  }
.Ltmp0:
0x4e: {  	s20 =	sadd.s32 $0x16080, s20;
	[sflag:s25] =	ssyncadd.s32 $0xFFFFD800;
	(pc) =	sbr.rel @p1 .LBB2_2-.Ltmp0, $4  }
0x4f: {  	[spmem:s1] =	stream.indirect.scatter.add.f32 [tilespmem:s30], [sflag:$0x4], $0x80, s20, s26, $0xb8;
	[tilespmem:$0x1F000] =	vst v63  }
0x50: {  	_ =	swait.ge [sflag:s2], $0x2800  }
0x51: {  	[sflag:s2] =	ssyncset.done $0x0  }
0x52: {  	s19 =	sadd.s32 $0xA0, s19;
	[sflag:s2] =	ssyncadd.s32 $0xFFFFD800  }
0x53: {  	[tilespmem:s30], [sflag:$0x2] =	stream.indirect.gather [hbm4b:s4+s26], $0x80, s17, s26, $0xb8;
	[tilespmem:$0x1F000] =	vst v63  }
0x54: {  	_ =	swait.ge [sflag:s31], $0x2800  }
0x55: {  	[sflag:s31] =	ssyncset.done $0x0  }
0x56: {  	[sflag:s31] =	ssyncadd.s32 $0xFFFFD800  }
0x57: {  	[spmem:s1] =	stream.indirect.scatter.add.f32 [tilespmem:s28], [sflag:$0x3], $0x80, s3, s26, $0xb8;
	[tilespmem:$0x1F000] =	vst v63  }
0x58: {  	_ =	swait.ge [sflag:s0], $0x2800  }
0x59: {  	[sflag:s0] =	ssyncset.done $0x0  }
0x5a: {  	[sflag:s0] =	ssyncadd.s32 $0xFFFFD800  }
0x5b: {  	[tilespmem:s28], [sflag:$0x1] =	stream.indirect.gather [hbm4b:s4+s26], $0x80, s8, s26, $0xb8;
	[tilespmem:$0x1F000] =	vst v63  }
0x5c: {  	_ =	swait.ge [sflag:s25], $0x2800  }
0x5d: {  	[sflag:s25] =	ssyncset.done $0x0  }
0x5e: {  	[sflag:s25] =	ssyncadd.s32 $0xFFFFD800  }
0x5f: {  	[spmem:s1] =	stream.indirect.scatter.add.f32 [tilespmem:s30], [sflag:$0x4], $0x80, s9, s26, $0xb8;
	[tilespmem:$0x1F000] =	vst v63  }
0x60: {  	_ =	swait.ge [sflag:s2], $0x2800  }
0x61: {  	[sflag:s2] =	ssyncset.done $0x0  }
0x62: {  	[sflag:s2] =	ssyncadd.s32 $0xFFFFD800  }
0x63: {  	_ =	swait.ge [sflag:s31], $0x2800  }
0x64: {  	[sflag:s31] =	ssyncset.done $0x0  }
0x65: {  	[sflag:s31] =	ssyncadd.s32 $0xFFFFD800  }
0x66: {  	[spmem:s1] =	stream.indirect.scatter.add.f32 [tilespmem:s28], [sflag:$0x3], $0x80, s10, s26, $0xb8;
	[tilespmem:$0x1F000] =	vst v63  }
0x67: {  	_ =	swait.ge [sflag:s0], $0x2800  }
0x68: {  	[sflag:s0] =	ssyncset.done $0x0  }
0x69: {  	[sflag:s0] =	ssyncadd.s32 $0xFFFFD800  }
0x6a: {  	[bflag:$0x0] =	sbarrier.arrive $0xFFFF  }
0x6b: {  	s17 =	simm.s32 @p0 $0x1FC5;
	s18 =	rddreg [dreg:$0x8]  }
0x6c: {  	[hbm:s18], [sflag:s17] =	dma.local @p0 [spmem:s14], $0x2080  }
0x6d: {  	s18 =	simm.s32 @p0 $0x5  }
0x6e: {  	_ =	swait.ge @p0 [sflag:s18], $0x2080  }
0x6f: {  	[sflag:s18] =	ssyncset.done @p0 $0x0  }
0x70: {  	[sflag:s18] =	ssyncadd.s32 @p0 $0xFFFFDF80  }
0x71: {  	[spmem:s14], [sflag:s17] =	dma.local @p0 [hbm:s13], $0x2080  }
0x72: {  	_ =	swait.ge @p0 [sflag:s18], $0x2080  }
0x73: {  	[sflag:s18] =	ssyncset.done @p0 $0x0  }
0x74: {  	s17 =	rddreg [dreg:$0x7];
	[sflag:s18] =	ssyncadd.s32 @p0 $0xFFFFDF80  }
0x75: {  	[hbm:s17], [sflag:s15] =	dma.local @!p0 [spmem:s16], $0x2780  }
0x76: {  	s17 =	simm.s32 @!p0 $0x5  }
0x77: {  	_ =	swait.ge @!p0 [sflag:s17], $0x2780  }
0x78: {  	[sflag:s17] =	ssyncset.done @!p0 $0x0  }
0x79: {  	[sflag:s17] =	ssyncadd.s32 @!p0 $0xFFFFD880  }
0x7a: {  	[spmem:s16], [sflag:s15] =	dma.local @!p0 [hbm:s11], $0x2780  }
0x7b: {  	_ =	swait.ge @!p0 [sflag:s17], $0x2780  }
0x7c: {  	[sflag:s17] =	ssyncset.done @!p0 $0x0  }
0x7d: {  	[sflag:s17] =	ssyncadd.s32 @!p0 $0xFFFFD880  }
0x7e: {  	[bflag:$0x0] =	sbarrier.arrive $0xFFFF  }
0x7f: {  	[tilespmem:s28], [sflag:$0x1] =	stream.indirect.gather [hbm4b:s5+s26], $0x80, s23, s26, $0xb8;
	[tilespmem:$0x1F000] =	vst v63  }
0x80: {  	_ = 	snop  }
0x81: {  	[tilespmem:s30], [sflag:$0x2] =	stream.indirect.gather [hbm4b:s5+s26], $0x80, s29, s26, $0xb8;
	[tilespmem:$0x1F000] =	vst v63  }
0x82: {  	_ =	swait.ge [sflag:s31], $0x2800  }
0x83: {  	[sflag:s31] =	ssyncset.done $0x0  }
0x84: {  	s19 =	simm.s32 $0x16000;
	[sflag:s31] =	ssyncadd.s32 $0xFFFFD800  }
0x85: {  	[spmem:s1] =	stream.indirect.scatter.add.f32 [tilespmem:s28], [sflag:$0x3], $0x80, s19, s26, $0xb8;
	[tilespmem:$0x1F000] =	vst v63  }
0x86: {  	_ =	swait.ge [sflag:s0], $0x2800  }
0x87: {  	[sflag:s0] =	ssyncset.done $0x0  }
0x88: {  	s20 =	simm.s32 $0x13920;
	[sflag:s0] =	ssyncadd.s32 $0xFFFFD800  }
0x89: {  	[tilespmem:s28], [sflag:$0x1] =	stream.indirect.gather [hbm4b:s5+s26], $0x80, s20, s26, $0xb8;
	[tilespmem:$0x1F000] =	vst v63  }
0x8a: {  	_ =	swait.ge [sflag:s25], $0x2800  }
0x8b: {  	[sflag:s25] =	ssyncset.done $0x0  }
0x8c: {  	s21 =	simm.s32 $0x16080;
	[sflag:s25] =	ssyncadd.s32 $0xFFFFD800  }
0x8d: {  	[spmem:s1] =	stream.indirect.scatter.add.f32 [tilespmem:s30], [sflag:$0x4], $0x80, s21, s26, $0xb8;
	[tilespmem:$0x1F000] =	vst v63  }
0x8e: {  	_ =	swait.ge [sflag:s2], $0x2800  }
0x8f: {  	s18 =	simm.s32 $0x400;
	[sflag:s2] =	ssyncset.done $0x0  }
0x90: {  	s17 =	simm.s32 $0x13970;
	s19 =	simm.s32 $0x13A10;
	[sflag:s2] =	ssyncadd.s32 $0xFFFFD800  }
.LBB2_4:
0x91: {  	[tilespmem:s30], [sflag:$0x2] =	stream.indirect.gather [hbm4b:s5+s26], $0x80, s17, s26, $0xb8;
	[tilespmem:$0x1F000] =	vst v63  }
0x92: {  	s20 =	smov.u32 s18;
	s17 =	smov.u32 s19  }
0x93: {  	p1 =	sne.s32 s18, $0xF000;
	s18 =	sadd.s32 $0x400, s18;
	_ =	swait.ge [sflag:s31], $0x2800  }
0x94: {  	s20 =	sshra.s32 s20, $0x2;
	[sflag:s31] =	ssyncset.done $0x0  }
0x95: {  	s21 =	sadd.s32 $0x16000, s20;
	[sflag:s31] =	ssyncadd.s32 $0xFFFFD800  }
0x96: {  	[spmem:s1] =	stream.indirect.scatter.add.f32 [tilespmem:s28], [sflag:$0x3], $0x80, s21, s26, $0xb8;
	[tilespmem:$0x1F000] =	vst v63  }
0x97: {  	_ =	swait.ge [sflag:s0], $0x2800  }
0x98: {  	[sflag:s0] =	ssyncset.done $0x0  }
0x99: {  	s21 =	sadd.s32 $0xFFFFFFB0, s19;
	[sflag:s0] =	ssyncadd.s32 $0xFFFFD800  }
0x9a: {  	[tilespmem:s28], [sflag:$0x1] =	stream.indirect.gather [hbm4b:s5+s26], $0x80, s21, s26, $0xb8;
	[tilespmem:$0x1F000] =	vst v63  }
0x9b: {  	_ =	swait.ge [sflag:s25], $0x2800  }
0x9c: {  	[sflag:s25] =	ssyncset.done $0x0  }
.Ltmp1:
0x9d: {  	s20 =	sadd.s32 $0x16080, s20;
	[sflag:s25] =	ssyncadd.s32 $0xFFFFD800;
	(pc) =	sbr.rel @p1 .LBB2_4-.Ltmp1, $4  }
0x9e: {  	[spmem:s1] =	stream.indirect.scatter.add.f32 [tilespmem:s30], [sflag:$0x4], $0x80, s20, s26, $0xb8;
	[tilespmem:$0x1F000] =	vst v63  }
0x9f: {  	_ =	swait.ge [sflag:s2], $0x2800  }
0xa0: {  	[sflag:s2] =	ssyncset.done $0x0  }
0xa1: {  	s19 =	sadd.s32 $0xA0, s19;
	[sflag:s2] =	ssyncadd.s32 $0xFFFFD800  }
0xa2: {  	[tilespmem:s30], [sflag:$0x2] =	stream.indirect.gather [hbm4b:s5+s26], $0x80, s17, s26, $0xb8;
	[tilespmem:$0x1F000] =	vst v63  }
0xa3: {  	_ =	swait.ge [sflag:s31], $0x2800  }
0xa4: {  	[sflag:s31] =	ssyncset.done $0x0  }
0xa5: {  	[sflag:s31] =	ssyncadd.s32 $0xFFFFD800  }
0xa6: {  	[spmem:s1] =	stream.indirect.scatter.add.f32 [tilespmem:s28], [sflag:$0x3], $0x80, s3, s26, $0xb8;
	[tilespmem:$0x1F000] =	vst v63  }
0xa7: {  	_ =	swait.ge [sflag:s0], $0x2800  }
0xa8: {  	[sflag:s0] =	ssyncset.done $0x0  }
0xa9: {  	[sflag:s0] =	ssyncadd.s32 $0xFFFFD800  }
0xaa: {  	[tilespmem:s28], [sflag:$0x1] =	stream.indirect.gather [hbm4b:s5+s26], $0x80, s8, s26, $0xb8;
	[tilespmem:$0x1F000] =	vst v63  }
0xab: {  	_ =	swait.ge [sflag:s25], $0x2800  }
0xac: {  	[sflag:s25] =	ssyncset.done $0x0  }
0xad: {  	[sflag:s25] =	ssyncadd.s32 $0xFFFFD800  }
0xae: {  	[spmem:s1] =	stream.indirect.scatter.add.f32 [tilespmem:s30], [sflag:$0x4], $0x80, s9, s26, $0xb8;
	[tilespmem:$0x1F000] =	vst v63  }
0xaf: {  	_ =	swait.ge [sflag:s2], $0x2800  }
0xb0: {  	[sflag:s2] =	ssyncset.done $0x0  }
0xb1: {  	[sflag:s2] =	ssyncadd.s32 $0xFFFFD800  }
0xb2: {  	_ =	swait.ge [sflag:s31], $0x2800  }
0xb3: {  	[sflag:s31] =	ssyncset.done $0x0  }
0xb4: {  	[sflag:s31] =	ssyncadd.s32 $0xFFFFD800  }
0xb5: {  	[spmem:s1] =	stream.indirect.scatter.add.f32 [tilespmem:s28], [sflag:$0x3], $0x80, s10, s26, $0xb8;
	[tilespmem:$0x1F000] =	vst v63  }
0xb6: {  	_ =	swait.ge [sflag:s0], $0x2800  }
0xb7: {  	[sflag:s0] =	ssyncset.done $0x0  }
0xb8: {  	[sflag:s0] =	ssyncadd.s32 $0xFFFFD800  }
0xb9: {  	[bflag:$0x0] =	sbarrier.arrive $0xFFFF  }
0xba: {  	s17 =	simm.s32 @p0 $0x1FC5;
	s18 =	rddreg [dreg:$0xa]  }
0xbb: {  	[hbm:s18], [sflag:s17] =	dma.local @p0 [spmem:s14], $0x2080  }
0xbc: {  	s18 =	simm.s32 @p0 $0x5  }
0xbd: {  	_ =	swait.ge @p0 [sflag:s18], $0x2080  }
0xbe: {  	[sflag:s18] =	ssyncset.done @p0 $0x0  }
0xbf: {  	[sflag:s18] =	ssyncadd.s32 @p0 $0xFFFFDF80  }
0xc0: {  	[spmem:s14], [sflag:s17] =	dma.local @p0 [hbm:s13], $0x2080  }
0xc1: {  	_ =	swait.ge @p0 [sflag:s18], $0x2080  }
0xc2: {  	[sflag:s18] =	ssyncset.done @p0 $0x0  }
0xc3: {  	s17 =	rddreg [dreg:$0x9];
	[sflag:s18] =	ssyncadd.s32 @p0 $0xFFFFDF80  }
0xc4: {  	[hbm:s17], [sflag:s15] =	dma.local @!p0 [spmem:s16], $0x2780  }
0xc5: {  	s17 =	simm.s32 @!p0 $0x5  }
0xc6: {  	_ =	swait.ge @!p0 [sflag:s17], $0x2780  }
0xc7: {  	[sflag:s17] =	ssyncset.done @!p0 $0x0  }
0xc8: {  	[sflag:s17] =	ssyncadd.s32 @!p0 $0xFFFFD880  }
0xc9: {  	[spmem:s16], [sflag:s15] =	dma.local @!p0 [hbm:s11], $0x2780  }
0xca: {  	_ =	swait.ge @!p0 [sflag:s17], $0x2780  }
0xcb: {  	[sflag:s17] =	ssyncset.done @!p0 $0x0  }
0xcc: {  	[sflag:s17] =	ssyncadd.s32 @!p0 $0xFFFFD880  }
0xcd: {  	[bflag:$0x0] =	sbarrier.arrive $0xFFFF  }
0xce: {  	[tilespmem:s28], [sflag:$0x1] =	stream.indirect.gather [hbm4b:s6+s26], $0x80, s23, s26, $0xb8;
	[tilespmem:$0x1F000] =	vst v63  }
0xcf: {  	_ = 	snop  }
0xd0: {  	[tilespmem:s30], [sflag:$0x2] =	stream.indirect.gather [hbm4b:s6+s26], $0x80, s29, s26, $0xb8;
	[tilespmem:$0x1F000] =	vst v63  }
0xd1: {  	_ =	swait.ge [sflag:s31], $0x2800  }
0xd2: {  	[sflag:s31] =	ssyncset.done $0x0  }
0xd3: {  	s19 =	simm.s32 $0x16000;
	[sflag:s31] =	ssyncadd.s32 $0xFFFFD800  }
0xd4: {  	[spmem:s1] =	stream.indirect.scatter.add.f32 [tilespmem:s28], [sflag:$0x3], $0x80, s19, s26, $0xb8;
	[tilespmem:$0x1F000] =	vst v63  }
0xd5: {  	_ =	swait.ge [sflag:s0], $0x2800  }
0xd6: {  	[sflag:s0] =	ssyncset.done $0x0  }
0xd7: {  	s20 =	simm.s32 $0x13920;
	[sflag:s0] =	ssyncadd.s32 $0xFFFFD800  }
0xd8: {  	[tilespmem:s28], [sflag:$0x1] =	stream.indirect.gather [hbm4b:s6+s26], $0x80, s20, s26, $0xb8;
	[tilespmem:$0x1F000] =	vst v63  }
0xd9: {  	_ =	swait.ge [sflag:s25], $0x2800  }
0xda: {  	[sflag:s25] =	ssyncset.done $0x0  }
0xdb: {  	s21 =	simm.s32 $0x16080;
	[sflag:s25] =	ssyncadd.s32 $0xFFFFD800  }
0xdc: {  	[spmem:s1] =	stream.indirect.scatter.add.f32 [tilespmem:s30], [sflag:$0x4], $0x80, s21, s26, $0xb8;
	[tilespmem:$0x1F000] =	vst v63  }
0xdd: {  	_ =	swait.ge [sflag:s2], $0x2800  }
0xde: {  	s18 =	simm.s32 $0x400;
	[sflag:s2] =	ssyncset.done $0x0  }
0xdf: {  	s17 =	simm.s32 $0x13970;
	s19 =	simm.s32 $0x13A10;
	[sflag:s2] =	ssyncadd.s32 $0xFFFFD800  }
.LBB2_6:
0xe0: {  	[tilespmem:s30], [sflag:$0x2] =	stream.indirect.gather [hbm4b:s6+s26], $0x80, s17, s26, $0xb8;
	[tilespmem:$0x1F000] =	vst v63  }
0xe1: {  	s20 =	smov.u32 s18;
	s17 =	smov.u32 s19  }
0xe2: {  	p1 =	sne.s32 s18, $0xF000;
	s18 =	sadd.s32 $0x400, s18;
	_ =	swait.ge [sflag:s31], $0x2800  }
0xe3: {  	s20 =	sshra.s32 s20, $0x2;
	[sflag:s31] =	ssyncset.done $0x0  }
0xe4: {  	s21 =	sadd.s32 $0x16000, s20;
	[sflag:s31] =	ssyncadd.s32 $0xFFFFD800  }
0xe5: {  	[spmem:s1] =	stream.indirect.scatter.add.f32 [tilespmem:s28], [sflag:$0x3], $0x80, s21, s26, $0xb8;
	[tilespmem:$0x1F000] =	vst v63  }
0xe6: {  	_ =	swait.ge [sflag:s0], $0x2800  }
0xe7: {  	[sflag:s0] =	ssyncset.done $0x0  }
0xe8: {  	s21 =	sadd.s32 $0xFFFFFFB0, s19;
	[sflag:s0] =	ssyncadd.s32 $0xFFFFD800  }
0xe9: {  	[tilespmem:s28], [sflag:$0x1] =	stream.indirect.gather [hbm4b:s6+s26], $0x80, s21, s26, $0xb8;
	[tilespmem:$0x1F000] =	vst v63  }
0xea: {  	_ =	swait.ge [sflag:s25], $0x2800  }
0xeb: {  	[sflag:s25] =	ssyncset.done $0x0  }
.Ltmp2:
0xec: {  	s20 =	sadd.s32 $0x16080, s20;
	[sflag:s25] =	ssyncadd.s32 $0xFFFFD800;
	(pc) =	sbr.rel @p1 .LBB2_6-.Ltmp2, $4  }
0xed: {  	[spmem:s1] =	stream.indirect.scatter.add.f32 [tilespmem:s30], [sflag:$0x4], $0x80, s20, s26, $0xb8;
	[tilespmem:$0x1F000] =	vst v63  }
0xee: {  	_ =	swait.ge [sflag:s2], $0x2800  }
0xef: {  	[sflag:s2] =	ssyncset.done $0x0  }
0xf0: {  	s19 =	sadd.s32 $0xA0, s19;
	[sflag:s2] =	ssyncadd.s32 $0xFFFFD800  }
0xf1: {  	[tilespmem:s30], [sflag:$0x2] =	stream.indirect.gather [hbm4b:s6+s26], $0x80, s17, s26, $0xb8;
	[tilespmem:$0x1F000] =	vst v63  }
0xf2: {  	_ =	swait.ge [sflag:s31], $0x2800  }
0xf3: {  	[sflag:s31] =	ssyncset.done $0x0  }
0xf4: {  	[sflag:s31] =	ssyncadd.s32 $0xFFFFD800  }
0xf5: {  	[spmem:s1] =	stream.indirect.scatter.add.f32 [tilespmem:s28], [sflag:$0x3], $0x80, s3, s26, $0xb8;
	[tilespmem:$0x1F000] =	vst v63  }
0xf6: {  	_ =	swait.ge [sflag:s0], $0x2800  }
0xf7: {  	[sflag:s0] =	ssyncset.done $0x0  }
0xf8: {  	[sflag:s0] =	ssyncadd.s32 $0xFFFFD800  }
0xf9: {  	[tilespmem:s28], [sflag:$0x1] =	stream.indirect.gather [hbm4b:s6+s26], $0x80, s8, s26, $0xb8;
	[tilespmem:$0x1F000] =	vst v63  }
0xfa: {  	_ =	swait.ge [sflag:s25], $0x2800  }
0xfb: {  	[sflag:s25] =	ssyncset.done $0x0  }
0xfc: {  	[sflag:s25] =	ssyncadd.s32 $0xFFFFD800  }
0xfd: {  	[spmem:s1] =	stream.indirect.scatter.add.f32 [tilespmem:s30], [sflag:$0x4], $0x80, s9, s26, $0xb8;
	[tilespmem:$0x1F000] =	vst v63  }
0xfe: {  	_ =	swait.ge [sflag:s2], $0x2800  }
0xff: {  	[sflag:s2] =	ssyncset.done $0x0  }
0x100: {  	[sflag:s2] =	ssyncadd.s32 $0xFFFFD800  }
0x101: {  	_ =	swait.ge [sflag:s31], $0x2800  }
0x102: {  	[sflag:s31] =	ssyncset.done $0x0  }
0x103: {  	[sflag:s31] =	ssyncadd.s32 $0xFFFFD800  }
0x104: {  	[spmem:s1] =	stream.indirect.scatter.add.f32 [tilespmem:s28], [sflag:$0x3], $0x80, s10, s26, $0xb8;
	[tilespmem:$0x1F000] =	vst v63  }
0x105: {  	_ =	swait.ge [sflag:s0], $0x2800  }
0x106: {  	[sflag:s0] =	ssyncset.done $0x0  }
0x107: {  	[sflag:s0] =	ssyncadd.s32 $0xFFFFD800  }
0x108: {  	[bflag:$0x0] =	sbarrier.arrive $0xFFFF  }
0x109: {  	s17 =	simm.s32 @p0 $0x1FC5;
	s18 =	rddreg [dreg:$0xc]  }
0x10a: {  	[hbm:s18], [sflag:s17] =	dma.local @p0 [spmem:s14], $0x2080  }
0x10b: {  	s18 =	simm.s32 @p0 $0x5  }
0x10c: {  	_ =	swait.ge @p0 [sflag:s18], $0x2080  }
0x10d: {  	[sflag:s18] =	ssyncset.done @p0 $0x0  }
0x10e: {  	[sflag:s18] =	ssyncadd.s32 @p0 $0xFFFFDF80  }
0x10f: {  	[spmem:s14], [sflag:s17] =	dma.local @p0 [hbm:s13], $0x2080  }
0x110: {  	_ =	swait.ge @p0 [sflag:s18], $0x2080  }
0x111: {  	[sflag:s18] =	ssyncset.done @p0 $0x0  }
0x112: {  	s17 =	rddreg [dreg:$0xb];
	[sflag:s18] =	ssyncadd.s32 @p0 $0xFFFFDF80  }
0x113: {  	[hbm:s17], [sflag:s15] =	dma.local @!p0 [spmem:s16], $0x2780  }
0x114: {  	s17 =	simm.s32 @!p0 $0x5  }
0x115: {  	_ =	swait.ge @!p0 [sflag:s17], $0x2780  }
0x116: {  	[sflag:s17] =	ssyncset.done @!p0 $0x0  }
0x117: {  	[sflag:s17] =	ssyncadd.s32 @!p0 $0xFFFFD880  }
0x118: {  	[spmem:s16], [sflag:s15] =	dma.local @!p0 [hbm:s11], $0x2780  }
0x119: {  	_ =	swait.ge @!p0 [sflag:s17], $0x2780  }
0x11a: {  	[sflag:s17] =	ssyncset.done @!p0 $0x0  }
0x11b: {  	[sflag:s17] =	ssyncadd.s32 @!p0 $0xFFFFD880  }
0x11c: {  	[bflag:$0x0] =	sbarrier.arrive $0xFFFF  }
0x11d: {  	[tilespmem:s28], [sflag:$0x1] =	stream.indirect.gather [hbm4b:s7+s26], $0x80, s23, s26, $0xb8;
	[tilespmem:$0x1F000] =	vst v63  }
0x11e: {  	_ = 	snop  }
0x11f: {  	[tilespmem:s30], [sflag:$0x2] =	stream.indirect.gather [hbm4b:s7+s26], $0x80, s29, s26, $0xb8;
	[tilespmem:$0x1F000] =	vst v63  }
0x120: {  	_ =	swait.ge [sflag:s31], $0x2800  }
0x121: {  	[sflag:s31] =	ssyncset.done $0x0  }
0x122: {  	s19 =	simm.s32 $0x16000;
	[sflag:s31] =	ssyncadd.s32 $0xFFFFD800  }
0x123: {  	[spmem:s1] =	stream.indirect.scatter.add.f32 [tilespmem:s28], [sflag:$0x3], $0x80, s19, s26, $0xb8;
	[tilespmem:$0x1F000] =	vst v63  }
0x124: {  	_ =	swait.ge [sflag:s0], $0x2800  }
0x125: {  	[sflag:s0] =	ssyncset.done $0x0  }
0x126: {  	s20 =	simm.s32 $0x13920;
	[sflag:s0] =	ssyncadd.s32 $0xFFFFD800  }
0x127: {  	[tilespmem:s28], [sflag:$0x1] =	stream.indirect.gather [hbm4b:s7+s26], $0x80, s20, s26, $0xb8;
	[tilespmem:$0x1F000] =	vst v63  }
0x128: {  	_ =	swait.ge [sflag:s25], $0x2800  }
0x129: {  	[sflag:s25] =	ssyncset.done $0x0  }
0x12a: {  	s21 =	simm.s32 $0x16080;
	[sflag:s25] =	ssyncadd.s32 $0xFFFFD800  }
0x12b: {  	[spmem:s1] =	stream.indirect.scatter.add.f32 [tilespmem:s30], [sflag:$0x4], $0x80, s21, s26, $0xb8;
	[tilespmem:$0x1F000] =	vst v63  }
0x12c: {  	_ =	swait.ge [sflag:s2], $0x2800  }
0x12d: {  	s18 =	simm.s32 $0x400;
	[sflag:s2] =	ssyncset.done $0x0  }
0x12e: {  	s17 =	simm.s32 $0x13970;
	s19 =	simm.s32 $0x13A10;
	[sflag:s2] =	ssyncadd.s32 $0xFFFFD800  }
.LBB2_8:
0x12f: {  	[tilespmem:s30], [sflag:$0x2] =	stream.indirect.gather [hbm4b:s7+s26], $0x80, s17, s26, $0xb8;
	[tilespmem:$0x1F000] =	vst v63  }
0x130: {  	s20 =	smov.u32 s18;
	s17 =	smov.u32 s19  }
0x131: {  	p1 =	sne.s32 s18, $0xF000;
	s18 =	sadd.s32 $0x400, s18;
	_ =	swait.ge [sflag:s31], $0x2800  }
0x132: {  	s20 =	sshra.s32 s20, $0x2;
	[sflag:s31] =	ssyncset.done $0x0  }
0x133: {  	s21 =	sadd.s32 $0x16000, s20;
	[sflag:s31] =	ssyncadd.s32 $0xFFFFD800  }
0x134: {  	[spmem:s1] =	stream.indirect.scatter.add.f32 [tilespmem:s28], [sflag:$0x3], $0x80, s21, s26, $0xb8;
	[tilespmem:$0x1F000] =	vst v63  }
0x135: {  	_ =	swait.ge [sflag:s0], $0x2800  }
0x136: {  	[sflag:s0] =	ssyncset.done $0x0  }
0x137: {  	s21 =	sadd.s32 $0xFFFFFFB0, s19;
	[sflag:s0] =	ssyncadd.s32 $0xFFFFD800  }
0x138: {  	[tilespmem:s28], [sflag:$0x1] =	stream.indirect.gather [hbm4b:s7+s26], $0x80, s21, s26, $0xb8;
	[tilespmem:$0x1F000] =	vst v63  }
0x139: {  	_ =	swait.ge [sflag:s25], $0x2800  }
0x13a: {  	[sflag:s25] =	ssyncset.done $0x0  }
.Ltmp3:
0x13b: {  	s20 =	sadd.s32 $0x16080, s20;
	[sflag:s25] =	ssyncadd.s32 $0xFFFFD800;
	(pc) =	sbr.rel @p1 .LBB2_8-.Ltmp3, $4  }
0x13c: {  	[spmem:s1] =	stream.indirect.scatter.add.f32 [tilespmem:s30], [sflag:$0x4], $0x80, s20, s26, $0xb8;
	[tilespmem:$0x1F000] =	vst v63  }
0x13d: {  	_ =	swait.ge [sflag:s2], $0x2800  }
0x13e: {  	[sflag:s2] =	ssyncset.done $0x0  }
0x13f: {  	s19 =	sadd.s32 $0xA0, s19;
	[sflag:s2] =	ssyncadd.s32 $0xFFFFD800  }
0x140: {  	[tilespmem:s30], [sflag:$0x2] =	stream.indirect.gather [hbm4b:s7+s26], $0x80, s17, s26, $0xb8;
	[tilespmem:$0x1F000] =	vst v63  }
0x141: {  	_ =	swait.ge [sflag:s31], $0x2800  }
0x142: {  	[sflag:s31] =	ssyncset.done $0x0  }
0x143: {  	[sflag:s31] =	ssyncadd.s32 $0xFFFFD800  }
0x144: {  	[spmem:s1] =	stream.indirect.scatter.add.f32 [tilespmem:s28], [sflag:$0x3], $0x80, s3, s26, $0xb8;
	[tilespmem:$0x1F000] =	vst v63  }
0x145: {  	_ =	swait.ge [sflag:s0], $0x2800  }
0x146: {  	[sflag:s0] =	ssyncset.done $0x0  }
0x147: {  	[sflag:s0] =	ssyncadd.s32 $0xFFFFD800  }
0x148: {  	[tilespmem:s28], [sflag:$0x1] =	stream.indirect.gather [hbm4b:s7+s26], $0x80, s8, s26, $0xb8;
	[tilespmem:$0x1F000] =	vst v63  }
0x149: {  	_ =	swait.ge [sflag:s25], $0x2800  }
0x14a: {  	[sflag:s25] =	ssyncset.done $0x0  }
0x14b: {  	[sflag:s25] =	ssyncadd.s32 $0xFFFFD800  }
0x14c: {  	[spmem:s1] =	stream.indirect.scatter.add.f32 [tilespmem:s30], [sflag:$0x4], $0x80, s9, s26, $0xb8;
	[tilespmem:$0x1F000] =	vst v63  }
0x14d: {  	_ =	swait.ge [sflag:s2], $0x2800  }
0x14e: {  	[sflag:s2] =	ssyncset.done $0x0  }
0x14f: {  	[sflag:s2] =	ssyncadd.s32 $0xFFFFD800  }
0x150: {  	_ =	swait.ge [sflag:s31], $0x2800  }
0x151: {  	[sflag:s31] =	ssyncset.done $0x0  }
0x152: {  	[sflag:s31] =	ssyncadd.s32 $0xFFFFD800  }
0x153: {  	[spmem:s1] =	stream.indirect.scatter.add.f32 [tilespmem:s28], [sflag:$0x3], $0x80, s10, s26, $0xb8;
	[tilespmem:$0x1F000] =	vst v63  }
0x154: {  	_ =	swait.ge [sflag:s0], $0x2800  }
0x155: {  	[sflag:s0] =	ssyncset.done $0x0  }
0x156: {  	[sflag:s0] =	ssyncadd.s32 $0xFFFFD800  }
0x157: {  	[bflag:$0x0] =	sbarrier.arrive $0xFFFF  }
0x158: {  	s17 =	simm.s32 @p0 $0x1FC5;
	s18 =	rddreg [dreg:$0xe]  }
0x159: {  	[hbm:s18], [sflag:s17] =	dma.local @p0 [spmem:s14], $0x2080  }
0x15a: {  	s14 =	simm.s32 @p0 $0x5  }
0x15b: {  	_ =	swait.ge @p0 [sflag:s14], $0x2080  }
0x15c: {  	s12 =	sadd.s32 $0x1, s12;
	[sflag:s14] =	ssyncset.done @p0 $0x0  }
0x15d: {  	p1 =	sne.s32 s12, s22;
	[sflag:s14] =	ssyncadd.s32 @p0 $0xFFFFDF80;
	s14 =	rddreg [dreg:$0xd]  }
0x15e: {  	[hbm:s14], [sflag:s15] =	dma.local @!p0 [spmem:s16], $0x2780  }
.Ltmp4:
0x15f: {  	_ = 	snop;
	(pc) =	sbr.rel @p1 .LBB2_1-.Ltmp4, $4  }
0x160: {  	s14 =	simm.s32 @!p0 $0x5  }
0x161: {  	_ =	swait.ge @!p0 [sflag:s14], $0x2780  }
0x162: {  	[sflag:s14] =	ssyncset.done @!p0 $0x0  }
0x163: {  	[sflag:s14] =	ssyncadd.s32 @!p0 $0xFFFFD880  }
0x164: {  	_ =	sfence.sel $0x180000  }
0x165: {  	[bflag:$0x0] =	sbarrier.arrive $0xFFFF  }
0x166: {  	_ =	strace $0x90000053  }
0x167: {  	s0 =	stileid.u32;
	[bflag:$0x2] =	sbarrier.arrive $0xFFFF  }
0x168: {  	p0 =	sne.s32 s0, $0x0;
	s0 =	rddreg [dreg:$0x2]  }
0x169: {  	s0 =	sadd.s32 @!p0 $0x100000, s0  }
0x16a: {  	[sflag:s0] =	ssyncadd.tile.s32 @!p0 $0x1;
	_ =	shalt  }
.Lfunc_end2:
_tile_overlayer_lowered:
.L_overlay_start_2:
0x16b: {  	(tag) =	ssettag $0x2  }
0x16c: {  	s0 =	rddreg [dreg:$0x0];
	s2 =	stileid.u32  }
0x16d: {  	s1 =	rddreg [dreg:$0x1];
	p0 =	sne.s32 s2, $0x0  }
0x16e: {  	s3 =	rddreg [dreg:$0x2];
	[bflag:$0x3] =	sbarrier.arrive $0xFFFF;
	s2 =	simm.s32 @!p0 $0x1C05  }
0x16f: {  	[timem:s3], [sflag:s2] =	dma.local @!p0 [hbm:s0], s1  }
0x170: {  	s0 =	simm.s32 @!p0 $0x5  }
0x171: {  	_ =	swait.ge @!p0 [sflag:s0], s1  }
0x172: {  	s1 =	ssub.s32 @!p0 $0x0, s1;
	[sflag:s0] =	ssyncset.done @!p0 $0x0  }
0x173: {  	[sflag:s0] =	ssyncadd.s32 @!p0 s1  }
0x174: {  	[bflag:$0x3] =	sbarrier.arrive $0xFFFF  }
0x175: {  	_ =	shalt  }

</sc_bundles>
